<compile_context>
chip_gen: v7x
topology: tpu7x:2x2x1
jax: 0.10.2.dev20260603
libtpu: 0.0.44.dev20260713+nightly
codegen_flags: <defaults>
</compile_context>

<pallas_src>
import functools

import jax
import jax.numpy as jnp
from jax import lax
from jax.experimental import pallas as pl
from jax.experimental.pallas import tpu as pltpu
from jax.experimental.pallas import tpu_sc as plsc

N = 10000
E = 320000
D = 128
NC = 2
NS = 16
NT = NC * NS
EPT = E // NT
CH = 80
CHD = 80
NCHUNKD = EPT // CHD
HD = D // NC
ET = E // NS
EPR = ET // 2
NCHUNK = EPR // CH
FCH = 104
RB = 624

_f32 = jnp.float32
_ZERO16 = functools.partial(jnp.zeros, (16,), _f32)

_sc_mesh = plsc.VectorSubcoreMesh(
    core_axis_name="c", subcore_axis_name="s", num_cores=NC, num_subcores=NS)



@functools.partial(
    pl.kernel,
    out_type=jax.ShapeDtypeStruct((NC * N,), _f32),
    mesh=_sc_mesh,
    scratch_types=[
        pltpu.VMEM((EPT,), jnp.int32),
        pltpu.VMEM((EPT,), _f32),
        pltpu.VMEM((640,), _f32),
        pltpu.VMEM_SHARED((N,), _f32),
    ],
)
def _sc_degree(dst_hbm, out_hbm, idx_v, ones_v, zbuf, dacc):
    cid = lax.axis_index("c")
    sid = lax.axis_index("s")
    gid = cid * NS + sid

    for j in range(40):
        zbuf[pl.ds(j * 16, 16)] = _ZERO16()

    @pl.loop(0, EPT // 16)
    def _(j):
        ones_v[pl.ds(j * 16, 16)] = jnp.ones((16,), _f32)

    pltpu.sync_copy(dst_hbm.at[pl.ds(gid * EPT, EPT)], idx_v)

    @pl.when(sid < NS - 1)
    def _():
        pltpu.sync_copy(zbuf.at[pl.ds(0, 632)], dacc.at[pl.ds(sid * 632, 632)])

    @pl.when(sid == NS - 1)
    def _():
        pltpu.sync_copy(zbuf.at[pl.ds(0, 520)], dacc.at[pl.ds(632 * (NS - 1), 520)])

    plsc.subcore_barrier()

    pltpu.sync_copy(ones_v, dacc.at[idx_v], add=True)

    plsc.subcore_barrier()

    @pl.when(sid < NS - 1)
    def _():
        pltpu.sync_copy(dacc.at[pl.ds(sid * 632, 632)], zbuf.at[pl.ds(0, 632)])
        pltpu.sync_copy(zbuf.at[pl.ds(0, 632)],
                        out_hbm.at[pl.ds(cid * N + sid * 632, 632)])

    @pl.when(sid == NS - 1)
    def _():
        pltpu.sync_copy(dacc.at[pl.ds(632 * (NS - 1), 520)], zbuf.at[pl.ds(0, 520)])
        pltpu.sync_copy(zbuf.at[pl.ds(0, 520)],
                        out_hbm.at[pl.ds(cid * N + 632 * (NS - 1), 520)])


@functools.partial(
    pl.kernel,
    out_type=jax.ShapeDtypeStruct((NC, N, D), _f32),
    mesh=_sc_mesh,
    scratch_types=[
        pltpu.VMEM((EPT,), jnp.int32),
        pltpu.VMEM((EPT,), jnp.int32),
        pltpu.VMEM((CH, D), _f32),
        pltpu.VMEM((CH, D), _f32),
        pltpu.VMEM_SHARED((N, D), _f32),
        pltpu.SemaphoreType.DMA,
        pltpu.SemaphoreType.DMA,
    ],
)
def _sc_edge_agg(h_hbm, src_hbm, dst_hbm, out_hbm,
                 srcs_v, dsts_v, rows_a, rows_b, acc, sem_a, sem_b):
    cid = lax.axis_index("c")
    sid = lax.axis_index("s")
    gid = cid * NS + sid
    row0 = sid * RB

    @pl.loop(0, CH)
    def _(r):
        for c in range(D // 16):
            rows_a[r, pl.ds(c * 16, 16)] = _ZERO16()

    for k in range(7):
        pltpu.sync_copy(rows_a, acc.at[pl.ds(row0 + k * CH, CH)])

    @pl.when(sid < NS - 1)
    def _():
        pltpu.sync_copy(rows_a.at[pl.ds(0, 64)], acc.at[pl.ds(row0 + 560, 64)])

    @pl.when(sid == NS - 1)
    def _():
        pltpu.sync_copy(rows_a, acc.at[pl.ds(row0 + 560, CH)])

    pltpu.sync_copy(src_hbm.at[pl.ds(gid * EPT, EPT)], srcs_v)
    pltpu.sync_copy(dst_hbm.at[pl.ds(gid * EPT, EPT)], dsts_v)

    def _gstart(j, buf, sem):
        pltpu.async_copy(h_hbm.at[srcs_v.at[pl.ds(j * CH, CH)]], buf, sem)

    def _gwait(j, buf, sem):
        pltpu.make_async_copy(h_hbm.at[srcs_v.at[pl.ds(j * CH, CH)]], buf, sem).wait()

    _gstart(0, rows_a, sem_a)
    plsc.subcore_barrier()

    @pl.loop(0, NCHUNK, step=2)
    def _(j):
        @pl.when(j + 1 < NCHUNK)
        def _():
            _gstart(j + 1, rows_b, sem_b)

        _gwait(j, rows_a, sem_a)
        pltpu.sync_copy(rows_a, acc.at[dsts_v.at[pl.ds(j * CH, CH)]], add=True)

        @pl.when(j + 2 < NCHUNK)
        def _():
            _gstart(j + 2, rows_a, sem_a)

        @pl.when(j + 1 < NCHUNK)
        def _():
            _gwait(j + 1, rows_b, sem_b)
            pltpu.sync_copy(rows_b, acc.at[dsts_v.at[pl.ds((j + 1) * CH, CH)]],
                            add=True)

    plsc.subcore_barrier()

    def _flush(r, nrows):
        pltpu.sync_copy(acc.at[pl.ds(r, nrows)], rows_a.at[pl.ds(0, nrows)])
        pltpu.sync_copy(rows_a.at[pl.ds(0, nrows)],
                        out_hbm.at[cid, pl.ds(r, nrows)])

    for k in range(7):
        _flush(row0 + k * CH, CH)

    @pl.when(sid < NS - 1)
    def _():
        _flush(row0 + 560, 64)

    @pl.when(sid == NS - 1)
    def _():
        _flush(row0 + 560, CH)



_R = 2000
_GRID = (N // _R,)


def _dinv_of(d_ref):
    deg = d_ref[:, 0] + d_ref[:, 1] + 1.0
    return lax.rsqrt(deg)


def _tc_first_body(x_ref, w_ref, d_ref, o_ref):
    dinv = _dinv_of(d_ref)
    h = jnp.dot(x_ref[...], w_ref[...], preferred_element_type=_f32)
    o_ref[...] = h * dinv[:, None]


def _tc_mid_body(s_ref, h_ref, d_ref, b_ref, w_ref, o_ref):
    dinv = _dinv_of(d_ref)
    comb = s_ref[0, :, :] + s_ref[1, :, :] + h_ref[...]
    act = jnp.maximum(comb * dinv[:, None] + b_ref[...], 0.0)
    h2 = jnp.dot(act, w_ref[...], preferred_element_type=_f32)
    o_ref[...] = h2 * dinv[:, None]


def _tc_last_body(s_ref, h_ref, d_ref, b_ref, o_ref):
    dinv = _dinv_of(d_ref)
    comb = s_ref[0, :, :] + s_ref[1, :, :] + h_ref[...]
    o_ref[...] = jnp.maximum(comb * dinv[:, None] + b_ref[...], 0.0)


_spec_rows = pl.BlockSpec((_R, D), lambda i: (i, 0))
_spec_w = pl.BlockSpec((D, D), lambda i: (0, 0))
_spec_deg = pl.BlockSpec((_R, 2), lambda i: (i, 0))
_spec_b = pl.BlockSpec((1, D), lambda i: (0, 0))
_spec_s = pl.BlockSpec((NC, _R, D), lambda i: (0, i, 0))
_out_rows = jax.ShapeDtypeStruct((N, D), _f32)


def _tc_first(x, W1, degT):
    return pl.pallas_call(
        _tc_first_body, grid=_GRID,
        in_specs=[_spec_rows, _spec_w, _spec_deg],
        out_specs=_spec_rows, out_shape=_out_rows)(x, W1, degT)


def _tc_mid(Sp, Hp, degT, b, W):
    return pl.pallas_call(
        _tc_mid_body, grid=_GRID,
        in_specs=[_spec_s, _spec_rows, _spec_deg, _spec_b, _spec_w],
        out_specs=_spec_rows, out_shape=_out_rows)(Sp, Hp, degT, b, W)


def _tc_last(Sp, Hp, degT, b):
    return pl.pallas_call(
        _tc_last_body, grid=_GRID,
        in_specs=[_spec_s, _spec_rows, _spec_deg, _spec_b],
        out_specs=_spec_rows, out_shape=_out_rows)(Sp, Hp, degT, b)



def kernel(x, edge_index, W1, b1, W2, b2):
    src = jnp.asarray(edge_index[0], jnp.int32).reshape(E)
    dst = jnp.asarray(edge_index[1], jnp.int32).reshape(E)
    b1r = b1.reshape(1, D)
    b2r = b2.reshape(1, D)

    deg_p = _sc_degree(dst)
    degT = deg_p.reshape(NC, N).T

    h1p = _tc_first(x, W1, degT)
    s1 = _sc_edge_agg(h1p, src, dst)
    h2p = _tc_mid(s1, h1p, degT, b1r, W2)
    s2 = _sc_edge_agg(h2p, src, dst)
    return _tc_last(s2, h2p, degT, b2r)

# --- scband reference (transcript-rebuilt; emitter-appended) ---
"""Pipeline reference for scband-gnnencoder-88587995447837 (READ-ONLY COPY).

The authoritative reference and input builder live on the scoring server;
editing this copy changes nothing except your own understanding.
"""

import jax, jax.numpy as jnp
import numpy as np

N_NODES = 10000
N_EDGES = 320000
D_IN = 128
D_H = 128


def gcn_conv(x, edge_index, W, b):
    # GCNConv with self-loops and symmetric normalization:
    # out = D^{-1/2} (A + I) D^{-1/2} X W + b
    n = x.shape[0]
    src = edge_index[0]
    dst = edge_index[1]
    loop = jnp.arange(n, dtype=src.dtype)
    src = jnp.concatenate([src, loop])
    dst = jnp.concatenate([dst, loop])
    deg = jnp.zeros((n,), dtype=x.dtype).at[dst].add(1.0)
    dinv = jnp.where(deg > 0, jax.lax.rsqrt(jnp.maximum(deg, 1e-12)), 0.0)
    norm = dinv[src] * dinv[dst]
    h = x @ W
    msg = h[src] * norm[:, None]
    out = jnp.zeros((n, W.shape[1]), dtype=x.dtype).at[dst].add(msg)
    return out + b


def setup_inputs(seed: int = 0) -> dict:
    key = jax.random.key(seed)
    k1, k2, k3, k4 = jax.random.split(key, 4)
    x = jax.random.normal(k1, (N_NODES, D_IN), dtype=jnp.float32)
    edge_index = jax.random.randint(k2, (2, N_EDGES), 0, N_NODES)
    W1 = jax.random.normal(k3, (D_IN, D_H), dtype=jnp.float32) * (1.0 / np.sqrt(D_IN))
    b1 = jnp.zeros((D_H,), dtype=jnp.float32)
    W2 = jax.random.normal(k4, (D_H, D_H), dtype=jnp.float32) * (1.0 / np.sqrt(D_H))
    b2 = jnp.zeros((D_H,), dtype=jnp.float32)
    return {"x": x, "edge_index": edge_index, "W1": W1, "b1": b1, "W2": W2, "b2": b2}


def reference(x, edge_index, W1, b1, W2, b2):
    h = jax.nn.relu(gcn_conv(x, edge_index, W1, b1))
    h = jax.nn.relu(gcn_conv(h, edge_index, W2, b2))
    return h

if __name__ == "__main__":
    import jax
    _d = setup_inputs()
    print(jax.jit(kernel)(*tuple(_d.values())))

</pallas_src>

<mosaic_0001>
#map = affine_map<(d0, d1) -> (0)>
module attributes {stable_mosaic.version = 14 : i64} {
  func.func @_sc_degree(%arg0: i32, %arg1: i32, %arg2: memref<320000xi32, #tpu.memory_space<hbm>>, %arg3: memref<20000xf32, #tpu.memory_space<hbm>>, %arg4: memref<10000xi32, #tpu.memory_space<vmem>>, %arg5: memref<10000xf32, #tpu.memory_space<vmem>>, %arg6: memref<640xf32, #tpu.memory_space<vmem>>, %arg7: memref<10000xf32, #tpu.memory_space<vmem_shared>>) attributes {dimension_semantics = [#tpu.dimension_semantics<core_parallel>, #tpu.dimension_semantics<subcore_parallel>], iteration_bounds = array<i64: 2, 16>, scalar_prefetch = 0 : i64, scratch_operands = 4 : i64, tpu.core_type = #tpu.core_type<sc_vector_subcore>, window_params = [{transform_indices = #map}, {transform_indices = #map}]} {
    %mul3A = arith.constant 16 : i32
    %mul3A_0 = arith.muli %arg0, %mul3A : i32
    %add3A = arith.addi %mul3A_0, %arg1 : i32
    %broadcast_in_dim3A = arith.constant 0.000000e+00 : f32
    %broadcast_in_dim3A_1 = vector.broadcast %broadcast_in_dim3A : f32 to vector<16xf32>
    %swap3A = arith.constant 0 : index
    %swap3A_2 = tpu.vector_load %arg6[%swap3A] {strides = array<i32>} : memref<640xf32, #tpu.memory_space<vmem>>, vector<16xf32>,
    %swap3A_3 = vector.shape_cast %swap3A_2 : vector<16xf32> to vector<16xf32>
    %swap3A_4 = vector.shape_cast %broadcast_in_dim3A_1 : vector<16xf32> to vector<16xf32>
    tpu.vector_store %arg6[%swap3A], %swap3A_4 {strides = array<i32>} : memref<640xf32, #tpu.memory_space<vmem>>, vector<16xf32>,
    %broadcast_in_dim3A_5 = arith.constant 0.000000e+00 : f32
    %broadcast_in_dim3A_6 = vector.broadcast %broadcast_in_dim3A_5 : f32 to vector<16xf32>
    %swap3A_7 = arith.constant 16 : index
    %swap3A_8 = tpu.vector_load %arg6[%swap3A_7] {strides = array<i32>} : memref<640xf32, #tpu.memory_space<vmem>>, vector<16xf32>,
    %swap3A_9 = vector.shape_cast %swap3A_8 : vector<16xf32> to vector<16xf32>
    %swap3A_10 = vector.shape_cast %broadcast_in_dim3A_6 : vector<16xf32> to vector<16xf32>
    tpu.vector_store %arg6[%swap3A_7], %swap3A_10 {strides = array<i32>} : memref<640xf32, #tpu.memory_space<vmem>>, vector<16xf32>,
    %broadcast_in_dim3A_11 = arith.constant 0.000000e+00 : f32
    %broadcast_in_dim3A_12 = vector.broadcast %broadcast_in_dim3A_11 : f32 to vector<16xf32>
    %swap3A_13 = arith.constant 32 : index
    %swap3A_14 = tpu.vector_load %arg6[%swap3A_13] {strides = array<i32>} : memref<640xf32, #tpu.memory_space<vmem>>, vector<16xf32>,
    %swap3A_15 = vector.shape_cast %swap3A_14 : vector<16xf32> to vector<16xf32>
    %swap3A_16 = vector.shape_cast %broadcast_in_dim3A_12 : vector<16xf32> to vector<16xf32>
    tpu.vector_store %arg6[%swap3A_13], %swap3A_16 {strides = array<i32>} : memref<640xf32, #tpu.memory_space<vmem>>, vector<16xf32>,
    %broadcast_in_dim3A_17 = arith.constant 0.000000e+00 : f32
    %broadcast_in_dim3A_18 = vector.broadcast %broadcast_in_dim3A_17 : f32 to vector<16xf32>
    %swap3A_19 = arith.constant 48 : index
    %swap3A_20 = tpu.vector_load %arg6[%swap3A_19] {strides = array<i32>} : memref<640xf32, #tpu.memory_space<vmem>>, vector<16xf32>,
    %swap3A_21 = vector.shape_cast %swap3A_20 : vector<16xf32> to vector<16xf32>
    %swap3A_22 = vector.shape_cast %broadcast_in_dim3A_18 : vector<16xf32> to vector<16xf32>
    tpu.vector_store %arg6[%swap3A_19], %swap3A_22 {strides = array<i32>} : memref<640xf32, #tpu.memory_space<vmem>>, vector<16xf32>,
    %broadcast_in_dim3A_23 = arith.constant 0.000000e+00 : f32
    %broadcast_in_dim3A_24 = vector.broadcast %broadcast_in_dim3A_23 : f32 to vector<16xf32>
    %swap3A_25 = arith.constant 64 : index
    %swap3A_26 = tpu.vector_load %arg6[%swap3A_25] {strides = array<i32>} : memref<640xf32, #tpu.memory_space<vmem>>, vector<16xf32>,
    %swap3A_27 = vector.shape_cast %swap3A_26 : vector<16xf32> to vector<16xf32>
    %swap3A_28 = vector.shape_cast %broadcast_in_dim3A_24 : vector<16xf32> to vector<16xf32>
    tpu.vector_store %arg6[%swap3A_25], %swap3A_28 {strides = array<i32>} : memref<640xf32, #tpu.memory_space<vmem>>, vector<16xf32>,
    %broadcast_in_dim3A_29 = arith.constant 0.000000e+00 : f32
    %broadcast_in_dim3A_30 = vector.broadcast %broadcast_in_dim3A_29 : f32 to vector<16xf32>
    %swap3A_31 = arith.constant 80 : index
    %swap3A_32 = tpu.vector_load %arg6[%swap3A_31] {strides = array<i32>} : memref<640xf32, #tpu.memory_space<vmem>>, vector<16xf32>,
    %swap3A_33 = vector.shape_cast %swap3A_32 : vector<16xf32> to vector<16xf32>
    %swap3A_34 = vector.shape_cast %broadcast_in_dim3A_30 : vector<16xf32> to vector<16xf32>
    tpu.vector_store %arg6[%swap3A_31], %swap3A_34 {strides = array<i32>} : memref<640xf32, #tpu.memory_space<vmem>>, vector<16xf32>,
    %broadcast_in_dim3A_35 = arith.constant 0.000000e+00 : f32
    %broadcast_in_dim3A_36 = vector.broadcast %broadcast_in_dim3A_35 : f32 to vector<16xf32>
    %swap3A_37 = arith.constant 96 : index
    %swap3A_38 = tpu.vector_load %arg6[%swap3A_37] {strides = array<i32>} : memref<640xf32, #tpu.memory_space<vmem>>, vector<16xf32>,
    %swap3A_39 = vector.shape_cast %swap3A_38 : vector<16xf32> to vector<16xf32>
    %swap3A_40 = vector.shape_cast %broadcast_in_dim3A_36 : vector<16xf32> to vector<16xf32>
    tpu.vector_store %arg6[%swap3A_37], %swap3A_40 {strides = array<i32>} : memref<640xf32, #tpu.memory_space<vmem>>, vector<16xf32>,
    %broadcast_in_dim3A_41 = arith.constant 0.000000e+00 : f32
    %broadcast_in_dim3A_42 = vector.broadcast %broadcast_in_dim3A_41 : f32 to vector<16xf32>
    %swap3A_43 = arith.constant 112 : index
    %swap3A_44 = tpu.vector_load %arg6[%swap3A_43] {strides = array<i32>} : memref<640xf32, #tpu.memory_space<vmem>>, vector<16xf32>,
    %swap3A_45 = vector.shape_cast %swap3A_44 : vector<16xf32> to vector<16xf32>
    %swap3A_46 = vector.shape_cast %broadcast_in_dim3A_42 : vector<16xf32> to vector<16xf32>
    tpu.vector_store %arg6[%swap3A_43], %swap3A_46 {strides = array<i32>} : memref<640xf32, #tpu.memory_space<vmem>>, vector<16xf32>,
    %broadcast_in_dim3A_47 = arith.constant 0.000000e+00 : f32
    %broadcast_in_dim3A_48 = vector.broadcast %broadcast_in_dim3A_47 : f32 to vector<16xf32>
    %swap3A_49 = arith.constant 128 : index
    %swap3A_50 = tpu.vector_load %arg6[%swap3A_49] {strides = array<i32>} : memref<640xf32, #tpu.memory_space<vmem>>, vector<16xf32>,
    %swap3A_51 = vector.shape_cast %swap3A_50 : vector<16xf32> to vector<16xf32>
    %swap3A_52 = vector.shape_cast %broadcast_in_dim3A_48 : vector<16xf32> to vector<16xf32>
    tpu.vector_store %arg6[%swap3A_49], %swap3A_52 {strides = array<i32>} : memref<640xf32, #tpu.memory_space<vmem>>, vector<16xf32>,
    %broadcast_in_dim3A_53 = arith.constant 0.000000e+00 : f32
    %broadcast_in_dim3A_54 = vector.broadcast %broadcast_in_dim3A_53 : f32 to vector<16xf32>
    %swap3A_55 = arith.constant 144 : index
    %swap3A_56 = tpu.vector_load %arg6[%swap3A_55] {strides = array<i32>} : memref<640xf32, #tpu.memory_space<vmem>>, vector<16xf32>,
    %swap3A_57 = vector.shape_cast %swap3A_56 : vector<16xf32> to vector<16xf32>
    %swap3A_58 = vector.shape_cast %broadcast_in_dim3A_54 : vector<16xf32> to vector<16xf32>
    tpu.vector_store %arg6[%swap3A_55], %swap3A_58 {strides = array<i32>} : memref<640xf32, #tpu.memory_space<vmem>>, vector<16xf32>,
    %broadcast_in_dim3A_59 = arith.constant 0.000000e+00 : f32
    %broadcast_in_dim3A_60 = vector.broadcast %broadcast_in_dim3A_59 : f32 to vector<16xf32>
    %swap3A_61 = arith.constant 160 : index
    %swap3A_62 = tpu.vector_load %arg6[%swap3A_61] {strides = array<i32>} : memref<640xf32, #tpu.memory_space<vmem>>, vector<16xf32>,
    %swap3A_63 = vector.shape_cast %swap3A_62 : vector<16xf32> to vector<16xf32>
    %swap3A_64 = vector.shape_cast %broadcast_in_dim3A_60 : vector<16xf32> to vector<16xf32>
    tpu.vector_store %arg6[%swap3A_61], %swap3A_64 {strides = array<i32>} : memref<640xf32, #tpu.memory_space<vmem>>, vector<16xf32>,
    %broadcast_in_dim3A_65 = arith.constant 0.000000e+00 : f32
    %broadcast_in_dim3A_66 = vector.broadcast %broadcast_in_dim3A_65 : f32 to vector<16xf32>
    %swap3A_67 = arith.constant 176 : index
    %swap3A_68 = tpu.vector_load %arg6[%swap3A_67] {strides = array<i32>} : memref<640xf32, #tpu.memory_space<vmem>>, vector<16xf32>,
    %swap3A_69 = vector.shape_cast %swap3A_68 : vector<16xf32> to vector<16xf32>
    %swap3A_70 = vector.shape_cast %broadcast_in_dim3A_66 : vector<16xf32> to vector<16xf32>
    tpu.vector_store %arg6[%swap3A_67], %swap3A_70 {strides = array<i32>} : memref<640xf32, #tpu.memory_space<vmem>>, vector<16xf32>,
    %broadcast_in_dim3A_71 = arith.constant 0.000000e+00 : f32
    %broadcast_in_dim3A_72 = vector.broadcast %broadcast_in_dim3A_71 : f32 to vector<16xf32>
    %swap3A_73 = arith.constant 192 : index
    %swap3A_74 = tpu.vector_load %arg6[%swap3A_73] {strides = array<i32>} : memref<640xf32, #tpu.memory_space<vmem>>, vector<16xf32>,
    %swap3A_75 = vector.shape_cast %swap3A_74 : vector<16xf32> to vector<16xf32>
    %swap3A_76 = vector.shape_cast %broadcast_in_dim3A_72 : vector<16xf32> to vector<16xf32>
    tpu.vector_store %arg6[%swap3A_73], %swap3A_76 {strides = array<i32>} : memref<640xf32, #tpu.memory_space<vmem>>, vector<16xf32>,
    %broadcast_in_dim3A_77 = arith.constant 0.000000e+00 : f32
    %broadcast_in_dim3A_78 = vector.broadcast %broadcast_in_dim3A_77 : f32 to vector<16xf32>
    %swap3A_79 = arith.constant 208 : index
    %swap3A_80 = tpu.vector_load %arg6[%swap3A_79] {strides = array<i32>} : memref<640xf32, #tpu.memory_space<vmem>>, vector<16xf32>,
    %swap3A_81 = vector.shape_cast %swap3A_80 : vector<16xf32> to vector<16xf32>
    %swap3A_82 = vector.shape_cast %broadcast_in_dim3A_78 : vector<16xf32> to vector<16xf32>
    tpu.vector_store %arg6[%swap3A_79], %swap3A_82 {strides = array<i32>} : memref<640xf32, #tpu.memory_space<vmem>>, vector<16xf32>,
    %broadcast_in_dim3A_83 = arith.constant 0.000000e+00 : f32
    %broadcast_in_dim3A_84 = vector.broadcast %broadcast_in_dim3A_83 : f32 to vector<16xf32>
    %swap3A_85 = arith.constant 224 : index
    %swap3A_86 = tpu.vector_load %arg6[%swap3A_85] {strides = array<i32>} : memref<640xf32, #tpu.memory_space<vmem>>, vector<16xf32>,
    %swap3A_87 = vector.shape_cast %swap3A_86 : vector<16xf32> to vector<16xf32>
    %swap3A_88 = vector.shape_cast %broadcast_in_dim3A_84 : vector<16xf32> to vector<16xf32>
    tpu.vector_store %arg6[%swap3A_85], %swap3A_88 {strides = array<i32>} : memref<640xf32, #tpu.memory_space<vmem>>, vector<16xf32>,
    %broadcast_in_dim3A_89 = arith.constant 0.000000e+00 : f32
    %broadcast_in_dim3A_90 = vector.broadcast %broadcast_in_dim3A_89 : f32 to vector<16xf32>
    %swap3A_91 = arith.constant 240 : index
    %swap3A_92 = tpu.vector_load %arg6[%swap3A_91] {strides = array<i32>} : memref<640xf32, #tpu.memory_space<vmem>>, vector<16xf32>,
    %swap3A_93 = vector.shape_cast %swap3A_92 : vector<16xf32> to vector<16xf32>
    %swap3A_94 = vector.shape_cast %broadcast_in_dim3A_90 : vector<16xf32> to vector<16xf32>
    tpu.vector_store %arg6[%swap3A_91], %swap3A_94 {strides = array<i32>} : memref<640xf32, #tpu.memory_space<vmem>>, vector<16xf32>,
    %broadcast_in_dim3A_95 = arith.constant 0.000000e+00 : f32
    %broadcast_in_dim3A_96 = vector.broadcast %broadcast_in_dim3A_95 : f32 to vector<16xf32>
    %swap3A_97 = arith.constant 256 : index
    %swap3A_98 = tpu.vector_load %arg6[%swap3A_97] {strides = array<i32>} : memref<640xf32, #tpu.memory_space<vmem>>, vector<16xf32>,
    %swap3A_99 = vector.shape_cast %swap3A_98 : vector<16xf32> to vector<16xf32>
    %swap3A_100 = vector.shape_cast %broadcast_in_dim3A_96 : vector<16xf32> to vector<16xf32>
    tpu.vector_store %arg6[%swap3A_97], %swap3A_100 {strides = array<i32>} : memref<640xf32, #tpu.memory_space<vmem>>, vector<16xf32>,
    %broadcast_in_dim3A_101 = arith.constant 0.000000e+00 : f32
    %broadcast_in_dim3A_102 = vector.broadcast %broadcast_in_dim3A_101 : f32 to vector<16xf32>
    %swap3A_103 = arith.constant 272 : index
    %swap3A_104 = tpu.vector_load %arg6[%swap3A_103] {strides = array<i32>} : memref<640xf32, #tpu.memory_space<vmem>>, vector<16xf32>,
    %swap3A_105 = vector.shape_cast %swap3A_104 : vector<16xf32> to vector<16xf32>
    %swap3A_106 = vector.shape_cast %broadcast_in_dim3A_102 : vector<16xf32> to vector<16xf32>
    tpu.vector_store %arg6[%swap3A_103], %swap3A_106 {strides = array<i32>} : memref<640xf32, #tpu.memory_space<vmem>>, vector<16xf32>,
    %broadcast_in_dim3A_107 = arith.constant 0.000000e+00 : f32
    %broadcast_in_dim3A_108 = vector.broadcast %broadcast_in_dim3A_107 : f32 to vector<16xf32>
    %swap3A_109 = arith.constant 288 : index
    %swap3A_110 = tpu.vector_load %arg6[%swap3A_109] {strides = array<i32>} : memref<640xf32, #tpu.memory_space<vmem>>, vector<16xf32>,
    %swap3A_111 = vector.shape_cast %swap3A_110 : vector<16xf32> to vector<16xf32>
    %swap3A_112 = vector.shape_cast %broadcast_in_dim3A_108 : vector<16xf32> to vector<16xf32>
    tpu.vector_store %arg6[%swap3A_109], %swap3A_112 {strides = array<i32>} : memref<640xf32, #tpu.memory_space<vmem>>, vector<16xf32>,
    %broadcast_in_dim3A_113 = arith.constant 0.000000e+00 : f32
    %broadcast_in_dim3A_114 = vector.broadcast %broadcast_in_dim3A_113 : f32 to vector<16xf32>
    %swap3A_115 = arith.constant 304 : index
    %swap3A_116 = tpu.vector_load %arg6[%swap3A_115] {strides = array<i32>} : memref<640xf32, #tpu.memory_space<vmem>>, vector<16xf32>,
    %swap3A_117 = vector.shape_cast %swap3A_116 : vector<16xf32> to vector<16xf32>
    %swap3A_118 = vector.shape_cast %broadcast_in_dim3A_114 : vector<16xf32> to vector<16xf32>
    tpu.vector_store %arg6[%swap3A_115], %swap3A_118 {strides = array<i32>} : memref<640xf32, #tpu.memory_space<vmem>>, vector<16xf32>,
    %broadcast_in_dim3A_119 = arith.constant 0.000000e+00 : f32
    %broadcast_in_dim3A_120 = vector.broadcast %broadcast_in_dim3A_119 : f32 to vector<16xf32>
    %swap3A_121 = arith.constant 320 : index
    %swap3A_122 = tpu.vector_load %arg6[%swap3A_121] {strides = array<i32>} : memref<640xf32, #tpu.memory_space<vmem>>, vector<16xf32>,
    %swap3A_123 = vector.shape_cast %swap3A_122 : vector<16xf32> to vector<16xf32>
    %swap3A_124 = vector.shape_cast %broadcast_in_dim3A_120 : vector<16xf32> to vector<16xf32>
    tpu.vector_store %arg6[%swap3A_121], %swap3A_124 {strides = array<i32>} : memref<640xf32, #tpu.memory_space<vmem>>, vector<16xf32>,
    %broadcast_in_dim3A_125 = arith.constant 0.000000e+00 : f32
    %broadcast_in_dim3A_126 = vector.broadcast %broadcast_in_dim3A_125 : f32 to vector<16xf32>
    %swap3A_127 = arith.constant 336 : index
    %swap3A_128 = tpu.vector_load %arg6[%swap3A_127] {strides = array<i32>} : memref<640xf32, #tpu.memory_space<vmem>>, vector<16xf32>,
    %swap3A_129 = vector.shape_cast %swap3A_128 : vector<16xf32> to vector<16xf32>
    %swap3A_130 = vector.shape_cast %broadcast_in_dim3A_126 : vector<16xf32> to vector<16xf32>
    tpu.vector_store %arg6[%swap3A_127], %swap3A_130 {strides = array<i32>} : memref<640xf32, #tpu.memory_space<vmem>>, vector<16xf32>,
    %broadcast_in_dim3A_131 = arith.constant 0.000000e+00 : f32
    %broadcast_in_dim3A_132 = vector.broadcast %broadcast_in_dim3A_131 : f32 to vector<16xf32>
    %swap3A_133 = arith.constant 352 : index
    %swap3A_134 = tpu.vector_load %arg6[%swap3A_133] {strides = array<i32>} : memref<640xf32, #tpu.memory_space<vmem>>, vector<16xf32>,
    %swap3A_135 = vector.shape_cast %swap3A_134 : vector<16xf32> to vector<16xf32>
    %swap3A_136 = vector.shape_cast %broadcast_in_dim3A_132 : vector<16xf32> to vector<16xf32>
    tpu.vector_store %arg6[%swap3A_133], %swap3A_136 {strides = array<i32>} : memref<640xf32, #tpu.memory_space<vmem>>, vector<16xf32>,
    %broadcast_in_dim3A_137 = arith.constant 0.000000e+00 : f32
    %broadcast_in_dim3A_138 = vector.broadcast %broadcast_in_dim3A_137 : f32 to vector<16xf32>
    %swap3A_139 = arith.constant 368 : index
    %swap3A_140 = tpu.vector_load %arg6[%swap3A_139] {strides = array<i32>} : memref<640xf32, #tpu.memory_space<vmem>>, vector<16xf32>,
    %swap3A_141 = vector.shape_cast %swap3A_140 : vector<16xf32> to vector<16xf32>
    %swap3A_142 = vector.shape_cast %broadcast_in_dim3A_138 : vector<16xf32> to vector<16xf32>
    tpu.vector_store %arg6[%swap3A_139], %swap3A_142 {strides = array<i32>} : memref<640xf32, #tpu.memory_space<vmem>>, vector<16xf32>,
    %broadcast_in_dim3A_143 = arith.constant 0.000000e+00 : f32
    %broadcast_in_dim3A_144 = vector.broadcast %broadcast_in_dim3A_143 : f32 to vector<16xf32>
    %swap3A_145 = arith.constant 384 : index
    %swap3A_146 = tpu.vector_load %arg6[%swap3A_145] {strides = array<i32>} : memref<640xf32, #tpu.memory_space<vmem>>, vector<16xf32>,
    %swap3A_147 = vector.shape_cast %swap3A_146 : vector<16xf32> to vector<16xf32>
    %swap3A_148 = vector.shape_cast %broadcast_in_dim3A_144 : vector<16xf32> to vector<16xf32>
    tpu.vector_store %arg6[%swap3A_145], %swap3A_148 {strides = array<i32>} : memref<640xf32, #tpu.memory_space<vmem>>, vector<16xf32>,
    %broadcast_in_dim3A_149 = arith.constant 0.000000e+00 : f32
    %broadcast_in_dim3A_150 = vector.broadcast %broadcast_in_dim3A_149 : f32 to vector<16xf32>
    %swap3A_151 = arith.constant 400 : index
    %swap3A_152 = tpu.vector_load %arg6[%swap3A_151] {strides = array<i32>} : memref<640xf32, #tpu.memory_space<vmem>>, vector<16xf32>,
    %swap3A_153 = vector.shape_cast %swap3A_152 : vector<16xf32> to vector<16xf32>
    %swap3A_154 = vector.shape_cast %broadcast_in_dim3A_150 : vector<16xf32> to vector<16xf32>
    tpu.vector_store %arg6[%swap3A_151], %swap3A_154 {strides = array<i32>} : memref<640xf32, #tpu.memory_space<vmem>>, vector<16xf32>,
    %broadcast_in_dim3A_155 = arith.constant 0.000000e+00 : f32
    %broadcast_in_dim3A_156 = vector.broadcast %broadcast_in_dim3A_155 : f32 to vector<16xf32>
    %swap3A_157 = arith.constant 416 : index
    %swap3A_158 = tpu.vector_load %arg6[%swap3A_157] {strides = array<i32>} : memref<640xf32, #tpu.memory_space<vmem>>, vector<16xf32>,
    %swap3A_159 = vector.shape_cast %swap3A_158 : vector<16xf32> to vector<16xf32>
    %swap3A_160 = vector.shape_cast %broadcast_in_dim3A_156 : vector<16xf32> to vector<16xf32>
    tpu.vector_store %arg6[%swap3A_157], %swap3A_160 {strides = array<i32>} : memref<640xf32, #tpu.memory_space<vmem>>, vector<16xf32>,
    %broadcast_in_dim3A_161 = arith.constant 0.000000e+00 : f32
    %broadcast_in_dim3A_162 = vector.broadcast %broadcast_in_dim3A_161 : f32 to vector<16xf32>
    %swap3A_163 = arith.constant 432 : index
    %swap3A_164 = tpu.vector_load %arg6[%swap3A_163] {strides = array<i32>} : memref<640xf32, #tpu.memory_space<vmem>>, vector<16xf32>,
    %swap3A_165 = vector.shape_cast %swap3A_164 : vector<16xf32> to vector<16xf32>
    %swap3A_166 = vector.shape_cast %broadcast_in_dim3A_162 : vector<16xf32> to vector<16xf32>
    tpu.vector_store %arg6[%swap3A_163], %swap3A_166 {strides = array<i32>} : memref<640xf32, #tpu.memory_space<vmem>>, vector<16xf32>,
    %broadcast_in_dim3A_167 = arith.constant 0.000000e+00 : f32
    %broadcast_in_dim3A_168 = vector.broadcast %broadcast_in_dim3A_167 : f32 to vector<16xf32>
    %swap3A_169 = arith.constant 448 : index
    %swap3A_170 = tpu.vector_load %arg6[%swap3A_169] {strides = array<i32>} : memref<640xf32, #tpu.memory_space<vmem>>, vector<16xf32>,
    %swap3A_171 = vector.shape_cast %swap3A_170 : vector<16xf32> to vector<16xf32>
    %swap3A_172 = vector.shape_cast %broadcast_in_dim3A_168 : vector<16xf32> to vector<16xf32>
    tpu.vector_store %arg6[%swap3A_169], %swap3A_172 {strides = array<i32>} : memref<640xf32, #tpu.memory_space<vmem>>, vector<16xf32>,
    %broadcast_in_dim3A_173 = arith.constant 0.000000e+00 : f32
    %broadcast_in_dim3A_174 = vector.broadcast %broadcast_in_dim3A_173 : f32 to vector<16xf32>
    %swap3A_175 = arith.constant 464 : index
    %swap3A_176 = tpu.vector_load %arg6[%swap3A_175] {strides = array<i32>} : memref<640xf32, #tpu.memory_space<vmem>>, vector<16xf32>,
    %swap3A_177 = vector.shape_cast %swap3A_176 : vector<16xf32> to vector<16xf32>
    %swap3A_178 = vector.shape_cast %broadcast_in_dim3A_174 : vector<16xf32> to vector<16xf32>
    tpu.vector_store %arg6[%swap3A_175], %swap3A_178 {strides = array<i32>} : memref<640xf32, #tpu.memory_space<vmem>>, vector<16xf32>,
    %broadcast_in_dim3A_179 = arith.constant 0.000000e+00 : f32
    %broadcast_in_dim3A_180 = vector.broadcast %broadcast_in_dim3A_179 : f32 to vector<16xf32>
    %swap3A_181 = arith.constant 480 : index
    %swap3A_182 = tpu.vector_load %arg6[%swap3A_181] {strides = array<i32>} : memref<640xf32, #tpu.memory_space<vmem>>, vector<16xf32>,
    %swap3A_183 = vector.shape_cast %swap3A_182 : vector<16xf32> to vector<16xf32>
    %swap3A_184 = vector.shape_cast %broadcast_in_dim3A_180 : vector<16xf32> to vector<16xf32>
    tpu.vector_store %arg6[%swap3A_181], %swap3A_184 {strides = array<i32>} : memref<640xf32, #tpu.memory_space<vmem>>, vector<16xf32>,
    %broadcast_in_dim3A_185 = arith.constant 0.000000e+00 : f32
    %broadcast_in_dim3A_186 = vector.broadcast %broadcast_in_dim3A_185 : f32 to vector<16xf32>
    %swap3A_187 = arith.constant 496 : index
    %swap3A_188 = tpu.vector_load %arg6[%swap3A_187] {strides = array<i32>} : memref<640xf32, #tpu.memory_space<vmem>>, vector<16xf32>,
    %swap3A_189 = vector.shape_cast %swap3A_188 : vector<16xf32> to vector<16xf32>
    %swap3A_190 = vector.shape_cast %broadcast_in_dim3A_186 : vector<16xf32> to vector<16xf32>
    tpu.vector_store %arg6[%swap3A_187], %swap3A_190 {strides = array<i32>} : memref<640xf32, #tpu.memory_space<vmem>>, vector<16xf32>,
    %broadcast_in_dim3A_191 = arith.constant 0.000000e+00 : f32
    %broadcast_in_dim3A_192 = vector.broadcast %broadcast_in_dim3A_191 : f32 to vector<16xf32>
    %swap3A_193 = arith.constant 512 : index
    %swap3A_194 = tpu.vector_load %arg6[%swap3A_193] {strides = array<i32>} : memref<640xf32, #tpu.memory_space<vmem>>, vector<16xf32>,
    %swap3A_195 = vector.shape_cast %swap3A_194 : vector<16xf32> to vector<16xf32>
    %swap3A_196 = vector.shape_cast %broadcast_in_dim3A_192 : vector<16xf32> to vector<16xf32>
    tpu.vector_store %arg6[%swap3A_193], %swap3A_196 {strides = array<i32>} : memref<640xf32, #tpu.memory_space<vmem>>, vector<16xf32>,
    %broadcast_in_dim3A_197 = arith.constant 0.000000e+00 : f32
    %broadcast_in_dim3A_198 = vector.broadcast %broadcast_in_dim3A_197 : f32 to vector<16xf32>
    %swap3A_199 = arith.constant 528 : index
    %swap3A_200 = tpu.vector_load %arg6[%swap3A_199] {strides = array<i32>} : memref<640xf32, #tpu.memory_space<vmem>>, vector<16xf32>,
    %swap3A_201 = vector.shape_cast %swap3A_200 : vector<16xf32> to vector<16xf32>
    %swap3A_202 = vector.shape_cast %broadcast_in_dim3A_198 : vector<16xf32> to vector<16xf32>
    tpu.vector_store %arg6[%swap3A_199], %swap3A_202 {strides = array<i32>} : memref<640xf32, #tpu.memory_space<vmem>>, vector<16xf32>,
    %broadcast_in_dim3A_203 = arith.constant 0.000000e+00 : f32
    %broadcast_in_dim3A_204 = vector.broadcast %broadcast_in_dim3A_203 : f32 to vector<16xf32>
    %swap3A_205 = arith.constant 544 : index
    %swap3A_206 = tpu.vector_load %arg6[%swap3A_205] {strides = array<i32>} : memref<640xf32, #tpu.memory_space<vmem>>, vector<16xf32>,
    %swap3A_207 = vector.shape_cast %swap3A_206 : vector<16xf32> to vector<16xf32>
    %swap3A_208 = vector.shape_cast %broadcast_in_dim3A_204 : vector<16xf32> to vector<16xf32>
    tpu.vector_store %arg6[%swap3A_205], %swap3A_208 {strides = array<i32>} : memref<640xf32, #tpu.memory_space<vmem>>, vector<16xf32>,
    %broadcast_in_dim3A_209 = arith.constant 0.000000e+00 : f32
    %broadcast_in_dim3A_210 = vector.broadcast %broadcast_in_dim3A_209 : f32 to vector<16xf32>
    %swap3A_211 = arith.constant 560 : index
    %swap3A_212 = tpu.vector_load %arg6[%swap3A_211] {strides = array<i32>} : memref<640xf32, #tpu.memory_space<vmem>>, vector<16xf32>,
    %swap3A_213 = vector.shape_cast %swap3A_212 : vector<16xf32> to vector<16xf32>
    %swap3A_214 = vector.shape_cast %broadcast_in_dim3A_210 : vector<16xf32> to vector<16xf32>
    tpu.vector_store %arg6[%swap3A_211], %swap3A_214 {strides = array<i32>} : memref<640xf32, #tpu.memory_space<vmem>>, vector<16xf32>,
    %broadcast_in_dim3A_215 = arith.constant 0.000000e+00 : f32
    %broadcast_in_dim3A_216 = vector.broadcast %broadcast_in_dim3A_215 : f32 to vector<16xf32>
    %swap3A_217 = arith.constant 576 : index
    %swap3A_218 = tpu.vector_load %arg6[%swap3A_217] {strides = array<i32>} : memref<640xf32, #tpu.memory_space<vmem>>, vector<16xf32>,
    %swap3A_219 = vector.shape_cast %swap3A_218 : vector<16xf32> to vector<16xf32>
    %swap3A_220 = vector.shape_cast %broadcast_in_dim3A_216 : vector<16xf32> to vector<16xf32>
    tpu.vector_store %arg6[%swap3A_217], %swap3A_220 {strides = array<i32>} : memref<640xf32, #tpu.memory_space<vmem>>, vector<16xf32>,
    %broadcast_in_dim3A_221 = arith.constant 0.000000e+00 : f32
    %broadcast_in_dim3A_222 = vector.broadcast %broadcast_in_dim3A_221 : f32 to vector<16xf32>
    %swap3A_223 = arith.constant 592 : index
    %swap3A_224 = tpu.vector_load %arg6[%swap3A_223] {strides = array<i32>} : memref<640xf32, #tpu.memory_space<vmem>>, vector<16xf32>,
    %swap3A_225 = vector.shape_cast %swap3A_224 : vector<16xf32> to vector<16xf32>
    %swap3A_226 = vector.shape_cast %broadcast_in_dim3A_222 : vector<16xf32> to vector<16xf32>
    tpu.vector_store %arg6[%swap3A_223], %swap3A_226 {strides = array<i32>} : memref<640xf32, #tpu.memory_space<vmem>>, vector<16xf32>,
    %broadcast_in_dim3A_227 = arith.constant 0.000000e+00 : f32
    %broadcast_in_dim3A_228 = vector.broadcast %broadcast_in_dim3A_227 : f32 to vector<16xf32>
    %swap3A_229 = arith.constant 608 : index
    %swap3A_230 = tpu.vector_load %arg6[%swap3A_229] {strides = array<i32>} : memref<640xf32, #tpu.memory_space<vmem>>, vector<16xf32>,
    %swap3A_231 = vector.shape_cast %swap3A_230 : vector<16xf32> to vector<16xf32>
    %swap3A_232 = vector.shape_cast %broadcast_in_dim3A_228 : vector<16xf32> to vector<16xf32>
    tpu.vector_store %arg6[%swap3A_229], %swap3A_232 {strides = array<i32>} : memref<640xf32, #tpu.memory_space<vmem>>, vector<16xf32>,
    %broadcast_in_dim3A_233 = arith.constant 0.000000e+00 : f32
    %broadcast_in_dim3A_234 = vector.broadcast %broadcast_in_dim3A_233 : f32 to vector<16xf32>
    %swap3A_235 = arith.constant 624 : index
    %swap3A_236 = tpu.vector_load %arg6[%swap3A_235] {strides = array<i32>} : memref<640xf32, #tpu.memory_space<vmem>>, vector<16xf32>,
    %swap3A_237 = vector.shape_cast %swap3A_236 : vector<16xf32> to vector<16xf32>
    %swap3A_238 = vector.shape_cast %broadcast_in_dim3A_234 : vector<16xf32> to vector<16xf32>
    tpu.vector_store %arg6[%swap3A_235], %swap3A_238 {strides = array<i32>} : memref<640xf32, #tpu.memory_space<vmem>>, vector<16xf32>,
    %scan3A = arith.constant 0 : i32
    %scan3A_239 = arith.constant 625 : i32
    %scan3A_240 = arith.addi %scan3A, %scan3A_239 : i32
    %scan3A_241 = arith.constant 1 : i32
    scf.for %scan3A_262 = %scan3A to %scan3A_240 step %scan3A_241  : i32 {
      %mul3A_263 = arith.constant 1 : i32
      %mul3A_264 = arith.muli %scan3A_262, %mul3A_263 : i32
      %add3A_265 = arith.constant 0 : i32
      %add3A_266 = arith.addi %add3A_265, %mul3A_264 : i32
      %broadcast_in_dim3A_267 = arith.constant 1.000000e+00 : f32
      %broadcast_in_dim3A_268 = vector.broadcast %broadcast_in_dim3A_267 : f32 to vector<16xf32>
      %mul3A_269 = arith.constant 16 : i32
      %mul3A_270 = arith.muli %add3A_266, %mul3A_269 : i32
      %swap3A_271 = arith.index_cast %mul3A_270 : i32 to index
      %swap3A_272 = tpu.vector_load %arg5[%swap3A_271] {strides = array<i32>} : memref<10000xf32, #tpu.memory_space<vmem>>, vector<16xf32>,
      %swap3A_273 = vector.shape_cast %swap3A_272 : vector<16xf32> to vector<16xf32>
      %swap3A_274 = vector.shape_cast %broadcast_in_dim3A_268 : vector<16xf32> to vector<16xf32>
      tpu.vector_store %arg5[%swap3A_271], %swap3A_274 {strides = array<i32>} : memref<10000xf32, #tpu.memory_space<vmem>>, vector<16xf32>,
    }
    %scan3A_242 = arith.constant 625 : i32
    %mul3A_243 = arith.constant 10000 : i32
    %mul3A_244 = arith.muli %add3A, %mul3A_243 : i32
    "tpu.region"() ({
      %run_scoped3A = tpu.sem_alloc : memref<!tpu.dma_semaphore, #tpu.memory_space<semaphore_mem>>
      %dma_start3A = tpu.memref_slice %arg2[%mul3A_244] : memref<320000xi32, #tpu.memory_space<hbm>> -> memref<10000xi32, #tpu.memory_space<hbm>>
      %dma_start3A_262 = tpu.memref_slice %arg2[%mul3A_244] : memref<320000xi32, #tpu.memory_space<hbm>> -> memref<10000xi32, #tpu.memory_space<hbm>>
      tpu.enqueue_dma source(%dma_start3A_262 : memref<10000xi32, #tpu.memory_space<hbm>>) target(%arg4 : memref<10000xi32, #tpu.memory_space<vmem>>) target_semaphore(%run_scoped3A : memref<!tpu.dma_semaphore, #tpu.memory_space<semaphore_mem>>)
      %dma_wait3A = tpu.memref_slice %arg2[%mul3A_244] : memref<320000xi32, #tpu.memory_space<hbm>> -> memref<10000xi32, #tpu.memory_space<hbm>>
      %dma_wait3A_263 = tpu.memref_slice %arg2[%mul3A_244] : memref<320000xi32, #tpu.memory_space<hbm>> -> memref<10000xi32, #tpu.memory_space<hbm>>
      tpu.wait_dma2 semaphore(%run_scoped3A : memref<!tpu.dma_semaphore, #tpu.memory_space<semaphore_mem>>) src(%dma_wait3A_263 : memref<10000xi32, #tpu.memory_space<hbm>>) dst(%arg4 : memref<10000xi32, #tpu.memory_space<vmem>>)
      tpu.yield
    }) : () -> ()
    %lt3A = arith.constant 15 : i32
    %lt3A_245 = arith.cmpi slt, %arg1, %lt3A : i32
    %convert_element_type3A = arith.extui %lt3A_245 : i1 to i32
    %cond3A = arith.constant 0 : i32
    %cond3A_246 = arith.cmpi ne, %convert_element_type3A, %cond3A : i32
    scf.if %cond3A_246 {
      %mul3A_262 = arith.constant 632 : i32
      %mul3A_263 = arith.muli %arg1, %mul3A_262 : i32
      "tpu.region"() ({
        %run_scoped3A = tpu.sem_alloc : memref<!tpu.dma_semaphore, #tpu.memory_space<semaphore_mem>>
        %dma_start3A = arith.constant 0 : i32
        %dma_start3A_264 = tpu.memref_slice %arg6[%dma_start3A] : memref<640xf32, #tpu.memory_space<vmem>> -> memref<632xf32, #tpu.memory_space<vmem>>
        %dma_start3A_265 = tpu.memref_slice %arg7[%mul3A_263] : memref<10000xf32, #tpu.memory_space<vmem_shared>> -> memref<632xf32, #tpu.memory_space<vmem_shared>>
        %dma_start3A_266 = tpu.memref_slice %arg7[%mul3A_263] : memref<10000xf32, #tpu.memory_space<vmem_shared>> -> memref<632xf32, #tpu.memory_space<vmem_shared>>
        %dma_start3A_267 = arith.constant 0 : i32
        %dma_start3A_268 = tpu.memref_slice %arg6[%dma_start3A_267] : memref<640xf32, #tpu.memory_space<vmem>> -> memref<632xf32, #tpu.memory_space<vmem>>
        tpu.enqueue_dma source(%dma_start3A_268 : memref<632xf32, #tpu.memory_space<vmem>>) target(%dma_start3A_266 : memref<632xf32, #tpu.memory_space<vmem_shared>>) target_semaphore(%run_scoped3A : memref<!tpu.dma_semaphore, #tpu.memory_space<semaphore_mem>>)
        %dma_wait3A = arith.constant 0 : i32
        %dma_wait3A_269 = tpu.memref_slice %arg6[%dma_wait3A] : memref<640xf32, #tpu.memory_space<vmem>> -> memref<632xf32, #tpu.memory_space<vmem>>
        %dma_wait3A_270 = tpu.memref_slice %arg7[%mul3A_263] : memref<10000xf32, #tpu.memory_space<vmem_shared>> -> memref<632xf32, #tpu.memory_space<vmem_shared>>
        %dma_wait3A_271 = tpu.memref_slice %arg7[%mul3A_263] : memref<10000xf32, #tpu.memory_space<vmem_shared>> -> memref<632xf32, #tpu.memory_space<vmem_shared>>
        %dma_wait3A_272 = arith.constant 0 : i32
        %dma_wait3A_273 = tpu.memref_slice %arg6[%dma_wait3A_272] : memref<640xf32, #tpu.memory_space<vmem>> -> memref<632xf32, #tpu.memory_space<vmem>>
        tpu.wait_dma2 semaphore(%run_scoped3A : memref<!tpu.dma_semaphore, #tpu.memory_space<semaphore_mem>>) src(%dma_wait3A_273 : memref<632xf32, #tpu.memory_space<vmem>>) dst(%dma_wait3A_271 : memref<632xf32, #tpu.memory_space<vmem_shared>>)
        tpu.yield
      }) : () -> ()
    } else {
    }
    %eq3A = arith.constant 15 : i32
    %eq3A_247 = arith.cmpi eq, %arg1, %eq3A : i32
    %convert_element_type3A_248 = arith.extui %eq3A_247 : i1 to i32
    %cond3A_249 = arith.constant 0 : i32
    %cond3A_250 = arith.cmpi ne, %convert_element_type3A_248, %cond3A_249 : i32
    scf.if %cond3A_250 {
      "tpu.region"() ({
        %run_scoped3A = tpu.sem_alloc : memref<!tpu.dma_semaphore, #tpu.memory_space<semaphore_mem>>
        %dma_start3A = arith.constant 0 : i32
        %dma_start3A_262 = tpu.memref_slice %arg6[%dma_start3A] : memref<640xf32, #tpu.memory_space<vmem>> -> memref<520xf32, #tpu.memory_space<vmem>>
        %dma_start3A_263 = arith.constant 9480 : i32
        %dma_start3A_264 = tpu.memref_slice %arg7[%dma_start3A_263] : memref<10000xf32, #tpu.memory_space<vmem_shared>> -> memref<520xf32, #tpu.memory_space<vmem_shared>>
        %dma_start3A_265 = arith.constant 9480 : i32
        %dma_start3A_266 = tpu.memref_slice %arg7[%dma_start3A_265] : memref<10000xf32, #tpu.memory_space<vmem_shared>> -> memref<520xf32, #tpu.memory_space<vmem_shared>>
        %dma_start3A_267 = arith.constant 0 : i32
        %dma_start3A_268 = tpu.memref_slice %arg6[%dma_start3A_267] : memref<640xf32, #tpu.memory_space<vmem>> -> memref<520xf32, #tpu.memory_space<vmem>>
        tpu.enqueue_dma source(%dma_start3A_268 : memref<520xf32, #tpu.memory_space<vmem>>) target(%dma_start3A_266 : memref<520xf32, #tpu.memory_space<vmem_shared>>) target_semaphore(%run_scoped3A : memref<!tpu.dma_semaphore, #tpu.memory_space<semaphore_mem>>)
        %dma_wait3A = arith.constant 0 : i32
        %dma_wait3A_269 = tpu.memref_slice %arg6[%dma_wait3A] : memref<640xf32, #tpu.memory_space<vmem>> -> memref<520xf32, #tpu.memory_space<vmem>>
        %dma_wait3A_270 = arith.constant 9480 : i32
        %dma_wait3A_271 = tpu.memref_slice %arg7[%dma_wait3A_270] : memref<10000xf32, #tpu.memory_space<vmem_shared>> -> memref<520xf32, #tpu.memory_space<vmem_shared>>
        %dma_wait3A_272 = arith.constant 9480 : i32
        %dma_wait3A_273 = tpu.memref_slice %arg7[%dma_wait3A_272] : memref<10000xf32, #tpu.memory_space<vmem_shared>> -> memref<520xf32, #tpu.memory_space<vmem_shared>>
        %dma_wait3A_274 = arith.constant 0 : i32
        %dma_wait3A_275 = tpu.memref_slice %arg6[%dma_wait3A_274] : memref<640xf32, #tpu.memory_space<vmem>> -> memref<520xf32, #tpu.memory_space<vmem>>
        tpu.wait_dma2 semaphore(%run_scoped3A : memref<!tpu.dma_semaphore, #tpu.memory_space<semaphore_mem>>) src(%dma_wait3A_275 : memref<520xf32, #tpu.memory_space<vmem>>) dst(%dma_wait3A_273 : memref<520xf32, #tpu.memory_space<vmem_shared>>)
        tpu.yield
      }) : () -> ()
    } else {
    }
    %barrier3A = arith.constant 0 : index
    tpu.barrier barrier_id(%barrier3A)
    "tpu.region"() ({
      %run_scoped3A = tpu.sem_alloc : memref<!tpu.dma_semaphore, #tpu.memory_space<semaphore_mem>>
      %dma_start3A = arith.constant 0 : i32
      %dma_start3A_262 = tpu.memref_slice %arg7[%dma_start3A] : memref<10000xf32, #tpu.memory_space<vmem_shared>> -> memref<10000xf32, #tpu.memory_space<vmem_shared>>
      tpu.enqueue_indirect_dma source(%arg5 : memref<10000xf32, #tpu.memory_space<vmem>>) target(%dma_start3A_262 : memref<10000xf32, #tpu.memory_space<vmem_shared>>) offsets(%arg4 : memref<10000xi32, #tpu.memory_space<vmem>>) semaphore(%run_scoped3A : memref<!tpu.dma_semaphore, #tpu.memory_space<semaphore_mem>>) {add = true}
      %dma_wait3A = arith.constant 0 : i32
      %dma_wait3A_263 = tpu.memref_slice %arg7[%dma_wait3A] : memref<10000xf32, #tpu.memory_space<vmem_shared>> -> memref<10000xf32, #tpu.memory_space<vmem_shared>>
      tpu.wait_indirect_dma semaphore(%run_scoped3A : memref<!tpu.dma_semaphore, #tpu.memory_space<semaphore_mem>>) src(%arg5 : memref<10000xf32, #tpu.memory_space<vmem>>) dst(%dma_wait3A_263 : memref<10000xf32, #tpu.memory_space<vmem_shared>>)
      tpu.yield
    }) : () -> ()
    %barrier3A_251 = arith.constant 0 : index
    tpu.barrier barrier_id(%barrier3A_251)
    %lt3A_252 = arith.constant 15 : i32
    %lt3A_253 = arith.cmpi slt, %arg1, %lt3A_252 : i32
    %convert_element_type3A_254 = arith.extui %lt3A_253 : i1 to i32
    %cond3A_255 = arith.constant 0 : i32
    %cond3A_256 = arith.cmpi ne, %convert_element_type3A_254, %cond3A_255 : i32
    scf.if %cond3A_256 {
      %mul3A_262 = arith.constant 632 : i32
      %mul3A_263 = arith.muli %arg1, %mul3A_262 : i32
      "tpu.region"() ({
        %run_scoped3A = tpu.sem_alloc : memref<!tpu.dma_semaphore, #tpu.memory_space<semaphore_mem>>
        %dma_start3A = arith.constant 0 : i32
        %dma_start3A_269 = tpu.memref_slice %arg6[%dma_start3A] : memref<640xf32, #tpu.memory_space<vmem>> -> memref<632xf32, #tpu.memory_space<vmem>>
        %dma_start3A_270 = tpu.memref_slice %arg7[%mul3A_263] : memref<10000xf32, #tpu.memory_space<vmem_shared>> -> memref<632xf32, #tpu.memory_space<vmem_shared>>
        %dma_start3A_271 = arith.constant 0 : i32
        %dma_start3A_272 = tpu.memref_slice %arg6[%dma_start3A_271] : memref<640xf32, #tpu.memory_space<vmem>> -> memref<632xf32, #tpu.memory_space<vmem>>
        %dma_start3A_273 = tpu.memref_slice %arg7[%mul3A_263] : memref<10000xf32, #tpu.memory_space<vmem_shared>> -> memref<632xf32, #tpu.memory_space<vmem_shared>>
        tpu.enqueue_dma source(%dma_start3A_273 : memref<632xf32, #tpu.memory_space<vmem_shared>>) target(%dma_start3A_272 : memref<632xf32, #tpu.memory_space<vmem>>) target_semaphore(%run_scoped3A : memref<!tpu.dma_semaphore, #tpu.memory_space<semaphore_mem>>)
        %dma_wait3A = arith.constant 0 : i32
        %dma_wait3A_274 = tpu.memref_slice %arg6[%dma_wait3A] : memref<640xf32, #tpu.memory_space<vmem>> -> memref<632xf32, #tpu.memory_space<vmem>>
        %dma_wait3A_275 = tpu.memref_slice %arg7[%mul3A_263] : memref<10000xf32, #tpu.memory_space<vmem_shared>> -> memref<632xf32, #tpu.memory_space<vmem_shared>>
        %dma_wait3A_276 = arith.constant 0 : i32
        %dma_wait3A_277 = tpu.memref_slice %arg6[%dma_wait3A_276] : memref<640xf32, #tpu.memory_space<vmem>> -> memref<632xf32, #tpu.memory_space<vmem>>
        %dma_wait3A_278 = tpu.memref_slice %arg7[%mul3A_263] : memref<10000xf32, #tpu.memory_space<vmem_shared>> -> memref<632xf32, #tpu.memory_space<vmem_shared>>
        tpu.wait_dma2 semaphore(%run_scoped3A : memref<!tpu.dma_semaphore, #tpu.memory_space<semaphore_mem>>) src(%dma_wait3A_278 : memref<632xf32, #tpu.memory_space<vmem_shared>>) dst(%dma_wait3A_277 : memref<632xf32, #tpu.memory_space<vmem>>)
        tpu.yield
      }) : () -> ()
      %mul3A_264 = arith.constant 10000 : i32
      %mul3A_265 = arith.muli %arg0, %mul3A_264 : i32
      %mul3A_266 = arith.constant 632 : i32
      %mul3A_267 = arith.muli %arg1, %mul3A_266 : i32
      %add3A_268 = arith.addi %mul3A_265, %mul3A_267 : i32
      "tpu.region"() ({
        %run_scoped3A = tpu.sem_alloc : memref<!tpu.dma_semaphore, #tpu.memory_space<semaphore_mem>>
        %dma_start3A = arith.constant 0 : i32
        %dma_start3A_269 = tpu.memref_slice %arg6[%dma_start3A] : memref<640xf32, #tpu.memory_space<vmem>> -> memref<632xf32, #tpu.memory_space<vmem>>
        %dma_start3A_270 = tpu.memref_slice %arg3[%add3A_268] : memref<20000xf32, #tpu.memory_space<hbm>> -> memref<632xf32, #tpu.memory_space<hbm>>
        %dma_start3A_271 = tpu.memref_slice %arg3[%add3A_268] : memref<20000xf32, #tpu.memory_space<hbm>> -> memref<632xf32, #tpu.memory_space<hbm>>
        %dma_start3A_272 = arith.constant 0 : i32
        %dma_start3A_273 = tpu.memref_slice %arg6[%dma_start3A_272] : memref<640xf32, #tpu.memory_space<vmem>> -> memref<632xf32, #tpu.memory_space<vmem>>
        tpu.enqueue_dma source(%dma_start3A_273 : memref<632xf32, #tpu.memory_space<vmem>>) target(%dma_start3A_271 : memref<632xf32, #tpu.memory_space<hbm>>) target_semaphore(%run_scoped3A : memref<!tpu.dma_semaphore, #tpu.memory_space<semaphore_mem>>)
        %dma_wait3A = arith.constant 0 : i32
        %dma_wait3A_274 = tpu.memref_slice %arg6[%dma_wait3A] : memref<640xf32, #tpu.memory_space<vmem>> -> memref<632xf32, #tpu.memory_space<vmem>>
        %dma_wait3A_275 = tpu.memref_slice %arg3[%add3A_268] : memref<20000xf32, #tpu.memory_space<hbm>> -> memref<632xf32, #tpu.memory_space<hbm>>
        %dma_wait3A_276 = tpu.memref_slice %arg3[%add3A_268] : memref<20000xf32, #tpu.memory_space<hbm>> -> memref<632xf32, #tpu.memory_space<hbm>>
        %dma_wait3A_277 = arith.constant 0 : i32
        %dma_wait3A_278 = tpu.memref_slice %arg6[%dma_wait3A_277] : memref<640xf32, #tpu.memory_space<vmem>> -> memref<632xf32, #tpu.memory_space<vmem>>
        tpu.wait_dma2 semaphore(%run_scoped3A : memref<!tpu.dma_semaphore, #tpu.memory_space<semaphore_mem>>) src(%dma_wait3A_278 : memref<632xf32, #tpu.memory_space<vmem>>) dst(%dma_wait3A_276 : memref<632xf32, #tpu.memory_space<hbm>>)
        tpu.yield
      }) : () -> ()
    } else {
    }
    %eq3A_257 = arith.constant 15 : i32
    %eq3A_258 = arith.cmpi eq, %arg1, %eq3A_257 : i32
    %convert_element_type3A_259 = arith.extui %eq3A_258 : i1 to i32
    %cond3A_260 = arith.constant 0 : i32
    %cond3A_261 = arith.cmpi ne, %convert_element_type3A_259, %cond3A_260 : i32
    scf.if %cond3A_261 {
      "tpu.region"() ({
        %run_scoped3A = tpu.sem_alloc : memref<!tpu.dma_semaphore, #tpu.memory_space<semaphore_mem>>
        %dma_start3A = arith.constant 0 : i32
        %dma_start3A_266 = tpu.memref_slice %arg6[%dma_start3A] : memref<640xf32, #tpu.memory_space<vmem>> -> memref<520xf32, #tpu.memory_space<vmem>>
        %dma_start3A_267 = arith.constant 9480 : i32
        %dma_start3A_268 = tpu.memref_slice %arg7[%dma_start3A_267] : memref<10000xf32, #tpu.memory_space<vmem_shared>> -> memref<520xf32, #tpu.memory_space<vmem_shared>>
        %dma_start3A_269 = arith.constant 0 : i32
        %dma_start3A_270 = tpu.memref_slice %arg6[%dma_start3A_269] : memref<640xf32, #tpu.memory_space<vmem>> -> memref<520xf32, #tpu.memory_space<vmem>>
        %dma_start3A_271 = arith.constant 9480 : i32
        %dma_start3A_272 = tpu.memref_slice %arg7[%dma_start3A_271] : memref<10000xf32, #tpu.memory_space<vmem_shared>> -> memref<520xf32, #tpu.memory_space<vmem_shared>>
        tpu.enqueue_dma source(%dma_start3A_272 : memref<520xf32, #tpu.memory_space<vmem_shared>>) target(%dma_start3A_270 : memref<520xf32, #tpu.memory_space<vmem>>) target_semaphore(%run_scoped3A : memref<!tpu.dma_semaphore, #tpu.memory_space<semaphore_mem>>)
        %dma_wait3A = arith.constant 0 : i32
        %dma_wait3A_273 = tpu.memref_slice %arg6[%dma_wait3A] : memref<640xf32, #tpu.memory_space<vmem>> -> memref<520xf32, #tpu.memory_space<vmem>>
        %dma_wait3A_274 = arith.constant 9480 : i32
        %dma_wait3A_275 = tpu.memref_slice %arg7[%dma_wait3A_274] : memref<10000xf32, #tpu.memory_space<vmem_shared>> -> memref<520xf32, #tpu.memory_space<vmem_shared>>
        %dma_wait3A_276 = arith.constant 0 : i32
        %dma_wait3A_277 = tpu.memref_slice %arg6[%dma_wait3A_276] : memref<640xf32, #tpu.memory_space<vmem>> -> memref<520xf32, #tpu.memory_space<vmem>>
        %dma_wait3A_278 = arith.constant 9480 : i32
        %dma_wait3A_279 = tpu.memref_slice %arg7[%dma_wait3A_278] : memref<10000xf32, #tpu.memory_space<vmem_shared>> -> memref<520xf32, #tpu.memory_space<vmem_shared>>
        tpu.wait_dma2 semaphore(%run_scoped3A : memref<!tpu.dma_semaphore, #tpu.memory_space<semaphore_mem>>) src(%dma_wait3A_279 : memref<520xf32, #tpu.memory_space<vmem_shared>>) dst(%dma_wait3A_277 : memref<520xf32, #tpu.memory_space<vmem>>)
        tpu.yield
      }) : () -> ()
      %mul3A_262 = arith.constant 10000 : i32
      %mul3A_263 = arith.muli %arg0, %mul3A_262 : i32
      %add3A_264 = arith.constant 9480 : i32
      %add3A_265 = arith.addi %mul3A_263, %add3A_264 : i32
      "tpu.region"() ({
        %run_scoped3A = tpu.sem_alloc : memref<!tpu.dma_semaphore, #tpu.memory_space<semaphore_mem>>
        %dma_start3A = arith.constant 0 : i32
        %dma_start3A_266 = tpu.memref_slice %arg6[%dma_start3A] : memref<640xf32, #tpu.memory_space<vmem>> -> memref<520xf32, #tpu.memory_space<vmem>>
        %dma_start3A_267 = tpu.memref_slice %arg3[%add3A_265] : memref<20000xf32, #tpu.memory_space<hbm>> -> memref<520xf32, #tpu.memory_space<hbm>>
        %dma_start3A_268 = tpu.memref_slice %arg3[%add3A_265] : memref<20000xf32, #tpu.memory_space<hbm>> -> memref<520xf32, #tpu.memory_space<hbm>>
        %dma_start3A_269 = arith.constant 0 : i32
        %dma_start3A_270 = tpu.memref_slice %arg6[%dma_start3A_269] : memref<640xf32, #tpu.memory_space<vmem>> -> memref<520xf32, #tpu.memory_space<vmem>>
        tpu.enqueue_dma source(%dma_start3A_270 : memref<520xf32, #tpu.memory_space<vmem>>) target(%dma_start3A_268 : memref<520xf32, #tpu.memory_space<hbm>>) target_semaphore(%run_scoped3A : memref<!tpu.dma_semaphore, #tpu.memory_space<semaphore_mem>>)
        %dma_wait3A = arith.constant 0 : i32
        %dma_wait3A_271 = tpu.memref_slice %arg6[%dma_wait3A] : memref<640xf32, #tpu.memory_space<vmem>> -> memref<520xf32, #tpu.memory_space<vmem>>
        %dma_wait3A_272 = tpu.memref_slice %arg3[%add3A_265] : memref<20000xf32, #tpu.memory_space<hbm>> -> memref<520xf32, #tpu.memory_space<hbm>>
        %dma_wait3A_273 = tpu.memref_slice %arg3[%add3A_265] : memref<20000xf32, #tpu.memory_space<hbm>> -> memref<520xf32, #tpu.memory_space<hbm>>
        %dma_wait3A_274 = arith.constant 0 : i32
        %dma_wait3A_275 = tpu.memref_slice %arg6[%dma_wait3A_274] : memref<640xf32, #tpu.memory_space<vmem>> -> memref<520xf32, #tpu.memory_space<vmem>>
        tpu.wait_dma2 semaphore(%run_scoped3A : memref<!tpu.dma_semaphore, #tpu.memory_space<semaphore_mem>>) src(%dma_wait3A_275 : memref<520xf32, #tpu.memory_space<vmem>>) dst(%dma_wait3A_273 : memref<520xf32, #tpu.memory_space<hbm>>)
        tpu.yield
      }) : () -> ()
    } else {
    }
    return
  }
}

#map = affine_map<(d0, d1) -> (0, 0)>
#map1 = affine_map<(d0, d1) -> (0)>
#map2 = affine_map<(d0, d1) -> (0, 0, 0)>
module attributes {stable_mosaic.version = 14 : i64} {
  func.func @_sc_edge_agg(%arg0: i32, %arg1: i32, %arg2: memref<10000x128xf32, #tpu.memory_space<hbm>>, %arg3: memref<320000xi32, #tpu.memory_space<hbm>>, %arg4: memref<320000xi32, #tpu.memory_space<hbm>>, %arg5: memref<2x10000x128xf32, #tpu.memory_space<hbm>>, %arg6: memref<10000xi32, #tpu.memory_space<vmem>>, %arg7: memref<10000xi32, #tpu.memory_space<vmem>>, %arg8: memref<80x128xf32, #tpu.memory_space<vmem>>, %arg9: memref<80x128xf32, #tpu.memory_space<vmem>>, %arg10: memref<10000x128xf32, #tpu.memory_space<vmem_shared>>, %arg11: memref<!tpu.dma_semaphore, #tpu.memory_space<semaphore_mem>>, %arg12: memref<!tpu.dma_semaphore, #tpu.memory_space<semaphore_mem>>) attributes {dimension_semantics = [#tpu.dimension_semantics<core_parallel>, #tpu.dimension_semantics<subcore_parallel>], iteration_bounds = array<i64: 2, 16>, scalar_prefetch = 0 : i64, scratch_operands = 7 : i64, tpu.core_type = #tpu.core_type<sc_vector_subcore>, window_params = [{transform_indices = #map}, {transform_indices = #map1}, {transform_indices = #map1}, {transform_indices = #map2}]} {
    %mul3A = arith.constant 16 : i32
    %mul3A_0 = arith.muli %arg0, %mul3A : i32
    %add3A = arith.addi %mul3A_0, %arg1 : i32
    %mul3A_1 = arith.constant 624 : i32
    %mul3A_2 = arith.muli %arg1, %mul3A_1 : i32
    %scan3A = arith.constant 0 : i32
    %scan3A_3 = arith.constant 80 : i32
    %scan3A_4 = arith.addi %scan3A, %scan3A_3 : i32
    %scan3A_5 = arith.constant 1 : i32
    scf.for %scan3A_65 = %scan3A to %scan3A_4 step %scan3A_5  : i32 {
      %mul3A_66 = arith.constant 1 : i32
      %mul3A_67 = arith.muli %scan3A_65, %mul3A_66 : i32
      %add3A_68 = arith.constant 0 : i32
      %add3A_69 = arith.addi %add3A_68, %mul3A_67 : i32
      %broadcast_in_dim3A = arith.constant 0.000000e+00 : f32
      %broadcast_in_dim3A_70 = vector.broadcast %broadcast_in_dim3A : f32 to vector<16xf32>
      %swap3A = arith.index_cast %add3A_69 : i32 to index
      %swap3A_71 = arith.constant 0 : index
      %swap3A_72 = tpu.vector_load %arg8[%swap3A, %swap3A_71] {strides = array<i32>} : memref<80x128xf32, #tpu.memory_space<vmem>>, vector<1x16xf32>,
      %swap3A_73 = vector.shape_cast %swap3A_72 : vector<1x16xf32> to vector<16xf32>
      %swap3A_74 = vector.shape_cast %broadcast_in_dim3A_70 : vector<16xf32> to vector<1x16xf32>
      tpu.vector_store %arg8[%swap3A, %swap3A_71], %swap3A_74 {strides = array<i32>} : memref<80x128xf32, #tpu.memory_space<vmem>>, vector<1x16xf32>,
      %broadcast_in_dim3A_75 = arith.constant 0.000000e+00 : f32
      %broadcast_in_dim3A_76 = vector.broadcast %broadcast_in_dim3A_75 : f32 to vector<16xf32>
      %swap3A_77 = arith.index_cast %add3A_69 : i32 to index
      %swap3A_78 = arith.constant 16 : index
      %swap3A_79 = tpu.vector_load %arg8[%swap3A_77, %swap3A_78] {strides = array<i32>} : memref<80x128xf32, #tpu.memory_space<vmem>>, vector<1x16xf32>,
      %swap3A_80 = vector.shape_cast %swap3A_79 : vector<1x16xf32> to vector<16xf32>
      %swap3A_81 = vector.shape_cast %broadcast_in_dim3A_76 : vector<16xf32> to vector<1x16xf32>
      tpu.vector_store %arg8[%swap3A_77, %swap3A_78], %swap3A_81 {strides = array<i32>} : memref<80x128xf32, #tpu.memory_space<vmem>>, vector<1x16xf32>,
      %broadcast_in_dim3A_82 = arith.constant 0.000000e+00 : f32
      %broadcast_in_dim3A_83 = vector.broadcast %broadcast_in_dim3A_82 : f32 to vector<16xf32>
      %swap3A_84 = arith.index_cast %add3A_69 : i32 to index
      %swap3A_85 = arith.constant 32 : index
      %swap3A_86 = tpu.vector_load %arg8[%swap3A_84, %swap3A_85] {strides = array<i32>} : memref<80x128xf32, #tpu.memory_space<vmem>>, vector<1x16xf32>,
      %swap3A_87 = vector.shape_cast %swap3A_86 : vector<1x16xf32> to vector<16xf32>
      %swap3A_88 = vector.shape_cast %broadcast_in_dim3A_83 : vector<16xf32> to vector<1x16xf32>
      tpu.vector_store %arg8[%swap3A_84, %swap3A_85], %swap3A_88 {strides = array<i32>} : memref<80x128xf32, #tpu.memory_space<vmem>>, vector<1x16xf32>,
      %broadcast_in_dim3A_89 = arith.constant 0.000000e+00 : f32
      %broadcast_in_dim3A_90 = vector.broadcast %broadcast_in_dim3A_89 : f32 to vector<16xf32>
      %swap3A_91 = arith.index_cast %add3A_69 : i32 to index
      %swap3A_92 = arith.constant 48 : index
      %swap3A_93 = tpu.vector_load %arg8[%swap3A_91, %swap3A_92] {strides = array<i32>} : memref<80x128xf32, #tpu.memory_space<vmem>>, vector<1x16xf32>,
      %swap3A_94 = vector.shape_cast %swap3A_93 : vector<1x16xf32> to vector<16xf32>
      %swap3A_95 = vector.shape_cast %broadcast_in_dim3A_90 : vector<16xf32> to vector<1x16xf32>
      tpu.vector_store %arg8[%swap3A_91, %swap3A_92], %swap3A_95 {strides = array<i32>} : memref<80x128xf32, #tpu.memory_space<vmem>>, vector<1x16xf32>,
      %broadcast_in_dim3A_96 = arith.constant 0.000000e+00 : f32
      %broadcast_in_dim3A_97 = vector.broadcast %broadcast_in_dim3A_96 : f32 to vector<16xf32>
      %swap3A_98 = arith.index_cast %add3A_69 : i32 to index
      %swap3A_99 = arith.constant 64 : index
      %swap3A_100 = tpu.vector_load %arg8[%swap3A_98, %swap3A_99] {strides = array<i32>} : memref<80x128xf32, #tpu.memory_space<vmem>>, vector<1x16xf32>,
      %swap3A_101 = vector.shape_cast %swap3A_100 : vector<1x16xf32> to vector<16xf32>
      %swap3A_102 = vector.shape_cast %broadcast_in_dim3A_97 : vector<16xf32> to vector<1x16xf32>
      tpu.vector_store %arg8[%swap3A_98, %swap3A_99], %swap3A_102 {strides = array<i32>} : memref<80x128xf32, #tpu.memory_space<vmem>>, vector<1x16xf32>,
      %broadcast_in_dim3A_103 = arith.constant 0.000000e+00 : f32
      %broadcast_in_dim3A_104 = vector.broadcast %broadcast_in_dim3A_103 : f32 to vector<16xf32>
      %swap3A_105 = arith.index_cast %add3A_69 : i32 to index
      %swap3A_106 = arith.constant 80 : index
      %swap3A_107 = tpu.vector_load %arg8[%swap3A_105, %swap3A_106] {strides = array<i32>} : memref<80x128xf32, #tpu.memory_space<vmem>>, vector<1x16xf32>,
      %swap3A_108 = vector.shape_cast %swap3A_107 : vector<1x16xf32> to vector<16xf32>
      %swap3A_109 = vector.shape_cast %broadcast_in_dim3A_104 : vector<16xf32> to vector<1x16xf32>
      tpu.vector_store %arg8[%swap3A_105, %swap3A_106], %swap3A_109 {strides = array<i32>} : memref<80x128xf32, #tpu.memory_space<vmem>>, vector<1x16xf32>,
      %broadcast_in_dim3A_110 = arith.constant 0.000000e+00 : f32
      %broadcast_in_dim3A_111 = vector.broadcast %broadcast_in_dim3A_110 : f32 to vector<16xf32>
      %swap3A_112 = arith.index_cast %add3A_69 : i32 to index
      %swap3A_113 = arith.constant 96 : index
      %swap3A_114 = tpu.vector_load %arg8[%swap3A_112, %swap3A_113] {strides = array<i32>} : memref<80x128xf32, #tpu.memory_space<vmem>>, vector<1x16xf32>,
      %swap3A_115 = vector.shape_cast %swap3A_114 : vector<1x16xf32> to vector<16xf32>
      %swap3A_116 = vector.shape_cast %broadcast_in_dim3A_111 : vector<16xf32> to vector<1x16xf32>
      tpu.vector_store %arg8[%swap3A_112, %swap3A_113], %swap3A_116 {strides = array<i32>} : memref<80x128xf32, #tpu.memory_space<vmem>>, vector<1x16xf32>,
      %broadcast_in_dim3A_117 = arith.constant 0.000000e+00 : f32
      %broadcast_in_dim3A_118 = vector.broadcast %broadcast_in_dim3A_117 : f32 to vector<16xf32>
      %swap3A_119 = arith.index_cast %add3A_69 : i32 to index
      %swap3A_120 = arith.constant 112 : index
      %swap3A_121 = tpu.vector_load %arg8[%swap3A_119, %swap3A_120] {strides = array<i32>} : memref<80x128xf32, #tpu.memory_space<vmem>>, vector<1x16xf32>,
      %swap3A_122 = vector.shape_cast %swap3A_121 : vector<1x16xf32> to vector<16xf32>
      %swap3A_123 = vector.shape_cast %broadcast_in_dim3A_118 : vector<16xf32> to vector<1x16xf32>
      tpu.vector_store %arg8[%swap3A_119, %swap3A_120], %swap3A_123 {strides = array<i32>} : memref<80x128xf32, #tpu.memory_space<vmem>>, vector<1x16xf32>,
    }
    %scan3A_6 = arith.constant 80 : i32
    %add3A_7 = arith.constant 0 : i32
    %add3A_8 = arith.addi %mul3A_2, %add3A_7 : i32
    "tpu.region"() ({
      %run_scoped3A = tpu.sem_alloc : memref<!tpu.dma_semaphore, #tpu.memory_space<semaphore_mem>>
      %dma_start3A_65 = arith.constant 0 : i32
      %dma_start3A_66 = tpu.memref_slice %arg10[%add3A_8, %dma_start3A_65] : memref<10000x128xf32, #tpu.memory_space<vmem_shared>> -> memref<80x128xf32, #tpu.memory_space<vmem_shared>>
      %dma_start3A_67 = arith.constant 0 : i32
      %dma_start3A_68 = tpu.memref_slice %arg10[%add3A_8, %dma_start3A_67] : memref<10000x128xf32, #tpu.memory_space<vmem_shared>> -> memref<80x128xf32, #tpu.memory_space<vmem_shared>>
      tpu.enqueue_dma source(%arg8 : memref<80x128xf32, #tpu.memory_space<vmem>>) target(%dma_start3A_68 : memref<80x128xf32, #tpu.memory_space<vmem_shared>>) target_semaphore(%run_scoped3A : memref<!tpu.dma_semaphore, #tpu.memory_space<semaphore_mem>>)
      %dma_wait3A = arith.constant 0 : i32
      %dma_wait3A_69 = tpu.memref_slice %arg10[%add3A_8, %dma_wait3A] : memref<10000x128xf32, #tpu.memory_space<vmem_shared>> -> memref<80x128xf32, #tpu.memory_space<vmem_shared>>
      %dma_wait3A_70 = arith.constant 0 : i32
      %dma_wait3A_71 = tpu.memref_slice %arg10[%add3A_8, %dma_wait3A_70] : memref<10000x128xf32, #tpu.memory_space<vmem_shared>> -> memref<80x128xf32, #tpu.memory_space<vmem_shared>>
      tpu.wait_dma2 semaphore(%run_scoped3A : memref<!tpu.dma_semaphore, #tpu.memory_space<semaphore_mem>>) src(%arg8 : memref<80x128xf32, #tpu.memory_space<vmem>>) dst(%dma_wait3A_71 : memref<80x128xf32, #tpu.memory_space<vmem_shared>>)
      tpu.yield
    }) : () -> ()
    %add3A_9 = arith.constant 80 : i32
    %add3A_10 = arith.addi %mul3A_2, %add3A_9 : i32
    "tpu.region"() ({
      %run_scoped3A = tpu.sem_alloc : memref<!tpu.dma_semaphore, #tpu.memory_space<semaphore_mem>>
      %dma_start3A_65 = arith.constant 0 : i32
      %dma_start3A_66 = tpu.memref_slice %arg10[%add3A_10, %dma_start3A_65] : memref<10000x128xf32, #tpu.memory_space<vmem_shared>> -> memref<80x128xf32, #tpu.memory_space<vmem_shared>>
      %dma_start3A_67 = arith.constant 0 : i32
      %dma_start3A_68 = tpu.memref_slice %arg10[%add3A_10, %dma_start3A_67] : memref<10000x128xf32, #tpu.memory_space<vmem_shared>> -> memref<80x128xf32, #tpu.memory_space<vmem_shared>>
      tpu.enqueue_dma source(%arg8 : memref<80x128xf32, #tpu.memory_space<vmem>>) target(%dma_start3A_68 : memref<80x128xf32, #tpu.memory_space<vmem_shared>>) target_semaphore(%run_scoped3A : memref<!tpu.dma_semaphore, #tpu.memory_space<semaphore_mem>>)
      %dma_wait3A = arith.constant 0 : i32
      %dma_wait3A_69 = tpu.memref_slice %arg10[%add3A_10, %dma_wait3A] : memref<10000x128xf32, #tpu.memory_space<vmem_shared>> -> memref<80x128xf32, #tpu.memory_space<vmem_shared>>
      %dma_wait3A_70 = arith.constant 0 : i32
      %dma_wait3A_71 = tpu.memref_slice %arg10[%add3A_10, %dma_wait3A_70] : memref<10000x128xf32, #tpu.memory_space<vmem_shared>> -> memref<80x128xf32, #tpu.memory_space<vmem_shared>>
      tpu.wait_dma2 semaphore(%run_scoped3A : memref<!tpu.dma_semaphore, #tpu.memory_space<semaphore_mem>>) src(%arg8 : memref<80x128xf32, #tpu.memory_space<vmem>>) dst(%dma_wait3A_71 : memref<80x128xf32, #tpu.memory_space<vmem_shared>>)
      tpu.yield
    }) : () -> ()
    %add3A_11 = arith.constant 160 : i32
    %add3A_12 = arith.addi %mul3A_2, %add3A_11 : i32
    "tpu.region"() ({
      %run_scoped3A = tpu.sem_alloc : memref<!tpu.dma_semaphore, #tpu.memory_space<semaphore_mem>>
      %dma_start3A_65 = arith.constant 0 : i32
      %dma_start3A_66 = tpu.memref_slice %arg10[%add3A_12, %dma_start3A_65] : memref<10000x128xf32, #tpu.memory_space<vmem_shared>> -> memref<80x128xf32, #tpu.memory_space<vmem_shared>>
      %dma_start3A_67 = arith.constant 0 : i32
      %dma_start3A_68 = tpu.memref_slice %arg10[%add3A_12, %dma_start3A_67] : memref<10000x128xf32, #tpu.memory_space<vmem_shared>> -> memref<80x128xf32, #tpu.memory_space<vmem_shared>>
      tpu.enqueue_dma source(%arg8 : memref<80x128xf32, #tpu.memory_space<vmem>>) target(%dma_start3A_68 : memref<80x128xf32, #tpu.memory_space<vmem_shared>>) target_semaphore(%run_scoped3A : memref<!tpu.dma_semaphore, #tpu.memory_space<semaphore_mem>>)
      %dma_wait3A = arith.constant 0 : i32
      %dma_wait3A_69 = tpu.memref_slice %arg10[%add3A_12, %dma_wait3A] : memref<10000x128xf32, #tpu.memory_space<vmem_shared>> -> memref<80x128xf32, #tpu.memory_space<vmem_shared>>
      %dma_wait3A_70 = arith.constant 0 : i32
      %dma_wait3A_71 = tpu.memref_slice %arg10[%add3A_12, %dma_wait3A_70] : memref<10000x128xf32, #tpu.memory_space<vmem_shared>> -> memref<80x128xf32, #tpu.memory_space<vmem_shared>>
      tpu.wait_dma2 semaphore(%run_scoped3A : memref<!tpu.dma_semaphore, #tpu.memory_space<semaphore_mem>>) src(%arg8 : memref<80x128xf32, #tpu.memory_space<vmem>>) dst(%dma_wait3A_71 : memref<80x128xf32, #tpu.memory_space<vmem_shared>>)
      tpu.yield
    }) : () -> ()
    %add3A_13 = arith.constant 240 : i32
    %add3A_14 = arith.addi %mul3A_2, %add3A_13 : i32
    "tpu.region"() ({
      %run_scoped3A = tpu.sem_alloc : memref<!tpu.dma_semaphore, #tpu.memory_space<semaphore_mem>>
      %dma_start3A_65 = arith.constant 0 : i32
      %dma_start3A_66 = tpu.memref_slice %arg10[%add3A_14, %dma_start3A_65] : memref<10000x128xf32, #tpu.memory_space<vmem_shared>> -> memref<80x128xf32, #tpu.memory_space<vmem_shared>>
      %dma_start3A_67 = arith.constant 0 : i32
      %dma_start3A_68 = tpu.memref_slice %arg10[%add3A_14, %dma_start3A_67] : memref<10000x128xf32, #tpu.memory_space<vmem_shared>> -> memref<80x128xf32, #tpu.memory_space<vmem_shared>>
      tpu.enqueue_dma source(%arg8 : memref<80x128xf32, #tpu.memory_space<vmem>>) target(%dma_start3A_68 : memref<80x128xf32, #tpu.memory_space<vmem_shared>>) target_semaphore(%run_scoped3A : memref<!tpu.dma_semaphore, #tpu.memory_space<semaphore_mem>>)
      %dma_wait3A = arith.constant 0 : i32
      %dma_wait3A_69 = tpu.memref_slice %arg10[%add3A_14, %dma_wait3A] : memref<10000x128xf32, #tpu.memory_space<vmem_shared>> -> memref<80x128xf32, #tpu.memory_space<vmem_shared>>
      %dma_wait3A_70 = arith.constant 0 : i32
      %dma_wait3A_71 = tpu.memref_slice %arg10[%add3A_14, %dma_wait3A_70] : memref<10000x128xf32, #tpu.memory_space<vmem_shared>> -> memref<80x128xf32, #tpu.memory_space<vmem_shared>>
      tpu.wait_dma2 semaphore(%run_scoped3A : memref<!tpu.dma_semaphore, #tpu.memory_space<semaphore_mem>>) src(%arg8 : memref<80x128xf32, #tpu.memory_space<vmem>>) dst(%dma_wait3A_71 : memref<80x128xf32, #tpu.memory_space<vmem_shared>>)
      tpu.yield
    }) : () -> ()
    %add3A_15 = arith.constant 320 : i32
    %add3A_16 = arith.addi %mul3A_2, %add3A_15 : i32
    "tpu.region"() ({
      %run_scoped3A = tpu.sem_alloc : memref<!tpu.dma_semaphore, #tpu.memory_space<semaphore_mem>>
      %dma_start3A_65 = arith.constant 0 : i32
      %dma_start3A_66 = tpu.memref_slice %arg10[%add3A_16, %dma_start3A_65] : memref<10000x128xf32, #tpu.memory_space<vmem_shared>> -> memref<80x128xf32, #tpu.memory_space<vmem_shared>>
      %dma_start3A_67 = arith.constant 0 : i32
      %dma_start3A_68 = tpu.memref_slice %arg10[%add3A_16, %dma_start3A_67] : memref<10000x128xf32, #tpu.memory_space<vmem_shared>> -> memref<80x128xf32, #tpu.memory_space<vmem_shared>>
      tpu.enqueue_dma source(%arg8 : memref<80x128xf32, #tpu.memory_space<vmem>>) target(%dma_start3A_68 : memref<80x128xf32, #tpu.memory_space<vmem_shared>>) target_semaphore(%run_scoped3A : memref<!tpu.dma_semaphore, #tpu.memory_space<semaphore_mem>>)
      %dma_wait3A = arith.constant 0 : i32
      %dma_wait3A_69 = tpu.memref_slice %arg10[%add3A_16, %dma_wait3A] : memref<10000x128xf32, #tpu.memory_space<vmem_shared>> -> memref<80x128xf32, #tpu.memory_space<vmem_shared>>
      %dma_wait3A_70 = arith.constant 0 : i32
      %dma_wait3A_71 = tpu.memref_slice %arg10[%add3A_16, %dma_wait3A_70] : memref<10000x128xf32, #tpu.memory_space<vmem_shared>> -> memref<80x128xf32, #tpu.memory_space<vmem_shared>>
      tpu.wait_dma2 semaphore(%run_scoped3A : memref<!tpu.dma_semaphore, #tpu.memory_space<semaphore_mem>>) src(%arg8 : memref<80x128xf32, #tpu.memory_space<vmem>>) dst(%dma_wait3A_71 : memref<80x128xf32, #tpu.memory_space<vmem_shared>>)
      tpu.yield
    }) : () -> ()
    %add3A_17 = arith.constant 400 : i32
    %add3A_18 = arith.addi %mul3A_2, %add3A_17 : i32
    "tpu.region"() ({
      %run_scoped3A = tpu.sem_alloc : memref<!tpu.dma_semaphore, #tpu.memory_space<semaphore_mem>>
      %dma_start3A_65 = arith.constant 0 : i32
      %dma_start3A_66 = tpu.memref_slice %arg10[%add3A_18, %dma_start3A_65] : memref<10000x128xf32, #tpu.memory_space<vmem_shared>> -> memref<80x128xf32, #tpu.memory_space<vmem_shared>>
      %dma_start3A_67 = arith.constant 0 : i32
      %dma_start3A_68 = tpu.memref_slice %arg10[%add3A_18, %dma_start3A_67] : memref<10000x128xf32, #tpu.memory_space<vmem_shared>> -> memref<80x128xf32, #tpu.memory_space<vmem_shared>>
      tpu.enqueue_dma source(%arg8 : memref<80x128xf32, #tpu.memory_space<vmem>>) target(%dma_start3A_68 : memref<80x128xf32, #tpu.memory_space<vmem_shared>>) target_semaphore(%run_scoped3A : memref<!tpu.dma_semaphore, #tpu.memory_space<semaphore_mem>>)
      %dma_wait3A = arith.constant 0 : i32
      %dma_wait3A_69 = tpu.memref_slice %arg10[%add3A_18, %dma_wait3A] : memref<10000x128xf32, #tpu.memory_space<vmem_shared>> -> memref<80x128xf32, #tpu.memory_space<vmem_shared>>
      %dma_wait3A_70 = arith.constant 0 : i32
      %dma_wait3A_71 = tpu.memref_slice %arg10[%add3A_18, %dma_wait3A_70] : memref<10000x128xf32, #tpu.memory_space<vmem_shared>> -> memref<80x128xf32, #tpu.memory_space<vmem_shared>>
      tpu.wait_dma2 semaphore(%run_scoped3A : memref<!tpu.dma_semaphore, #tpu.memory_space<semaphore_mem>>) src(%arg8 : memref<80x128xf32, #tpu.memory_space<vmem>>) dst(%dma_wait3A_71 : memref<80x128xf32, #tpu.memory_space<vmem_shared>>)
      tpu.yield
    }) : () -> ()
    %add3A_19 = arith.constant 480 : i32
    %add3A_20 = arith.addi %mul3A_2, %add3A_19 : i32
    "tpu.region"() ({
      %run_scoped3A = tpu.sem_alloc : memref<!tpu.dma_semaphore, #tpu.memory_space<semaphore_mem>>
      %dma_start3A_65 = arith.constant 0 : i32
      %dma_start3A_66 = tpu.memref_slice %arg10[%add3A_20, %dma_start3A_65] : memref<10000x128xf32, #tpu.memory_space<vmem_shared>> -> memref<80x128xf32, #tpu.memory_space<vmem_shared>>
      %dma_start3A_67 = arith.constant 0 : i32
      %dma_start3A_68 = tpu.memref_slice %arg10[%add3A_20, %dma_start3A_67] : memref<10000x128xf32, #tpu.memory_space<vmem_shared>> -> memref<80x128xf32, #tpu.memory_space<vmem_shared>>
      tpu.enqueue_dma source(%arg8 : memref<80x128xf32, #tpu.memory_space<vmem>>) target(%dma_start3A_68 : memref<80x128xf32, #tpu.memory_space<vmem_shared>>) target_semaphore(%run_scoped3A : memref<!tpu.dma_semaphore, #tpu.memory_space<semaphore_mem>>)
      %dma_wait3A = arith.constant 0 : i32
      %dma_wait3A_69 = tpu.memref_slice %arg10[%add3A_20, %dma_wait3A] : memref<10000x128xf32, #tpu.memory_space<vmem_shared>> -> memref<80x128xf32, #tpu.memory_space<vmem_shared>>
      %dma_wait3A_70 = arith.constant 0 : i32
      %dma_wait3A_71 = tpu.memref_slice %arg10[%add3A_20, %dma_wait3A_70] : memref<10000x128xf32, #tpu.memory_space<vmem_shared>> -> memref<80x128xf32, #tpu.memory_space<vmem_shared>>
      tpu.wait_dma2 semaphore(%run_scoped3A : memref<!tpu.dma_semaphore, #tpu.memory_space<semaphore_mem>>) src(%arg8 : memref<80x128xf32, #tpu.memory_space<vmem>>) dst(%dma_wait3A_71 : memref<80x128xf32, #tpu.memory_space<vmem_shared>>)
      tpu.yield
    }) : () -> ()
    %lt3A = arith.constant 15 : i32
    %lt3A_21 = arith.cmpi slt, %arg1, %lt3A : i32
    %convert_element_type3A = arith.extui %lt3A_21 : i1 to i32
    %cond3A = arith.constant 0 : i32
    %cond3A_22 = arith.cmpi ne, %convert_element_type3A, %cond3A : i32
    scf.if %cond3A_22 {
      %add3A_65 = arith.constant 560 : i32
      %add3A_66 = arith.addi %mul3A_2, %add3A_65 : i32
      "tpu.region"() ({
        %run_scoped3A = tpu.sem_alloc : memref<!tpu.dma_semaphore, #tpu.memory_space<semaphore_mem>>
        %dma_start3A_67 = arith.constant 0 : i32
        %dma_start3A_68 = arith.constant 0 : i32
        %dma_start3A_69 = tpu.memref_slice %arg8[%dma_start3A_67, %dma_start3A_68] : memref<80x128xf32, #tpu.memory_space<vmem>> -> memref<64x128xf32, #tpu.memory_space<vmem>>
        %dma_start3A_70 = arith.constant 0 : i32
        %dma_start3A_71 = tpu.memref_slice %arg10[%add3A_66, %dma_start3A_70] : memref<10000x128xf32, #tpu.memory_space<vmem_shared>> -> memref<64x128xf32, #tpu.memory_space<vmem_shared>>
        %dma_start3A_72 = arith.constant 0 : i32
        %dma_start3A_73 = tpu.memref_slice %arg10[%add3A_66, %dma_start3A_72] : memref<10000x128xf32, #tpu.memory_space<vmem_shared>> -> memref<64x128xf32, #tpu.memory_space<vmem_shared>>
        %dma_start3A_74 = arith.constant 0 : i32
        %dma_start3A_75 = arith.constant 0 : i32
        %dma_start3A_76 = tpu.memref_slice %arg8[%dma_start3A_74, %dma_start3A_75] : memref<80x128xf32, #tpu.memory_space<vmem>> -> memref<64x128xf32, #tpu.memory_space<vmem>>
        tpu.enqueue_dma source(%dma_start3A_76 : memref<64x128xf32, #tpu.memory_space<vmem>>) target(%dma_start3A_73 : memref<64x128xf32, #tpu.memory_space<vmem_shared>>) target_semaphore(%run_scoped3A : memref<!tpu.dma_semaphore, #tpu.memory_space<semaphore_mem>>)
        %dma_wait3A = arith.constant 0 : i32
        %dma_wait3A_77 = arith.constant 0 : i32
        %dma_wait3A_78 = tpu.memref_slice %arg8[%dma_wait3A, %dma_wait3A_77] : memref<80x128xf32, #tpu.memory_space<vmem>> -> memref<64x128xf32, #tpu.memory_space<vmem>>
        %dma_wait3A_79 = arith.constant 0 : i32
        %dma_wait3A_80 = tpu.memref_slice %arg10[%add3A_66, %dma_wait3A_79] : memref<10000x128xf32, #tpu.memory_space<vmem_shared>> -> memref<64x128xf32, #tpu.memory_space<vmem_shared>>
        %dma_wait3A_81 = arith.constant 0 : i32
        %dma_wait3A_82 = tpu.memref_slice %arg10[%add3A_66, %dma_wait3A_81] : memref<10000x128xf32, #tpu.memory_space<vmem_shared>> -> memref<64x128xf32, #tpu.memory_space<vmem_shared>>
        %dma_wait3A_83 = arith.constant 0 : i32
        %dma_wait3A_84 = arith.constant 0 : i32
        %dma_wait3A_85 = tpu.memref_slice %arg8[%dma_wait3A_83, %dma_wait3A_84] : memref<80x128xf32, #tpu.memory_space<vmem>> -> memref<64x128xf32, #tpu.memory_space<vmem>>
        tpu.wait_dma2 semaphore(%run_scoped3A : memref<!tpu.dma_semaphore, #tpu.memory_space<semaphore_mem>>) src(%dma_wait3A_85 : memref<64x128xf32, #tpu.memory_space<vmem>>) dst(%dma_wait3A_82 : memref<64x128xf32, #tpu.memory_space<vmem_shared>>)
        tpu.yield
      }) : () -> ()
    } else {
    }
    %eq3A = arith.constant 15 : i32
    %eq3A_23 = arith.cmpi eq, %arg1, %eq3A : i32
    %convert_element_type3A_24 = arith.extui %eq3A_23 : i1 to i32
    %cond3A_25 = arith.constant 0 : i32
    %cond3A_26 = arith.cmpi ne, %convert_element_type3A_24, %cond3A_25 : i32
    scf.if %cond3A_26 {
      %add3A_65 = arith.constant 560 : i32
      %add3A_66 = arith.addi %mul3A_2, %add3A_65 : i32
      "tpu.region"() ({
        %run_scoped3A = tpu.sem_alloc : memref<!tpu.dma_semaphore, #tpu.memory_space<semaphore_mem>>
        %dma_start3A_67 = arith.constant 0 : i32
        %dma_start3A_68 = tpu.memref_slice %arg10[%add3A_66, %dma_start3A_67] : memref<10000x128xf32, #tpu.memory_space<vmem_shared>> -> memref<80x128xf32, #tpu.memory_space<vmem_shared>>
        %dma_start3A_69 = arith.constant 0 : i32
        %dma_start3A_70 = tpu.memref_slice %arg10[%add3A_66, %dma_start3A_69] : memref<10000x128xf32, #tpu.memory_space<vmem_shared>> -> memref<80x128xf32, #tpu.memory_space<vmem_shared>>
        tpu.enqueue_dma source(%arg8 : memref<80x128xf32, #tpu.memory_space<vmem>>) target(%dma_start3A_70 : memref<80x128xf32, #tpu.memory_space<vmem_shared>>) target_semaphore(%run_scoped3A : memref<!tpu.dma_semaphore, #tpu.memory_space<semaphore_mem>>)
        %dma_wait3A = arith.constant 0 : i32
        %dma_wait3A_71 = tpu.memref_slice %arg10[%add3A_66, %dma_wait3A] : memref<10000x128xf32, #tpu.memory_space<vmem_shared>> -> memref<80x128xf32, #tpu.memory_space<vmem_shared>>
        %dma_wait3A_72 = arith.constant 0 : i32
        %dma_wait3A_73 = tpu.memref_slice %arg10[%add3A_66, %dma_wait3A_72] : memref<10000x128xf32, #tpu.memory_space<vmem_shared>> -> memref<80x128xf32, #tpu.memory_space<vmem_shared>>
        tpu.wait_dma2 semaphore(%run_scoped3A : memref<!tpu.dma_semaphore, #tpu.memory_space<semaphore_mem>>) src(%arg8 : memref<80x128xf32, #tpu.memory_space<vmem>>) dst(%dma_wait3A_73 : memref<80x128xf32, #tpu.memory_space<vmem_shared>>)
        tpu.yield
      }) : () -> ()
    } else {
    }
    %mul3A_27 = arith.constant 10000 : i32
    %mul3A_28 = arith.muli %add3A, %mul3A_27 : i32
    "tpu.region"() ({
      %run_scoped3A = tpu.sem_alloc : memref<!tpu.dma_semaphore, #tpu.memory_space<semaphore_mem>>
      %dma_start3A_65 = tpu.memref_slice %arg3[%mul3A_28] : memref<320000xi32, #tpu.memory_space<hbm>> -> memref<10000xi32, #tpu.memory_space<hbm>>
      %dma_start3A_66 = tpu.memref_slice %arg3[%mul3A_28] : memref<320000xi32, #tpu.memory_space<hbm>> -> memref<10000xi32, #tpu.memory_space<hbm>>
      tpu.enqueue_dma source(%dma_start3A_66 : memref<10000xi32, #tpu.memory_space<hbm>>) target(%arg6 : memref<10000xi32, #tpu.memory_space<vmem>>) target_semaphore(%run_scoped3A : memref<!tpu.dma_semaphore, #tpu.memory_space<semaphore_mem>>)
      %dma_wait3A = tpu.memref_slice %arg3[%mul3A_28] : memref<320000xi32, #tpu.memory_space<hbm>> -> memref<10000xi32, #tpu.memory_space<hbm>>
      %dma_wait3A_67 = tpu.memref_slice %arg3[%mul3A_28] : memref<320000xi32, #tpu.memory_space<hbm>> -> memref<10000xi32, #tpu.memory_space<hbm>>
      tpu.wait_dma2 semaphore(%run_scoped3A : memref<!tpu.dma_semaphore, #tpu.memory_space<semaphore_mem>>) src(%dma_wait3A_67 : memref<10000xi32, #tpu.memory_space<hbm>>) dst(%arg6 : memref<10000xi32, #tpu.memory_space<vmem>>)
      tpu.yield
    }) : () -> ()
    %mul3A_29 = arith.constant 10000 : i32
    %mul3A_30 = arith.muli %add3A, %mul3A_29 : i32
    "tpu.region"() ({
      %run_scoped3A = tpu.sem_alloc : memref<!tpu.dma_semaphore, #tpu.memory_space<semaphore_mem>>
      %dma_start3A_65 = tpu.memref_slice %arg4[%mul3A_30] : memref<320000xi32, #tpu.memory_space<hbm>> -> memref<10000xi32, #tpu.memory_space<hbm>>
      %dma_start3A_66 = tpu.memref_slice %arg4[%mul3A_30] : memref<320000xi32, #tpu.memory_space<hbm>> -> memref<10000xi32, #tpu.memory_space<hbm>>
      tpu.enqueue_dma source(%dma_start3A_66 : memref<10000xi32, #tpu.memory_space<hbm>>) target(%arg7 : memref<10000xi32, #tpu.memory_space<vmem>>) target_semaphore(%run_scoped3A : memref<!tpu.dma_semaphore, #tpu.memory_space<semaphore_mem>>)
      %dma_wait3A = tpu.memref_slice %arg4[%mul3A_30] : memref<320000xi32, #tpu.memory_space<hbm>> -> memref<10000xi32, #tpu.memory_space<hbm>>
      %dma_wait3A_67 = tpu.memref_slice %arg4[%mul3A_30] : memref<320000xi32, #tpu.memory_space<hbm>> -> memref<10000xi32, #tpu.memory_space<hbm>>
      tpu.wait_dma2 semaphore(%run_scoped3A : memref<!tpu.dma_semaphore, #tpu.memory_space<semaphore_mem>>) src(%dma_wait3A_67 : memref<10000xi32, #tpu.memory_space<hbm>>) dst(%arg7 : memref<10000xi32, #tpu.memory_space<vmem>>)
      tpu.yield
    }) : () -> ()
    %dma_start3A = arith.constant 0 : i32
    %dma_start3A_31 = tpu.memref_slice %arg6[%dma_start3A] : memref<10000xi32, #tpu.memory_space<vmem>> -> memref<80xi32, #tpu.memory_space<vmem>>
    %dma_start3A_32 = arith.constant 0 : i32
    %dma_start3A_33 = arith.constant 0 : i32
    %dma_start3A_34 = tpu.memref_slice %arg2[%dma_start3A_32, %dma_start3A_33] : memref<10000x128xf32, #tpu.memory_space<hbm>> -> memref<10000x128xf32, #tpu.memory_space<hbm>>
    tpu.enqueue_indirect_dma source(%dma_start3A_34 : memref<10000x128xf32, #tpu.memory_space<hbm>>) target(%arg8 : memref<80x128xf32, #tpu.memory_space<vmem>>) offsets(%dma_start3A_31 : memref<80xi32, #tpu.memory_space<vmem>>) semaphore(%arg11 : memref<!tpu.dma_semaphore, #tpu.memory_space<semaphore_mem>>)
    %barrier3A = arith.constant 0 : index
    tpu.barrier barrier_id(%barrier3A)
    %scan3A_35 = arith.constant 0 : i32
    %scan3A_36 = arith.constant 63 : i32
    %scan3A_37 = arith.addi %scan3A_35, %scan3A_36 : i32
    %scan3A_38 = arith.constant 1 : i32
    scf.for %scan3A_65 = %scan3A_35 to %scan3A_37 step %scan3A_38  : i32 {
      %mul3A_66 = arith.constant 2 : i32
      %mul3A_67 = arith.muli %scan3A_65, %mul3A_66 : i32
      %add3A_68 = arith.constant 0 : i32
      %add3A_69 = arith.addi %add3A_68, %mul3A_67 : i32
      %add3A_70 = arith.constant 1 : i32
      %add3A_71 = arith.addi %add3A_69, %add3A_70 : i32
      %lt3A_72 = arith.constant 125 : i32
      %lt3A_73 = arith.cmpi slt, %add3A_71, %lt3A_72 : i32
      %convert_element_type3A_74 = arith.extui %lt3A_73 : i1 to i32
      %cond3A_75 = arith.constant 0 : i32
      %cond3A_76 = arith.cmpi ne, %convert_element_type3A_74, %cond3A_75 : i32
      scf.if %cond3A_76 {
        %add3A_98 = arith.constant 1 : i32
        %add3A_99 = arith.addi %add3A_69, %add3A_98 : i32
        %mul3A_100 = arith.constant 80 : i32
        %mul3A_101 = arith.muli %add3A_99, %mul3A_100 : i32
        %dma_start3A_102 = tpu.memref_slice %arg6[%mul3A_101] : memref<10000xi32, #tpu.memory_space<vmem>> -> memref<80xi32, #tpu.memory_space<vmem>>
        %dma_start3A_103 = arith.constant 0 : i32
        %dma_start3A_104 = arith.constant 0 : i32
        %dma_start3A_105 = tpu.memref_slice %arg2[%dma_start3A_103, %dma_start3A_104] : memref<10000x128xf32, #tpu.memory_space<hbm>> -> memref<10000x128xf32, #tpu.memory_space<hbm>>
        tpu.enqueue_indirect_dma source(%dma_start3A_105 : memref<10000x128xf32, #tpu.memory_space<hbm>>) target(%arg9 : memref<80x128xf32, #tpu.memory_space<vmem>>) offsets(%dma_start3A_102 : memref<80xi32, #tpu.memory_space<vmem>>) semaphore(%arg12 : memref<!tpu.dma_semaphore, #tpu.memory_space<semaphore_mem>>)
      } else {
      }
      %mul3A_77 = arith.constant 80 : i32
      %mul3A_78 = arith.muli %add3A_69, %mul3A_77 : i32
      %dma_wait3A = tpu.memref_slice %arg6[%mul3A_78] : memref<10000xi32, #tpu.memory_space<vmem>> -> memref<80xi32, #tpu.memory_space<vmem>>
      %dma_wait3A_79 = arith.constant 0 : i32
      %dma_wait3A_80 = arith.constant 0 : i32
      %dma_wait3A_81 = tpu.memref_slice %arg2[%dma_wait3A_79, %dma_wait3A_80] : memref<10000x128xf32, #tpu.memory_space<hbm>> -> memref<10000x128xf32, #tpu.memory_space<hbm>>
      tpu.wait_indirect_dma semaphore(%arg11 : memref<!tpu.dma_semaphore, #tpu.memory_space<semaphore_mem>>) src(%dma_wait3A_81 : memref<10000x128xf32, #tpu.memory_space<hbm>>) dst(%arg8 : memref<80x128xf32, #tpu.memory_space<vmem>>)
      %mul3A_82 = arith.constant 80 : i32
      %mul3A_83 = arith.muli %add3A_69, %mul3A_82 : i32
      "tpu.region"() ({
        %run_scoped3A = tpu.sem_alloc : memref<!tpu.dma_semaphore, #tpu.memory_space<semaphore_mem>>
        %dma_start3A_98 = tpu.memref_slice %arg7[%mul3A_83] : memref<10000xi32, #tpu.memory_space<vmem>> -> memref<80xi32, #tpu.memory_space<vmem>>
        %dma_start3A_99 = arith.constant 0 : i32
        %dma_start3A_100 = arith.constant 0 : i32
        %dma_start3A_101 = tpu.memref_slice %arg10[%dma_start3A_99, %dma_start3A_100] : memref<10000x128xf32, #tpu.memory_space<vmem_shared>> -> memref<10000x128xf32, #tpu.memory_space<vmem_shared>>
        tpu.enqueue_indirect_dma source(%arg8 : memref<80x128xf32, #tpu.memory_space<vmem>>) target(%dma_start3A_101 : memref<10000x128xf32, #tpu.memory_space<vmem_shared>>) offsets(%dma_start3A_98 : memref<80xi32, #tpu.memory_space<vmem>>) semaphore(%run_scoped3A : memref<!tpu.dma_semaphore, #tpu.memory_space<semaphore_mem>>) {add = true}
        %dma_wait3A_102 = tpu.memref_slice %arg7[%mul3A_83] : memref<10000xi32, #tpu.memory_space<vmem>> -> memref<80xi32, #tpu.memory_space<vmem>>
        %dma_wait3A_103 = arith.constant 0 : i32
        %dma_wait3A_104 = arith.constant 0 : i32
        %dma_wait3A_105 = tpu.memref_slice %arg10[%dma_wait3A_103, %dma_wait3A_104] : memref<10000x128xf32, #tpu.memory_space<vmem_shared>> -> memref<10000x128xf32, #tpu.memory_space<vmem_shared>>
        tpu.wait_indirect_dma semaphore(%run_scoped3A : memref<!tpu.dma_semaphore, #tpu.memory_space<semaphore_mem>>) src(%arg8 : memref<80x128xf32, #tpu.memory_space<vmem>>) dst(%dma_wait3A_105 : memref<10000x128xf32, #tpu.memory_space<vmem_shared>>)
        tpu.yield
      }) : () -> ()
      %add3A_84 = arith.constant 2 : i32
      %add3A_85 = arith.addi %add3A_69, %add3A_84 : i32
      %lt3A_86 = arith.constant 125 : i32
      %lt3A_87 = arith.cmpi slt, %add3A_85, %lt3A_86 : i32
      %convert_element_type3A_88 = arith.extui %lt3A_87 : i1 to i32
      %cond3A_89 = arith.constant 0 : i32
      %cond3A_90 = arith.cmpi ne, %convert_element_type3A_88, %cond3A_89 : i32
      scf.if %cond3A_90 {
        %add3A_98 = arith.constant 2 : i32
        %add3A_99 = arith.addi %add3A_69, %add3A_98 : i32
        %mul3A_100 = arith.constant 80 : i32
        %mul3A_101 = arith.muli %add3A_99, %mul3A_100 : i32
        %dma_start3A_102 = tpu.memref_slice %arg6[%mul3A_101] : memref<10000xi32, #tpu.memory_space<vmem>> -> memref<80xi32, #tpu.memory_space<vmem>>
        %dma_start3A_103 = arith.constant 0 : i32
        %dma_start3A_104 = arith.constant 0 : i32
        %dma_start3A_105 = tpu.memref_slice %arg2[%dma_start3A_103, %dma_start3A_104] : memref<10000x128xf32, #tpu.memory_space<hbm>> -> memref<10000x128xf32, #tpu.memory_space<hbm>>
        tpu.enqueue_indirect_dma source(%dma_start3A_105 : memref<10000x128xf32, #tpu.memory_space<hbm>>) target(%arg8 : memref<80x128xf32, #tpu.memory_space<vmem>>) offsets(%dma_start3A_102 : memref<80xi32, #tpu.memory_space<vmem>>) semaphore(%arg11 : memref<!tpu.dma_semaphore, #tpu.memory_space<semaphore_mem>>)
      } else {
      }
      %add3A_91 = arith.constant 1 : i32
      %add3A_92 = arith.addi %add3A_69, %add3A_91 : i32
      %lt3A_93 = arith.constant 125 : i32
      %lt3A_94 = arith.cmpi slt, %add3A_92, %lt3A_93 : i32
      %convert_element_type3A_95 = arith.extui %lt3A_94 : i1 to i32
      %cond3A_96 = arith.constant 0 : i32
      %cond3A_97 = arith.cmpi ne, %convert_element_type3A_95, %cond3A_96 : i32
      scf.if %cond3A_97 {
        %add3A_98 = arith.constant 1 : i32
        %add3A_99 = arith.addi %add3A_69, %add3A_98 : i32
        %mul3A_100 = arith.constant 80 : i32
        %mul3A_101 = arith.muli %add3A_99, %mul3A_100 : i32
        %dma_wait3A_102 = tpu.memref_slice %arg6[%mul3A_101] : memref<10000xi32, #tpu.memory_space<vmem>> -> memref<80xi32, #tpu.memory_space<vmem>>
        %dma_wait3A_103 = arith.constant 0 : i32
        %dma_wait3A_104 = arith.constant 0 : i32
        %dma_wait3A_105 = tpu.memref_slice %arg2[%dma_wait3A_103, %dma_wait3A_104] : memref<10000x128xf32, #tpu.memory_space<hbm>> -> memref<10000x128xf32, #tpu.memory_space<hbm>>
        tpu.wait_indirect_dma semaphore(%arg12 : memref<!tpu.dma_semaphore, #tpu.memory_space<semaphore_mem>>) src(%dma_wait3A_105 : memref<10000x128xf32, #tpu.memory_space<hbm>>) dst(%arg9 : memref<80x128xf32, #tpu.memory_space<vmem>>)
        %add3A_106 = arith.constant 1 : i32
        %add3A_107 = arith.addi %add3A_69, %add3A_106 : i32
        %mul3A_108 = arith.constant 80 : i32
        %mul3A_109 = arith.muli %add3A_107, %mul3A_108 : i32
        "tpu.region"() ({
          %run_scoped3A = tpu.sem_alloc : memref<!tpu.dma_semaphore, #tpu.memory_space<semaphore_mem>>
          %dma_start3A_110 = tpu.memref_slice %arg7[%mul3A_109] : memref<10000xi32, #tpu.memory_space<vmem>> -> memref<80xi32, #tpu.memory_space<vmem>>
          %dma_start3A_111 = arith.constant 0 : i32
          %dma_start3A_112 = arith.constant 0 : i32
          %dma_start3A_113 = tpu.memref_slice %arg10[%dma_start3A_111, %dma_start3A_112] : memref<10000x128xf32, #tpu.memory_space<vmem_shared>> -> memref<10000x128xf32, #tpu.memory_space<vmem_shared>>
          tpu.enqueue_indirect_dma source(%arg9 : memref<80x128xf32, #tpu.memory_space<vmem>>) target(%dma_start3A_113 : memref<10000x128xf32, #tpu.memory_space<vmem_shared>>) offsets(%dma_start3A_110 : memref<80xi32, #tpu.memory_space<vmem>>) semaphore(%run_scoped3A : memref<!tpu.dma_semaphore, #tpu.memory_space<semaphore_mem>>) {add = true}
          %dma_wait3A_114 = tpu.memref_slice %arg7[%mul3A_109] : memref<10000xi32, #tpu.memory_space<vmem>> -> memref<80xi32, #tpu.memory_space<vmem>>
          %dma_wait3A_115 = arith.constant 0 : i32
          %dma_wait3A_116 = arith.constant 0 : i32
          %dma_wait3A_117 = tpu.memref_slice %arg10[%dma_wait3A_115, %dma_wait3A_116] : memref<10000x128xf32, #tpu.memory_space<vmem_shared>> -> memref<10000x128xf32, #tpu.memory_space<vmem_shared>>
          tpu.wait_indirect_dma semaphore(%run_scoped3A : memref<!tpu.dma_semaphore, #tpu.memory_space<semaphore_mem>>) src(%arg9 : memref<80x128xf32, #tpu.memory_space<vmem>>) dst(%dma_wait3A_117 : memref<10000x128xf32, #tpu.memory_space<vmem_shared>>)
          tpu.yield
        }) : () -> ()
      } else {
      }
    }
    %scan3A_39 = arith.constant 63 : i32
    %barrier3A_40 = arith.constant 0 : index
    tpu.barrier barrier_id(%barrier3A_40)
    %add3A_41 = arith.constant 0 : i32
    %add3A_42 = arith.addi %mul3A_2, %add3A_41 : i32
    "tpu.region"() ({
      %run_scoped3A = tpu.sem_alloc : memref<!tpu.dma_semaphore, #tpu.memory_space<semaphore_mem>>
      %dma_start3A_65 = arith.constant 0 : i32
      %dma_start3A_66 = arith.constant 0 : i32
      %dma_start3A_67 = tpu.memref_slice %arg8[%dma_start3A_65, %dma_start3A_66] : memref<80x128xf32, #tpu.memory_space<vmem>> -> memref<80x128xf32, #tpu.memory_space<vmem>>
      %dma_start3A_68 = arith.constant 0 : i32
      %dma_start3A_69 = tpu.memref_slice %arg10[%add3A_42, %dma_start3A_68] : memref<10000x128xf32, #tpu.memory_space<vmem_shared>> -> memref<80x128xf32, #tpu.memory_space<vmem_shared>>
      %dma_start3A_70 = arith.constant 0 : i32
      %dma_start3A_71 = arith.constant 0 : i32
      %dma_start3A_72 = tpu.memref_slice %arg8[%dma_start3A_70, %dma_start3A_71] : memref<80x128xf32, #tpu.memory_space<vmem>> -> memref<80x128xf32, #tpu.memory_space<vmem>>
      %dma_start3A_73 = arith.constant 0 : i32
      %dma_start3A_74 = tpu.memref_slice %arg10[%add3A_42, %dma_start3A_73] : memref<10000x128xf32, #tpu.memory_space<vmem_shared>> -> memref<80x128xf32, #tpu.memory_space<vmem_shared>>
      tpu.enqueue_dma source(%dma_start3A_74 : memref<80x128xf32, #tpu.memory_space<vmem_shared>>) target(%dma_start3A_72 : memref<80x128xf32, #tpu.memory_space<vmem>>) target_semaphore(%run_scoped3A : memref<!tpu.dma_semaphore, #tpu.memory_space<semaphore_mem>>)
      %dma_wait3A = arith.constant 0 : i32
      %dma_wait3A_75 = arith.constant 0 : i32
      %dma_wait3A_76 = tpu.memref_slice %arg8[%dma_wait3A, %dma_wait3A_75] : memref<80x128xf32, #tpu.memory_space<vmem>> -> memref<80x128xf32, #tpu.memory_space<vmem>>
      %dma_wait3A_77 = arith.constant 0 : i32
      %dma_wait3A_78 = tpu.memref_slice %arg10[%add3A_42, %dma_wait3A_77] : memref<10000x128xf32, #tpu.memory_space<vmem_shared>> -> memref<80x128xf32, #tpu.memory_space<vmem_shared>>
      %dma_wait3A_79 = arith.constant 0 : i32
      %dma_wait3A_80 = arith.constant 0 : i32
      %dma_wait3A_81 = tpu.memref_slice %arg8[%dma_wait3A_79, %dma_wait3A_80] : memref<80x128xf32, #tpu.memory_space<vmem>> -> memref<80x128xf32, #tpu.memory_space<vmem>>
      %dma_wait3A_82 = arith.constant 0 : i32
      %dma_wait3A_83 = tpu.memref_slice %arg10[%add3A_42, %dma_wait3A_82] : memref<10000x128xf32, #tpu.memory_space<vmem_shared>> -> memref<80x128xf32, #tpu.memory_space<vmem_shared>>
      tpu.wait_dma2 semaphore(%run_scoped3A : memref<!tpu.dma_semaphore, #tpu.memory_space<semaphore_mem>>) src(%dma_wait3A_83 : memref<80x128xf32, #tpu.memory_space<vmem_shared>>) dst(%dma_wait3A_81 : memref<80x128xf32, #tpu.memory_space<vmem>>)
      tpu.yield
    }) : () -> ()
    "tpu.region"() ({
      %run_scoped3A = tpu.sem_alloc : memref<!tpu.dma_semaphore, #tpu.memory_space<semaphore_mem>>
      %dma_start3A_65 = arith.constant 0 : i32
      %dma_start3A_66 = arith.constant 0 : i32
      %dma_start3A_67 = tpu.memref_slice %arg8[%dma_start3A_65, %dma_start3A_66] : memref<80x128xf32, #tpu.memory_space<vmem>> -> memref<80x128xf32, #tpu.memory_space<vmem>>
      %dma_start3A_68 = arith.constant 0 : i32
      %dma_start3A_69 = tpu.memref_slice %arg5[%arg0, %add3A_42, %dma_start3A_68] : memref<2x10000x128xf32, #tpu.memory_space<hbm>> -> memref<1x80x128xf32, #tpu.memory_space<hbm>>
      %dma_start3A_70 = tpu.memref_squeeze %dma_start3A_69 : memref<1x80x128xf32, #tpu.memory_space<hbm>> -> memref<80x128xf32, #tpu.memory_space<hbm>>
      %dma_start3A_71 = arith.constant 0 : i32
      %dma_start3A_72 = tpu.memref_slice %arg5[%arg0, %add3A_42, %dma_start3A_71] : memref<2x10000x128xf32, #tpu.memory_space<hbm>> -> memref<1x80x128xf32, #tpu.memory_space<hbm>>
      %dma_start3A_73 = tpu.memref_squeeze %dma_start3A_72 : memref<1x80x128xf32, #tpu.memory_space<hbm>> -> memref<80x128xf32, #tpu.memory_space<hbm>>
      %dma_start3A_74 = arith.constant 0 : i32
      %dma_start3A_75 = arith.constant 0 : i32
      %dma_start3A_76 = tpu.memref_slice %arg8[%dma_start3A_74, %dma_start3A_75] : memref<80x128xf32, #tpu.memory_space<vmem>> -> memref<80x128xf32, #tpu.memory_space<vmem>>
      tpu.enqueue_dma source(%dma_start3A_76 : memref<80x128xf32, #tpu.memory_space<vmem>>) target(%dma_start3A_73 : memref<80x128xf32, #tpu.memory_space<hbm>>) target_semaphore(%run_scoped3A : memref<!tpu.dma_semaphore, #tpu.memory_space<semaphore_mem>>)
      %dma_wait3A = arith.constant 0 : i32
      %dma_wait3A_77 = arith.constant 0 : i32
      %dma_wait3A_78 = tpu.memref_slice %arg8[%dma_wait3A, %dma_wait3A_77] : memref<80x128xf32, #tpu.memory_space<vmem>> -> memref<80x128xf32, #tpu.memory_space<vmem>>
      %dma_wait3A_79 = arith.constant 0 : i32
      %dma_wait3A_80 = tpu.memref_slice %arg5[%arg0, %add3A_42, %dma_wait3A_79] : memref<2x10000x128xf32, #tpu.memory_space<hbm>> -> memref<1x80x128xf32, #tpu.memory_space<hbm>>
      %dma_wait3A_81 = tpu.memref_squeeze %dma_wait3A_80 : memref<1x80x128xf32, #tpu.memory_space<hbm>> -> memref<80x128xf32, #tpu.memory_space<hbm>>
      %dma_wait3A_82 = arith.constant 0 : i32
      %dma_wait3A_83 = tpu.memref_slice %arg5[%arg0, %add3A_42, %dma_wait3A_82] : memref<2x10000x128xf32, #tpu.memory_space<hbm>> -> memref<1x80x128xf32, #tpu.memory_space<hbm>>
      %dma_wait3A_84 = tpu.memref_squeeze %dma_wait3A_83 : memref<1x80x128xf32, #tpu.memory_space<hbm>> -> memref<80x128xf32, #tpu.memory_space<hbm>>
      %dma_wait3A_85 = arith.constant 0 : i32
      %dma_wait3A_86 = arith.constant 0 : i32
      %dma_wait3A_87 = tpu.memref_slice %arg8[%dma_wait3A_85, %dma_wait3A_86] : memref<80x128xf32, #tpu.memory_space<vmem>> -> memref<80x128xf32, #tpu.memory_space<vmem>>
      tpu.wait_dma2 semaphore(%run_scoped3A : memref<!tpu.dma_semaphore, #tpu.memory_space<semaphore_mem>>) src(%dma_wait3A_87 : memref<80x128xf32, #tpu.memory_space<vmem>>) dst(%dma_wait3A_84 : memref<80x128xf32, #tpu.memory_space<hbm>>)
      tpu.yield
    }) : () -> ()
    %add3A_43 = arith.constant 80 : i32
    %add3A_44 = arith.addi %mul3A_2, %add3A_43 : i32
    "tpu.region"() ({
      %run_scoped3A = tpu.sem_alloc : memref<!tpu.dma_semaphore, #tpu.memory_space<semaphore_mem>>
      %dma_start3A_65 = arith.constant 0 : i32
      %dma_start3A_66 = arith.constant 0 : i32
      %dma_start3A_67 = tpu.memref_slice %arg8[%dma_start3A_65, %dma_start3A_66] : memref<80x128xf32, #tpu.memory_space<vmem>> -> memref<80x128xf32, #tpu.memory_space<vmem>>
      %dma_start3A_68 = arith.constant 0 : i32
      %dma_start3A_69 = tpu.memref_slice %arg10[%add3A_44, %dma_start3A_68] : memref<10000x128xf32, #tpu.memory_space<vmem_shared>> -> memref<80x128xf32, #tpu.memory_space<vmem_shared>>
      %dma_start3A_70 = arith.constant 0 : i32
      %dma_start3A_71 = arith.constant 0 : i32
      %dma_start3A_72 = tpu.memref_slice %arg8[%dma_start3A_70, %dma_start3A_71] : memref<80x128xf32, #tpu.memory_space<vmem>> -> memref<80x128xf32, #tpu.memory_space<vmem>>
      %dma_start3A_73 = arith.constant 0 : i32
      %dma_start3A_74 = tpu.memref_slice %arg10[%add3A_44, %dma_start3A_73] : memref<10000x128xf32, #tpu.memory_space<vmem_shared>> -> memref<80x128xf32, #tpu.memory_space<vmem_shared>>
      tpu.enqueue_dma source(%dma_start3A_74 : memref<80x128xf32, #tpu.memory_space<vmem_shared>>) target(%dma_start3A_72 : memref<80x128xf32, #tpu.memory_space<vmem>>) target_semaphore(%run_scoped3A : memref<!tpu.dma_semaphore, #tpu.memory_space<semaphore_mem>>)
      %dma_wait3A = arith.constant 0 : i32
      %dma_wait3A_75 = arith.constant 0 : i32
      %dma_wait3A_76 = tpu.memref_slice %arg8[%dma_wait3A, %dma_wait3A_75] : memref<80x128xf32, #tpu.memory_space<vmem>> -> memref<80x128xf32, #tpu.memory_space<vmem>>
      %dma_wait3A_77 = arith.constant 0 : i32
      %dma_wait3A_78 = tpu.memref_slice %arg10[%add3A_44, %dma_wait3A_77] : memref<10000x128xf32, #tpu.memory_space<vmem_shared>> -> memref<80x128xf32, #tpu.memory_space<vmem_shared>>
      %dma_wait3A_79 = arith.constant 0 : i32
      %dma_wait3A_80 = arith.constant 0 : i32
      %dma_wait3A_81 = tpu.memref_slice %arg8[%dma_wait3A_79, %dma_wait3A_80] : memref<80x128xf32, #tpu.memory_space<vmem>> -> memref<80x128xf32, #tpu.memory_space<vmem>>
      %dma_wait3A_82 = arith.constant 0 : i32
      %dma_wait3A_83 = tpu.memref_slice %arg10[%add3A_44, %dma_wait3A_82] : memref<10000x128xf32, #tpu.memory_space<vmem_shared>> -> memref<80x128xf32, #tpu.memory_space<vmem_shared>>
      tpu.wait_dma2 semaphore(%run_scoped3A : memref<!tpu.dma_semaphore, #tpu.memory_space<semaphore_mem>>) src(%dma_wait3A_83 : memref<80x128xf32, #tpu.memory_space<vmem_shared>>) dst(%dma_wait3A_81 : memref<80x128xf32, #tpu.memory_space<vmem>>)
      tpu.yield
    }) : () -> ()
    "tpu.region"() ({
      %run_scoped3A = tpu.sem_alloc : memref<!tpu.dma_semaphore, #tpu.memory_space<semaphore_mem>>
      %dma_start3A_65 = arith.constant 0 : i32
      %dma_start3A_66 = arith.constant 0 : i32
      %dma_start3A_67 = tpu.memref_slice %arg8[%dma_start3A_65, %dma_start3A_66] : memref<80x128xf32, #tpu.memory_space<vmem>> -> memref<80x128xf32, #tpu.memory_space<vmem>>
      %dma_start3A_68 = arith.constant 0 : i32
      %dma_start3A_69 = tpu.memref_slice %arg5[%arg0, %add3A_44, %dma_start3A_68] : memref<2x10000x128xf32, #tpu.memory_space<hbm>> -> memref<1x80x128xf32, #tpu.memory_space<hbm>>
      %dma_start3A_70 = tpu.memref_squeeze %dma_start3A_69 : memref<1x80x128xf32, #tpu.memory_space<hbm>> -> memref<80x128xf32, #tpu.memory_space<hbm>>
      %dma_start3A_71 = arith.constant 0 : i32
      %dma_start3A_72 = tpu.memref_slice %arg5[%arg0, %add3A_44, %dma_start3A_71] : memref<2x10000x128xf32, #tpu.memory_space<hbm>> -> memref<1x80x128xf32, #tpu.memory_space<hbm>>
      %dma_start3A_73 = tpu.memref_squeeze %dma_start3A_72 : memref<1x80x128xf32, #tpu.memory_space<hbm>> -> memref<80x128xf32, #tpu.memory_space<hbm>>
      %dma_start3A_74 = arith.constant 0 : i32
      %dma_start3A_75 = arith.constant 0 : i32
      %dma_start3A_76 = tpu.memref_slice %arg8[%dma_start3A_74, %dma_start3A_75] : memref<80x128xf32, #tpu.memory_space<vmem>> -> memref<80x128xf32, #tpu.memory_space<vmem>>
      tpu.enqueue_dma source(%dma_start3A_76 : memref<80x128xf32, #tpu.memory_space<vmem>>) target(%dma_start3A_73 : memref<80x128xf32, #tpu.memory_space<hbm>>) target_semaphore(%run_scoped3A : memref<!tpu.dma_semaphore, #tpu.memory_space<semaphore_mem>>)
      %dma_wait3A = arith.constant 0 : i32
      %dma_wait3A_77 = arith.constant 0 : i32
      %dma_wait3A_78 = tpu.memref_slice %arg8[%dma_wait3A, %dma_wait3A_77] : memref<80x128xf32, #tpu.memory_space<vmem>> -> memref<80x128xf32, #tpu.memory_space<vmem>>
      %dma_wait3A_79 = arith.constant 0 : i32
      %dma_wait3A_80 = tpu.memref_slice %arg5[%arg0, %add3A_44, %dma_wait3A_79] : memref<2x10000x128xf32, #tpu.memory_space<hbm>> -> memref<1x80x128xf32, #tpu.memory_space<hbm>>
      %dma_wait3A_81 = tpu.memref_squeeze %dma_wait3A_80 : memref<1x80x128xf32, #tpu.memory_space<hbm>> -> memref<80x128xf32, #tpu.memory_space<hbm>>
      %dma_wait3A_82 = arith.constant 0 : i32
      %dma_wait3A_83 = tpu.memref_slice %arg5[%arg0, %add3A_44, %dma_wait3A_82] : memref<2x10000x128xf32, #tpu.memory_space<hbm>> -> memref<1x80x128xf32, #tpu.memory_space<hbm>>
      %dma_wait3A_84 = tpu.memref_squeeze %dma_wait3A_83 : memref<1x80x128xf32, #tpu.memory_space<hbm>> -> memref<80x128xf32, #tpu.memory_space<hbm>>
      %dma_wait3A_85 = arith.constant 0 : i32
      %dma_wait3A_86 = arith.constant 0 : i32
      %dma_wait3A_87 = tpu.memref_slice %arg8[%dma_wait3A_85, %dma_wait3A_86] : memref<80x128xf32, #tpu.memory_space<vmem>> -> memref<80x128xf32, #tpu.memory_space<vmem>>
      tpu.wait_dma2 semaphore(%run_scoped3A : memref<!tpu.dma_semaphore, #tpu.memory_space<semaphore_mem>>) src(%dma_wait3A_87 : memref<80x128xf32, #tpu.memory_space<vmem>>) dst(%dma_wait3A_84 : memref<80x128xf32, #tpu.memory_space<hbm>>)
      tpu.yield
    }) : () -> ()
    %add3A_45 = arith.constant 160 : i32
    %add3A_46 = arith.addi %mul3A_2, %add3A_45 : i32
    "tpu.region"() ({
      %run_scoped3A = tpu.sem_alloc : memref<!tpu.dma_semaphore, #tpu.memory_space<semaphore_mem>>
      %dma_start3A_65 = arith.constant 0 : i32
      %dma_start3A_66 = arith.constant 0 : i32
      %dma_start3A_67 = tpu.memref_slice %arg8[%dma_start3A_65, %dma_start3A_66] : memref<80x128xf32, #tpu.memory_space<vmem>> -> memref<80x128xf32, #tpu.memory_space<vmem>>
      %dma_start3A_68 = arith.constant 0 : i32
      %dma_start3A_69 = tpu.memref_slice %arg10[%add3A_46, %dma_start3A_68] : memref<10000x128xf32, #tpu.memory_space<vmem_shared>> -> memref<80x128xf32, #tpu.memory_space<vmem_shared>>
      %dma_start3A_70 = arith.constant 0 : i32
      %dma_start3A_71 = arith.constant 0 : i32
      %dma_start3A_72 = tpu.memref_slice %arg8[%dma_start3A_70, %dma_start3A_71] : memref<80x128xf32, #tpu.memory_space<vmem>> -> memref<80x128xf32, #tpu.memory_space<vmem>>
      %dma_start3A_73 = arith.constant 0 : i32
      %dma_start3A_74 = tpu.memref_slice %arg10[%add3A_46, %dma_start3A_73] : memref<10000x128xf32, #tpu.memory_space<vmem_shared>> -> memref<80x128xf32, #tpu.memory_space<vmem_shared>>
      tpu.enqueue_dma source(%dma_start3A_74 : memref<80x128xf32, #tpu.memory_space<vmem_shared>>) target(%dma_start3A_72 : memref<80x128xf32, #tpu.memory_space<vmem>>) target_semaphore(%run_scoped3A : memref<!tpu.dma_semaphore, #tpu.memory_space<semaphore_mem>>)
      %dma_wait3A = arith.constant 0 : i32
      %dma_wait3A_75 = arith.constant 0 : i32
      %dma_wait3A_76 = tpu.memref_slice %arg8[%dma_wait3A, %dma_wait3A_75] : memref<80x128xf32, #tpu.memory_space<vmem>> -> memref<80x128xf32, #tpu.memory_space<vmem>>
      %dma_wait3A_77 = arith.constant 0 : i32
      %dma_wait3A_78 = tpu.memref_slice %arg10[%add3A_46, %dma_wait3A_77] : memref<10000x128xf32, #tpu.memory_space<vmem_shared>> -> memref<80x128xf32, #tpu.memory_space<vmem_shared>>
      %dma_wait3A_79 = arith.constant 0 : i32
      %dma_wait3A_80 = arith.constant 0 : i32
      %dma_wait3A_81 = tpu.memref_slice %arg8[%dma_wait3A_79, %dma_wait3A_80] : memref<80x128xf32, #tpu.memory_space<vmem>> -> memref<80x128xf32, #tpu.memory_space<vmem>>
      %dma_wait3A_82 = arith.constant 0 : i32
      %dma_wait3A_83 = tpu.memref_slice %arg10[%add3A_46, %dma_wait3A_82] : memref<10000x128xf32, #tpu.memory_space<vmem_shared>> -> memref<80x128xf32, #tpu.memory_space<vmem_shared>>
      tpu.wait_dma2 semaphore(%run_scoped3A : memref<!tpu.dma_semaphore, #tpu.memory_space<semaphore_mem>>) src(%dma_wait3A_83 : memref<80x128xf32, #tpu.memory_space<vmem_shared>>) dst(%dma_wait3A_81 : memref<80x128xf32, #tpu.memory_space<vmem>>)
      tpu.yield
    }) : () -> ()
    "tpu.region"() ({
      %run_scoped3A = tpu.sem_alloc : memref<!tpu.dma_semaphore, #tpu.memory_space<semaphore_mem>>
      %dma_start3A_65 = arith.constant 0 : i32
      %dma_start3A_66 = arith.constant 0 : i32
      %dma_start3A_67 = tpu.memref_slice %arg8[%dma_start3A_65, %dma_start3A_66] : memref<80x128xf32, #tpu.memory_space<vmem>> -> memref<80x128xf32, #tpu.memory_space<vmem>>
      %dma_start3A_68 = arith.constant 0 : i32
      %dma_start3A_69 = tpu.memref_slice %arg5[%arg0, %add3A_46, %dma_start3A_68] : memref<2x10000x128xf32, #tpu.memory_space<hbm>> -> memref<1x80x128xf32, #tpu.memory_space<hbm>>
      %dma_start3A_70 = tpu.memref_squeeze %dma_start3A_69 : memref<1x80x128xf32, #tpu.memory_space<hbm>> -> memref<80x128xf32, #tpu.memory_space<hbm>>
      %dma_start3A_71 = arith.constant 0 : i32
      %dma_start3A_72 = tpu.memref_slice %arg5[%arg0, %add3A_46, %dma_start3A_71] : memref<2x10000x128xf32, #tpu.memory_space<hbm>> -> memref<1x80x128xf32, #tpu.memory_space<hbm>>
      %dma_start3A_73 = tpu.memref_squeeze %dma_start3A_72 : memref<1x80x128xf32, #tpu.memory_space<hbm>> -> memref<80x128xf32, #tpu.memory_space<hbm>>
      %dma_start3A_74 = arith.constant 0 : i32
      %dma_start3A_75 = arith.constant 0 : i32
      %dma_start3A_76 = tpu.memref_slice %arg8[%dma_start3A_74, %dma_start3A_75] : memref<80x128xf32, #tpu.memory_space<vmem>> -> memref<80x128xf32, #tpu.memory_space<vmem>>
      tpu.enqueue_dma source(%dma_start3A_76 : memref<80x128xf32, #tpu.memory_space<vmem>>) target(%dma_start3A_73 : memref<80x128xf32, #tpu.memory_space<hbm>>) target_semaphore(%run_scoped3A : memref<!tpu.dma_semaphore, #tpu.memory_space<semaphore_mem>>)
      %dma_wait3A = arith.constant 0 : i32
      %dma_wait3A_77 = arith.constant 0 : i32
      %dma_wait3A_78 = tpu.memref_slice %arg8[%dma_wait3A, %dma_wait3A_77] : memref<80x128xf32, #tpu.memory_space<vmem>> -> memref<80x128xf32, #tpu.memory_space<vmem>>
      %dma_wait3A_79 = arith.constant 0 : i32
      %dma_wait3A_80 = tpu.memref_slice %arg5[%arg0, %add3A_46, %dma_wait3A_79] : memref<2x10000x128xf32, #tpu.memory_space<hbm>> -> memref<1x80x128xf32, #tpu.memory_space<hbm>>
      %dma_wait3A_81 = tpu.memref_squeeze %dma_wait3A_80 : memref<1x80x128xf32, #tpu.memory_space<hbm>> -> memref<80x128xf32, #tpu.memory_space<hbm>>
      %dma_wait3A_82 = arith.constant 0 : i32
      %dma_wait3A_83 = tpu.memref_slice %arg5[%arg0, %add3A_46, %dma_wait3A_82] : memref<2x10000x128xf32, #tpu.memory_space<hbm>> -> memref<1x80x128xf32, #tpu.memory_space<hbm>>
      %dma_wait3A_84 = tpu.memref_squeeze %dma_wait3A_83 : memref<1x80x128xf32, #tpu.memory_space<hbm>> -> memref<80x128xf32, #tpu.memory_space<hbm>>
      %dma_wait3A_85 = arith.constant 0 : i32
      %dma_wait3A_86 = arith.constant 0 : i32
      %dma_wait3A_87 = tpu.memref_slice %arg8[%dma_wait3A_85, %dma_wait3A_86] : memref<80x128xf32, #tpu.memory_space<vmem>> -> memref<80x128xf32, #tpu.memory_space<vmem>>
      tpu.wait_dma2 semaphore(%run_scoped3A : memref<!tpu.dma_semaphore, #tpu.memory_space<semaphore_mem>>) src(%dma_wait3A_87 : memref<80x128xf32, #tpu.memory_space<vmem>>) dst(%dma_wait3A_84 : memref<80x128xf32, #tpu.memory_space<hbm>>)
      tpu.yield
    }) : () -> ()
    %add3A_47 = arith.constant 240 : i32
    %add3A_48 = arith.addi %mul3A_2, %add3A_47 : i32
    "tpu.region"() ({
      %run_scoped3A = tpu.sem_alloc : memref<!tpu.dma_semaphore, #tpu.memory_space<semaphore_mem>>
      %dma_start3A_65 = arith.constant 0 : i32
      %dma_start3A_66 = arith.constant 0 : i32
      %dma_start3A_67 = tpu.memref_slice %arg8[%dma_start3A_65, %dma_start3A_66] : memref<80x128xf32, #tpu.memory_space<vmem>> -> memref<80x128xf32, #tpu.memory_space<vmem>>
      %dma_start3A_68 = arith.constant 0 : i32
      %dma_start3A_69 = tpu.memref_slice %arg10[%add3A_48, %dma_start3A_68] : memref<10000x128xf32, #tpu.memory_space<vmem_shared>> -> memref<80x128xf32, #tpu.memory_space<vmem_shared>>
      %dma_start3A_70 = arith.constant 0 : i32
      %dma_start3A_71 = arith.constant 0 : i32
      %dma_start3A_72 = tpu.memref_slice %arg8[%dma_start3A_70, %dma_start3A_71] : memref<80x128xf32, #tpu.memory_space<vmem>> -> memref<80x128xf32, #tpu.memory_space<vmem>>
      %dma_start3A_73 = arith.constant 0 : i32
      %dma_start3A_74 = tpu.memref_slice %arg10[%add3A_48, %dma_start3A_73] : memref<10000x128xf32, #tpu.memory_space<vmem_shared>> -> memref<80x128xf32, #tpu.memory_space<vmem_shared>>
      tpu.enqueue_dma source(%dma_start3A_74 : memref<80x128xf32, #tpu.memory_space<vmem_shared>>) target(%dma_start3A_72 : memref<80x128xf32, #tpu.memory_space<vmem>>) target_semaphore(%run_scoped3A : memref<!tpu.dma_semaphore, #tpu.memory_space<semaphore_mem>>)
      %dma_wait3A = arith.constant 0 : i32
      %dma_wait3A_75 = arith.constant 0 : i32
      %dma_wait3A_76 = tpu.memref_slice %arg8[%dma_wait3A, %dma_wait3A_75] : memref<80x128xf32, #tpu.memory_space<vmem>> -> memref<80x128xf32, #tpu.memory_space<vmem>>
      %dma_wait3A_77 = arith.constant 0 : i32
      %dma_wait3A_78 = tpu.memref_slice %arg10[%add3A_48, %dma_wait3A_77] : memref<10000x128xf32, #tpu.memory_space<vmem_shared>> -> memref<80x128xf32, #tpu.memory_space<vmem_shared>>
      %dma_wait3A_79 = arith.constant 0 : i32
      %dma_wait3A_80 = arith.constant 0 : i32
      %dma_wait3A_81 = tpu.memref_slice %arg8[%dma_wait3A_79, %dma_wait3A_80] : memref<80x128xf32, #tpu.memory_space<vmem>> -> memref<80x128xf32, #tpu.memory_space<vmem>>
      %dma_wait3A_82 = arith.constant 0 : i32
      %dma_wait3A_83 = tpu.memref_slice %arg10[%add3A_48, %dma_wait3A_82] : memref<10000x128xf32, #tpu.memory_space<vmem_shared>> -> memref<80x128xf32, #tpu.memory_space<vmem_shared>>
      tpu.wait_dma2 semaphore(%run_scoped3A : memref<!tpu.dma_semaphore, #tpu.memory_space<semaphore_mem>>) src(%dma_wait3A_83 : memref<80x128xf32, #tpu.memory_space<vmem_shared>>) dst(%dma_wait3A_81 : memref<80x128xf32, #tpu.memory_space<vmem>>)
      tpu.yield
    }) : () -> ()
    "tpu.region"() ({
      %run_scoped3A = tpu.sem_alloc : memref<!tpu.dma_semaphore, #tpu.memory_space<semaphore_mem>>
      %dma_start3A_65 = arith.constant 0 : i32
      %dma_start3A_66 = arith.constant 0 : i32
      %dma_start3A_67 = tpu.memref_slice %arg8[%dma_start3A_65, %dma_start3A_66] : memref<80x128xf32, #tpu.memory_space<vmem>> -> memref<80x128xf32, #tpu.memory_space<vmem>>
      %dma_start3A_68 = arith.constant 0 : i32
      %dma_start3A_69 = tpu.memref_slice %arg5[%arg0, %add3A_48, %dma_start3A_68] : memref<2x10000x128xf32, #tpu.memory_space<hbm>> -> memref<1x80x128xf32, #tpu.memory_space<hbm>>
      %dma_start3A_70 = tpu.memref_squeeze %dma_start3A_69 : memref<1x80x128xf32, #tpu.memory_space<hbm>> -> memref<80x128xf32, #tpu.memory_space<hbm>>
      %dma_start3A_71 = arith.constant 0 : i32
      %dma_start3A_72 = tpu.memref_slice %arg5[%arg0, %add3A_48, %dma_start3A_71] : memref<2x10000x128xf32, #tpu.memory_space<hbm>> -> memref<1x80x128xf32, #tpu.memory_space<hbm>>
      %dma_start3A_73 = tpu.memref_squeeze %dma_start3A_72 : memref<1x80x128xf32, #tpu.memory_space<hbm>> -> memref<80x128xf32, #tpu.memory_space<hbm>>
      %dma_start3A_74 = arith.constant 0 : i32
      %dma_start3A_75 = arith.constant 0 : i32
      %dma_start3A_76 = tpu.memref_slice %arg8[%dma_start3A_74, %dma_start3A_75] : memref<80x128xf32, #tpu.memory_space<vmem>> -> memref<80x128xf32, #tpu.memory_space<vmem>>
      tpu.enqueue_dma source(%dma_start3A_76 : memref<80x128xf32, #tpu.memory_space<vmem>>) target(%dma_start3A_73 : memref<80x128xf32, #tpu.memory_space<hbm>>) target_semaphore(%run_scoped3A : memref<!tpu.dma_semaphore, #tpu.memory_space<semaphore_mem>>)
      %dma_wait3A = arith.constant 0 : i32
      %dma_wait3A_77 = arith.constant 0 : i32
      %dma_wait3A_78 = tpu.memref_slice %arg8[%dma_wait3A, %dma_wait3A_77] : memref<80x128xf32, #tpu.memory_space<vmem>> -> memref<80x128xf32, #tpu.memory_space<vmem>>
      %dma_wait3A_79 = arith.constant 0 : i32
      %dma_wait3A_80 = tpu.memref_slice %arg5[%arg0, %add3A_48, %dma_wait3A_79] : memref<2x10000x128xf32, #tpu.memory_space<hbm>> -> memref<1x80x128xf32, #tpu.memory_space<hbm>>
      %dma_wait3A_81 = tpu.memref_squeeze %dma_wait3A_80 : memref<1x80x128xf32, #tpu.memory_space<hbm>> -> memref<80x128xf32, #tpu.memory_space<hbm>>
      %dma_wait3A_82 = arith.constant 0 : i32
      %dma_wait3A_83 = tpu.memref_slice %arg5[%arg0, %add3A_48, %dma_wait3A_82] : memref<2x10000x128xf32, #tpu.memory_space<hbm>> -> memref<1x80x128xf32, #tpu.memory_space<hbm>>
      %dma_wait3A_84 = tpu.memref_squeeze %dma_wait3A_83 : memref<1x80x128xf32, #tpu.memory_space<hbm>> -> memref<80x128xf32, #tpu.memory_space<hbm>>
      %dma_wait3A_85 = arith.constant 0 : i32
      %dma_wait3A_86 = arith.constant 0 : i32
      %dma_wait3A_87 = tpu.memref_slice %arg8[%dma_wait3A_85, %dma_wait3A_86] : memref<80x128xf32, #tpu.memory_space<vmem>> -> memref<80x128xf32, #tpu.memory_space<vmem>>
      tpu.wait_dma2 semaphore(%run_scoped3A : memref<!tpu.dma_semaphore, #tpu.memory_space<semaphore_mem>>) src(%dma_wait3A_87 : memref<80x128xf32, #tpu.memory_space<vmem>>) dst(%dma_wait3A_84 : memref<80x128xf32, #tpu.memory_space<hbm>>)
      tpu.yield
    }) : () -> ()
    %add3A_49 = arith.constant 320 : i32
    %add3A_50 = arith.addi %mul3A_2, %add3A_49 : i32
    "tpu.region"() ({
      %run_scoped3A = tpu.sem_alloc : memref<!tpu.dma_semaphore, #tpu.memory_space<semaphore_mem>>
      %dma_start3A_65 = arith.constant 0 : i32
      %dma_start3A_66 = arith.constant 0 : i32
      %dma_start3A_67 = tpu.memref_slice %arg8[%dma_start3A_65, %dma_start3A_66] : memref<80x128xf32, #tpu.memory_space<vmem>> -> memref<80x128xf32, #tpu.memory_space<vmem>>
      %dma_start3A_68 = arith.constant 0 : i32
      %dma_start3A_69 = tpu.memref_slice %arg10[%add3A_50, %dma_start3A_68] : memref<10000x128xf32, #tpu.memory_space<vmem_shared>> -> memref<80x128xf32, #tpu.memory_space<vmem_shared>>
      %dma_start3A_70 = arith.constant 0 : i32
      %dma_start3A_71 = arith.constant 0 : i32
      %dma_start3A_72 = tpu.memref_slice %arg8[%dma_start3A_70, %dma_start3A_71] : memref<80x128xf32, #tpu.memory_space<vmem>> -> memref<80x128xf32, #tpu.memory_space<vmem>>
      %dma_start3A_73 = arith.constant 0 : i32
      %dma_start3A_74 = tpu.memref_slice %arg10[%add3A_50, %dma_start3A_73] : memref<10000x128xf32, #tpu.memory_space<vmem_shared>> -> memref<80x128xf32, #tpu.memory_space<vmem_shared>>
      tpu.enqueue_dma source(%dma_start3A_74 : memref<80x128xf32, #tpu.memory_space<vmem_shared>>) target(%dma_start3A_72 : memref<80x128xf32, #tpu.memory_space<vmem>>) target_semaphore(%run_scoped3A : memref<!tpu.dma_semaphore, #tpu.memory_space<semaphore_mem>>)
      %dma_wait3A = arith.constant 0 : i32
      %dma_wait3A_75 = arith.constant 0 : i32
      %dma_wait3A_76 = tpu.memref_slice %arg8[%dma_wait3A, %dma_wait3A_75] : memref<80x128xf32, #tpu.memory_space<vmem>> -> memref<80x128xf32, #tpu.memory_space<vmem>>
      %dma_wait3A_77 = arith.constant 0 : i32
      %dma_wait3A_78 = tpu.memref_slice %arg10[%add3A_50, %dma_wait3A_77] : memref<10000x128xf32, #tpu.memory_space<vmem_shared>> -> memref<80x128xf32, #tpu.memory_space<vmem_shared>>
      %dma_wait3A_79 = arith.constant 0 : i32
      %dma_wait3A_80 = arith.constant 0 : i32
      %dma_wait3A_81 = tpu.memref_slice %arg8[%dma_wait3A_79, %dma_wait3A_80] : memref<80x128xf32, #tpu.memory_space<vmem>> -> memref<80x128xf32, #tpu.memory_space<vmem>>
      %dma_wait3A_82 = arith.constant 0 : i32
      %dma_wait3A_83 = tpu.memref_slice %arg10[%add3A_50, %dma_wait3A_82] : memref<10000x128xf32, #tpu.memory_space<vmem_shared>> -> memref<80x128xf32, #tpu.memory_space<vmem_shared>>
      tpu.wait_dma2 semaphore(%run_scoped3A : memref<!tpu.dma_semaphore, #tpu.memory_space<semaphore_mem>>) src(%dma_wait3A_83 : memref<80x128xf32, #tpu.memory_space<vmem_shared>>) dst(%dma_wait3A_81 : memref<80x128xf32, #tpu.memory_space<vmem>>)
      tpu.yield
    }) : () -> ()
    "tpu.region"() ({
      %run_scoped3A = tpu.sem_alloc : memref<!tpu.dma_semaphore, #tpu.memory_space<semaphore_mem>>
      %dma_start3A_65 = arith.constant 0 : i32
      %dma_start3A_66 = arith.constant 0 : i32
      %dma_start3A_67 = tpu.memref_slice %arg8[%dma_start3A_65, %dma_start3A_66] : memref<80x128xf32, #tpu.memory_space<vmem>> -> memref<80x128xf32, #tpu.memory_space<vmem>>
      %dma_start3A_68 = arith.constant 0 : i32
      %dma_start3A_69 = tpu.memref_slice %arg5[%arg0, %add3A_50, %dma_start3A_68] : memref<2x10000x128xf32, #tpu.memory_space<hbm>> -> memref<1x80x128xf32, #tpu.memory_space<hbm>>
      %dma_start3A_70 = tpu.memref_squeeze %dma_start3A_69 : memref<1x80x128xf32, #tpu.memory_space<hbm>> -> memref<80x128xf32, #tpu.memory_space<hbm>>
      %dma_start3A_71 = arith.constant 0 : i32
      %dma_start3A_72 = tpu.memref_slice %arg5[%arg0, %add3A_50, %dma_start3A_71] : memref<2x10000x128xf32, #tpu.memory_space<hbm>> -> memref<1x80x128xf32, #tpu.memory_space<hbm>>
      %dma_start3A_73 = tpu.memref_squeeze %dma_start3A_72 : memref<1x80x128xf32, #tpu.memory_space<hbm>> -> memref<80x128xf32, #tpu.memory_space<hbm>>
      %dma_start3A_74 = arith.constant 0 : i32
      %dma_start3A_75 = arith.constant 0 : i32
      %dma_start3A_76 = tpu.memref_slice %arg8[%dma_start3A_74, %dma_start3A_75] : memref<80x128xf32, #tpu.memory_space<vmem>> -> memref<80x128xf32, #tpu.memory_space<vmem>>
      tpu.enqueue_dma source(%dma_start3A_76 : memref<80x128xf32, #tpu.memory_space<vmem>>) target(%dma_start3A_73 : memref<80x128xf32, #tpu.memory_space<hbm>>) target_semaphore(%run_scoped3A : memref<!tpu.dma_semaphore, #tpu.memory_space<semaphore_mem>>)
      %dma_wait3A = arith.constant 0 : i32
      %dma_wait3A_77 = arith.constant 0 : i32
      %dma_wait3A_78 = tpu.memref_slice %arg8[%dma_wait3A, %dma_wait3A_77] : memref<80x128xf32, #tpu.memory_space<vmem>> -> memref<80x128xf32, #tpu.memory_space<vmem>>
      %dma_wait3A_79 = arith.constant 0 : i32
      %dma_wait3A_80 = tpu.memref_slice %arg5[%arg0, %add3A_50, %dma_wait3A_79] : memref<2x10000x128xf32, #tpu.memory_space<hbm>> -> memref<1x80x128xf32, #tpu.memory_space<hbm>>
      %dma_wait3A_81 = tpu.memref_squeeze %dma_wait3A_80 : memref<1x80x128xf32, #tpu.memory_space<hbm>> -> memref<80x128xf32, #tpu.memory_space<hbm>>
      %dma_wait3A_82 = arith.constant 0 : i32
      %dma_wait3A_83 = tpu.memref_slice %arg5[%arg0, %add3A_50, %dma_wait3A_82] : memref<2x10000x128xf32, #tpu.memory_space<hbm>> -> memref<1x80x128xf32, #tpu.memory_space<hbm>>
      %dma_wait3A_84 = tpu.memref_squeeze %dma_wait3A_83 : memref<1x80x128xf32, #tpu.memory_space<hbm>> -> memref<80x128xf32, #tpu.memory_space<hbm>>
      %dma_wait3A_85 = arith.constant 0 : i32
      %dma_wait3A_86 = arith.constant 0 : i32
      %dma_wait3A_87 = tpu.memref_slice %arg8[%dma_wait3A_85, %dma_wait3A_86] : memref<80x128xf32, #tpu.memory_space<vmem>> -> memref<80x128xf32, #tpu.memory_space<vmem>>
      tpu.wait_dma2 semaphore(%run_scoped3A : memref<!tpu.dma_semaphore, #tpu.memory_space<semaphore_mem>>) src(%dma_wait3A_87 : memref<80x128xf32, #tpu.memory_space<vmem>>) dst(%dma_wait3A_84 : memref<80x128xf32, #tpu.memory_space<hbm>>)
      tpu.yield
    }) : () -> ()
    %add3A_51 = arith.constant 400 : i32
    %add3A_52 = arith.addi %mul3A_2, %add3A_51 : i32
    "tpu.region"() ({
      %run_scoped3A = tpu.sem_alloc : memref<!tpu.dma_semaphore, #tpu.memory_space<semaphore_mem>>
      %dma_start3A_65 = arith.constant 0 : i32
      %dma_start3A_66 = arith.constant 0 : i32
      %dma_start3A_67 = tpu.memref_slice %arg8[%dma_start3A_65, %dma_start3A_66] : memref<80x128xf32, #tpu.memory_space<vmem>> -> memref<80x128xf32, #tpu.memory_space<vmem>>
      %dma_start3A_68 = arith.constant 0 : i32
      %dma_start3A_69 = tpu.memref_slice %arg10[%add3A_52, %dma_start3A_68] : memref<10000x128xf32, #tpu.memory_space<vmem_shared>> -> memref<80x128xf32, #tpu.memory_space<vmem_shared>>
      %dma_start3A_70 = arith.constant 0 : i32
      %dma_start3A_71 = arith.constant 0 : i32
      %dma_start3A_72 = tpu.memref_slice %arg8[%dma_start3A_70, %dma_start3A_71] : memref<80x128xf32, #tpu.memory_space<vmem>> -> memref<80x128xf32, #tpu.memory_space<vmem>>
      %dma_start3A_73 = arith.constant 0 : i32
      %dma_start3A_74 = tpu.memref_slice %arg10[%add3A_52, %dma_start3A_73] : memref<10000x128xf32, #tpu.memory_space<vmem_shared>> -> memref<80x128xf32, #tpu.memory_space<vmem_shared>>
      tpu.enqueue_dma source(%dma_start3A_74 : memref<80x128xf32, #tpu.memory_space<vmem_shared>>) target(%dma_start3A_72 : memref<80x128xf32, #tpu.memory_space<vmem>>) target_semaphore(%run_scoped3A : memref<!tpu.dma_semaphore, #tpu.memory_space<semaphore_mem>>)
      %dma_wait3A = arith.constant 0 : i32
      %dma_wait3A_75 = arith.constant 0 : i32
      %dma_wait3A_76 = tpu.memref_slice %arg8[%dma_wait3A, %dma_wait3A_75] : memref<80x128xf32, #tpu.memory_space<vmem>> -> memref<80x128xf32, #tpu.memory_space<vmem>>
      %dma_wait3A_77 = arith.constant 0 : i32
      %dma_wait3A_78 = tpu.memref_slice %arg10[%add3A_52, %dma_wait3A_77] : memref<10000x128xf32, #tpu.memory_space<vmem_shared>> -> memref<80x128xf32, #tpu.memory_space<vmem_shared>>
      %dma_wait3A_79 = arith.constant 0 : i32
      %dma_wait3A_80 = arith.constant 0 : i32
      %dma_wait3A_81 = tpu.memref_slice %arg8[%dma_wait3A_79, %dma_wait3A_80] : memref<80x128xf32, #tpu.memory_space<vmem>> -> memref<80x128xf32, #tpu.memory_space<vmem>>
      %dma_wait3A_82 = arith.constant 0 : i32
      %dma_wait3A_83 = tpu.memref_slice %arg10[%add3A_52, %dma_wait3A_82] : memref<10000x128xf32, #tpu.memory_space<vmem_shared>> -> memref<80x128xf32, #tpu.memory_space<vmem_shared>>
      tpu.wait_dma2 semaphore(%run_scoped3A : memref<!tpu.dma_semaphore, #tpu.memory_space<semaphore_mem>>) src(%dma_wait3A_83 : memref<80x128xf32, #tpu.memory_space<vmem_shared>>) dst(%dma_wait3A_81 : memref<80x128xf32, #tpu.memory_space<vmem>>)
      tpu.yield
    }) : () -> ()
    "tpu.region"() ({
      %run_scoped3A = tpu.sem_alloc : memref<!tpu.dma_semaphore, #tpu.memory_space<semaphore_mem>>
      %dma_start3A_65 = arith.constant 0 : i32
      %dma_start3A_66 = arith.constant 0 : i32
      %dma_start3A_67 = tpu.memref_slice %arg8[%dma_start3A_65, %dma_start3A_66] : memref<80x128xf32, #tpu.memory_space<vmem>> -> memref<80x128xf32, #tpu.memory_space<vmem>>
      %dma_start3A_68 = arith.constant 0 : i32
      %dma_start3A_69 = tpu.memref_slice %arg5[%arg0, %add3A_52, %dma_start3A_68] : memref<2x10000x128xf32, #tpu.memory_space<hbm>> -> memref<1x80x128xf32, #tpu.memory_space<hbm>>
      %dma_start3A_70 = tpu.memref_squeeze %dma_start3A_69 : memref<1x80x128xf32, #tpu.memory_space<hbm>> -> memref<80x128xf32, #tpu.memory_space<hbm>>
      %dma_start3A_71 = arith.constant 0 : i32
      %dma_start3A_72 = tpu.memref_slice %arg5[%arg0, %add3A_52, %dma_start3A_71] : memref<2x10000x128xf32, #tpu.memory_space<hbm>> -> memref<1x80x128xf32, #tpu.memory_space<hbm>>
      %dma_start3A_73 = tpu.memref_squeeze %dma_start3A_72 : memref<1x80x128xf32, #tpu.memory_space<hbm>> -> memref<80x128xf32, #tpu.memory_space<hbm>>
      %dma_start3A_74 = arith.constant 0 : i32
      %dma_start3A_75 = arith.constant 0 : i32
      %dma_start3A_76 = tpu.memref_slice %arg8[%dma_start3A_74, %dma_start3A_75] : memref<80x128xf32, #tpu.memory_space<vmem>> -> memref<80x128xf32, #tpu.memory_space<vmem>>
      tpu.enqueue_dma source(%dma_start3A_76 : memref<80x128xf32, #tpu.memory_space<vmem>>) target(%dma_start3A_73 : memref<80x128xf32, #tpu.memory_space<hbm>>) target_semaphore(%run_scoped3A : memref<!tpu.dma_semaphore, #tpu.memory_space<semaphore_mem>>)
      %dma_wait3A = arith.constant 0 : i32
      %dma_wait3A_77 = arith.constant 0 : i32
      %dma_wait3A_78 = tpu.memref_slice %arg8[%dma_wait3A, %dma_wait3A_77] : memref<80x128xf32, #tpu.memory_space<vmem>> -> memref<80x128xf32, #tpu.memory_space<vmem>>
      %dma_wait3A_79 = arith.constant 0 : i32
      %dma_wait3A_80 = tpu.memref_slice %arg5[%arg0, %add3A_52, %dma_wait3A_79] : memref<2x10000x128xf32, #tpu.memory_space<hbm>> -> memref<1x80x128xf32, #tpu.memory_space<hbm>>
      %dma_wait3A_81 = tpu.memref_squeeze %dma_wait3A_80 : memref<1x80x128xf32, #tpu.memory_space<hbm>> -> memref<80x128xf32, #tpu.memory_space<hbm>>
      %dma_wait3A_82 = arith.constant 0 : i32
      %dma_wait3A_83 = tpu.memref_slice %arg5[%arg0, %add3A_52, %dma_wait3A_82] : memref<2x10000x128xf32, #tpu.memory_space<hbm>> -> memref<1x80x128xf32, #tpu.memory_space<hbm>>
      %dma_wait3A_84 = tpu.memref_squeeze %dma_wait3A_83 : memref<1x80x128xf32, #tpu.memory_space<hbm>> -> memref<80x128xf32, #tpu.memory_space<hbm>>
      %dma_wait3A_85 = arith.constant 0 : i32
      %dma_wait3A_86 = arith.constant 0 : i32
      %dma_wait3A_87 = tpu.memref_slice %arg8[%dma_wait3A_85, %dma_wait3A_86] : memref<80x128xf32, #tpu.memory_space<vmem>> -> memref<80x128xf32, #tpu.memory_space<vmem>>
      tpu.wait_dma2 semaphore(%run_scoped3A : memref<!tpu.dma_semaphore, #tpu.memory_space<semaphore_mem>>) src(%dma_wait3A_87 : memref<80x128xf32, #tpu.memory_space<vmem>>) dst(%dma_wait3A_84 : memref<80x128xf32, #tpu.memory_space<hbm>>)
      tpu.yield
    }) : () -> ()
    %add3A_53 = arith.constant 480 : i32
    %add3A_54 = arith.addi %mul3A_2, %add3A_53 : i32
    "tpu.region"() ({
      %run_scoped3A = tpu.sem_alloc : memref<!tpu.dma_semaphore, #tpu.memory_space<semaphore_mem>>
      %dma_start3A_65 = arith.constant 0 : i32
      %dma_start3A_66 = arith.constant 0 : i32
      %dma_start3A_67 = tpu.memref_slice %arg8[%dma_start3A_65, %dma_start3A_66] : memref<80x128xf32, #tpu.memory_space<vmem>> -> memref<80x128xf32, #tpu.memory_space<vmem>>
      %dma_start3A_68 = arith.constant 0 : i32
      %dma_start3A_69 = tpu.memref_slice %arg10[%add3A_54, %dma_start3A_68] : memref<10000x128xf32, #tpu.memory_space<vmem_shared>> -> memref<80x128xf32, #tpu.memory_space<vmem_shared>>
      %dma_start3A_70 = arith.constant 0 : i32
      %dma_start3A_71 = arith.constant 0 : i32
      %dma_start3A_72 = tpu.memref_slice %arg8[%dma_start3A_70, %dma_start3A_71] : memref<80x128xf32, #tpu.memory_space<vmem>> -> memref<80x128xf32, #tpu.memory_space<vmem>>
      %dma_start3A_73 = arith.constant 0 : i32
      %dma_start3A_74 = tpu.memref_slice %arg10[%add3A_54, %dma_start3A_73] : memref<10000x128xf32, #tpu.memory_space<vmem_shared>> -> memref<80x128xf32, #tpu.memory_space<vmem_shared>>
      tpu.enqueue_dma source(%dma_start3A_74 : memref<80x128xf32, #tpu.memory_space<vmem_shared>>) target(%dma_start3A_72 : memref<80x128xf32, #tpu.memory_space<vmem>>) target_semaphore(%run_scoped3A : memref<!tpu.dma_semaphore, #tpu.memory_space<semaphore_mem>>)
      %dma_wait3A = arith.constant 0 : i32
      %dma_wait3A_75 = arith.constant 0 : i32
      %dma_wait3A_76 = tpu.memref_slice %arg8[%dma_wait3A, %dma_wait3A_75] : memref<80x128xf32, #tpu.memory_space<vmem>> -> memref<80x128xf32, #tpu.memory_space<vmem>>
      %dma_wait3A_77 = arith.constant 0 : i32
      %dma_wait3A_78 = tpu.memref_slice %arg10[%add3A_54, %dma_wait3A_77] : memref<10000x128xf32, #tpu.memory_space<vmem_shared>> -> memref<80x128xf32, #tpu.memory_space<vmem_shared>>
      %dma_wait3A_79 = arith.constant 0 : i32
      %dma_wait3A_80 = arith.constant 0 : i32
      %dma_wait3A_81 = tpu.memref_slice %arg8[%dma_wait3A_79, %dma_wait3A_80] : memref<80x128xf32, #tpu.memory_space<vmem>> -> memref<80x128xf32, #tpu.memory_space<vmem>>
      %dma_wait3A_82 = arith.constant 0 : i32
      %dma_wait3A_83 = tpu.memref_slice %arg10[%add3A_54, %dma_wait3A_82] : memref<10000x128xf32, #tpu.memory_space<vmem_shared>> -> memref<80x128xf32, #tpu.memory_space<vmem_shared>>
      tpu.wait_dma2 semaphore(%run_scoped3A : memref<!tpu.dma_semaphore, #tpu.memory_space<semaphore_mem>>) src(%dma_wait3A_83 : memref<80x128xf32, #tpu.memory_space<vmem_shared>>) dst(%dma_wait3A_81 : memref<80x128xf32, #tpu.memory_space<vmem>>)
      tpu.yield
    }) : () -> ()
    "tpu.region"() ({
      %run_scoped3A = tpu.sem_alloc : memref<!tpu.dma_semaphore, #tpu.memory_space<semaphore_mem>>
      %dma_start3A_65 = arith.constant 0 : i32
      %dma_start3A_66 = arith.constant 0 : i32
      %dma_start3A_67 = tpu.memref_slice %arg8[%dma_start3A_65, %dma_start3A_66] : memref<80x128xf32, #tpu.memory_space<vmem>> -> memref<80x128xf32, #tpu.memory_space<vmem>>
      %dma_start3A_68 = arith.constant 0 : i32
      %dma_start3A_69 = tpu.memref_slice %arg5[%arg0, %add3A_54, %dma_start3A_68] : memref<2x10000x128xf32, #tpu.memory_space<hbm>> -> memref<1x80x128xf32, #tpu.memory_space<hbm>>
      %dma_start3A_70 = tpu.memref_squeeze %dma_start3A_69 : memref<1x80x128xf32, #tpu.memory_space<hbm>> -> memref<80x128xf32, #tpu.memory_space<hbm>>
      %dma_start3A_71 = arith.constant 0 : i32
      %dma_start3A_72 = tpu.memref_slice %arg5[%arg0, %add3A_54, %dma_start3A_71] : memref<2x10000x128xf32, #tpu.memory_space<hbm>> -> memref<1x80x128xf32, #tpu.memory_space<hbm>>
      %dma_start3A_73 = tpu.memref_squeeze %dma_start3A_72 : memref<1x80x128xf32, #tpu.memory_space<hbm>> -> memref<80x128xf32, #tpu.memory_space<hbm>>
      %dma_start3A_74 = arith.constant 0 : i32
      %dma_start3A_75 = arith.constant 0 : i32
      %dma_start3A_76 = tpu.memref_slice %arg8[%dma_start3A_74, %dma_start3A_75] : memref<80x128xf32, #tpu.memory_space<vmem>> -> memref<80x128xf32, #tpu.memory_space<vmem>>
      tpu.enqueue_dma source(%dma_start3A_76 : memref<80x128xf32, #tpu.memory_space<vmem>>) target(%dma_start3A_73 : memref<80x128xf32, #tpu.memory_space<hbm>>) target_semaphore(%run_scoped3A : memref<!tpu.dma_semaphore, #tpu.memory_space<semaphore_mem>>)
      %dma_wait3A = arith.constant 0 : i32
      %dma_wait3A_77 = arith.constant 0 : i32
      %dma_wait3A_78 = tpu.memref_slice %arg8[%dma_wait3A, %dma_wait3A_77] : memref<80x128xf32, #tpu.memory_space<vmem>> -> memref<80x128xf32, #tpu.memory_space<vmem>>
      %dma_wait3A_79 = arith.constant 0 : i32
      %dma_wait3A_80 = tpu.memref_slice %arg5[%arg0, %add3A_54, %dma_wait3A_79] : memref<2x10000x128xf32, #tpu.memory_space<hbm>> -> memref<1x80x128xf32, #tpu.memory_space<hbm>>
      %dma_wait3A_81 = tpu.memref_squeeze %dma_wait3A_80 : memref<1x80x128xf32, #tpu.memory_space<hbm>> -> memref<80x128xf32, #tpu.memory_space<hbm>>
      %dma_wait3A_82 = arith.constant 0 : i32
      %dma_wait3A_83 = tpu.memref_slice %arg5[%arg0, %add3A_54, %dma_wait3A_82] : memref<2x10000x128xf32, #tpu.memory_space<hbm>> -> memref<1x80x128xf32, #tpu.memory_space<hbm>>
      %dma_wait3A_84 = tpu.memref_squeeze %dma_wait3A_83 : memref<1x80x128xf32, #tpu.memory_space<hbm>> -> memref<80x128xf32, #tpu.memory_space<hbm>>
      %dma_wait3A_85 = arith.constant 0 : i32
      %dma_wait3A_86 = arith.constant 0 : i32
      %dma_wait3A_87 = tpu.memref_slice %arg8[%dma_wait3A_85, %dma_wait3A_86] : memref<80x128xf32, #tpu.memory_space<vmem>> -> memref<80x128xf32, #tpu.memory_space<vmem>>
      tpu.wait_dma2 semaphore(%run_scoped3A : memref<!tpu.dma_semaphore, #tpu.memory_space<semaphore_mem>>) src(%dma_wait3A_87 : memref<80x128xf32, #tpu.memory_space<vmem>>) dst(%dma_wait3A_84 : memref<80x128xf32, #tpu.memory_space<hbm>>)
      tpu.yield
    }) : () -> ()
    %lt3A_55 = arith.constant 15 : i32
    %lt3A_56 = arith.cmpi slt, %arg1, %lt3A_55 : i32
    %convert_element_type3A_57 = arith.extui %lt3A_56 : i1 to i32
    %cond3A_58 = arith.constant 0 : i32
    %cond3A_59 = arith.cmpi ne, %convert_element_type3A_57, %cond3A_58 : i32
    scf.if %cond3A_59 {
      %add3A_65 = arith.constant 560 : i32
      %add3A_66 = arith.addi %mul3A_2, %add3A_65 : i32
      "tpu.region"() ({
        %run_scoped3A = tpu.sem_alloc : memref<!tpu.dma_semaphore, #tpu.memory_space<semaphore_mem>>
        %dma_start3A_67 = arith.constant 0 : i32
        %dma_start3A_68 = arith.constant 0 : i32
        %dma_start3A_69 = tpu.memref_slice %arg8[%dma_start3A_67, %dma_start3A_68] : memref<80x128xf32, #tpu.memory_space<vmem>> -> memref<64x128xf32, #tpu.memory_space<vmem>>
        %dma_start3A_70 = arith.constant 0 : i32
        %dma_start3A_71 = tpu.memref_slice %arg10[%add3A_66, %dma_start3A_70] : memref<10000x128xf32, #tpu.memory_space<vmem_shared>> -> memref<64x128xf32, #tpu.memory_space<vmem_shared>>
        %dma_start3A_72 = arith.constant 0 : i32
        %dma_start3A_73 = arith.constant 0 : i32
        %dma_start3A_74 = tpu.memref_slice %arg8[%dma_start3A_72, %dma_start3A_73] : memref<80x128xf32, #tpu.memory_space<vmem>> -> memref<64x128xf32, #tpu.memory_space<vmem>>
        %dma_start3A_75 = arith.constant 0 : i32
        %dma_start3A_76 = tpu.memref_slice %arg10[%add3A_66, %dma_start3A_75] : memref<10000x128xf32, #tpu.memory_space<vmem_shared>> -> memref<64x128xf32, #tpu.memory_space<vmem_shared>>
        tpu.enqueue_dma source(%dma_start3A_76 : memref<64x128xf32, #tpu.memory_space<vmem_shared>>) target(%dma_start3A_74 : memref<64x128xf32, #tpu.memory_space<vmem>>) target_semaphore(%run_scoped3A : memref<!tpu.dma_semaphore, #tpu.memory_space<semaphore_mem>>)
        %dma_wait3A = arith.constant 0 : i32
        %dma_wait3A_77 = arith.constant 0 : i32
        %dma_wait3A_78 = tpu.memref_slice %arg8[%dma_wait3A, %dma_wait3A_77] : memref<80x128xf32, #tpu.memory_space<vmem>> -> memref<64x128xf32, #tpu.memory_space<vmem>>
        %dma_wait3A_79 = arith.constant 0 : i32
        %dma_wait3A_80 = tpu.memref_slice %arg10[%add3A_66, %dma_wait3A_79] : memref<10000x128xf32, #tpu.memory_space<vmem_shared>> -> memref<64x128xf32, #tpu.memory_space<vmem_shared>>
        %dma_wait3A_81 = arith.constant 0 : i32
        %dma_wait3A_82 = arith.constant 0 : i32
        %dma_wait3A_83 = tpu.memref_slice %arg8[%dma_wait3A_81, %dma_wait3A_82] : memref<80x128xf32, #tpu.memory_space<vmem>> -> memref<64x128xf32, #tpu.memory_space<vmem>>
        %dma_wait3A_84 = arith.constant 0 : i32
        %dma_wait3A_85 = tpu.memref_slice %arg10[%add3A_66, %dma_wait3A_84] : memref<10000x128xf32, #tpu.memory_space<vmem_shared>> -> memref<64x128xf32, #tpu.memory_space<vmem_shared>>
        tpu.wait_dma2 semaphore(%run_scoped3A : memref<!tpu.dma_semaphore, #tpu.memory_space<semaphore_mem>>) src(%dma_wait3A_85 : memref<64x128xf32, #tpu.memory_space<vmem_shared>>) dst(%dma_wait3A_83 : memref<64x128xf32, #tpu.memory_space<vmem>>)
        tpu.yield
      }) : () -> ()
      "tpu.region"() ({
        %run_scoped3A = tpu.sem_alloc : memref<!tpu.dma_semaphore, #tpu.memory_space<semaphore_mem>>
        %dma_start3A_67 = arith.constant 0 : i32
        %dma_start3A_68 = arith.constant 0 : i32
        %dma_start3A_69 = tpu.memref_slice %arg8[%dma_start3A_67, %dma_start3A_68] : memref<80x128xf32, #tpu.memory_space<vmem>> -> memref<64x128xf32, #tpu.memory_space<vmem>>
        %dma_start3A_70 = arith.constant 0 : i32
        %dma_start3A_71 = tpu.memref_slice %arg5[%arg0, %add3A_66, %dma_start3A_70] : memref<2x10000x128xf32, #tpu.memory_space<hbm>> -> memref<1x64x128xf32, #tpu.memory_space<hbm>>
        %dma_start3A_72 = tpu.memref_squeeze %dma_start3A_71 : memref<1x64x128xf32, #tpu.memory_space<hbm>> -> memref<64x128xf32, #tpu.memory_space<hbm>>
        %dma_start3A_73 = arith.constant 0 : i32
        %dma_start3A_74 = tpu.memref_slice %arg5[%arg0, %add3A_66, %dma_start3A_73] : memref<2x10000x128xf32, #tpu.memory_space<hbm>> -> memref<1x64x128xf32, #tpu.memory_space<hbm>>
        %dma_start3A_75 = tpu.memref_squeeze %dma_start3A_74 : memref<1x64x128xf32, #tpu.memory_space<hbm>> -> memref<64x128xf32, #tpu.memory_space<hbm>>
        %dma_start3A_76 = arith.constant 0 : i32
        %dma_start3A_77 = arith.constant 0 : i32
        %dma_start3A_78 = tpu.memref_slice %arg8[%dma_start3A_76, %dma_start3A_77] : memref<80x128xf32, #tpu.memory_space<vmem>> -> memref<64x128xf32, #tpu.memory_space<vmem>>
        tpu.enqueue_dma source(%dma_start3A_78 : memref<64x128xf32, #tpu.memory_space<vmem>>) target(%dma_start3A_75 : memref<64x128xf32, #tpu.memory_space<hbm>>) target_semaphore(%run_scoped3A : memref<!tpu.dma_semaphore, #tpu.memory_space<semaphore_mem>>)
        %dma_wait3A = arith.constant 0 : i32
        %dma_wait3A_79 = arith.constant 0 : i32
        %dma_wait3A_80 = tpu.memref_slice %arg8[%dma_wait3A, %dma_wait3A_79] : memref<80x128xf32, #tpu.memory_space<vmem>> -> memref<64x128xf32, #tpu.memory_space<vmem>>
        %dma_wait3A_81 = arith.constant 0 : i32
        %dma_wait3A_82 = tpu.memref_slice %arg5[%arg0, %add3A_66, %dma_wait3A_81] : memref<2x10000x128xf32, #tpu.memory_space<hbm>> -> memref<1x64x128xf32, #tpu.memory_space<hbm>>
        %dma_wait3A_83 = tpu.memref_squeeze %dma_wait3A_82 : memref<1x64x128xf32, #tpu.memory_space<hbm>> -> memref<64x128xf32, #tpu.memory_space<hbm>>
        %dma_wait3A_84 = arith.constant 0 : i32
        %dma_wait3A_85 = tpu.memref_slice %arg5[%arg0, %add3A_66, %dma_wait3A_84] : memref<2x10000x128xf32, #tpu.memory_space<hbm>> -> memref<1x64x128xf32, #tpu.memory_space<hbm>>
        %dma_wait3A_86 = tpu.memref_squeeze %dma_wait3A_85 : memref<1x64x128xf32, #tpu.memory_space<hbm>> -> memref<64x128xf32, #tpu.memory_space<hbm>>
        %dma_wait3A_87 = arith.constant 0 : i32
        %dma_wait3A_88 = arith.constant 0 : i32
        %dma_wait3A_89 = tpu.memref_slice %arg8[%dma_wait3A_87, %dma_wait3A_88] : memref<80x128xf32, #tpu.memory_space<vmem>> -> memref<64x128xf32, #tpu.memory_space<vmem>>
        tpu.wait_dma2 semaphore(%run_scoped3A : memref<!tpu.dma_semaphore, #tpu.memory_space<semaphore_mem>>) src(%dma_wait3A_89 : memref<64x128xf32, #tpu.memory_space<vmem>>) dst(%dma_wait3A_86 : memref<64x128xf32, #tpu.memory_space<hbm>>)
        tpu.yield
      }) : () -> ()
    } else {
    }
    %eq3A_60 = arith.constant 15 : i32
    %eq3A_61 = arith.cmpi eq, %arg1, %eq3A_60 : i32
    %convert_element_type3A_62 = arith.extui %eq3A_61 : i1 to i32
    %cond3A_63 = arith.constant 0 : i32
    %cond3A_64 = arith.cmpi ne, %convert_element_type3A_62, %cond3A_63 : i32
    scf.if %cond3A_64 {
      %add3A_65 = arith.constant 560 : i32
      %add3A_66 = arith.addi %mul3A_2, %add3A_65 : i32
      "tpu.region"() ({
        %run_scoped3A = tpu.sem_alloc : memref<!tpu.dma_semaphore, #tpu.memory_space<semaphore_mem>>
        %dma_start3A_67 = arith.constant 0 : i32
        %dma_start3A_68 = arith.constant 0 : i32
        %dma_start3A_69 = tpu.memref_slice %arg8[%dma_start3A_67, %dma_start3A_68] : memref<80x128xf32, #tpu.memory_space<vmem>> -> memref<80x128xf32, #tpu.memory_space<vmem>>
        %dma_start3A_70 = arith.constant 0 : i32
        %dma_start3A_71 = tpu.memref_slice %arg10[%add3A_66, %dma_start3A_70] : memref<10000x128xf32, #tpu.memory_space<vmem_shared>> -> memref<80x128xf32, #tpu.memory_space<vmem_shared>>
        %dma_start3A_72 = arith.constant 0 : i32
        %dma_start3A_73 = arith.constant 0 : i32
        %dma_start3A_74 = tpu.memref_slice %arg8[%dma_start3A_72, %dma_start3A_73] : memref<80x128xf32, #tpu.memory_space<vmem>> -> memref<80x128xf32, #tpu.memory_space<vmem>>
        %dma_start3A_75 = arith.constant 0 : i32
        %dma_start3A_76 = tpu.memref_slice %arg10[%add3A_66, %dma_start3A_75] : memref<10000x128xf32, #tpu.memory_space<vmem_shared>> -> memref<80x128xf32, #tpu.memory_space<vmem_shared>>
        tpu.enqueue_dma source(%dma_start3A_76 : memref<80x128xf32, #tpu.memory_space<vmem_shared>>) target(%dma_start3A_74 : memref<80x128xf32, #tpu.memory_space<vmem>>) target_semaphore(%run_scoped3A : memref<!tpu.dma_semaphore, #tpu.memory_space<semaphore_mem>>)
        %dma_wait3A = arith.constant 0 : i32
        %dma_wait3A_77 = arith.constant 0 : i32
        %dma_wait3A_78 = tpu.memref_slice %arg8[%dma_wait3A, %dma_wait3A_77] : memref<80x128xf32, #tpu.memory_space<vmem>> -> memref<80x128xf32, #tpu.memory_space<vmem>>
        %dma_wait3A_79 = arith.constant 0 : i32
        %dma_wait3A_80 = tpu.memref_slice %arg10[%add3A_66, %dma_wait3A_79] : memref<10000x128xf32, #tpu.memory_space<vmem_shared>> -> memref<80x128xf32, #tpu.memory_space<vmem_shared>>
        %dma_wait3A_81 = arith.constant 0 : i32
        %dma_wait3A_82 = arith.constant 0 : i32
        %dma_wait3A_83 = tpu.memref_slice %arg8[%dma_wait3A_81, %dma_wait3A_82] : memref<80x128xf32, #tpu.memory_space<vmem>> -> memref<80x128xf32, #tpu.memory_space<vmem>>
        %dma_wait3A_84 = arith.constant 0 : i32
        %dma_wait3A_85 = tpu.memref_slice %arg10[%add3A_66, %dma_wait3A_84] : memref<10000x128xf32, #tpu.memory_space<vmem_shared>> -> memref<80x128xf32, #tpu.memory_space<vmem_shared>>
        tpu.wait_dma2 semaphore(%run_scoped3A : memref<!tpu.dma_semaphore, #tpu.memory_space<semaphore_mem>>) src(%dma_wait3A_85 : memref<80x128xf32, #tpu.memory_space<vmem_shared>>) dst(%dma_wait3A_83 : memref<80x128xf32, #tpu.memory_space<vmem>>)
        tpu.yield
      }) : () -> ()
      "tpu.region"() ({
        %run_scoped3A = tpu.sem_alloc : memref<!tpu.dma_semaphore, #tpu.memory_space<semaphore_mem>>
        %dma_start3A_67 = arith.constant 0 : i32
        %dma_start3A_68 = arith.constant 0 : i32
        %dma_start3A_69 = tpu.memref_slice %arg8[%dma_start3A_67, %dma_start3A_68] : memref<80x128xf32, #tpu.memory_space<vmem>> -> memref<80x128xf32, #tpu.memory_space<vmem>>
        %dma_start3A_70 = arith.constant 0 : i32
        %dma_start3A_71 = tpu.memref_slice %arg5[%arg0, %add3A_66, %dma_start3A_70] : memref<2x10000x128xf32, #tpu.memory_space<hbm>> -> memref<1x80x128xf32, #tpu.memory_space<hbm>>
        %dma_start3A_72 = tpu.memref_squeeze %dma_start3A_71 : memref<1x80x128xf32, #tpu.memory_space<hbm>> -> memref<80x128xf32, #tpu.memory_space<hbm>>
        %dma_start3A_73 = arith.constant 0 : i32
        %dma_start3A_74 = tpu.memref_slice %arg5[%arg0, %add3A_66, %dma_start3A_73] : memref<2x10000x128xf32, #tpu.memory_space<hbm>> -> memref<1x80x128xf32, #tpu.memory_space<hbm>>
        %dma_start3A_75 = tpu.memref_squeeze %dma_start3A_74 : memref<1x80x128xf32, #tpu.memory_space<hbm>> -> memref<80x128xf32, #tpu.memory_space<hbm>>
        %dma_start3A_76 = arith.constant 0 : i32
        %dma_start3A_77 = arith.constant 0 : i32
        %dma_start3A_78 = tpu.memref_slice %arg8[%dma_start3A_76, %dma_start3A_77] : memref<80x128xf32, #tpu.memory_space<vmem>> -> memref<80x128xf32, #tpu.memory_space<vmem>>
        tpu.enqueue_dma source(%dma_start3A_78 : memref<80x128xf32, #tpu.memory_space<vmem>>) target(%dma_start3A_75 : memref<80x128xf32, #tpu.memory_space<hbm>>) target_semaphore(%run_scoped3A : memref<!tpu.dma_semaphore, #tpu.memory_space<semaphore_mem>>)
        %dma_wait3A = arith.constant 0 : i32
        %dma_wait3A_79 = arith.constant 0 : i32
        %dma_wait3A_80 = tpu.memref_slice %arg8[%dma_wait3A, %dma_wait3A_79] : memref<80x128xf32, #tpu.memory_space<vmem>> -> memref<80x128xf32, #tpu.memory_space<vmem>>
        %dma_wait3A_81 = arith.constant 0 : i32
        %dma_wait3A_82 = tpu.memref_slice %arg5[%arg0, %add3A_66, %dma_wait3A_81] : memref<2x10000x128xf32, #tpu.memory_space<hbm>> -> memref<1x80x128xf32, #tpu.memory_space<hbm>>
        %dma_wait3A_83 = tpu.memref_squeeze %dma_wait3A_82 : memref<1x80x128xf32, #tpu.memory_space<hbm>> -> memref<80x128xf32, #tpu.memory_space<hbm>>
        %dma_wait3A_84 = arith.constant 0 : i32
        %dma_wait3A_85 = tpu.memref_slice %arg5[%arg0, %add3A_66, %dma_wait3A_84] : memref<2x10000x128xf32, #tpu.memory_space<hbm>> -> memref<1x80x128xf32, #tpu.memory_space<hbm>>
        %dma_wait3A_86 = tpu.memref_squeeze %dma_wait3A_85 : memref<1x80x128xf32, #tpu.memory_space<hbm>> -> memref<80x128xf32, #tpu.memory_space<hbm>>
        %dma_wait3A_87 = arith.constant 0 : i32
        %dma_wait3A_88 = arith.constant 0 : i32
        %dma_wait3A_89 = tpu.memref_slice %arg8[%dma_wait3A_87, %dma_wait3A_88] : memref<80x128xf32, #tpu.memory_space<vmem>> -> memref<80x128xf32, #tpu.memory_space<vmem>>
        tpu.wait_dma2 semaphore(%run_scoped3A : memref<!tpu.dma_semaphore, #tpu.memory_space<semaphore_mem>>) src(%dma_wait3A_89 : memref<80x128xf32, #tpu.memory_space<vmem>>) dst(%dma_wait3A_86 : memref<80x128xf32, #tpu.memory_space<hbm>>)
        tpu.yield
      }) : () -> ()
    } else {
    }
    return
  }
}

#map = affine_map<(d0, d1) -> (0, 0)>
#map1 = affine_map<(d0, d1) -> (0)>
#map2 = affine_map<(d0, d1) -> (0, 0, 0)>
module attributes {stable_mosaic.version = 14 : i64} {
  func.func @_sc_edge_agg(%arg0: i32, %arg1: i32, %arg2: memref<10000x128xf32, #tpu.memory_space<hbm>>, %arg3: memref<320000xi32, #tpu.memory_space<hbm>>, %arg4: memref<320000xi32, #tpu.memory_space<hbm>>, %arg5: memref<2x10000x128xf32, #tpu.memory_space<hbm>>, %arg6: memref<10000xi32, #tpu.memory_space<vmem>>, %arg7: memref<10000xi32, #tpu.memory_space<vmem>>, %arg8: memref<80x128xf32, #tpu.memory_space<vmem>>, %arg9: memref<80x128xf32, #tpu.memory_space<vmem>>, %arg10: memref<10000x128xf32, #tpu.memory_space<vmem_shared>>, %arg11: memref<!tpu.dma_semaphore, #tpu.memory_space<semaphore_mem>>, %arg12: memref<!tpu.dma_semaphore, #tpu.memory_space<semaphore_mem>>) attributes {dimension_semantics = [#tpu.dimension_semantics<core_parallel>, #tpu.dimension_semantics<subcore_parallel>], iteration_bounds = array<i64: 2, 16>, scalar_prefetch = 0 : i64, scratch_operands = 7 : i64, tpu.core_type = #tpu.core_type<sc_vector_subcore>, window_params = [{transform_indices = #map}, {transform_indices = #map1}, {transform_indices = #map1}, {transform_indices = #map2}]} {
    %mul3A = arith.constant 16 : i32
    %mul3A_0 = arith.muli %arg0, %mul3A : i32
    %add3A = arith.addi %mul3A_0, %arg1 : i32
    %mul3A_1 = arith.constant 624 : i32
    %mul3A_2 = arith.muli %arg1, %mul3A_1 : i32
    %scan3A = arith.constant 0 : i32
    %scan3A_3 = arith.constant 80 : i32
    %scan3A_4 = arith.addi %scan3A, %scan3A_3 : i32
    %scan3A_5 = arith.constant 1 : i32
    scf.for %scan3A_65 = %scan3A to %scan3A_4 step %scan3A_5  : i32 {
      %mul3A_66 = arith.constant 1 : i32
      %mul3A_67 = arith.muli %scan3A_65, %mul3A_66 : i32
      %add3A_68 = arith.constant 0 : i32
      %add3A_69 = arith.addi %add3A_68, %mul3A_67 : i32
      %broadcast_in_dim3A = arith.constant 0.000000e+00 : f32
      %broadcast_in_dim3A_70 = vector.broadcast %broadcast_in_dim3A : f32 to vector<16xf32>
      %swap3A = arith.index_cast %add3A_69 : i32 to index
      %swap3A_71 = arith.constant 0 : index
      %swap3A_72 = tpu.vector_load %arg8[%swap3A, %swap3A_71] {strides = array<i32>} : memref<80x128xf32, #tpu.memory_space<vmem>>, vector<1x16xf32>,
      %swap3A_73 = vector.shape_cast %swap3A_72 : vector<1x16xf32> to vector<16xf32>
      %swap3A_74 = vector.shape_cast %broadcast_in_dim3A_70 : vector<16xf32> to vector<1x16xf32>
      tpu.vector_store %arg8[%swap3A, %swap3A_71], %swap3A_74 {strides = array<i32>} : memref<80x128xf32, #tpu.memory_space<vmem>>, vector<1x16xf32>,
      %broadcast_in_dim3A_75 = arith.constant 0.000000e+00 : f32
      %broadcast_in_dim3A_76 = vector.broadcast %broadcast_in_dim3A_75 : f32 to vector<16xf32>
      %swap3A_77 = arith.index_cast %add3A_69 : i32 to index
      %swap3A_78 = arith.constant 16 : index
      %swap3A_79 = tpu.vector_load %arg8[%swap3A_77, %swap3A_78] {strides = array<i32>} : memref<80x128xf32, #tpu.memory_space<vmem>>, vector<1x16xf32>,
      %swap3A_80 = vector.shape_cast %swap3A_79 : vector<1x16xf32> to vector<16xf32>
      %swap3A_81 = vector.shape_cast %broadcast_in_dim3A_76 : vector<16xf32> to vector<1x16xf32>
      tpu.vector_store %arg8[%swap3A_77, %swap3A_78], %swap3A_81 {strides = array<i32>} : memref<80x128xf32, #tpu.memory_space<vmem>>, vector<1x16xf32>,
      %broadcast_in_dim3A_82 = arith.constant 0.000000e+00 : f32
      %broadcast_in_dim3A_83 = vector.broadcast %broadcast_in_dim3A_82 : f32 to vector<16xf32>
      %swap3A_84 = arith.index_cast %add3A_69 : i32 to index
      %swap3A_85 = arith.constant 32 : index
      %swap3A_86 = tpu.vector_load %arg8[%swap3A_84, %swap3A_85] {strides = array<i32>} : memref<80x128xf32, #tpu.memory_space<vmem>>, vector<1x16xf32>,
      %swap3A_87 = vector.shape_cast %swap3A_86 : vector<1x16xf32> to vector<16xf32>
      %swap3A_88 = vector.shape_cast %broadcast_in_dim3A_83 : vector<16xf32> to vector<1x16xf32>
      tpu.vector_store %arg8[%swap3A_84, %swap3A_85], %swap3A_88 {strides = array<i32>} : memref<80x128xf32, #tpu.memory_space<vmem>>, vector<1x16xf32>,
      %broadcast_in_dim3A_89 = arith.constant 0.000000e+00 : f32
      %broadcast_in_dim3A_90 = vector.broadcast %broadcast_in_dim3A_89 : f32 to vector<16xf32>
      %swap3A_91 = arith.index_cast %add3A_69 : i32 to index
      %swap3A_92 = arith.constant 48 : index
      %swap3A_93 = tpu.vector_load %arg8[%swap3A_91, %swap3A_92] {strides = array<i32>} : memref<80x128xf32, #tpu.memory_space<vmem>>, vector<1x16xf32>,
      %swap3A_94 = vector.shape_cast %swap3A_93 : vector<1x16xf32> to vector<16xf32>
      %swap3A_95 = vector.shape_cast %broadcast_in_dim3A_90 : vector<16xf32> to vector<1x16xf32>
      tpu.vector_store %arg8[%swap3A_91, %swap3A_92], %swap3A_95 {strides = array<i32>} : memref<80x128xf32, #tpu.memory_space<vmem>>, vector<1x16xf32>,
      %broadcast_in_dim3A_96 = arith.constant 0.000000e+00 : f32
      %broadcast_in_dim3A_97 = vector.broadcast %broadcast_in_dim3A_96 : f32 to vector<16xf32>
      %swap3A_98 = arith.index_cast %add3A_69 : i32 to index
      %swap3A_99 = arith.constant 64 : index
      %swap3A_100 = tpu.vector_load %arg8[%swap3A_98, %swap3A_99] {strides = array<i32>} : memref<80x128xf32, #tpu.memory_space<vmem>>, vector<1x16xf32>,
      %swap3A_101 = vector.shape_cast %swap3A_100 : vector<1x16xf32> to vector<16xf32>
      %swap3A_102 = vector.shape_cast %broadcast_in_dim3A_97 : vector<16xf32> to vector<1x16xf32>
      tpu.vector_store %arg8[%swap3A_98, %swap3A_99], %swap3A_102 {strides = array<i32>} : memref<80x128xf32, #tpu.memory_space<vmem>>, vector<1x16xf32>,
      %broadcast_in_dim3A_103 = arith.constant 0.000000e+00 : f32
      %broadcast_in_dim3A_104 = vector.broadcast %broadcast_in_dim3A_103 : f32 to vector<16xf32>
      %swap3A_105 = arith.index_cast %add3A_69 : i32 to index
      %swap3A_106 = arith.constant 80 : index
      %swap3A_107 = tpu.vector_load %arg8[%swap3A_105, %swap3A_106] {strides = array<i32>} : memref<80x128xf32, #tpu.memory_space<vmem>>, vector<1x16xf32>,
      %swap3A_108 = vector.shape_cast %swap3A_107 : vector<1x16xf32> to vector<16xf32>
      %swap3A_109 = vector.shape_cast %broadcast_in_dim3A_104 : vector<16xf32> to vector<1x16xf32>
      tpu.vector_store %arg8[%swap3A_105, %swap3A_106], %swap3A_109 {strides = array<i32>} : memref<80x128xf32, #tpu.memory_space<vmem>>, vector<1x16xf32>,
      %broadcast_in_dim3A_110 = arith.constant 0.000000e+00 : f32
      %broadcast_in_dim3A_111 = vector.broadcast %broadcast_in_dim3A_110 : f32 to vector<16xf32>
      %swap3A_112 = arith.index_cast %add3A_69 : i32 to index
      %swap3A_113 = arith.constant 96 : index
      %swap3A_114 = tpu.vector_load %arg8[%swap3A_112, %swap3A_113] {strides = array<i32>} : memref<80x128xf32, #tpu.memory_space<vmem>>, vector<1x16xf32>,
      %swap3A_115 = vector.shape_cast %swap3A_114 : vector<1x16xf32> to vector<16xf32>
      %swap3A_116 = vector.shape_cast %broadcast_in_dim3A_111 : vector<16xf32> to vector<1x16xf32>
      tpu.vector_store %arg8[%swap3A_112, %swap3A_113], %swap3A_116 {strides = array<i32>} : memref<80x128xf32, #tpu.memory_space<vmem>>, vector<1x16xf32>,
      %broadcast_in_dim3A_117 = arith.constant 0.000000e+00 : f32
      %broadcast_in_dim3A_118 = vector.broadcast %broadcast_in_dim3A_117 : f32 to vector<16xf32>
      %swap3A_119 = arith.index_cast %add3A_69 : i32 to index
      %swap3A_120 = arith.constant 112 : index
      %swap3A_121 = tpu.vector_load %arg8[%swap3A_119, %swap3A_120] {strides = array<i32>} : memref<80x128xf32, #tpu.memory_space<vmem>>, vector<1x16xf32>,
      %swap3A_122 = vector.shape_cast %swap3A_121 : vector<1x16xf32> to vector<16xf32>
      %swap3A_123 = vector.shape_cast %broadcast_in_dim3A_118 : vector<16xf32> to vector<1x16xf32>
      tpu.vector_store %arg8[%swap3A_119, %swap3A_120], %swap3A_123 {strides = array<i32>} : memref<80x128xf32, #tpu.memory_space<vmem>>, vector<1x16xf32>,
    }
    %scan3A_6 = arith.constant 80 : i32
    %add3A_7 = arith.constant 0 : i32
    %add3A_8 = arith.addi %mul3A_2, %add3A_7 : i32
    "tpu.region"() ({
      %run_scoped3A = tpu.sem_alloc : memref<!tpu.dma_semaphore, #tpu.memory_space<semaphore_mem>>
      %dma_start3A_65 = arith.constant 0 : i32
      %dma_start3A_66 = tpu.memref_slice %arg10[%add3A_8, %dma_start3A_65] : memref<10000x128xf32, #tpu.memory_space<vmem_shared>> -> memref<80x128xf32, #tpu.memory_space<vmem_shared>>
      %dma_start3A_67 = arith.constant 0 : i32
      %dma_start3A_68 = tpu.memref_slice %arg10[%add3A_8, %dma_start3A_67] : memref<10000x128xf32, #tpu.memory_space<vmem_shared>> -> memref<80x128xf32, #tpu.memory_space<vmem_shared>>
      tpu.enqueue_dma source(%arg8 : memref<80x128xf32, #tpu.memory_space<vmem>>) target(%dma_start3A_68 : memref<80x128xf32, #tpu.memory_space<vmem_shared>>) target_semaphore(%run_scoped3A : memref<!tpu.dma_semaphore, #tpu.memory_space<semaphore_mem>>)
      %dma_wait3A = arith.constant 0 : i32
      %dma_wait3A_69 = tpu.memref_slice %arg10[%add3A_8, %dma_wait3A] : memref<10000x128xf32, #tpu.memory_space<vmem_shared>> -> memref<80x128xf32, #tpu.memory_space<vmem_shared>>
      %dma_wait3A_70 = arith.constant 0 : i32
      %dma_wait3A_71 = tpu.memref_slice %arg10[%add3A_8, %dma_wait3A_70] : memref<10000x128xf32, #tpu.memory_space<vmem_shared>> -> memref<80x128xf32, #tpu.memory_space<vmem_shared>>
      tpu.wait_dma2 semaphore(%run_scoped3A : memref<!tpu.dma_semaphore, #tpu.memory_space<semaphore_mem>>) src(%arg8 : memref<80x128xf32, #tpu.memory_space<vmem>>) dst(%dma_wait3A_71 : memref<80x128xf32, #tpu.memory_space<vmem_shared>>)
      tpu.yield
    }) : () -> ()
    %add3A_9 = arith.constant 80 : i32
    %add3A_10 = arith.addi %mul3A_2, %add3A_9 : i32
    "tpu.region"() ({
      %run_scoped3A = tpu.sem_alloc : memref<!tpu.dma_semaphore, #tpu.memory_space<semaphore_mem>>
      %dma_start3A_65 = arith.constant 0 : i32
      %dma_start3A_66 = tpu.memref_slice %arg10[%add3A_10, %dma_start3A_65] : memref<10000x128xf32, #tpu.memory_space<vmem_shared>> -> memref<80x128xf32, #tpu.memory_space<vmem_shared>>
      %dma_start3A_67 = arith.constant 0 : i32
      %dma_start3A_68 = tpu.memref_slice %arg10[%add3A_10, %dma_start3A_67] : memref<10000x128xf32, #tpu.memory_space<vmem_shared>> -> memref<80x128xf32, #tpu.memory_space<vmem_shared>>
      tpu.enqueue_dma source(%arg8 : memref<80x128xf32, #tpu.memory_space<vmem>>) target(%dma_start3A_68 : memref<80x128xf32, #tpu.memory_space<vmem_shared>>) target_semaphore(%run_scoped3A : memref<!tpu.dma_semaphore, #tpu.memory_space<semaphore_mem>>)
      %dma_wait3A = arith.constant 0 : i32
      %dma_wait3A_69 = tpu.memref_slice %arg10[%add3A_10, %dma_wait3A] : memref<10000x128xf32, #tpu.memory_space<vmem_shared>> -> memref<80x128xf32, #tpu.memory_space<vmem_shared>>
      %dma_wait3A_70 = arith.constant 0 : i32
      %dma_wait3A_71 = tpu.memref_slice %arg10[%add3A_10, %dma_wait3A_70] : memref<10000x128xf32, #tpu.memory_space<vmem_shared>> -> memref<80x128xf32, #tpu.memory_space<vmem_shared>>
      tpu.wait_dma2 semaphore(%run_scoped3A : memref<!tpu.dma_semaphore, #tpu.memory_space<semaphore_mem>>) src(%arg8 : memref<80x128xf32, #tpu.memory_space<vmem>>) dst(%dma_wait3A_71 : memref<80x128xf32, #tpu.memory_space<vmem_shared>>)
      tpu.yield
    }) : () -> ()
    %add3A_11 = arith.constant 160 : i32
    %add3A_12 = arith.addi %mul3A_2, %add3A_11 : i32
    "tpu.region"() ({
      %run_scoped3A = tpu.sem_alloc : memref<!tpu.dma_semaphore, #tpu.memory_space<semaphore_mem>>
      %dma_start3A_65 = arith.constant 0 : i32
      %dma_start3A_66 = tpu.memref_slice %arg10[%add3A_12, %dma_start3A_65] : memref<10000x128xf32, #tpu.memory_space<vmem_shared>> -> memref<80x128xf32, #tpu.memory_space<vmem_shared>>
      %dma_start3A_67 = arith.constant 0 : i32
      %dma_start3A_68 = tpu.memref_slice %arg10[%add3A_12, %dma_start3A_67] : memref<10000x128xf32, #tpu.memory_space<vmem_shared>> -> memref<80x128xf32, #tpu.memory_space<vmem_shared>>
      tpu.enqueue_dma source(%arg8 : memref<80x128xf32, #tpu.memory_space<vmem>>) target(%dma_start3A_68 : memref<80x128xf32, #tpu.memory_space<vmem_shared>>) target_semaphore(%run_scoped3A : memref<!tpu.dma_semaphore, #tpu.memory_space<semaphore_mem>>)
      %dma_wait3A = arith.constant 0 : i32
      %dma_wait3A_69 = tpu.memref_slice %arg10[%add3A_12, %dma_wait3A] : memref<10000x128xf32, #tpu.memory_space<vmem_shared>> -> memref<80x128xf32, #tpu.memory_space<vmem_shared>>
      %dma_wait3A_70 = arith.constant 0 : i32
      %dma_wait3A_71 = tpu.memref_slice %arg10[%add3A_12, %dma_wait3A_70] : memref<10000x128xf32, #tpu.memory_space<vmem_shared>> -> memref<80x128xf32, #tpu.memory_space<vmem_shared>>
      tpu.wait_dma2 semaphore(%run_scoped3A : memref<!tpu.dma_semaphore, #tpu.memory_space<semaphore_mem>>) src(%arg8 : memref<80x128xf32, #tpu.memory_space<vmem>>) dst(%dma_wait3A_71 : memref<80x128xf32, #tpu.memory_space<vmem_shared>>)
      tpu.yield
    }) : () -> ()
    %add3A_13 = arith.constant 240 : i32
    %add3A_14 = arith.addi %mul3A_2, %add3A_13 : i32
    "tpu.region"() ({
      %run_scoped3A = tpu.sem_alloc : memref<!tpu.dma_semaphore, #tpu.memory_space<semaphore_mem>>
      %dma_start3A_65 = arith.constant 0 : i32
      %dma_start3A_66 = tpu.memref_slice %arg10[%add3A_14, %dma_start3A_65] : memref<10000x128xf32, #tpu.memory_space<vmem_shared>> -> memref<80x128xf32, #tpu.memory_space<vmem_shared>>
      %dma_start3A_67 = arith.constant 0 : i32
      %dma_start3A_68 = tpu.memref_slice %arg10[%add3A_14, %dma_start3A_67] : memref<10000x128xf32, #tpu.memory_space<vmem_shared>> -> memref<80x128xf32, #tpu.memory_space<vmem_shared>>
      tpu.enqueue_dma source(%arg8 : memref<80x128xf32, #tpu.memory_space<vmem>>) target(%dma_start3A_68 : memref<80x128xf32, #tpu.memory_space<vmem_shared>>) target_semaphore(%run_scoped3A : memref<!tpu.dma_semaphore, #tpu.memory_space<semaphore_mem>>)
      %dma_wait3A = arith.constant 0 : i32
      %dma_wait3A_69 = tpu.memref_slice %arg10[%add3A_14, %dma_wait3A] : memref<10000x128xf32, #tpu.memory_space<vmem_shared>> -> memref<80x128xf32, #tpu.memory_space<vmem_shared>>
      %dma_wait3A_70 = arith.constant 0 : i32
      %dma_wait3A_71 = tpu.memref_slice %arg10[%add3A_14, %dma_wait3A_70] : memref<10000x128xf32, #tpu.memory_space<vmem_shared>> -> memref<80x128xf32, #tpu.memory_space<vmem_shared>>
      tpu.wait_dma2 semaphore(%run_scoped3A : memref<!tpu.dma_semaphore, #tpu.memory_space<semaphore_mem>>) src(%arg8 : memref<80x128xf32, #tpu.memory_space<vmem>>) dst(%dma_wait3A_71 : memref<80x128xf32, #tpu.memory_space<vmem_shared>>)
      tpu.yield
    }) : () -> ()
    %add3A_15 = arith.constant 320 : i32
    %add3A_16 = arith.addi %mul3A_2, %add3A_15 : i32
    "tpu.region"() ({
      %run_scoped3A = tpu.sem_alloc : memref<!tpu.dma_semaphore, #tpu.memory_space<semaphore_mem>>
      %dma_start3A_65 = arith.constant 0 : i32
      %dma_start3A_66 = tpu.memref_slice %arg10[%add3A_16, %dma_start3A_65] : memref<10000x128xf32, #tpu.memory_space<vmem_shared>> -> memref<80x128xf32, #tpu.memory_space<vmem_shared>>
      %dma_start3A_67 = arith.constant 0 : i32
      %dma_start3A_68 = tpu.memref_slice %arg10[%add3A_16, %dma_start3A_67] : memref<10000x128xf32, #tpu.memory_space<vmem_shared>> -> memref<80x128xf32, #tpu.memory_space<vmem_shared>>
      tpu.enqueue_dma source(%arg8 : memref<80x128xf32, #tpu.memory_space<vmem>>) target(%dma_start3A_68 : memref<80x128xf32, #tpu.memory_space<vmem_shared>>) target_semaphore(%run_scoped3A : memref<!tpu.dma_semaphore, #tpu.memory_space<semaphore_mem>>)
      %dma_wait3A = arith.constant 0 : i32
      %dma_wait3A_69 = tpu.memref_slice %arg10[%add3A_16, %dma_wait3A] : memref<10000x128xf32, #tpu.memory_space<vmem_shared>> -> memref<80x128xf32, #tpu.memory_space<vmem_shared>>
      %dma_wait3A_70 = arith.constant 0 : i32
      %dma_wait3A_71 = tpu.memref_slice %arg10[%add3A_16, %dma_wait3A_70] : memref<10000x128xf32, #tpu.memory_space<vmem_shared>> -> memref<80x128xf32, #tpu.memory_space<vmem_shared>>
      tpu.wait_dma2 semaphore(%run_scoped3A : memref<!tpu.dma_semaphore, #tpu.memory_space<semaphore_mem>>) src(%arg8 : memref<80x128xf32, #tpu.memory_space<vmem>>) dst(%dma_wait3A_71 : memref<80x128xf32, #tpu.memory_space<vmem_shared>>)
      tpu.yield
    }) : () -> ()
    %add3A_17 = arith.constant 400 : i32
    %add3A_18 = arith.addi %mul3A_2, %add3A_17 : i32
    "tpu.region"() ({
      %run_scoped3A = tpu.sem_alloc : memref<!tpu.dma_semaphore, #tpu.memory_space<semaphore_mem>>
      %dma_start3A_65 = arith.constant 0 : i32
      %dma_start3A_66 = tpu.memref_slice %arg10[%add3A_18, %dma_start3A_65] : memref<10000x128xf32, #tpu.memory_space<vmem_shared>> -> memref<80x128xf32, #tpu.memory_space<vmem_shared>>
      %dma_start3A_67 = arith.constant 0 : i32
      %dma_start3A_68 = tpu.memref_slice %arg10[%add3A_18, %dma_start3A_67] : memref<10000x128xf32, #tpu.memory_space<vmem_shared>> -> memref<80x128xf32, #tpu.memory_space<vmem_shared>>
      tpu.enqueue_dma source(%arg8 : memref<80x128xf32, #tpu.memory_space<vmem>>) target(%dma_start3A_68 : memref<80x128xf32, #tpu.memory_space<vmem_shared>>) target_semaphore(%run_scoped3A : memref<!tpu.dma_semaphore, #tpu.memory_space<semaphore_mem>>)
      %dma_wait3A = arith.constant 0 : i32
      %dma_wait3A_69 = tpu.memref_slice %arg10[%add3A_18, %dma_wait3A] : memref<10000x128xf32, #tpu.memory_space<vmem_shared>> -> memref<80x128xf32, #tpu.memory_space<vmem_shared>>
      %dma_wait3A_70 = arith.constant 0 : i32
      %dma_wait3A_71 = tpu.memref_slice %arg10[%add3A_18, %dma_wait3A_70] : memref<10000x128xf32, #tpu.memory_space<vmem_shared>> -> memref<80x128xf32, #tpu.memory_space<vmem_shared>>
      tpu.wait_dma2 semaphore(%run_scoped3A : memref<!tpu.dma_semaphore, #tpu.memory_space<semaphore_mem>>) src(%arg8 : memref<80x128xf32, #tpu.memory_space<vmem>>) dst(%dma_wait3A_71 : memref<80x128xf32, #tpu.memory_space<vmem_shared>>)
      tpu.yield
    }) : () -> ()
    %add3A_19 = arith.constant 480 : i32
    %add3A_20 = arith.addi %mul3A_2, %add3A_19 : i32
    "tpu.region"() ({
      %run_scoped3A = tpu.sem_alloc : memref<!tpu.dma_semaphore, #tpu.memory_space<semaphore_mem>>
      %dma_start3A_65 = arith.constant 0 : i32
      %dma_start3A_66 = tpu.memref_slice %arg10[%add3A_20, %dma_start3A_65] : memref<10000x128xf32, #tpu.memory_space<vmem_shared>> -> memref<80x128xf32, #tpu.memory_space<vmem_shared>>
      %dma_start3A_67 = arith.constant 0 : i32
      %dma_start3A_68 = tpu.memref_slice %arg10[%add3A_20, %dma_start3A_67] : memref<10000x128xf32, #tpu.memory_space<vmem_shared>> -> memref<80x128xf32, #tpu.memory_space<vmem_shared>>
      tpu.enqueue_dma source(%arg8 : memref<80x128xf32, #tpu.memory_space<vmem>>) target(%dma_start3A_68 : memref<80x128xf32, #tpu.memory_space<vmem_shared>>) target_semaphore(%run_scoped3A : memref<!tpu.dma_semaphore, #tpu.memory_space<semaphore_mem>>)
      %dma_wait3A = arith.constant 0 : i32
      %dma_wait3A_69 = tpu.memref_slice %arg10[%add3A_20, %dma_wait3A] : memref<10000x128xf32, #tpu.memory_space<vmem_shared>> -> memref<80x128xf32, #tpu.memory_space<vmem_shared>>
      %dma_wait3A_70 = arith.constant 0 : i32
      %dma_wait3A_71 = tpu.memref_slice %arg10[%add3A_20, %dma_wait3A_70] : memref<10000x128xf32, #tpu.memory_space<vmem_shared>> -> memref<80x128xf32, #tpu.memory_space<vmem_shared>>
      tpu.wait_dma2 semaphore(%run_scoped3A : memref<!tpu.dma_semaphore, #tpu.memory_space<semaphore_mem>>) src(%arg8 : memref<80x128xf32, #tpu.memory_space<vmem>>) dst(%dma_wait3A_71 : memref<80x128xf32, #tpu.memory_space<vmem_shared>>)
      tpu.yield
    }) : () -> ()
    %lt3A = arith.constant 15 : i32
    %lt3A_21 = arith.cmpi slt, %arg1, %lt3A : i32
    %convert_element_type3A = arith.extui %lt3A_21 : i1 to i32
    %cond3A = arith.constant 0 : i32
    %cond3A_22 = arith.cmpi ne, %convert_element_type3A, %cond3A : i32
    scf.if %cond3A_22 {
      %add3A_65 = arith.constant 560 : i32
      %add3A_66 = arith.addi %mul3A_2, %add3A_65 : i32
      "tpu.region"() ({
        %run_scoped3A = tpu.sem_alloc : memref<!tpu.dma_semaphore, #tpu.memory_space<semaphore_mem>>
        %dma_start3A_67 = arith.constant 0 : i32
        %dma_start3A_68 = arith.constant 0 : i32
        %dma_start3A_69 = tpu.memref_slice %arg8[%dma_start3A_67, %dma_start3A_68] : memref<80x128xf32, #tpu.memory_space<vmem>> -> memref<64x128xf32, #tpu.memory_space<vmem>>
        %dma_start3A_70 = arith.constant 0 : i32
        %dma_start3A_71 = tpu.memref_slice %arg10[%add3A_66, %dma_start3A_70] : memref<10000x128xf32, #tpu.memory_space<vmem_shared>> -> memref<64x128xf32, #tpu.memory_space<vmem_shared>>
        %dma_start3A_72 = arith.constant 0 : i32
        %dma_start3A_73 = tpu.memref_slice %arg10[%add3A_66, %dma_start3A_72] : memref<10000x128xf32, #tpu.memory_space<vmem_shared>> -> memref<64x128xf32, #tpu.memory_space<vmem_shared>>
        %dma_start3A_74 = arith.constant 0 : i32
        %dma_start3A_75 = arith.constant 0 : i32
        %dma_start3A_76 = tpu.memref_slice %arg8[%dma_start3A_74, %dma_start3A_75] : memref<80x128xf32, #tpu.memory_space<vmem>> -> memref<64x128xf32, #tpu.memory_space<vmem>>
        tpu.enqueue_dma source(%dma_start3A_76 : memref<64x128xf32, #tpu.memory_space<vmem>>) target(%dma_start3A_73 : memref<64x128xf32, #tpu.memory_space<vmem_shared>>) target_semaphore(%run_scoped3A : memref<!tpu.dma_semaphore, #tpu.memory_space<semaphore_mem>>)
        %dma_wait3A = arith.constant 0 : i32
        %dma_wait3A_77 = arith.constant 0 : i32
        %dma_wait3A_78 = tpu.memref_slice %arg8[%dma_wait3A, %dma_wait3A_77] : memref<80x128xf32, #tpu.memory_space<vmem>> -> memref<64x128xf32, #tpu.memory_space<vmem>>
        %dma_wait3A_79 = arith.constant 0 : i32
        %dma_wait3A_80 = tpu.memref_slice %arg10[%add3A_66, %dma_wait3A_79] : memref<10000x128xf32, #tpu.memory_space<vmem_shared>> -> memref<64x128xf32, #tpu.memory_space<vmem_shared>>
        %dma_wait3A_81 = arith.constant 0 : i32
        %dma_wait3A_82 = tpu.memref_slice %arg10[%add3A_66, %dma_wait3A_81] : memref<10000x128xf32, #tpu.memory_space<vmem_shared>> -> memref<64x128xf32, #tpu.memory_space<vmem_shared>>
        %dma_wait3A_83 = arith.constant 0 : i32
        %dma_wait3A_84 = arith.constant 0 : i32
        %dma_wait3A_85 = tpu.memref_slice %arg8[%dma_wait3A_83, %dma_wait3A_84] : memref<80x128xf32, #tpu.memory_space<vmem>> -> memref<64x128xf32, #tpu.memory_space<vmem>>
        tpu.wait_dma2 semaphore(%run_scoped3A : memref<!tpu.dma_semaphore, #tpu.memory_space<semaphore_mem>>) src(%dma_wait3A_85 : memref<64x128xf32, #tpu.memory_space<vmem>>) dst(%dma_wait3A_82 : memref<64x128xf32, #tpu.memory_space<vmem_shared>>)
        tpu.yield
      }) : () -> ()
    } else {
    }
    %eq3A = arith.constant 15 : i32
    %eq3A_23 = arith.cmpi eq, %arg1, %eq3A : i32
    %convert_element_type3A_24 = arith.extui %eq3A_23 : i1 to i32
    %cond3A_25 = arith.constant 0 : i32
    %cond3A_26 = arith.cmpi ne, %convert_element_type3A_24, %cond3A_25 : i32
    scf.if %cond3A_26 {
      %add3A_65 = arith.constant 560 : i32
      %add3A_66 = arith.addi %mul3A_2, %add3A_65 : i32
      "tpu.region"() ({
        %run_scoped3A = tpu.sem_alloc : memref<!tpu.dma_semaphore, #tpu.memory_space<semaphore_mem>>
        %dma_start3A_67 = arith.constant 0 : i32
        %dma_start3A_68 = tpu.memref_slice %arg10[%add3A_66, %dma_start3A_67] : memref<10000x128xf32, #tpu.memory_space<vmem_shared>> -> memref<80x128xf32, #tpu.memory_space<vmem_shared>>
        %dma_start3A_69 = arith.constant 0 : i32
        %dma_start3A_70 = tpu.memref_slice %arg10[%add3A_66, %dma_start3A_69] : memref<10000x128xf32, #tpu.memory_space<vmem_shared>> -> memref<80x128xf32, #tpu.memory_space<vmem_shared>>
        tpu.enqueue_dma source(%arg8 : memref<80x128xf32, #tpu.memory_space<vmem>>) target(%dma_start3A_70 : memref<80x128xf32, #tpu.memory_space<vmem_shared>>) target_semaphore(%run_scoped3A : memref<!tpu.dma_semaphore, #tpu.memory_space<semaphore_mem>>)
        %dma_wait3A = arith.constant 0 : i32
        %dma_wait3A_71 = tpu.memref_slice %arg10[%add3A_66, %dma_wait3A] : memref<10000x128xf32, #tpu.memory_space<vmem_shared>> -> memref<80x128xf32, #tpu.memory_space<vmem_shared>>
        %dma_wait3A_72 = arith.constant 0 : i32
        %dma_wait3A_73 = tpu.memref_slice %arg10[%add3A_66, %dma_wait3A_72] : memref<10000x128xf32, #tpu.memory_space<vmem_shared>> -> memref<80x128xf32, #tpu.memory_space<vmem_shared>>
        tpu.wait_dma2 semaphore(%run_scoped3A : memref<!tpu.dma_semaphore, #tpu.memory_space<semaphore_mem>>) src(%arg8 : memref<80x128xf32, #tpu.memory_space<vmem>>) dst(%dma_wait3A_73 : memref<80x128xf32, #tpu.memory_space<vmem_shared>>)
        tpu.yield
      }) : () -> ()
    } else {
    }
    %mul3A_27 = arith.constant 10000 : i32
    %mul3A_28 = arith.muli %add3A, %mul3A_27 : i32
    "tpu.region"() ({
      %run_scoped3A = tpu.sem_alloc : memref<!tpu.dma_semaphore, #tpu.memory_space<semaphore_mem>>
      %dma_start3A_65 = tpu.memref_slice %arg3[%mul3A_28] : memref<320000xi32, #tpu.memory_space<hbm>> -> memref<10000xi32, #tpu.memory_space<hbm>>
      %dma_start3A_66 = tpu.memref_slice %arg3[%mul3A_28] : memref<320000xi32, #tpu.memory_space<hbm>> -> memref<10000xi32, #tpu.memory_space<hbm>>
      tpu.enqueue_dma source(%dma_start3A_66 : memref<10000xi32, #tpu.memory_space<hbm>>) target(%arg6 : memref<10000xi32, #tpu.memory_space<vmem>>) target_semaphore(%run_scoped3A : memref<!tpu.dma_semaphore, #tpu.memory_space<semaphore_mem>>)
      %dma_wait3A = tpu.memref_slice %arg3[%mul3A_28] : memref<320000xi32, #tpu.memory_space<hbm>> -> memref<10000xi32, #tpu.memory_space<hbm>>
      %dma_wait3A_67 = tpu.memref_slice %arg3[%mul3A_28] : memref<320000xi32, #tpu.memory_space<hbm>> -> memref<10000xi32, #tpu.memory_space<hbm>>
      tpu.wait_dma2 semaphore(%run_scoped3A : memref<!tpu.dma_semaphore, #tpu.memory_space<semaphore_mem>>) src(%dma_wait3A_67 : memref<10000xi32, #tpu.memory_space<hbm>>) dst(%arg6 : memref<10000xi32, #tpu.memory_space<vmem>>)
      tpu.yield
    }) : () -> ()
    %mul3A_29 = arith.constant 10000 : i32
    %mul3A_30 = arith.muli %add3A, %mul3A_29 : i32
    "tpu.region"() ({
      %run_scoped3A = tpu.sem_alloc : memref<!tpu.dma_semaphore, #tpu.memory_space<semaphore_mem>>
      %dma_start3A_65 = tpu.memref_slice %arg4[%mul3A_30] : memref<320000xi32, #tpu.memory_space<hbm>> -> memref<10000xi32, #tpu.memory_space<hbm>>
      %dma_start3A_66 = tpu.memref_slice %arg4[%mul3A_30] : memref<320000xi32, #tpu.memory_space<hbm>> -> memref<10000xi32, #tpu.memory_space<hbm>>
      tpu.enqueue_dma source(%dma_start3A_66 : memref<10000xi32, #tpu.memory_space<hbm>>) target(%arg7 : memref<10000xi32, #tpu.memory_space<vmem>>) target_semaphore(%run_scoped3A : memref<!tpu.dma_semaphore, #tpu.memory_space<semaphore_mem>>)
      %dma_wait3A = tpu.memref_slice %arg4[%mul3A_30] : memref<320000xi32, #tpu.memory_space<hbm>> -> memref<10000xi32, #tpu.memory_space<hbm>>
      %dma_wait3A_67 = tpu.memref_slice %arg4[%mul3A_30] : memref<320000xi32, #tpu.memory_space<hbm>> -> memref<10000xi32, #tpu.memory_space<hbm>>
      tpu.wait_dma2 semaphore(%run_scoped3A : memref<!tpu.dma_semaphore, #tpu.memory_space<semaphore_mem>>) src(%dma_wait3A_67 : memref<10000xi32, #tpu.memory_space<hbm>>) dst(%arg7 : memref<10000xi32, #tpu.memory_space<vmem>>)
      tpu.yield
    }) : () -> ()
    %dma_start3A = arith.constant 0 : i32
    %dma_start3A_31 = tpu.memref_slice %arg6[%dma_start3A] : memref<10000xi32, #tpu.memory_space<vmem>> -> memref<80xi32, #tpu.memory_space<vmem>>
    %dma_start3A_32 = arith.constant 0 : i32
    %dma_start3A_33 = arith.constant 0 : i32
    %dma_start3A_34 = tpu.memref_slice %arg2[%dma_start3A_32, %dma_start3A_33] : memref<10000x128xf32, #tpu.memory_space<hbm>> -> memref<10000x128xf32, #tpu.memory_space<hbm>>
    tpu.enqueue_indirect_dma source(%dma_start3A_34 : memref<10000x128xf32, #tpu.memory_space<hbm>>) target(%arg8 : memref<80x128xf32, #tpu.memory_space<vmem>>) offsets(%dma_start3A_31 : memref<80xi32, #tpu.memory_space<vmem>>) semaphore(%arg11 : memref<!tpu.dma_semaphore, #tpu.memory_space<semaphore_mem>>)
    %barrier3A = arith.constant 0 : index
    tpu.barrier barrier_id(%barrier3A)
    %scan3A_35 = arith.constant 0 : i32
    %scan3A_36 = arith.constant 63 : i32
    %scan3A_37 = arith.addi %scan3A_35, %scan3A_36 : i32
    %scan3A_38 = arith.constant 1 : i32
    scf.for %scan3A_65 = %scan3A_35 to %scan3A_37 step %scan3A_38  : i32 {
      %mul3A_66 = arith.constant 2 : i32
      %mul3A_67 = arith.muli %scan3A_65, %mul3A_66 : i32
      %add3A_68 = arith.constant 0 : i32
      %add3A_69 = arith.addi %add3A_68, %mul3A_67 : i32
      %add3A_70 = arith.constant 1 : i32
      %add3A_71 = arith.addi %add3A_69, %add3A_70 : i32
      %lt3A_72 = arith.constant 125 : i32
      %lt3A_73 = arith.cmpi slt, %add3A_71, %lt3A_72 : i32
      %convert_element_type3A_74 = arith.extui %lt3A_73 : i1 to i32
      %cond3A_75 = arith.constant 0 : i32
      %cond3A_76 = arith.cmpi ne, %convert_element_type3A_74, %cond3A_75 : i32
      scf.if %cond3A_76 {
        %add3A_98 = arith.constant 1 : i32
        %add3A_99 = arith.addi %add3A_69, %add3A_98 : i32
        %mul3A_100 = arith.constant 80 : i32
        %mul3A_101 = arith.muli %add3A_99, %mul3A_100 : i32
        %dma_start3A_102 = tpu.memref_slice %arg6[%mul3A_101] : memref<10000xi32, #tpu.memory_space<vmem>> -> memref<80xi32, #tpu.memory_space<vmem>>
        %dma_start3A_103 = arith.constant 0 : i32
        %dma_start3A_104 = arith.constant 0 : i32
        %dma_start3A_105 = tpu.memref_slice %arg2[%dma_start3A_103, %dma_start3A_104] : memref<10000x128xf32, #tpu.memory_space<hbm>> -> memref<10000x128xf32, #tpu.memory_space<hbm>>
        tpu.enqueue_indirect_dma source(%dma_start3A_105 : memref<10000x128xf32, #tpu.memory_space<hbm>>) target(%arg9 : memref<80x128xf32, #tpu.memory_space<vmem>>) offsets(%dma_start3A_102 : memref<80xi32, #tpu.memory_space<vmem>>) semaphore(%arg12 : memref<!tpu.dma_semaphore, #tpu.memory_space<semaphore_mem>>)
      } else {
      }
      %mul3A_77 = arith.constant 80 : i32
      %mul3A_78 = arith.muli %add3A_69, %mul3A_77 : i32
      %dma_wait3A = tpu.memref_slice %arg6[%mul3A_78] : memref<10000xi32, #tpu.memory_space<vmem>> -> memref<80xi32, #tpu.memory_space<vmem>>
      %dma_wait3A_79 = arith.constant 0 : i32
      %dma_wait3A_80 = arith.constant 0 : i32
      %dma_wait3A_81 = tpu.memref_slice %arg2[%dma_wait3A_79, %dma_wait3A_80] : memref<10000x128xf32, #tpu.memory_space<hbm>> -> memref<10000x128xf32, #tpu.memory_space<hbm>>
      tpu.wait_indirect_dma semaphore(%arg11 : memref<!tpu.dma_semaphore, #tpu.memory_space<semaphore_mem>>) src(%dma_wait3A_81 : memref<10000x128xf32, #tpu.memory_space<hbm>>) dst(%arg8 : memref<80x128xf32, #tpu.memory_space<vmem>>)
      %mul3A_82 = arith.constant 80 : i32
      %mul3A_83 = arith.muli %add3A_69, %mul3A_82 : i32
      "tpu.region"() ({
        %run_scoped3A = tpu.sem_alloc : memref<!tpu.dma_semaphore, #tpu.memory_space<semaphore_mem>>
        %dma_start3A_98 = tpu.memref_slice %arg7[%mul3A_83] : memref<10000xi32, #tpu.memory_space<vmem>> -> memref<80xi32, #tpu.memory_space<vmem>>
        %dma_start3A_99 = arith.constant 0 : i32
        %dma_start3A_100 = arith.constant 0 : i32
        %dma_start3A_101 = tpu.memref_slice %arg10[%dma_start3A_99, %dma_start3A_100] : memref<10000x128xf32, #tpu.memory_space<vmem_shared>> -> memref<10000x128xf32, #tpu.memory_space<vmem_shared>>
        tpu.enqueue_indirect_dma source(%arg8 : memref<80x128xf32, #tpu.memory_space<vmem>>) target(%dma_start3A_101 : memref<10000x128xf32, #tpu.memory_space<vmem_shared>>) offsets(%dma_start3A_98 : memref<80xi32, #tpu.memory_space<vmem>>) semaphore(%run_scoped3A : memref<!tpu.dma_semaphore, #tpu.memory_space<semaphore_mem>>) {add = true}
        %dma_wait3A_102 = tpu.memref_slice %arg7[%mul3A_83] : memref<10000xi32, #tpu.memory_space<vmem>> -> memref<80xi32, #tpu.memory_space<vmem>>
        %dma_wait3A_103 = arith.constant 0 : i32
        %dma_wait3A_104 = arith.constant 0 : i32
        %dma_wait3A_105 = tpu.memref_slice %arg10[%dma_wait3A_103, %dma_wait3A_104] : memref<10000x128xf32, #tpu.memory_space<vmem_shared>> -> memref<10000x128xf32, #tpu.memory_space<vmem_shared>>
        tpu.wait_indirect_dma semaphore(%run_scoped3A : memref<!tpu.dma_semaphore, #tpu.memory_space<semaphore_mem>>) src(%arg8 : memref<80x128xf32, #tpu.memory_space<vmem>>) dst(%dma_wait3A_105 : memref<10000x128xf32, #tpu.memory_space<vmem_shared>>)
        tpu.yield
      }) : () -> ()
      %add3A_84 = arith.constant 2 : i32
      %add3A_85 = arith.addi %add3A_69, %add3A_84 : i32
      %lt3A_86 = arith.constant 125 : i32
      %lt3A_87 = arith.cmpi slt, %add3A_85, %lt3A_86 : i32
      %convert_element_type3A_88 = arith.extui %lt3A_87 : i1 to i32
      %cond3A_89 = arith.constant 0 : i32
      %cond3A_90 = arith.cmpi ne, %convert_element_type3A_88, %cond3A_89 : i32
      scf.if %cond3A_90 {
        %add3A_98 = arith.constant 2 : i32
        %add3A_99 = arith.addi %add3A_69, %add3A_98 : i32
        %mul3A_100 = arith.constant 80 : i32
        %mul3A_101 = arith.muli %add3A_99, %mul3A_100 : i32
        %dma_start3A_102 = tpu.memref_slice %arg6[%mul3A_101] : memref<10000xi32, #tpu.memory_space<vmem>> -> memref<80xi32, #tpu.memory_space<vmem>>
        %dma_start3A_103 = arith.constant 0 : i32
        %dma_start3A_104 = arith.constant 0 : i32
        %dma_start3A_105 = tpu.memref_slice %arg2[%dma_start3A_103, %dma_start3A_104] : memref<10000x128xf32, #tpu.memory_space<hbm>> -> memref<10000x128xf32, #tpu.memory_space<hbm>>
        tpu.enqueue_indirect_dma source(%dma_start3A_105 : memref<10000x128xf32, #tpu.memory_space<hbm>>) target(%arg8 : memref<80x128xf32, #tpu.memory_space<vmem>>) offsets(%dma_start3A_102 : memref<80xi32, #tpu.memory_space<vmem>>) semaphore(%arg11 : memref<!tpu.dma_semaphore, #tpu.memory_space<semaphore_mem>>)
      } else {
      }
      %add3A_91 = arith.constant 1 : i32
      %add3A_92 = arith.addi %add3A_69, %add3A_91 : i32
      %lt3A_93 = arith.constant 125 : i32
      %lt3A_94 = arith.cmpi slt, %add3A_92, %lt3A_93 : i32
      %convert_element_type3A_95 = arith.extui %lt3A_94 : i1 to i32
      %cond3A_96 = arith.constant 0 : i32
      %cond3A_97 = arith.cmpi ne, %convert_element_type3A_95, %cond3A_96 : i32
      scf.if %cond3A_97 {
        %add3A_98 = arith.constant 1 : i32
        %add3A_99 = arith.addi %add3A_69, %add3A_98 : i32
        %mul3A_100 = arith.constant 80 : i32
        %mul3A_101 = arith.muli %add3A_99, %mul3A_100 : i32
        %dma_wait3A_102 = tpu.memref_slice %arg6[%mul3A_101] : memref<10000xi32, #tpu.memory_space<vmem>> -> memref<80xi32, #tpu.memory_space<vmem>>
        %dma_wait3A_103 = arith.constant 0 : i32
        %dma_wait3A_104 = arith.constant 0 : i32
        %dma_wait3A_105 = tpu.memref_slice %arg2[%dma_wait3A_103, %dma_wait3A_104] : memref<10000x128xf32, #tpu.memory_space<hbm>> -> memref<10000x128xf32, #tpu.memory_space<hbm>>
        tpu.wait_indirect_dma semaphore(%arg12 : memref<!tpu.dma_semaphore, #tpu.memory_space<semaphore_mem>>) src(%dma_wait3A_105 : memref<10000x128xf32, #tpu.memory_space<hbm>>) dst(%arg9 : memref<80x128xf32, #tpu.memory_space<vmem>>)
        %add3A_106 = arith.constant 1 : i32
        %add3A_107 = arith.addi %add3A_69, %add3A_106 : i32
        %mul3A_108 = arith.constant 80 : i32
        %mul3A_109 = arith.muli %add3A_107, %mul3A_108 : i32
        "tpu.region"() ({
          %run_scoped3A = tpu.sem_alloc : memref<!tpu.dma_semaphore, #tpu.memory_space<semaphore_mem>>
          %dma_start3A_110 = tpu.memref_slice %arg7[%mul3A_109] : memref<10000xi32, #tpu.memory_space<vmem>> -> memref<80xi32, #tpu.memory_space<vmem>>
          %dma_start3A_111 = arith.constant 0 : i32
          %dma_start3A_112 = arith.constant 0 : i32
          %dma_start3A_113 = tpu.memref_slice %arg10[%dma_start3A_111, %dma_start3A_112] : memref<10000x128xf32, #tpu.memory_space<vmem_shared>> -> memref<10000x128xf32, #tpu.memory_space<vmem_shared>>
          tpu.enqueue_indirect_dma source(%arg9 : memref<80x128xf32, #tpu.memory_space<vmem>>) target(%dma_start3A_113 : memref<10000x128xf32, #tpu.memory_space<vmem_shared>>) offsets(%dma_start3A_110 : memref<80xi32, #tpu.memory_space<vmem>>) semaphore(%run_scoped3A : memref<!tpu.dma_semaphore, #tpu.memory_space<semaphore_mem>>) {add = true}
          %dma_wait3A_114 = tpu.memref_slice %arg7[%mul3A_109] : memref<10000xi32, #tpu.memory_space<vmem>> -> memref<80xi32, #tpu.memory_space<vmem>>
          %dma_wait3A_115 = arith.constant 0 : i32
          %dma_wait3A_116 = arith.constant 0 : i32
          %dma_wait3A_117 = tpu.memref_slice %arg10[%dma_wait3A_115, %dma_wait3A_116] : memref<10000x128xf32, #tpu.memory_space<vmem_shared>> -> memref<10000x128xf32, #tpu.memory_space<vmem_shared>>
          tpu.wait_indirect_dma semaphore(%run_scoped3A : memref<!tpu.dma_semaphore, #tpu.memory_space<semaphore_mem>>) src(%arg9 : memref<80x128xf32, #tpu.memory_space<vmem>>) dst(%dma_wait3A_117 : memref<10000x128xf32, #tpu.memory_space<vmem_shared>>)
          tpu.yield
        }) : () -> ()
      } else {
      }
    }
    %scan3A_39 = arith.constant 63 : i32
    %barrier3A_40 = arith.constant 0 : index
    tpu.barrier barrier_id(%barrier3A_40)
    %add3A_41 = arith.constant 0 : i32
    %add3A_42 = arith.addi %mul3A_2, %add3A_41 : i32
    "tpu.region"() ({
      %run_scoped3A = tpu.sem_alloc : memref<!tpu.dma_semaphore, #tpu.memory_space<semaphore_mem>>
      %dma_start3A_65 = arith.constant 0 : i32
      %dma_start3A_66 = arith.constant 0 : i32
      %dma_start3A_67 = tpu.memref_slice %arg8[%dma_start3A_65, %dma_start3A_66] : memref<80x128xf32, #tpu.memory_space<vmem>> -> memref<80x128xf32, #tpu.memory_space<vmem>>
      %dma_start3A_68 = arith.constant 0 : i32
      %dma_start3A_69 = tpu.memref_slice %arg10[%add3A_42, %dma_start3A_68] : memref<10000x128xf32, #tpu.memory_space<vmem_shared>> -> memref<80x128xf32, #tpu.memory_space<vmem_shared>>
      %dma_start3A_70 = arith.constant 0 : i32
      %dma_start3A_71 = arith.constant 0 : i32
      %dma_start3A_72 = tpu.memref_slice %arg8[%dma_start3A_70, %dma_start3A_71] : memref<80x128xf32, #tpu.memory_space<vmem>> -> memref<80x128xf32, #tpu.memory_space<vmem>>
      %dma_start3A_73 = arith.constant 0 : i32
      %dma_start3A_74 = tpu.memref_slice %arg10[%add3A_42, %dma_start3A_73] : memref<10000x128xf32, #tpu.memory_space<vmem_shared>> -> memref<80x128xf32, #tpu.memory_space<vmem_shared>>
      tpu.enqueue_dma source(%dma_start3A_74 : memref<80x128xf32, #tpu.memory_space<vmem_shared>>) target(%dma_start3A_72 : memref<80x128xf32, #tpu.memory_space<vmem>>) target_semaphore(%run_scoped3A : memref<!tpu.dma_semaphore, #tpu.memory_space<semaphore_mem>>)
      %dma_wait3A = arith.constant 0 : i32
      %dma_wait3A_75 = arith.constant 0 : i32
      %dma_wait3A_76 = tpu.memref_slice %arg8[%dma_wait3A, %dma_wait3A_75] : memref<80x128xf32, #tpu.memory_space<vmem>> -> memref<80x128xf32, #tpu.memory_space<vmem>>
      %dma_wait3A_77 = arith.constant 0 : i32
      %dma_wait3A_78 = tpu.memref_slice %arg10[%add3A_42, %dma_wait3A_77] : memref<10000x128xf32, #tpu.memory_space<vmem_shared>> -> memref<80x128xf32, #tpu.memory_space<vmem_shared>>
      %dma_wait3A_79 = arith.constant 0 : i32
      %dma_wait3A_80 = arith.constant 0 : i32
      %dma_wait3A_81 = tpu.memref_slice %arg8[%dma_wait3A_79, %dma_wait3A_80] : memref<80x128xf32, #tpu.memory_space<vmem>> -> memref<80x128xf32, #tpu.memory_space<vmem>>
      %dma_wait3A_82 = arith.constant 0 : i32
      %dma_wait3A_83 = tpu.memref_slice %arg10[%add3A_42, %dma_wait3A_82] : memref<10000x128xf32, #tpu.memory_space<vmem_shared>> -> memref<80x128xf32, #tpu.memory_space<vmem_shared>>
      tpu.wait_dma2 semaphore(%run_scoped3A : memref<!tpu.dma_semaphore, #tpu.memory_space<semaphore_mem>>) src(%dma_wait3A_83 : memref<80x128xf32, #tpu.memory_space<vmem_shared>>) dst(%dma_wait3A_81 : memref<80x128xf32, #tpu.memory_space<vmem>>)
      tpu.yield
    }) : () -> ()
    "tpu.region"() ({
      %run_scoped3A = tpu.sem_alloc : memref<!tpu.dma_semaphore, #tpu.memory_space<semaphore_mem>>
      %dma_start3A_65 = arith.constant 0 : i32
      %dma_start3A_66 = arith.constant 0 : i32
      %dma_start3A_67 = tpu.memref_slice %arg8[%dma_start3A_65, %dma_start3A_66] : memref<80x128xf32, #tpu.memory_space<vmem>> -> memref<80x128xf32, #tpu.memory_space<vmem>>
      %dma_start3A_68 = arith.constant 0 : i32
      %dma_start3A_69 = tpu.memref_slice %arg5[%arg0, %add3A_42, %dma_start3A_68] : memref<2x10000x128xf32, #tpu.memory_space<hbm>> -> memref<1x80x128xf32, #tpu.memory_space<hbm>>
      %dma_start3A_70 = tpu.memref_squeeze %dma_start3A_69 : memref<1x80x128xf32, #tpu.memory_space<hbm>> -> memref<80x128xf32, #tpu.memory_space<hbm>>
      %dma_start3A_71 = arith.constant 0 : i32
      %dma_start3A_72 = tpu.memref_slice %arg5[%arg0, %add3A_42, %dma_start3A_71] : memref<2x10000x128xf32, #tpu.memory_space<hbm>> -> memref<1x80x128xf32, #tpu.memory_space<hbm>>
      %dma_start3A_73 = tpu.memref_squeeze %dma_start3A_72 : memref<1x80x128xf32, #tpu.memory_space<hbm>> -> memref<80x128xf32, #tpu.memory_space<hbm>>
      %dma_start3A_74 = arith.constant 0 : i32
      %dma_start3A_75 = arith.constant 0 : i32
      %dma_start3A_76 = tpu.memref_slice %arg8[%dma_start3A_74, %dma_start3A_75] : memref<80x128xf32, #tpu.memory_space<vmem>> -> memref<80x128xf32, #tpu.memory_space<vmem>>
      tpu.enqueue_dma source(%dma_start3A_76 : memref<80x128xf32, #tpu.memory_space<vmem>>) target(%dma_start3A_73 : memref<80x128xf32, #tpu.memory_space<hbm>>) target_semaphore(%run_scoped3A : memref<!tpu.dma_semaphore, #tpu.memory_space<semaphore_mem>>)
      %dma_wait3A = arith.constant 0 : i32
      %dma_wait3A_77 = arith.constant 0 : i32
      %dma_wait3A_78 = tpu.memref_slice %arg8[%dma_wait3A, %dma_wait3A_77] : memref<80x128xf32, #tpu.memory_space<vmem>> -> memref<80x128xf32, #tpu.memory_space<vmem>>
      %dma_wait3A_79 = arith.constant 0 : i32
      %dma_wait3A_80 = tpu.memref_slice %arg5[%arg0, %add3A_42, %dma_wait3A_79] : memref<2x10000x128xf32, #tpu.memory_space<hbm>> -> memref<1x80x128xf32, #tpu.memory_space<hbm>>
      %dma_wait3A_81 = tpu.memref_squeeze %dma_wait3A_80 : memref<1x80x128xf32, #tpu.memory_space<hbm>> -> memref<80x128xf32, #tpu.memory_space<hbm>>
      %dma_wait3A_82 = arith.constant 0 : i32
      %dma_wait3A_83 = tpu.memref_slice %arg5[%arg0, %add3A_42, %dma_wait3A_82] : memref<2x10000x128xf32, #tpu.memory_space<hbm>> -> memref<1x80x128xf32, #tpu.memory_space<hbm>>
      %dma_wait3A_84 = tpu.memref_squeeze %dma_wait3A_83 : memref<1x80x128xf32, #tpu.memory_space<hbm>> -> memref<80x128xf32, #tpu.memory_space<hbm>>
      %dma_wait3A_85 = arith.constant 0 : i32
      %dma_wait3A_86 = arith.constant 0 : i32
      %dma_wait3A_87 = tpu.memref_slice %arg8[%dma_wait3A_85, %dma_wait3A_86] : memref<80x128xf32, #tpu.memory_space<vmem>> -> memref<80x128xf32, #tpu.memory_space<vmem>>
      tpu.wait_dma2 semaphore(%run_scoped3A : memref<!tpu.dma_semaphore, #tpu.memory_space<semaphore_mem>>) src(%dma_wait3A_87 : memref<80x128xf32, #tpu.memory_space<vmem>>) dst(%dma_wait3A_84 : memref<80x128xf32, #tpu.memory_space<hbm>>)
      tpu.yield
    }) : () -> ()
    %add3A_43 = arith.constant 80 : i32
    %add3A_44 = arith.addi %mul3A_2, %add3A_43 : i32
    "tpu.region"() ({
      %run_scoped3A = tpu.sem_alloc : memref<!tpu.dma_semaphore, #tpu.memory_space<semaphore_mem>>
      %dma_start3A_65 = arith.constant 0 : i32
      %dma_start3A_66 = arith.constant 0 : i32
      %dma_start3A_67 = tpu.memref_slice %arg8[%dma_start3A_65, %dma_start3A_66] : memref<80x128xf32, #tpu.memory_space<vmem>> -> memref<80x128xf32, #tpu.memory_space<vmem>>
      %dma_start3A_68 = arith.constant 0 : i32
      %dma_start3A_69 = tpu.memref_slice %arg10[%add3A_44, %dma_start3A_68] : memref<10000x128xf32, #tpu.memory_space<vmem_shared>> -> memref<80x128xf32, #tpu.memory_space<vmem_shared>>
      %dma_start3A_70 = arith.constant 0 : i32
      %dma_start3A_71 = arith.constant 0 : i32
      %dma_start3A_72 = tpu.memref_slice %arg8[%dma_start3A_70, %dma_start3A_71] : memref<80x128xf32, #tpu.memory_space<vmem>> -> memref<80x128xf32, #tpu.memory_space<vmem>>
      %dma_start3A_73 = arith.constant 0 : i32
      %dma_start3A_74 = tpu.memref_slice %arg10[%add3A_44, %dma_start3A_73] : memref<10000x128xf32, #tpu.memory_space<vmem_shared>> -> memref<80x128xf32, #tpu.memory_space<vmem_shared>>
      tpu.enqueue_dma source(%dma_start3A_74 : memref<80x128xf32, #tpu.memory_space<vmem_shared>>) target(%dma_start3A_72 : memref<80x128xf32, #tpu.memory_space<vmem>>) target_semaphore(%run_scoped3A : memref<!tpu.dma_semaphore, #tpu.memory_space<semaphore_mem>>)
      %dma_wait3A = arith.constant 0 : i32
      %dma_wait3A_75 = arith.constant 0 : i32
      %dma_wait3A_76 = tpu.memref_slice %arg8[%dma_wait3A, %dma_wait3A_75] : memref<80x128xf32, #tpu.memory_space<vmem>> -> memref<80x128xf32, #tpu.memory_space<vmem>>
      %dma_wait3A_77 = arith.constant 0 : i32
      %dma_wait3A_78 = tpu.memref_slice %arg10[%add3A_44, %dma_wait3A_77] : memref<10000x128xf32, #tpu.memory_space<vmem_shared>> -> memref<80x128xf32, #tpu.memory_space<vmem_shared>>
      %dma_wait3A_79 = arith.constant 0 : i32
      %dma_wait3A_80 = arith.constant 0 : i32
      %dma_wait3A_81 = tpu.memref_slice %arg8[%dma_wait3A_79, %dma_wait3A_80] : memref<80x128xf32, #tpu.memory_space<vmem>> -> memref<80x128xf32, #tpu.memory_space<vmem>>
      %dma_wait3A_82 = arith.constant 0 : i32
      %dma_wait3A_83 = tpu.memref_slice %arg10[%add3A_44, %dma_wait3A_82] : memref<10000x128xf32, #tpu.memory_space<vmem_shared>> -> memref<80x128xf32, #tpu.memory_space<vmem_shared>>
      tpu.wait_dma2 semaphore(%run_scoped3A : memref<!tpu.dma_semaphore, #tpu.memory_space<semaphore_mem>>) src(%dma_wait3A_83 : memref<80x128xf32, #tpu.memory_space<vmem_shared>>) dst(%dma_wait3A_81 : memref<80x128xf32, #tpu.memory_space<vmem>>)
      tpu.yield
    }) : () -> ()
    "tpu.region"() ({
      %run_scoped3A = tpu.sem_alloc : memref<!tpu.dma_semaphore, #tpu.memory_space<semaphore_mem>>
      %dma_start3A_65 = arith.constant 0 : i32
      %dma_start3A_66 = arith.constant 0 : i32
      %dma_start3A_67 = tpu.memref_slice %arg8[%dma_start3A_65, %dma_start3A_66] : memref<80x128xf32, #tpu.memory_space<vmem>> -> memref<80x128xf32, #tpu.memory_space<vmem>>
      %dma_start3A_68 = arith.constant 0 : i32
      %dma_start3A_69 = tpu.memref_slice %arg5[%arg0, %add3A_44, %dma_start3A_68] : memref<2x10000x128xf32, #tpu.memory_space<hbm>> -> memref<1x80x128xf32, #tpu.memory_space<hbm>>
      %dma_start3A_70 = tpu.memref_squeeze %dma_start3A_69 : memref<1x80x128xf32, #tpu.memory_space<hbm>> -> memref<80x128xf32, #tpu.memory_space<hbm>>
      %dma_start3A_71 = arith.constant 0 : i32
      %dma_start3A_72 = tpu.memref_slice %arg5[%arg0, %add3A_44, %dma_start3A_71] : memref<2x10000x128xf32, #tpu.memory_space<hbm>> -> memref<1x80x128xf32, #tpu.memory_space<hbm>>
      %dma_start3A_73 = tpu.memref_squeeze %dma_start3A_72 : memref<1x80x128xf32, #tpu.memory_space<hbm>> -> memref<80x128xf32, #tpu.memory_space<hbm>>
      %dma_start3A_74 = arith.constant 0 : i32
      %dma_start3A_75 = arith.constant 0 : i32
      %dma_start3A_76 = tpu.memref_slice %arg8[%dma_start3A_74, %dma_start3A_75] : memref<80x128xf32, #tpu.memory_space<vmem>> -> memref<80x128xf32, #tpu.memory_space<vmem>>
      tpu.enqueue_dma source(%dma_start3A_76 : memref<80x128xf32, #tpu.memory_space<vmem>>) target(%dma_start3A_73 : memref<80x128xf32, #tpu.memory_space<hbm>>) target_semaphore(%run_scoped3A : memref<!tpu.dma_semaphore, #tpu.memory_space<semaphore_mem>>)
      %dma_wait3A = arith.constant 0 : i32
      %dma_wait3A_77 = arith.constant 0 : i32
      %dma_wait3A_78 = tpu.memref_slice %arg8[%dma_wait3A, %dma_wait3A_77] : memref<80x128xf32, #tpu.memory_space<vmem>> -> memref<80x128xf32, #tpu.memory_space<vmem>>
      %dma_wait3A_79 = arith.constant 0 : i32
      %dma_wait3A_80 = tpu.memref_slice %arg5[%arg0, %add3A_44, %dma_wait3A_79] : memref<2x10000x128xf32, #tpu.memory_space<hbm>> -> memref<1x80x128xf32, #tpu.memory_space<hbm>>
      %dma_wait3A_81 = tpu.memref_squeeze %dma_wait3A_80 : memref<1x80x128xf32, #tpu.memory_space<hbm>> -> memref<80x128xf32, #tpu.memory_space<hbm>>
      %dma_wait3A_82 = arith.constant 0 : i32
      %dma_wait3A_83 = tpu.memref_slice %arg5[%arg0, %add3A_44, %dma_wait3A_82] : memref<2x10000x128xf32, #tpu.memory_space<hbm>> -> memref<1x80x128xf32, #tpu.memory_space<hbm>>
      %dma_wait3A_84 = tpu.memref_squeeze %dma_wait3A_83 : memref<1x80x128xf32, #tpu.memory_space<hbm>> -> memref<80x128xf32, #tpu.memory_space<hbm>>
      %dma_wait3A_85 = arith.constant 0 : i32
      %dma_wait3A_86 = arith.constant 0 : i32
      %dma_wait3A_87 = tpu.memref_slice %arg8[%dma_wait3A_85, %dma_wait3A_86] : memref<80x128xf32, #tpu.memory_space<vmem>> -> memref<80x128xf32, #tpu.memory_space<vmem>>
      tpu.wait_dma2 semaphore(%run_scoped3A : memref<!tpu.dma_semaphore, #tpu.memory_space<semaphore_mem>>) src(%dma_wait3A_87 : memref<80x128xf32, #tpu.memory_space<vmem>>) dst(%dma_wait3A_84 : memref<80x128xf32, #tpu.memory_space<hbm>>)
      tpu.yield
    }) : () -> ()
    %add3A_45 = arith.constant 160 : i32
    %add3A_46 = arith.addi %mul3A_2, %add3A_45 : i32
    "tpu.region"() ({
      %run_scoped3A = tpu.sem_alloc : memref<!tpu.dma_semaphore, #tpu.memory_space<semaphore_mem>>
      %dma_start3A_65 = arith.constant 0 : i32
      %dma_start3A_66 = arith.constant 0 : i32
      %dma_start3A_67 = tpu.memref_slice %arg8[%dma_start3A_65, %dma_start3A_66] : memref<80x128xf32, #tpu.memory_space<vmem>> -> memref<80x128xf32, #tpu.memory_space<vmem>>
      %dma_start3A_68 = arith.constant 0 : i32
      %dma_start3A_69 = tpu.memref_slice %arg10[%add3A_46, %dma_start3A_68] : memref<10000x128xf32, #tpu.memory_space<vmem_shared>> -> memref<80x128xf32, #tpu.memory_space<vmem_shared>>
      %dma_start3A_70 = arith.constant 0 : i32
      %dma_start3A_71 = arith.constant 0 : i32
      %dma_start3A_72 = tpu.memref_slice %arg8[%dma_start3A_70, %dma_start3A_71] : memref<80x128xf32, #tpu.memory_space<vmem>> -> memref<80x128xf32, #tpu.memory_space<vmem>>
      %dma_start3A_73 = arith.constant 0 : i32
      %dma_start3A_74 = tpu.memref_slice %arg10[%add3A_46, %dma_start3A_73] : memref<10000x128xf32, #tpu.memory_space<vmem_shared>> -> memref<80x128xf32, #tpu.memory_space<vmem_shared>>
      tpu.enqueue_dma source(%dma_start3A_74 : memref<80x128xf32, #tpu.memory_space<vmem_shared>>) target(%dma_start3A_72 : memref<80x128xf32, #tpu.memory_space<vmem>>) target_semaphore(%run_scoped3A : memref<!tpu.dma_semaphore, #tpu.memory_space<semaphore_mem>>)
      %dma_wait3A = arith.constant 0 : i32
      %dma_wait3A_75 = arith.constant 0 : i32
      %dma_wait3A_76 = tpu.memref_slice %arg8[%dma_wait3A, %dma_wait3A_75] : memref<80x128xf32, #tpu.memory_space<vmem>> -> memref<80x128xf32, #tpu.memory_space<vmem>>
      %dma_wait3A_77 = arith.constant 0 : i32
      %dma_wait3A_78 = tpu.memref_slice %arg10[%add3A_46, %dma_wait3A_77] : memref<10000x128xf32, #tpu.memory_space<vmem_shared>> -> memref<80x128xf32, #tpu.memory_space<vmem_shared>>
      %dma_wait3A_79 = arith.constant 0 : i32
      %dma_wait3A_80 = arith.constant 0 : i32
      %dma_wait3A_81 = tpu.memref_slice %arg8[%dma_wait3A_79, %dma_wait3A_80] : memref<80x128xf32, #tpu.memory_space<vmem>> -> memref<80x128xf32, #tpu.memory_space<vmem>>
      %dma_wait3A_82 = arith.constant 0 : i32
      %dma_wait3A_83 = tpu.memref_slice %arg10[%add3A_46, %dma_wait3A_82] : memref<10000x128xf32, #tpu.memory_space<vmem_shared>> -> memref<80x128xf32, #tpu.memory_space<vmem_shared>>
      tpu.wait_dma2 semaphore(%run_scoped3A : memref<!tpu.dma_semaphore, #tpu.memory_space<semaphore_mem>>) src(%dma_wait3A_83 : memref<80x128xf32, #tpu.memory_space<vmem_shared>>) dst(%dma_wait3A_81 : memref<80x128xf32, #tpu.memory_space<vmem>>)
      tpu.yield
    }) : () -> ()
    "tpu.region"() ({
      %run_scoped3A = tpu.sem_alloc : memref<!tpu.dma_semaphore, #tpu.memory_space<semaphore_mem>>
      %dma_start3A_65 = arith.constant 0 : i32
      %dma_start3A_66 = arith.constant 0 : i32
      %dma_start3A_67 = tpu.memref_slice %arg8[%dma_start3A_65, %dma_start3A_66] : memref<80x128xf32, #tpu.memory_space<vmem>> -> memref<80x128xf32, #tpu.memory_space<vmem>>
      %dma_start3A_68 = arith.constant 0 : i32
      %dma_start3A_69 = tpu.memref_slice %arg5[%arg0, %add3A_46, %dma_start3A_68] : memref<2x10000x128xf32, #tpu.memory_space<hbm>> -> memref<1x80x128xf32, #tpu.memory_space<hbm>>
      %dma_start3A_70 = tpu.memref_squeeze %dma_start3A_69 : memref<1x80x128xf32, #tpu.memory_space<hbm>> -> memref<80x128xf32, #tpu.memory_space<hbm>>
      %dma_start3A_71 = arith.constant 0 : i32
      %dma_start3A_72 = tpu.memref_slice %arg5[%arg0, %add3A_46, %dma_start3A_71] : memref<2x10000x128xf32, #tpu.memory_space<hbm>> -> memref<1x80x128xf32, #tpu.memory_space<hbm>>
      %dma_start3A_73 = tpu.memref_squeeze %dma_start3A_72 : memref<1x80x128xf32, #tpu.memory_space<hbm>> -> memref<80x128xf32, #tpu.memory_space<hbm>>
      %dma_start3A_74 = arith.constant 0 : i32
      %dma_start3A_75 = arith.constant 0 : i32
      %dma_start3A_76 = tpu.memref_slice %arg8[%dma_start3A_74, %dma_start3A_75] : memref<80x128xf32, #tpu.memory_space<vmem>> -> memref<80x128xf32, #tpu.memory_space<vmem>>
      tpu.enqueue_dma source(%dma_start3A_76 : memref<80x128xf32, #tpu.memory_space<vmem>>) target(%dma_start3A_73 : memref<80x128xf32, #tpu.memory_space<hbm>>) target_semaphore(%run_scoped3A : memref<!tpu.dma_semaphore, #tpu.memory_space<semaphore_mem>>)
      %dma_wait3A = arith.constant 0 : i32
      %dma_wait3A_77 = arith.constant 0 : i32
      %dma_wait3A_78 = tpu.memref_slice %arg8[%dma_wait3A, %dma_wait3A_77] : memref<80x128xf32, #tpu.memory_space<vmem>> -> memref<80x128xf32, #tpu.memory_space<vmem>>
      %dma_wait3A_79 = arith.constant 0 : i32
      %dma_wait3A_80 = tpu.memref_slice %arg5[%arg0, %add3A_46, %dma_wait3A_79] : memref<2x10000x128xf32, #tpu.memory_space<hbm>> -> memref<1x80x128xf32, #tpu.memory_space<hbm>>
      %dma_wait3A_81 = tpu.memref_squeeze %dma_wait3A_80 : memref<1x80x128xf32, #tpu.memory_space<hbm>> -> memref<80x128xf32, #tpu.memory_space<hbm>>
      %dma_wait3A_82 = arith.constant 0 : i32
      %dma_wait3A_83 = tpu.memref_slice %arg5[%arg0, %add3A_46, %dma_wait3A_82] : memref<2x10000x128xf32, #tpu.memory_space<hbm>> -> memref<1x80x128xf32, #tpu.memory_space<hbm>>
      %dma_wait3A_84 = tpu.memref_squeeze %dma_wait3A_83 : memref<1x80x128xf32, #tpu.memory_space<hbm>> -> memref<80x128xf32, #tpu.memory_space<hbm>>
      %dma_wait3A_85 = arith.constant 0 : i32
      %dma_wait3A_86 = arith.constant 0 : i32
      %dma_wait3A_87 = tpu.memref_slice %arg8[%dma_wait3A_85, %dma_wait3A_86] : memref<80x128xf32, #tpu.memory_space<vmem>> -> memref<80x128xf32, #tpu.memory_space<vmem>>
      tpu.wait_dma2 semaphore(%run_scoped3A : memref<!tpu.dma_semaphore, #tpu.memory_space<semaphore_mem>>) src(%dma_wait3A_87 : memref<80x128xf32, #tpu.memory_space<vmem>>) dst(%dma_wait3A_84 : memref<80x128xf32, #tpu.memory_space<hbm>>)
      tpu.yield
    }) : () -> ()
    %add3A_47 = arith.constant 240 : i32
    %add3A_48 = arith.addi %mul3A_2, %add3A_47 : i32
    "tpu.region"() ({
      %run_scoped3A = tpu.sem_alloc : memref<!tpu.dma_semaphore, #tpu.memory_space<semaphore_mem>>
      %dma_start3A_65 = arith.constant 0 : i32
      %dma_start3A_66 = arith.constant 0 : i32
      %dma_start3A_67 = tpu.memref_slice %arg8[%dma_start3A_65, %dma_start3A_66] : memref<80x128xf32, #tpu.memory_space<vmem>> -> memref<80x128xf32, #tpu.memory_space<vmem>>
      %dma_start3A_68 = arith.constant 0 : i32
      %dma_start3A_69 = tpu.memref_slice %arg10[%add3A_48, %dma_start3A_68] : memref<10000x128xf32, #tpu.memory_space<vmem_shared>> -> memref<80x128xf32, #tpu.memory_space<vmem_shared>>
      %dma_start3A_70 = arith.constant 0 : i32
      %dma_start3A_71 = arith.constant 0 : i32
      %dma_start3A_72 = tpu.memref_slice %arg8[%dma_start3A_70, %dma_start3A_71] : memref<80x128xf32, #tpu.memory_space<vmem>> -> memref<80x128xf32, #tpu.memory_space<vmem>>
      %dma_start3A_73 = arith.constant 0 : i32
      %dma_start3A_74 = tpu.memref_slice %arg10[%add3A_48, %dma_start3A_73] : memref<10000x128xf32, #tpu.memory_space<vmem_shared>> -> memref<80x128xf32, #tpu.memory_space<vmem_shared>>
      tpu.enqueue_dma source(%dma_start3A_74 : memref<80x128xf32, #tpu.memory_space<vmem_shared>>) target(%dma_start3A_72 : memref<80x128xf32, #tpu.memory_space<vmem>>) target_semaphore(%run_scoped3A : memref<!tpu.dma_semaphore, #tpu.memory_space<semaphore_mem>>)
      %dma_wait3A = arith.constant 0 : i32
      %dma_wait3A_75 = arith.constant 0 : i32
      %dma_wait3A_76 = tpu.memref_slice %arg8[%dma_wait3A, %dma_wait3A_75] : memref<80x128xf32, #tpu.memory_space<vmem>> -> memref<80x128xf32, #tpu.memory_space<vmem>>
      %dma_wait3A_77 = arith.constant 0 : i32
      %dma_wait3A_78 = tpu.memref_slice %arg10[%add3A_48, %dma_wait3A_77] : memref<10000x128xf32, #tpu.memory_space<vmem_shared>> -> memref<80x128xf32, #tpu.memory_space<vmem_shared>>
      %dma_wait3A_79 = arith.constant 0 : i32
      %dma_wait3A_80 = arith.constant 0 : i32
      %dma_wait3A_81 = tpu.memref_slice %arg8[%dma_wait3A_79, %dma_wait3A_80] : memref<80x128xf32, #tpu.memory_space<vmem>> -> memref<80x128xf32, #tpu.memory_space<vmem>>
      %dma_wait3A_82 = arith.constant 0 : i32
      %dma_wait3A_83 = tpu.memref_slice %arg10[%add3A_48, %dma_wait3A_82] : memref<10000x128xf32, #tpu.memory_space<vmem_shared>> -> memref<80x128xf32, #tpu.memory_space<vmem_shared>>
      tpu.wait_dma2 semaphore(%run_scoped3A : memref<!tpu.dma_semaphore, #tpu.memory_space<semaphore_mem>>) src(%dma_wait3A_83 : memref<80x128xf32, #tpu.memory_space<vmem_shared>>) dst(%dma_wait3A_81 : memref<80x128xf32, #tpu.memory_space<vmem>>)
      tpu.yield
    }) : () -> ()
    "tpu.region"() ({
      %run_scoped3A = tpu.sem_alloc : memref<!tpu.dma_semaphore, #tpu.memory_space<semaphore_mem>>
      %dma_start3A_65 = arith.constant 0 : i32
      %dma_start3A_66 = arith.constant 0 : i32
      %dma_start3A_67 = tpu.memref_slice %arg8[%dma_start3A_65, %dma_start3A_66] : memref<80x128xf32, #tpu.memory_space<vmem>> -> memref<80x128xf32, #tpu.memory_space<vmem>>
      %dma_start3A_68 = arith.constant 0 : i32
      %dma_start3A_69 = tpu.memref_slice %arg5[%arg0, %add3A_48, %dma_start3A_68] : memref<2x10000x128xf32, #tpu.memory_space<hbm>> -> memref<1x80x128xf32, #tpu.memory_space<hbm>>
      %dma_start3A_70 = tpu.memref_squeeze %dma_start3A_69 : memref<1x80x128xf32, #tpu.memory_space<hbm>> -> memref<80x128xf32, #tpu.memory_space<hbm>>
      %dma_start3A_71 = arith.constant 0 : i32
      %dma_start3A_72 = tpu.memref_slice %arg5[%arg0, %add3A_48, %dma_start3A_71] : memref<2x10000x128xf32, #tpu.memory_space<hbm>> -> memref<1x80x128xf32, #tpu.memory_space<hbm>>
      %dma_start3A_73 = tpu.memref_squeeze %dma_start3A_72 : memref<1x80x128xf32, #tpu.memory_space<hbm>> -> memref<80x128xf32, #tpu.memory_space<hbm>>
      %dma_start3A_74 = arith.constant 0 : i32
      %dma_start3A_75 = arith.constant 0 : i32
      %dma_start3A_76 = tpu.memref_slice %arg8[%dma_start3A_74, %dma_start3A_75] : memref<80x128xf32, #tpu.memory_space<vmem>> -> memref<80x128xf32, #tpu.memory_space<vmem>>
      tpu.enqueue_dma source(%dma_start3A_76 : memref<80x128xf32, #tpu.memory_space<vmem>>) target(%dma_start3A_73 : memref<80x128xf32, #tpu.memory_space<hbm>>) target_semaphore(%run_scoped3A : memref<!tpu.dma_semaphore, #tpu.memory_space<semaphore_mem>>)
      %dma_wait3A = arith.constant 0 : i32
      %dma_wait3A_77 = arith.constant 0 : i32
      %dma_wait3A_78 = tpu.memref_slice %arg8[%dma_wait3A, %dma_wait3A_77] : memref<80x128xf32, #tpu.memory_space<vmem>> -> memref<80x128xf32, #tpu.memory_space<vmem>>
      %dma_wait3A_79 = arith.constant 0 : i32
      %dma_wait3A_80 = tpu.memref_slice %arg5[%arg0, %add3A_48, %dma_wait3A_79] : memref<2x10000x128xf32, #tpu.memory_space<hbm>> -> memref<1x80x128xf32, #tpu.memory_space<hbm>>
      %dma_wait3A_81 = tpu.memref_squeeze %dma_wait3A_80 : memref<1x80x128xf32, #tpu.memory_space<hbm>> -> memref<80x128xf32, #tpu.memory_space<hbm>>
      %dma_wait3A_82 = arith.constant 0 : i32
      %dma_wait3A_83 = tpu.memref_slice %arg5[%arg0, %add3A_48, %dma_wait3A_82] : memref<2x10000x128xf32, #tpu.memory_space<hbm>> -> memref<1x80x128xf32, #tpu.memory_space<hbm>>
      %dma_wait3A_84 = tpu.memref_squeeze %dma_wait3A_83 : memref<1x80x128xf32, #tpu.memory_space<hbm>> -> memref<80x128xf32, #tpu.memory_space<hbm>>
      %dma_wait3A_85 = arith.constant 0 : i32
      %dma_wait3A_86 = arith.constant 0 : i32
      %dma_wait3A_87 = tpu.memref_slice %arg8[%dma_wait3A_85, %dma_wait3A_86] : memref<80x128xf32, #tpu.memory_space<vmem>> -> memref<80x128xf32, #tpu.memory_space<vmem>>
      tpu.wait_dma2 semaphore(%run_scoped3A : memref<!tpu.dma_semaphore, #tpu.memory_space<semaphore_mem>>) src(%dma_wait3A_87 : memref<80x128xf32, #tpu.memory_space<vmem>>) dst(%dma_wait3A_84 : memref<80x128xf32, #tpu.memory_space<hbm>>)
      tpu.yield
    }) : () -> ()
    %add3A_49 = arith.constant 320 : i32
    %add3A_50 = arith.addi %mul3A_2, %add3A_49 : i32
    "tpu.region"() ({
      %run_scoped3A = tpu.sem_alloc : memref<!tpu.dma_semaphore, #tpu.memory_space<semaphore_mem>>
      %dma_start3A_65 = arith.constant 0 : i32
      %dma_start3A_66 = arith.constant 0 : i32
      %dma_start3A_67 = tpu.memref_slice %arg8[%dma_start3A_65, %dma_start3A_66] : memref<80x128xf32, #tpu.memory_space<vmem>> -> memref<80x128xf32, #tpu.memory_space<vmem>>
      %dma_start3A_68 = arith.constant 0 : i32
      %dma_start3A_69 = tpu.memref_slice %arg10[%add3A_50, %dma_start3A_68] : memref<10000x128xf32, #tpu.memory_space<vmem_shared>> -> memref<80x128xf32, #tpu.memory_space<vmem_shared>>
      %dma_start3A_70 = arith.constant 0 : i32
      %dma_start3A_71 = arith.constant 0 : i32
      %dma_start3A_72 = tpu.memref_slice %arg8[%dma_start3A_70, %dma_start3A_71] : memref<80x128xf32, #tpu.memory_space<vmem>> -> memref<80x128xf32, #tpu.memory_space<vmem>>
      %dma_start3A_73 = arith.constant 0 : i32
      %dma_start3A_74 = tpu.memref_slice %arg10[%add3A_50, %dma_start3A_73] : memref<10000x128xf32, #tpu.memory_space<vmem_shared>> -> memref<80x128xf32, #tpu.memory_space<vmem_shared>>
      tpu.enqueue_dma source(%dma_start3A_74 : memref<80x128xf32, #tpu.memory_space<vmem_shared>>) target(%dma_start3A_72 : memref<80x128xf32, #tpu.memory_space<vmem>>) target_semaphore(%run_scoped3A : memref<!tpu.dma_semaphore, #tpu.memory_space<semaphore_mem>>)
      %dma_wait3A = arith.constant 0 : i32
      %dma_wait3A_75 = arith.constant 0 : i32
      %dma_wait3A_76 = tpu.memref_slice %arg8[%dma_wait3A, %dma_wait3A_75] : memref<80x128xf32, #tpu.memory_space<vmem>> -> memref<80x128xf32, #tpu.memory_space<vmem>>
      %dma_wait3A_77 = arith.constant 0 : i32
      %dma_wait3A_78 = tpu.memref_slice %arg10[%add3A_50, %dma_wait3A_77] : memref<10000x128xf32, #tpu.memory_space<vmem_shared>> -> memref<80x128xf32, #tpu.memory_space<vmem_shared>>
      %dma_wait3A_79 = arith.constant 0 : i32
      %dma_wait3A_80 = arith.constant 0 : i32
      %dma_wait3A_81 = tpu.memref_slice %arg8[%dma_wait3A_79, %dma_wait3A_80] : memref<80x128xf32, #tpu.memory_space<vmem>> -> memref<80x128xf32, #tpu.memory_space<vmem>>
      %dma_wait3A_82 = arith.constant 0 : i32
      %dma_wait3A_83 = tpu.memref_slice %arg10[%add3A_50, %dma_wait3A_82] : memref<10000x128xf32, #tpu.memory_space<vmem_shared>> -> memref<80x128xf32, #tpu.memory_space<vmem_shared>>
      tpu.wait_dma2 semaphore(%run_scoped3A : memref<!tpu.dma_semaphore, #tpu.memory_space<semaphore_mem>>) src(%dma_wait3A_83 : memref<80x128xf32, #tpu.memory_space<vmem_shared>>) dst(%dma_wait3A_81 : memref<80x128xf32, #tpu.memory_space<vmem>>)
      tpu.yield
    }) : () -> ()
    "tpu.region"() ({
      %run_scoped3A = tpu.sem_alloc : memref<!tpu.dma_semaphore, #tpu.memory_space<semaphore_mem>>
      %dma_start3A_65 = arith.constant 0 : i32
      %dma_start3A_66 = arith.constant 0 : i32
      %dma_start3A_67 = tpu.memref_slice %arg8[%dma_start3A_65, %dma_start3A_66] : memref<80x128xf32, #tpu.memory_space<vmem>> -> memref<80x128xf32, #tpu.memory_space<vmem>>
      %dma_start3A_68 = arith.constant 0 : i32
      %dma_start3A_69 = tpu.memref_slice %arg5[%arg0, %add3A_50, %dma_start3A_68] : memref<2x10000x128xf32, #tpu.memory_space<hbm>> -> memref<1x80x128xf32, #tpu.memory_space<hbm>>
      %dma_start3A_70 = tpu.memref_squeeze %dma_start3A_69 : memref<1x80x128xf32, #tpu.memory_space<hbm>> -> memref<80x128xf32, #tpu.memory_space<hbm>>
      %dma_start3A_71 = arith.constant 0 : i32
      %dma_start3A_72 = tpu.memref_slice %arg5[%arg0, %add3A_50, %dma_start3A_71] : memref<2x10000x128xf32, #tpu.memory_space<hbm>> -> memref<1x80x128xf32, #tpu.memory_space<hbm>>
      %dma_start3A_73 = tpu.memref_squeeze %dma_start3A_72 : memref<1x80x128xf32, #tpu.memory_space<hbm>> -> memref<80x128xf32, #tpu.memory_space<hbm>>
      %dma_start3A_74 = arith.constant 0 : i32
      %dma_start3A_75 = arith.constant 0 : i32
      %dma_start3A_76 = tpu.memref_slice %arg8[%dma_start3A_74, %dma_start3A_75] : memref<80x128xf32, #tpu.memory_space<vmem>> -> memref<80x128xf32, #tpu.memory_space<vmem>>
      tpu.enqueue_dma source(%dma_start3A_76 : memref<80x128xf32, #tpu.memory_space<vmem>>) target(%dma_start3A_73 : memref<80x128xf32, #tpu.memory_space<hbm>>) target_semaphore(%run_scoped3A : memref<!tpu.dma_semaphore, #tpu.memory_space<semaphore_mem>>)
      %dma_wait3A = arith.constant 0 : i32
      %dma_wait3A_77 = arith.constant 0 : i32
      %dma_wait3A_78 = tpu.memref_slice %arg8[%dma_wait3A, %dma_wait3A_77] : memref<80x128xf32, #tpu.memory_space<vmem>> -> memref<80x128xf32, #tpu.memory_space<vmem>>
      %dma_wait3A_79 = arith.constant 0 : i32
      %dma_wait3A_80 = tpu.memref_slice %arg5[%arg0, %add3A_50, %dma_wait3A_79] : memref<2x10000x128xf32, #tpu.memory_space<hbm>> -> memref<1x80x128xf32, #tpu.memory_space<hbm>>
      %dma_wait3A_81 = tpu.memref_squeeze %dma_wait3A_80 : memref<1x80x128xf32, #tpu.memory_space<hbm>> -> memref<80x128xf32, #tpu.memory_space<hbm>>
      %dma_wait3A_82 = arith.constant 0 : i32
      %dma_wait3A_83 = tpu.memref_slice %arg5[%arg0, %add3A_50, %dma_wait3A_82] : memref<2x10000x128xf32, #tpu.memory_space<hbm>> -> memref<1x80x128xf32, #tpu.memory_space<hbm>>
      %dma_wait3A_84 = tpu.memref_squeeze %dma_wait3A_83 : memref<1x80x128xf32, #tpu.memory_space<hbm>> -> memref<80x128xf32, #tpu.memory_space<hbm>>
      %dma_wait3A_85 = arith.constant 0 : i32
      %dma_wait3A_86 = arith.constant 0 : i32
      %dma_wait3A_87 = tpu.memref_slice %arg8[%dma_wait3A_85, %dma_wait3A_86] : memref<80x128xf32, #tpu.memory_space<vmem>> -> memref<80x128xf32, #tpu.memory_space<vmem>>
      tpu.wait_dma2 semaphore(%run_scoped3A : memref<!tpu.dma_semaphore, #tpu.memory_space<semaphore_mem>>) src(%dma_wait3A_87 : memref<80x128xf32, #tpu.memory_space<vmem>>) dst(%dma_wait3A_84 : memref<80x128xf32, #tpu.memory_space<hbm>>)
      tpu.yield
    }) : () -> ()
    %add3A_51 = arith.constant 400 : i32
    %add3A_52 = arith.addi %mul3A_2, %add3A_51 : i32
    "tpu.region"() ({
      %run_scoped3A = tpu.sem_alloc : memref<!tpu.dma_semaphore, #tpu.memory_space<semaphore_mem>>
      %dma_start3A_65 = arith.constant 0 : i32
      %dma_start3A_66 = arith.constant 0 : i32
      %dma_start3A_67 = tpu.memref_slice %arg8[%dma_start3A_65, %dma_start3A_66] : memref<80x128xf32, #tpu.memory_space<vmem>> -> memref<80x128xf32, #tpu.memory_space<vmem>>
      %dma_start3A_68 = arith.constant 0 : i32
      %dma_start3A_69 = tpu.memref_slice %arg10[%add3A_52, %dma_start3A_68] : memref<10000x128xf32, #tpu.memory_space<vmem_shared>> -> memref<80x128xf32, #tpu.memory_space<vmem_shared>>
      %dma_start3A_70 = arith.constant 0 : i32
      %dma_start3A_71 = arith.constant 0 : i32
      %dma_start3A_72 = tpu.memref_slice %arg8[%dma_start3A_70, %dma_start3A_71] : memref<80x128xf32, #tpu.memory_space<vmem>> -> memref<80x128xf32, #tpu.memory_space<vmem>>
      %dma_start3A_73 = arith.constant 0 : i32
      %dma_start3A_74 = tpu.memref_slice %arg10[%add3A_52, %dma_start3A_73] : memref<10000x128xf32, #tpu.memory_space<vmem_shared>> -> memref<80x128xf32, #tpu.memory_space<vmem_shared>>
      tpu.enqueue_dma source(%dma_start3A_74 : memref<80x128xf32, #tpu.memory_space<vmem_shared>>) target(%dma_start3A_72 : memref<80x128xf32, #tpu.memory_space<vmem>>) target_semaphore(%run_scoped3A : memref<!tpu.dma_semaphore, #tpu.memory_space<semaphore_mem>>)
      %dma_wait3A = arith.constant 0 : i32
      %dma_wait3A_75 = arith.constant 0 : i32
      %dma_wait3A_76 = tpu.memref_slice %arg8[%dma_wait3A, %dma_wait3A_75] : memref<80x128xf32, #tpu.memory_space<vmem>> -> memref<80x128xf32, #tpu.memory_space<vmem>>
      %dma_wait3A_77 = arith.constant 0 : i32
      %dma_wait3A_78 = tpu.memref_slice %arg10[%add3A_52, %dma_wait3A_77] : memref<10000x128xf32, #tpu.memory_space<vmem_shared>> -> memref<80x128xf32, #tpu.memory_space<vmem_shared>>
      %dma_wait3A_79 = arith.constant 0 : i32
      %dma_wait3A_80 = arith.constant 0 : i32
      %dma_wait3A_81 = tpu.memref_slice %arg8[%dma_wait3A_79, %dma_wait3A_80] : memref<80x128xf32, #tpu.memory_space<vmem>> -> memref<80x128xf32, #tpu.memory_space<vmem>>
      %dma_wait3A_82 = arith.constant 0 : i32
      %dma_wait3A_83 = tpu.memref_slice %arg10[%add3A_52, %dma_wait3A_82] : memref<10000x128xf32, #tpu.memory_space<vmem_shared>> -> memref<80x128xf32, #tpu.memory_space<vmem_shared>>
      tpu.wait_dma2 semaphore(%run_scoped3A : memref<!tpu.dma_semaphore, #tpu.memory_space<semaphore_mem>>) src(%dma_wait3A_83 : memref<80x128xf32, #tpu.memory_space<vmem_shared>>) dst(%dma_wait3A_81 : memref<80x128xf32, #tpu.memory_space<vmem>>)
      tpu.yield
    }) : () -> ()
    "tpu.region"() ({
      %run_scoped3A = tpu.sem_alloc : memref<!tpu.dma_semaphore, #tpu.memory_space<semaphore_mem>>
      %dma_start3A_65 = arith.constant 0 : i32
      %dma_start3A_66 = arith.constant 0 : i32
      %dma_start3A_67 = tpu.memref_slice %arg8[%dma_start3A_65, %dma_start3A_66] : memref<80x128xf32, #tpu.memory_space<vmem>> -> memref<80x128xf32, #tpu.memory_space<vmem>>
      %dma_start3A_68 = arith.constant 0 : i32
      %dma_start3A_69 = tpu.memref_slice %arg5[%arg0, %add3A_52, %dma_start3A_68] : memref<2x10000x128xf32, #tpu.memory_space<hbm>> -> memref<1x80x128xf32, #tpu.memory_space<hbm>>
      %dma_start3A_70 = tpu.memref_squeeze %dma_start3A_69 : memref<1x80x128xf32, #tpu.memory_space<hbm>> -> memref<80x128xf32, #tpu.memory_space<hbm>>
      %dma_start3A_71 = arith.constant 0 : i32
      %dma_start3A_72 = tpu.memref_slice %arg5[%arg0, %add3A_52, %dma_start3A_71] : memref<2x10000x128xf32, #tpu.memory_space<hbm>> -> memref<1x80x128xf32, #tpu.memory_space<hbm>>
      %dma_start3A_73 = tpu.memref_squeeze %dma_start3A_72 : memref<1x80x128xf32, #tpu.memory_space<hbm>> -> memref<80x128xf32, #tpu.memory_space<hbm>>
      %dma_start3A_74 = arith.constant 0 : i32
      %dma_start3A_75 = arith.constant 0 : i32
      %dma_start3A_76 = tpu.memref_slice %arg8[%dma_start3A_74, %dma_start3A_75] : memref<80x128xf32, #tpu.memory_space<vmem>> -> memref<80x128xf32, #tpu.memory_space<vmem>>
      tpu.enqueue_dma source(%dma_start3A_76 : memref<80x128xf32, #tpu.memory_space<vmem>>) target(%dma_start3A_73 : memref<80x128xf32, #tpu.memory_space<hbm>>) target_semaphore(%run_scoped3A : memref<!tpu.dma_semaphore, #tpu.memory_space<semaphore_mem>>)
      %dma_wait3A = arith.constant 0 : i32
      %dma_wait3A_77 = arith.constant 0 : i32
      %dma_wait3A_78 = tpu.memref_slice %arg8[%dma_wait3A, %dma_wait3A_77] : memref<80x128xf32, #tpu.memory_space<vmem>> -> memref<80x128xf32, #tpu.memory_space<vmem>>
      %dma_wait3A_79 = arith.constant 0 : i32
      %dma_wait3A_80 = tpu.memref_slice %arg5[%arg0, %add3A_52, %dma_wait3A_79] : memref<2x10000x128xf32, #tpu.memory_space<hbm>> -> memref<1x80x128xf32, #tpu.memory_space<hbm>>
      %dma_wait3A_81 = tpu.memref_squeeze %dma_wait3A_80 : memref<1x80x128xf32, #tpu.memory_space<hbm>> -> memref<80x128xf32, #tpu.memory_space<hbm>>
      %dma_wait3A_82 = arith.constant 0 : i32
      %dma_wait3A_83 = tpu.memref_slice %arg5[%arg0, %add3A_52, %dma_wait3A_82] : memref<2x10000x128xf32, #tpu.memory_space<hbm>> -> memref<1x80x128xf32, #tpu.memory_space<hbm>>
      %dma_wait3A_84 = tpu.memref_squeeze %dma_wait3A_83 : memref<1x80x128xf32, #tpu.memory_space<hbm>> -> memref<80x128xf32, #tpu.memory_space<hbm>>
      %dma_wait3A_85 = arith.constant 0 : i32
      %dma_wait3A_86 = arith.constant 0 : i32
      %dma_wait3A_87 = tpu.memref_slice %arg8[%dma_wait3A_85, %dma_wait3A_86] : memref<80x128xf32, #tpu.memory_space<vmem>> -> memref<80x128xf32, #tpu.memory_space<vmem>>
      tpu.wait_dma2 semaphore(%run_scoped3A : memref<!tpu.dma_semaphore, #tpu.memory_space<semaphore_mem>>) src(%dma_wait3A_87 : memref<80x128xf32, #tpu.memory_space<vmem>>) dst(%dma_wait3A_84 : memref<80x128xf32, #tpu.memory_space<hbm>>)
      tpu.yield
    }) : () -> ()
    %add3A_53 = arith.constant 480 : i32
    %add3A_54 = arith.addi %mul3A_2, %add3A_53 : i32
    "tpu.region"() ({
      %run_scoped3A = tpu.sem_alloc : memref<!tpu.dma_semaphore, #tpu.memory_space<semaphore_mem>>
      %dma_start3A_65 = arith.constant 0 : i32
      %dma_start3A_66 = arith.constant 0 : i32
      %dma_start3A_67 = tpu.memref_slice %arg8[%dma_start3A_65, %dma_start3A_66] : memref<80x128xf32, #tpu.memory_space<vmem>> -> memref<80x128xf32, #tpu.memory_space<vmem>>
      %dma_start3A_68 = arith.constant 0 : i32
      %dma_start3A_69 = tpu.memref_slice %arg10[%add3A_54, %dma_start3A_68] : memref<10000x128xf32, #tpu.memory_space<vmem_shared>> -> memref<80x128xf32, #tpu.memory_space<vmem_shared>>
      %dma_start3A_70 = arith.constant 0 : i32
      %dma_start3A_71 = arith.constant 0 : i32
      %dma_start3A_72 = tpu.memref_slice %arg8[%dma_start3A_70, %dma_start3A_71] : memref<80x128xf32, #tpu.memory_space<vmem>> -> memref<80x128xf32, #tpu.memory_space<vmem>>
      %dma_start3A_73 = arith.constant 0 : i32
      %dma_start3A_74 = tpu.memref_slice %arg10[%add3A_54, %dma_start3A_73] : memref<10000x128xf32, #tpu.memory_space<vmem_shared>> -> memref<80x128xf32, #tpu.memory_space<vmem_shared>>
      tpu.enqueue_dma source(%dma_start3A_74 : memref<80x128xf32, #tpu.memory_space<vmem_shared>>) target(%dma_start3A_72 : memref<80x128xf32, #tpu.memory_space<vmem>>) target_semaphore(%run_scoped3A : memref<!tpu.dma_semaphore, #tpu.memory_space<semaphore_mem>>)
      %dma_wait3A = arith.constant 0 : i32
      %dma_wait3A_75 = arith.constant 0 : i32
      %dma_wait3A_76 = tpu.memref_slice %arg8[%dma_wait3A, %dma_wait3A_75] : memref<80x128xf32, #tpu.memory_space<vmem>> -> memref<80x128xf32, #tpu.memory_space<vmem>>
      %dma_wait3A_77 = arith.constant 0 : i32
      %dma_wait3A_78 = tpu.memref_slice %arg10[%add3A_54, %dma_wait3A_77] : memref<10000x128xf32, #tpu.memory_space<vmem_shared>> -> memref<80x128xf32, #tpu.memory_space<vmem_shared>>
      %dma_wait3A_79 = arith.constant 0 : i32
      %dma_wait3A_80 = arith.constant 0 : i32
      %dma_wait3A_81 = tpu.memref_slice %arg8[%dma_wait3A_79, %dma_wait3A_80] : memref<80x128xf32, #tpu.memory_space<vmem>> -> memref<80x128xf32, #tpu.memory_space<vmem>>
      %dma_wait3A_82 = arith.constant 0 : i32
      %dma_wait3A_83 = tpu.memref_slice %arg10[%add3A_54, %dma_wait3A_82] : memref<10000x128xf32, #tpu.memory_space<vmem_shared>> -> memref<80x128xf32, #tpu.memory_space<vmem_shared>>
      tpu.wait_dma2 semaphore(%run_scoped3A : memref<!tpu.dma_semaphore, #tpu.memory_space<semaphore_mem>>) src(%dma_wait3A_83 : memref<80x128xf32, #tpu.memory_space<vmem_shared>>) dst(%dma_wait3A_81 : memref<80x128xf32, #tpu.memory_space<vmem>>)
      tpu.yield
    }) : () -> ()
    "tpu.region"() ({
      %run_scoped3A = tpu.sem_alloc : memref<!tpu.dma_semaphore, #tpu.memory_space<semaphore_mem>>
      %dma_start3A_65 = arith.constant 0 : i32
      %dma_start3A_66 = arith.constant 0 : i32
      %dma_start3A_67 = tpu.memref_slice %arg8[%dma_start3A_65, %dma_start3A_66] : memref<80x128xf32, #tpu.memory_space<vmem>> -> memref<80x128xf32, #tpu.memory_space<vmem>>
      %dma_start3A_68 = arith.constant 0 : i32
      %dma_start3A_69 = tpu.memref_slice %arg5[%arg0, %add3A_54, %dma_start3A_68] : memref<2x10000x128xf32, #tpu.memory_space<hbm>> -> memref<1x80x128xf32, #tpu.memory_space<hbm>>
      %dma_start3A_70 = tpu.memref_squeeze %dma_start3A_69 : memref<1x80x128xf32, #tpu.memory_space<hbm>> -> memref<80x128xf32, #tpu.memory_space<hbm>>
      %dma_start3A_71 = arith.constant 0 : i32
      %dma_start3A_72 = tpu.memref_slice %arg5[%arg0, %add3A_54, %dma_start3A_71] : memref<2x10000x128xf32, #tpu.memory_space<hbm>> -> memref<1x80x128xf32, #tpu.memory_space<hbm>>
      %dma_start3A_73 = tpu.memref_squeeze %dma_start3A_72 : memref<1x80x128xf32, #tpu.memory_space<hbm>> -> memref<80x128xf32, #tpu.memory_space<hbm>>
      %dma_start3A_74 = arith.constant 0 : i32
      %dma_start3A_75 = arith.constant 0 : i32
      %dma_start3A_76 = tpu.memref_slice %arg8[%dma_start3A_74, %dma_start3A_75] : memref<80x128xf32, #tpu.memory_space<vmem>> -> memref<80x128xf32, #tpu.memory_space<vmem>>
      tpu.enqueue_dma source(%dma_start3A_76 : memref<80x128xf32, #tpu.memory_space<vmem>>) target(%dma_start3A_73 : memref<80x128xf32, #tpu.memory_space<hbm>>) target_semaphore(%run_scoped3A : memref<!tpu.dma_semaphore, #tpu.memory_space<semaphore_mem>>)
      %dma_wait3A = arith.constant 0 : i32
      %dma_wait3A_77 = arith.constant 0 : i32
      %dma_wait3A_78 = tpu.memref_slice %arg8[%dma_wait3A, %dma_wait3A_77] : memref<80x128xf32, #tpu.memory_space<vmem>> -> memref<80x128xf32, #tpu.memory_space<vmem>>
      %dma_wait3A_79 = arith.constant 0 : i32
      %dma_wait3A_80 = tpu.memref_slice %arg5[%arg0, %add3A_54, %dma_wait3A_79] : memref<2x10000x128xf32, #tpu.memory_space<hbm>> -> memref<1x80x128xf32, #tpu.memory_space<hbm>>
      %dma_wait3A_81 = tpu.memref_squeeze %dma_wait3A_80 : memref<1x80x128xf32, #tpu.memory_space<hbm>> -> memref<80x128xf32, #tpu.memory_space<hbm>>
      %dma_wait3A_82 = arith.constant 0 : i32
      %dma_wait3A_83 = tpu.memref_slice %arg5[%arg0, %add3A_54, %dma_wait3A_82] : memref<2x10000x128xf32, #tpu.memory_space<hbm>> -> memref<1x80x128xf32, #tpu.memory_space<hbm>>
      %dma_wait3A_84 = tpu.memref_squeeze %dma_wait3A_83 : memref<1x80x128xf32, #tpu.memory_space<hbm>> -> memref<80x128xf32, #tpu.memory_space<hbm>>
      %dma_wait3A_85 = arith.constant 0 : i32
      %dma_wait3A_86 = arith.constant 0 : i32
      %dma_wait3A_87 = tpu.memref_slice %arg8[%dma_wait3A_85, %dma_wait3A_86] : memref<80x128xf32, #tpu.memory_space<vmem>> -> memref<80x128xf32, #tpu.memory_space<vmem>>
      tpu.wait_dma2 semaphore(%run_scoped3A : memref<!tpu.dma_semaphore, #tpu.memory_space<semaphore_mem>>) src(%dma_wait3A_87 : memref<80x128xf32, #tpu.memory_space<vmem>>) dst(%dma_wait3A_84 : memref<80x128xf32, #tpu.memory_space<hbm>>)
      tpu.yield
    }) : () -> ()
    %lt3A_55 = arith.constant 15 : i32
    %lt3A_56 = arith.cmpi slt, %arg1, %lt3A_55 : i32
    %convert_element_type3A_57 = arith.extui %lt3A_56 : i1 to i32
    %cond3A_58 = arith.constant 0 : i32
    %cond3A_59 = arith.cmpi ne, %convert_element_type3A_57, %cond3A_58 : i32
    scf.if %cond3A_59 {
      %add3A_65 = arith.constant 560 : i32
      %add3A_66 = arith.addi %mul3A_2, %add3A_65 : i32
      "tpu.region"() ({
        %run_scoped3A = tpu.sem_alloc : memref<!tpu.dma_semaphore, #tpu.memory_space<semaphore_mem>>
        %dma_start3A_67 = arith.constant 0 : i32
        %dma_start3A_68 = arith.constant 0 : i32
        %dma_start3A_69 = tpu.memref_slice %arg8[%dma_start3A_67, %dma_start3A_68] : memref<80x128xf32, #tpu.memory_space<vmem>> -> memref<64x128xf32, #tpu.memory_space<vmem>>
        %dma_start3A_70 = arith.constant 0 : i32
        %dma_start3A_71 = tpu.memref_slice %arg10[%add3A_66, %dma_start3A_70] : memref<10000x128xf32, #tpu.memory_space<vmem_shared>> -> memref<64x128xf32, #tpu.memory_space<vmem_shared>>
        %dma_start3A_72 = arith.constant 0 : i32
        %dma_start3A_73 = arith.constant 0 : i32
        %dma_start3A_74 = tpu.memref_slice %arg8[%dma_start3A_72, %dma_start3A_73] : memref<80x128xf32, #tpu.memory_space<vmem>> -> memref<64x128xf32, #tpu.memory_space<vmem>>
        %dma_start3A_75 = arith.constant 0 : i32
        %dma_start3A_76 = tpu.memref_slice %arg10[%add3A_66, %dma_start3A_75] : memref<10000x128xf32, #tpu.memory_space<vmem_shared>> -> memref<64x128xf32, #tpu.memory_space<vmem_shared>>
        tpu.enqueue_dma source(%dma_start3A_76 : memref<64x128xf32, #tpu.memory_space<vmem_shared>>) target(%dma_start3A_74 : memref<64x128xf32, #tpu.memory_space<vmem>>) target_semaphore(%run_scoped3A : memref<!tpu.dma_semaphore, #tpu.memory_space<semaphore_mem>>)
        %dma_wait3A = arith.constant 0 : i32
        %dma_wait3A_77 = arith.constant 0 : i32
        %dma_wait3A_78 = tpu.memref_slice %arg8[%dma_wait3A, %dma_wait3A_77] : memref<80x128xf32, #tpu.memory_space<vmem>> -> memref<64x128xf32, #tpu.memory_space<vmem>>
        %dma_wait3A_79 = arith.constant 0 : i32
        %dma_wait3A_80 = tpu.memref_slice %arg10[%add3A_66, %dma_wait3A_79] : memref<10000x128xf32, #tpu.memory_space<vmem_shared>> -> memref<64x128xf32, #tpu.memory_space<vmem_shared>>
        %dma_wait3A_81 = arith.constant 0 : i32
        %dma_wait3A_82 = arith.constant 0 : i32
        %dma_wait3A_83 = tpu.memref_slice %arg8[%dma_wait3A_81, %dma_wait3A_82] : memref<80x128xf32, #tpu.memory_space<vmem>> -> memref<64x128xf32, #tpu.memory_space<vmem>>
        %dma_wait3A_84 = arith.constant 0 : i32
        %dma_wait3A_85 = tpu.memref_slice %arg10[%add3A_66, %dma_wait3A_84] : memref<10000x128xf32, #tpu.memory_space<vmem_shared>> -> memref<64x128xf32, #tpu.memory_space<vmem_shared>>
        tpu.wait_dma2 semaphore(%run_scoped3A : memref<!tpu.dma_semaphore, #tpu.memory_space<semaphore_mem>>) src(%dma_wait3A_85 : memref<64x128xf32, #tpu.memory_space<vmem_shared>>) dst(%dma_wait3A_83 : memref<64x128xf32, #tpu.memory_space<vmem>>)
        tpu.yield
      }) : () -> ()
      "tpu.region"() ({
        %run_scoped3A = tpu.sem_alloc : memref<!tpu.dma_semaphore, #tpu.memory_space<semaphore_mem>>
        %dma_start3A_67 = arith.constant 0 : i32
        %dma_start3A_68 = arith.constant 0 : i32
        %dma_start3A_69 = tpu.memref_slice %arg8[%dma_start3A_67, %dma_start3A_68] : memref<80x128xf32, #tpu.memory_space<vmem>> -> memref<64x128xf32, #tpu.memory_space<vmem>>
        %dma_start3A_70 = arith.constant 0 : i32
        %dma_start3A_71 = tpu.memref_slice %arg5[%arg0, %add3A_66, %dma_start3A_70] : memref<2x10000x128xf32, #tpu.memory_space<hbm>> -> memref<1x64x128xf32, #tpu.memory_space<hbm>>
        %dma_start3A_72 = tpu.memref_squeeze %dma_start3A_71 : memref<1x64x128xf32, #tpu.memory_space<hbm>> -> memref<64x128xf32, #tpu.memory_space<hbm>>
        %dma_start3A_73 = arith.constant 0 : i32
        %dma_start3A_74 = tpu.memref_slice %arg5[%arg0, %add3A_66, %dma_start3A_73] : memref<2x10000x128xf32, #tpu.memory_space<hbm>> -> memref<1x64x128xf32, #tpu.memory_space<hbm>>
        %dma_start3A_75 = tpu.memref_squeeze %dma_start3A_74 : memref<1x64x128xf32, #tpu.memory_space<hbm>> -> memref<64x128xf32, #tpu.memory_space<hbm>>
        %dma_start3A_76 = arith.constant 0 : i32
        %dma_start3A_77 = arith.constant 0 : i32
        %dma_start3A_78 = tpu.memref_slice %arg8[%dma_start3A_76, %dma_start3A_77] : memref<80x128xf32, #tpu.memory_space<vmem>> -> memref<64x128xf32, #tpu.memory_space<vmem>>
        tpu.enqueue_dma source(%dma_start3A_78 : memref<64x128xf32, #tpu.memory_space<vmem>>) target(%dma_start3A_75 : memref<64x128xf32, #tpu.memory_space<hbm>>) target_semaphore(%run_scoped3A : memref<!tpu.dma_semaphore, #tpu.memory_space<semaphore_mem>>)
        %dma_wait3A = arith.constant 0 : i32
        %dma_wait3A_79 = arith.constant 0 : i32
        %dma_wait3A_80 = tpu.memref_slice %arg8[%dma_wait3A, %dma_wait3A_79] : memref<80x128xf32, #tpu.memory_space<vmem>> -> memref<64x128xf32, #tpu.memory_space<vmem>>
        %dma_wait3A_81 = arith.constant 0 : i32
        %dma_wait3A_82 = tpu.memref_slice %arg5[%arg0, %add3A_66, %dma_wait3A_81] : memref<2x10000x128xf32, #tpu.memory_space<hbm>> -> memref<1x64x128xf32, #tpu.memory_space<hbm>>
        %dma_wait3A_83 = tpu.memref_squeeze %dma_wait3A_82 : memref<1x64x128xf32, #tpu.memory_space<hbm>> -> memref<64x128xf32, #tpu.memory_space<hbm>>
        %dma_wait3A_84 = arith.constant 0 : i32
        %dma_wait3A_85 = tpu.memref_slice %arg5[%arg0, %add3A_66, %dma_wait3A_84] : memref<2x10000x128xf32, #tpu.memory_space<hbm>> -> memref<1x64x128xf32, #tpu.memory_space<hbm>>
        %dma_wait3A_86 = tpu.memref_squeeze %dma_wait3A_85 : memref<1x64x128xf32, #tpu.memory_space<hbm>> -> memref<64x128xf32, #tpu.memory_space<hbm>>
        %dma_wait3A_87 = arith.constant 0 : i32
        %dma_wait3A_88 = arith.constant 0 : i32
        %dma_wait3A_89 = tpu.memref_slice %arg8[%dma_wait3A_87, %dma_wait3A_88] : memref<80x128xf32, #tpu.memory_space<vmem>> -> memref<64x128xf32, #tpu.memory_space<vmem>>
        tpu.wait_dma2 semaphore(%run_scoped3A : memref<!tpu.dma_semaphore, #tpu.memory_space<semaphore_mem>>) src(%dma_wait3A_89 : memref<64x128xf32, #tpu.memory_space<vmem>>) dst(%dma_wait3A_86 : memref<64x128xf32, #tpu.memory_space<hbm>>)
        tpu.yield
      }) : () -> ()
    } else {
    }
    %eq3A_60 = arith.constant 15 : i32
    %eq3A_61 = arith.cmpi eq, %arg1, %eq3A_60 : i32
    %convert_element_type3A_62 = arith.extui %eq3A_61 : i1 to i32
    %cond3A_63 = arith.constant 0 : i32
    %cond3A_64 = arith.cmpi ne, %convert_element_type3A_62, %cond3A_63 : i32
    scf.if %cond3A_64 {
      %add3A_65 = arith.constant 560 : i32
      %add3A_66 = arith.addi %mul3A_2, %add3A_65 : i32
      "tpu.region"() ({
        %run_scoped3A = tpu.sem_alloc : memref<!tpu.dma_semaphore, #tpu.memory_space<semaphore_mem>>
        %dma_start3A_67 = arith.constant 0 : i32
        %dma_start3A_68 = arith.constant 0 : i32
        %dma_start3A_69 = tpu.memref_slice %arg8[%dma_start3A_67, %dma_start3A_68] : memref<80x128xf32, #tpu.memory_space<vmem>> -> memref<80x128xf32, #tpu.memory_space<vmem>>
        %dma_start3A_70 = arith.constant 0 : i32
        %dma_start3A_71 = tpu.memref_slice %arg10[%add3A_66, %dma_start3A_70] : memref<10000x128xf32, #tpu.memory_space<vmem_shared>> -> memref<80x128xf32, #tpu.memory_space<vmem_shared>>
        %dma_start3A_72 = arith.constant 0 : i32
        %dma_start3A_73 = arith.constant 0 : i32
        %dma_start3A_74 = tpu.memref_slice %arg8[%dma_start3A_72, %dma_start3A_73] : memref<80x128xf32, #tpu.memory_space<vmem>> -> memref<80x128xf32, #tpu.memory_space<vmem>>
        %dma_start3A_75 = arith.constant 0 : i32
        %dma_start3A_76 = tpu.memref_slice %arg10[%add3A_66, %dma_start3A_75] : memref<10000x128xf32, #tpu.memory_space<vmem_shared>> -> memref<80x128xf32, #tpu.memory_space<vmem_shared>>
        tpu.enqueue_dma source(%dma_start3A_76 : memref<80x128xf32, #tpu.memory_space<vmem_shared>>) target(%dma_start3A_74 : memref<80x128xf32, #tpu.memory_space<vmem>>) target_semaphore(%run_scoped3A : memref<!tpu.dma_semaphore, #tpu.memory_space<semaphore_mem>>)
        %dma_wait3A = arith.constant 0 : i32
        %dma_wait3A_77 = arith.constant 0 : i32
        %dma_wait3A_78 = tpu.memref_slice %arg8[%dma_wait3A, %dma_wait3A_77] : memref<80x128xf32, #tpu.memory_space<vmem>> -> memref<80x128xf32, #tpu.memory_space<vmem>>
        %dma_wait3A_79 = arith.constant 0 : i32
        %dma_wait3A_80 = tpu.memref_slice %arg10[%add3A_66, %dma_wait3A_79] : memref<10000x128xf32, #tpu.memory_space<vmem_shared>> -> memref<80x128xf32, #tpu.memory_space<vmem_shared>>
        %dma_wait3A_81 = arith.constant 0 : i32
        %dma_wait3A_82 = arith.constant 0 : i32
        %dma_wait3A_83 = tpu.memref_slice %arg8[%dma_wait3A_81, %dma_wait3A_82] : memref<80x128xf32, #tpu.memory_space<vmem>> -> memref<80x128xf32, #tpu.memory_space<vmem>>
        %dma_wait3A_84 = arith.constant 0 : i32
        %dma_wait3A_85 = tpu.memref_slice %arg10[%add3A_66, %dma_wait3A_84] : memref<10000x128xf32, #tpu.memory_space<vmem_shared>> -> memref<80x128xf32, #tpu.memory_space<vmem_shared>>
        tpu.wait_dma2 semaphore(%run_scoped3A : memref<!tpu.dma_semaphore, #tpu.memory_space<semaphore_mem>>) src(%dma_wait3A_85 : memref<80x128xf32, #tpu.memory_space<vmem_shared>>) dst(%dma_wait3A_83 : memref<80x128xf32, #tpu.memory_space<vmem>>)
        tpu.yield
      }) : () -> ()
      "tpu.region"() ({
        %run_scoped3A = tpu.sem_alloc : memref<!tpu.dma_semaphore, #tpu.memory_space<semaphore_mem>>
        %dma_start3A_67 = arith.constant 0 : i32
        %dma_start3A_68 = arith.constant 0 : i32
        %dma_start3A_69 = tpu.memref_slice %arg8[%dma_start3A_67, %dma_start3A_68] : memref<80x128xf32, #tpu.memory_space<vmem>> -> memref<80x128xf32, #tpu.memory_space<vmem>>
        %dma_start3A_70 = arith.constant 0 : i32
        %dma_start3A_71 = tpu.memref_slice %arg5[%arg0, %add3A_66, %dma_start3A_70] : memref<2x10000x128xf32, #tpu.memory_space<hbm>> -> memref<1x80x128xf32, #tpu.memory_space<hbm>>
        %dma_start3A_72 = tpu.memref_squeeze %dma_start3A_71 : memref<1x80x128xf32, #tpu.memory_space<hbm>> -> memref<80x128xf32, #tpu.memory_space<hbm>>
        %dma_start3A_73 = arith.constant 0 : i32
        %dma_start3A_74 = tpu.memref_slice %arg5[%arg0, %add3A_66, %dma_start3A_73] : memref<2x10000x128xf32, #tpu.memory_space<hbm>> -> memref<1x80x128xf32, #tpu.memory_space<hbm>>
        %dma_start3A_75 = tpu.memref_squeeze %dma_start3A_74 : memref<1x80x128xf32, #tpu.memory_space<hbm>> -> memref<80x128xf32, #tpu.memory_space<hbm>>
        %dma_start3A_76 = arith.constant 0 : i32
        %dma_start3A_77 = arith.constant 0 : i32
        %dma_start3A_78 = tpu.memref_slice %arg8[%dma_start3A_76, %dma_start3A_77] : memref<80x128xf32, #tpu.memory_space<vmem>> -> memref<80x128xf32, #tpu.memory_space<vmem>>
        tpu.enqueue_dma source(%dma_start3A_78 : memref<80x128xf32, #tpu.memory_space<vmem>>) target(%dma_start3A_75 : memref<80x128xf32, #tpu.memory_space<hbm>>) target_semaphore(%run_scoped3A : memref<!tpu.dma_semaphore, #tpu.memory_space<semaphore_mem>>)
        %dma_wait3A = arith.constant 0 : i32
        %dma_wait3A_79 = arith.constant 0 : i32
        %dma_wait3A_80 = tpu.memref_slice %arg8[%dma_wait3A, %dma_wait3A_79] : memref<80x128xf32, #tpu.memory_space<vmem>> -> memref<80x128xf32, #tpu.memory_space<vmem>>
        %dma_wait3A_81 = arith.constant 0 : i32
        %dma_wait3A_82 = tpu.memref_slice %arg5[%arg0, %add3A_66, %dma_wait3A_81] : memref<2x10000x128xf32, #tpu.memory_space<hbm>> -> memref<1x80x128xf32, #tpu.memory_space<hbm>>
        %dma_wait3A_83 = tpu.memref_squeeze %dma_wait3A_82 : memref<1x80x128xf32, #tpu.memory_space<hbm>> -> memref<80x128xf32, #tpu.memory_space<hbm>>
        %dma_wait3A_84 = arith.constant 0 : i32
        %dma_wait3A_85 = tpu.memref_slice %arg5[%arg0, %add3A_66, %dma_wait3A_84] : memref<2x10000x128xf32, #tpu.memory_space<hbm>> -> memref<1x80x128xf32, #tpu.memory_space<hbm>>
        %dma_wait3A_86 = tpu.memref_squeeze %dma_wait3A_85 : memref<1x80x128xf32, #tpu.memory_space<hbm>> -> memref<80x128xf32, #tpu.memory_space<hbm>>
        %dma_wait3A_87 = arith.constant 0 : i32
        %dma_wait3A_88 = arith.constant 0 : i32
        %dma_wait3A_89 = tpu.memref_slice %arg8[%dma_wait3A_87, %dma_wait3A_88] : memref<80x128xf32, #tpu.memory_space<vmem>> -> memref<80x128xf32, #tpu.memory_space<vmem>>
        tpu.wait_dma2 semaphore(%run_scoped3A : memref<!tpu.dma_semaphore, #tpu.memory_space<semaphore_mem>>) src(%dma_wait3A_89 : memref<80x128xf32, #tpu.memory_space<vmem>>) dst(%dma_wait3A_86 : memref<80x128xf32, #tpu.memory_space<hbm>>)
        tpu.yield
      }) : () -> ()
    } else {
    }
    return
  }
}

module attributes {stable_mosaic.version = 14 : i64} {
  func.func @_tc_first_body(%arg0: i32, %arg1: memref<2000x128xf32, #tpu.memory_space<vmem>>, %arg2: memref<128x128xf32, #tpu.memory_space<vmem>>, %arg3: memref<2000x2xf32, #tpu.memory_space<vmem>>, %arg4: memref<2000x128xf32, #tpu.memory_space<vmem>>) attributes {dimension_semantics = [#tpu.dimension_semantics<arbitrary>], iteration_bounds = array<i64: 5>, scalar_prefetch = 0 : i64, scratch_operands = 0 : i64, tpu.core_type = #tpu.core_type<tc>, window_params = [{transform_indices = @transform_0, window_bounds = array<i64: 2000, 128>}, {pipeline_mode = #tpu.pipeline_mode<synchronous>, transform_indices = @transform_1, window_bounds = array<i64: 128, 128>}, {transform_indices = @transform_2, window_bounds = array<i64: 2000, 2>}, {transform_indices = @transform_3, window_bounds = array<i64: 2000, 128>}]} {
    %get3A = arith.constant 0 : index
    %get3A_0 = arith.constant 0 : index
    %get3A_1 = vector.load %arg3[%get3A, %get3A_0] : memref<2000x2xf32, #tpu.memory_space<vmem>>, vector<2000x1xf32>
    %get3A_2 = vector.shape_cast %get3A_1 : vector<2000x1xf32> to vector<2000xf32>
    %get3A_3 = arith.constant 0 : index
    %get3A_4 = arith.constant 1 : index
    %get3A_5 = vector.load %arg3[%get3A_3, %get3A_4] : memref<2000x2xf32, #tpu.memory_space<vmem>>, vector<2000x1xf32>
    %get3A_6 = vector.shape_cast %get3A_5 : vector<2000x1xf32> to vector<2000xf32>
    %add3A = arith.addf %get3A_2, %get3A_6 : vector<2000xf32>
    %add3A_7 = arith.constant 1.000000e+00 : f32
    %add3A_8 = vector.broadcast %add3A_7 : f32 to vector<2000xf32>
    %add3A_9 = arith.addf %add3A, %add3A_8 : vector<2000xf32>
    %rsqrt3A = math.rsqrt %add3A_9 : vector<2000xf32>
    %get3A_10 = arith.constant 0 : index
    %get3A_11 = arith.constant 0 : index
    %get3A_12 = vector.load %arg1[%get3A_10, %get3A_11] : memref<2000x128xf32, #tpu.memory_space<vmem>>, vector<2000x128xf32>
    %get3A_13 = arith.constant 0 : index
    %get3A_14 = arith.constant 0 : index
    %get3A_15 = vector.load %arg2[%get3A_13, %get3A_14] : memref<128x128xf32, #tpu.memory_space<vmem>>, vector<128x128xf32>
    %dot_general3A = arith.constant dense<0.000000e+00> : vector<2000x128xf32>
    %dot_general3A_16 = tpu.matmul %get3A_12, %get3A_15, %dot_general3A {dimension_numbers = #tpu.dot_dimension_numbers<[1], [0], [0], [1], [0, 0, 1, 1], [], []>, transpose_lhs_hint = false} : vector<2000x128xf32>, vector<128x128xf32>, vector<2000x128xf32> -> vector<2000x128xf32>
    %broadcast_in_dim3A = vector.shape_cast %rsqrt3A : vector<2000xf32> to vector<2000x1xf32>
    %mul3A = vector.broadcast %broadcast_in_dim3A : vector<2000x1xf32> to vector<2000x128xf32>
    %mul3A_17 = arith.mulf %dot_general3A_16, %mul3A : vector<2000x128xf32>
    %swap3A = arith.constant 0 : index
    %swap3A_18 = arith.constant 0 : index
    %swap3A_19 = vector.load %arg4[%swap3A, %swap3A_18] : memref<2000x128xf32, #tpu.memory_space<vmem>>, vector<2000x128xf32>
    tpu.vector_store %arg4[%swap3A, %swap3A_18], %mul3A_17 {strides = array<i32>} : memref<2000x128xf32, #tpu.memory_space<vmem>>, vector<2000x128xf32>,
    return
  }
  func.func @transform_0(%arg0: i32) -> (i32, i32) {
    %c0_i32 = arith.constant 0 : i32
    %c0_i32_0 = arith.constant 0 : i32
    return %arg0, %c0_i32 : i32, i32
  }
  func.func @transform_1(%arg0: i32) -> (i32, i32) {
    %c0_i32 = arith.constant 0 : i32
    %c0_i32_0 = arith.constant 0 : i32
    %c0_i32_1 = arith.constant 0 : i32
    return %c0_i32, %c0_i32_0 : i32, i32
  }
  func.func @transform_2(%arg0: i32) -> (i32, i32) {
    %c0_i32 = arith.constant 0 : i32
    %c0_i32_0 = arith.constant 0 : i32
    return %arg0, %c0_i32 : i32, i32
  }
  func.func @transform_3(%arg0: i32) -> (i32, i32) {
    %c0_i32 = arith.constant 0 : i32
    %c0_i32_0 = arith.constant 0 : i32
    return %arg0, %c0_i32 : i32, i32
  }
}

module attributes {stable_mosaic.version = 14 : i64} {
  func.func @_tc_mid_body(%arg0: i32, %arg1: memref<2x2000x128xf32, #tpu.memory_space<vmem>>, %arg2: memref<2000x128xf32, #tpu.memory_space<vmem>>, %arg3: memref<2000x2xf32, #tpu.memory_space<vmem>>, %arg4: memref<1x128xf32, #tpu.memory_space<vmem>>, %arg5: memref<128x128xf32, #tpu.memory_space<vmem>>, %arg6: memref<2000x128xf32, #tpu.memory_space<vmem>>) attributes {dimension_semantics = [#tpu.dimension_semantics<arbitrary>], iteration_bounds = array<i64: 5>, scalar_prefetch = 0 : i64, scratch_operands = 0 : i64, tpu.core_type = #tpu.core_type<tc>, window_params = [{transform_indices = @transform_0, window_bounds = array<i64: 2, 2000, 128>}, {transform_indices = @transform_1, window_bounds = array<i64: 2000, 128>}, {transform_indices = @transform_2, window_bounds = array<i64: 2000, 2>}, {pipeline_mode = #tpu.pipeline_mode<synchronous>, transform_indices = @transform_3, window_bounds = array<i64: 1, 128>}, {pipeline_mode = #tpu.pipeline_mode<synchronous>, transform_indices = @transform_4, window_bounds = array<i64: 128, 128>}, {transform_indices = @transform_5, window_bounds = array<i64: 2000, 128>}]} {
    %get3A = arith.constant 0 : index
    %get3A_0 = arith.constant 0 : index
    %get3A_1 = vector.load %arg3[%get3A, %get3A_0] : memref<2000x2xf32, #tpu.memory_space<vmem>>, vector<2000x1xf32>
    %get3A_2 = vector.shape_cast %get3A_1 : vector<2000x1xf32> to vector<2000xf32>
    %get3A_3 = arith.constant 0 : index
    %get3A_4 = arith.constant 1 : index
    %get3A_5 = vector.load %arg3[%get3A_3, %get3A_4] : memref<2000x2xf32, #tpu.memory_space<vmem>>, vector<2000x1xf32>
    %get3A_6 = vector.shape_cast %get3A_5 : vector<2000x1xf32> to vector<2000xf32>
    %add3A = arith.addf %get3A_2, %get3A_6 : vector<2000xf32>
    %add3A_7 = arith.constant 1.000000e+00 : f32
    %add3A_8 = vector.broadcast %add3A_7 : f32 to vector<2000xf32>
    %add3A_9 = arith.addf %add3A, %add3A_8 : vector<2000xf32>
    %rsqrt3A = math.rsqrt %add3A_9 : vector<2000xf32>
    %get3A_10 = arith.constant 0 : index
    %get3A_11 = arith.constant 0 : index
    %get3A_12 = arith.constant 0 : index
    %get3A_13 = vector.load %arg1[%get3A_10, %get3A_11, %get3A_12] : memref<2x2000x128xf32, #tpu.memory_space<vmem>>, vector<1x2000x128xf32>
    %get3A_14 = vector.shape_cast %get3A_13 : vector<1x2000x128xf32> to vector<2000x128xf32>
    %get3A_15 = arith.constant 1 : index
    %get3A_16 = arith.constant 0 : index
    %get3A_17 = arith.constant 0 : index
    %get3A_18 = vector.load %arg1[%get3A_15, %get3A_16, %get3A_17] : memref<2x2000x128xf32, #tpu.memory_space<vmem>>, vector<1x2000x128xf32>
    %get3A_19 = vector.shape_cast %get3A_18 : vector<1x2000x128xf32> to vector<2000x128xf32>
    %add3A_20 = arith.addf %get3A_14, %get3A_19 : vector<2000x128xf32>
    %get3A_21 = arith.constant 0 : index
    %get3A_22 = arith.constant 0 : index
    %get3A_23 = vector.load %arg2[%get3A_21, %get3A_22] : memref<2000x128xf32, #tpu.memory_space<vmem>>, vector<2000x128xf32>
    %add3A_24 = arith.addf %add3A_20, %get3A_23 : vector<2000x128xf32>
    %broadcast_in_dim3A = vector.shape_cast %rsqrt3A : vector<2000xf32> to vector<2000x1xf32>
    %mul3A = vector.broadcast %broadcast_in_dim3A : vector<2000x1xf32> to vector<2000x128xf32>
    %mul3A_25 = arith.mulf %add3A_24, %mul3A : vector<2000x128xf32>
    %get3A_26 = arith.constant 0 : index
    %get3A_27 = arith.constant 0 : index
    %get3A_28 = vector.load %arg4[%get3A_26, %get3A_27] : memref<1x128xf32, #tpu.memory_space<vmem>>, vector<1x128xf32>
    %add3A_29 = vector.broadcast %get3A_28 : vector<1x128xf32> to vector<2000x128xf32>
    %add3A_30 = arith.addf %mul3A_25, %add3A_29 : vector<2000x128xf32>
    %max3A = arith.constant 0.000000e+00 : f32
    %max3A_31 = vector.broadcast %max3A : f32 to vector<2000x128xf32>
    %max3A_32 = arith.maximumf %add3A_30, %max3A_31 : vector<2000x128xf32>
    %get3A_33 = arith.constant 0 : index
    %get3A_34 = arith.constant 0 : index
    %get3A_35 = vector.load %arg5[%get3A_33, %get3A_34] : memref<128x128xf32, #tpu.memory_space<vmem>>, vector<128x128xf32>
    %dot_general3A = arith.constant dense<0.000000e+00> : vector<2000x128xf32>
    %dot_general3A_36 = tpu.matmul %max3A_32, %get3A_35, %dot_general3A {dimension_numbers = #tpu.dot_dimension_numbers<[1], [0], [0], [1], [0, 0, 1, 1], [], []>, transpose_lhs_hint = false} : vector<2000x128xf32>, vector<128x128xf32>, vector<2000x128xf32> -> vector<2000x128xf32>
    %broadcast_in_dim3A_37 = vector.shape_cast %rsqrt3A : vector<2000xf32> to vector<2000x1xf32>
    %mul3A_38 = vector.broadcast %broadcast_in_dim3A_37 : vector<2000x1xf32> to vector<2000x128xf32>
    %mul3A_39 = arith.mulf %dot_general3A_36, %mul3A_38 : vector<2000x128xf32>
    %swap3A = arith.constant 0 : index
    %swap3A_40 = arith.constant 0 : index
    %swap3A_41 = vector.load %arg6[%swap3A, %swap3A_40] : memref<2000x128xf32, #tpu.memory_space<vmem>>, vector<2000x128xf32>
    tpu.vector_store %arg6[%swap3A, %swap3A_40], %mul3A_39 {strides = array<i32>} : memref<2000x128xf32, #tpu.memory_space<vmem>>, vector<2000x128xf32>,
    return
  }
  func.func @transform_0(%arg0: i32) -> (i32, i32, i32) {
    %c0_i32 = arith.constant 0 : i32
    %c0_i32_0 = arith.constant 0 : i32
    %c0_i32_1 = arith.constant 0 : i32
    return %c0_i32, %arg0, %c0_i32_0 : i32, i32, i32
  }
  func.func @transform_1(%arg0: i32) -> (i32, i32) {
    %c0_i32 = arith.constant 0 : i32
    %c0_i32_0 = arith.constant 0 : i32
    return %arg0, %c0_i32 : i32, i32
  }
  func.func @transform_2(%arg0: i32) -> (i32, i32) {
    %c0_i32 = arith.constant 0 : i32
    %c0_i32_0 = arith.constant 0 : i32
    return %arg0, %c0_i32 : i32, i32
  }
  func.func @transform_3(%arg0: i32) -> (i32, i32) {
    %c0_i32 = arith.constant 0 : i32
    %c0_i32_0 = arith.constant 0 : i32
    %c0_i32_1 = arith.constant 0 : i32
    return %c0_i32, %c0_i32_0 : i32, i32
  }
  func.func @transform_4(%arg0: i32) -> (i32, i32) {
    %c0_i32 = arith.constant 0 : i32
    %c0_i32_0 = arith.constant 0 : i32
    %c0_i32_1 = arith.constant 0 : i32
    return %c0_i32, %c0_i32_0 : i32, i32
  }
  func.func @transform_5(%arg0: i32) -> (i32, i32) {
    %c0_i32 = arith.constant 0 : i32
    %c0_i32_0 = arith.constant 0 : i32
    return %arg0, %c0_i32 : i32, i32
  }
}

module attributes {stable_mosaic.version = 14 : i64} {
  func.func @_tc_last_body(%arg0: i32, %arg1: memref<2x2000x128xf32, #tpu.memory_space<vmem>>, %arg2: memref<2000x128xf32, #tpu.memory_space<vmem>>, %arg3: memref<2000x2xf32, #tpu.memory_space<vmem>>, %arg4: memref<1x128xf32, #tpu.memory_space<vmem>>, %arg5: memref<2000x128xf32, #tpu.memory_space<vmem>>) attributes {dimension_semantics = [#tpu.dimension_semantics<arbitrary>], iteration_bounds = array<i64: 5>, scalar_prefetch = 0 : i64, scratch_operands = 0 : i64, tpu.core_type = #tpu.core_type<tc>, window_params = [{transform_indices = @transform_0, window_bounds = array<i64: 2, 2000, 128>}, {transform_indices = @transform_1, window_bounds = array<i64: 2000, 128>}, {transform_indices = @transform_2, window_bounds = array<i64: 2000, 2>}, {pipeline_mode = #tpu.pipeline_mode<synchronous>, transform_indices = @transform_3, window_bounds = array<i64: 1, 128>}, {transform_indices = @transform_4, window_bounds = array<i64: 2000, 128>}]} {
    %get3A = arith.constant 0 : index
    %get3A_0 = arith.constant 0 : index
    %get3A_1 = vector.load %arg3[%get3A, %get3A_0] : memref<2000x2xf32, #tpu.memory_space<vmem>>, vector<2000x1xf32>
    %get3A_2 = vector.shape_cast %get3A_1 : vector<2000x1xf32> to vector<2000xf32>
    %get3A_3 = arith.constant 0 : index
    %get3A_4 = arith.constant 1 : index
    %get3A_5 = vector.load %arg3[%get3A_3, %get3A_4] : memref<2000x2xf32, #tpu.memory_space<vmem>>, vector<2000x1xf32>
    %get3A_6 = vector.shape_cast %get3A_5 : vector<2000x1xf32> to vector<2000xf32>
    %add3A = arith.addf %get3A_2, %get3A_6 : vector<2000xf32>
    %add3A_7 = arith.constant 1.000000e+00 : f32
    %add3A_8 = vector.broadcast %add3A_7 : f32 to vector<2000xf32>
    %add3A_9 = arith.addf %add3A, %add3A_8 : vector<2000xf32>
    %rsqrt3A = math.rsqrt %add3A_9 : vector<2000xf32>
    %get3A_10 = arith.constant 0 : index
    %get3A_11 = arith.constant 0 : index
    %get3A_12 = arith.constant 0 : index
    %get3A_13 = vector.load %arg1[%get3A_10, %get3A_11, %get3A_12] : memref<2x2000x128xf32, #tpu.memory_space<vmem>>, vector<1x2000x128xf32>
    %get3A_14 = vector.shape_cast %get3A_13 : vector<1x2000x128xf32> to vector<2000x128xf32>
    %get3A_15 = arith.constant 1 : index
    %get3A_16 = arith.constant 0 : index
    %get3A_17 = arith.constant 0 : index
    %get3A_18 = vector.load %arg1[%get3A_15, %get3A_16, %get3A_17] : memref<2x2000x128xf32, #tpu.memory_space<vmem>>, vector<1x2000x128xf32>
    %get3A_19 = vector.shape_cast %get3A_18 : vector<1x2000x128xf32> to vector<2000x128xf32>
    %add3A_20 = arith.addf %get3A_14, %get3A_19 : vector<2000x128xf32>
    %get3A_21 = arith.constant 0 : index
    %get3A_22 = arith.constant 0 : index
    %get3A_23 = vector.load %arg2[%get3A_21, %get3A_22] : memref<2000x128xf32, #tpu.memory_space<vmem>>, vector<2000x128xf32>
    %add3A_24 = arith.addf %add3A_20, %get3A_23 : vector<2000x128xf32>
    %broadcast_in_dim3A = vector.shape_cast %rsqrt3A : vector<2000xf32> to vector<2000x1xf32>
    %mul3A = vector.broadcast %broadcast_in_dim3A : vector<2000x1xf32> to vector<2000x128xf32>
    %mul3A_25 = arith.mulf %add3A_24, %mul3A : vector<2000x128xf32>
    %get3A_26 = arith.constant 0 : index
    %get3A_27 = arith.constant 0 : index
    %get3A_28 = vector.load %arg4[%get3A_26, %get3A_27] : memref<1x128xf32, #tpu.memory_space<vmem>>, vector<1x128xf32>
    %add3A_29 = vector.broadcast %get3A_28 : vector<1x128xf32> to vector<2000x128xf32>
    %add3A_30 = arith.addf %mul3A_25, %add3A_29 : vector<2000x128xf32>
    %max3A = arith.constant 0.000000e+00 : f32
    %max3A_31 = vector.broadcast %max3A : f32 to vector<2000x128xf32>
    %max3A_32 = arith.maximumf %add3A_30, %max3A_31 : vector<2000x128xf32>
    %swap3A = arith.constant 0 : index
    %swap3A_33 = arith.constant 0 : index
    %swap3A_34 = vector.load %arg5[%swap3A, %swap3A_33] : memref<2000x128xf32, #tpu.memory_space<vmem>>, vector<2000x128xf32>
    tpu.vector_store %arg5[%swap3A, %swap3A_33], %max3A_32 {strides = array<i32>} : memref<2000x128xf32, #tpu.memory_space<vmem>>, vector<2000x128xf32>,
    return
  }
  func.func @transform_0(%arg0: i32) -> (i32, i32, i32) {
    %c0_i32 = arith.constant 0 : i32
    %c0_i32_0 = arith.constant 0 : i32
    %c0_i32_1 = arith.constant 0 : i32
    return %c0_i32, %arg0, %c0_i32_0 : i32, i32, i32
  }
  func.func @transform_1(%arg0: i32) -> (i32, i32) {
    %c0_i32 = arith.constant 0 : i32
    %c0_i32_0 = arith.constant 0 : i32
    return %arg0, %c0_i32 : i32, i32
  }
  func.func @transform_2(%arg0: i32) -> (i32, i32) {
    %c0_i32 = arith.constant 0 : i32
    %c0_i32_0 = arith.constant 0 : i32
    return %arg0, %c0_i32 : i32, i32
  }
  func.func @transform_3(%arg0: i32) -> (i32, i32) {
    %c0_i32 = arith.constant 0 : i32
    %c0_i32_0 = arith.constant 0 : i32
    %c0_i32_1 = arith.constant 0 : i32
    return %c0_i32, %c0_i32_0 : i32, i32
  }
  func.func @transform_4(%arg0: i32) -> (i32, i32) {
    %c0_i32 = arith.constant 0 : i32
    %c0_i32_0 = arith.constant 0 : i32
    return %arg0, %c0_i32 : i32, i32
  }
}

</mosaic_0001>

<sc_bundles>
// kernel: kernel.11.cloned.1.call-start
scs
__scs_entry_jumppad:
0x0: {  	(pc) =	sbr.rel $0x88, $3  }
0x1: {  	(tag) =	ssettag $0x0;
	lr =	simm.s32 $0x1  }
0x2: {  	[smem:$0x3F9B] =	sst lr;
	_ =	strace $0xD0000000  }
0x3: {  	_ = 	snop  }
0x4: {  	_ = 	snop  }
0x5: {  	_ = 	snop  }
0x6: {  	_ = 	snop  }
0x7: {  	_ = 	snop  }
__scs_overlays_trampoline_lowered:
0x8: {  	[smem:$0x3FAA] =	sst s0  }
0x9: {  	[smem:$0x3FAB] =	sst s1  }
0xa: {  	[smem:$0x3FAC] =	sst s2  }
0xb: {  	[smem:$0x3FAD] =	sst s3  }
0xc: {  	[smem:$0x3FAE] =	sst s4  }
0xd: {  	[smem:$0x3FAF] =	sst s5  }
0xe: {  	[smem:$0x3FB0] =	sst s6  }
0xf: {  	[smem:$0x3FB1] =	sst s7  }
0x10: {  	[smem:$0x3FB2] =	sst s8  }
0x11: {  	[smem:$0x3FB3] =	sst s9;
	s0 =	simm.s32 @!p0 $0x0  }
0x12: {  	s1 =	sld [smem:$0x3F99];
	s0 =	simm.s32 @p0 $0x1  }
0x13: {  	[smem:$0x3FB4] =	sst s0;
	s0 =	simm.s32 @!p1 $0x0  }
0x14: {  	s2 =	sld [smem:$0x3F98];
	s0 =	simm.s32 @p1 $0x1  }
0x15: {  	[smem:$0x3FB5] =	sst s0;
	s0 =	simm.s32 @!p2 $0x0  }
0x16: {  	s3 =	sld [smem:$0x3FDB];
	s0 =	simm.s32 @p2 $0x1  }
0x17: {  	s4 =	simm.s32 $0x1BF5;
	[smem:$0x3FB7] =	sst s0  }
0x18: {  	s0 =	sld [smem:$0x3F9A];
	_ =	swait.ge [sflag:s4], $0x0  }
0x19: {  	s7 =	sld [smem:$0x3F9B]  }
0x1a: {  	s8 =	sadd.s32 $0xFFFFE003, lr  }
0x1b: {  	s9 =	sadd.s32 $0xFFFFFEF7, lr;
	s5 =	simm.s32 $0xFFFFFFFF;
	p2 =	slt.u32 s8, $0xFFFFF086  }
0x1c: {  	p1 =	slt.u32 s9, $0xF7A;
	s5 =	simm.s32 @!p2 $0x0  }
0x1d: {  	s5 =	simm.s32 @p1 $0x1;
	p0 =	seq.s32 s7, s2  }
0x1e: {  	s7 =	smul.u32 @!p0 $0xF7A, s2;
	p2 =	seq.s32 @!p0 s5, $0x0  }
0x1f: {  	s9 =	smul.u32 $0xF7A, s1;
	s8 =	simm.s32 @!p0 $0x1BF5;
	p2 =	por !p2, p0  }
0x20: {  	[sflag:s8] =	ssyncset.s32 @!p0 $0xFFFFF086;
	s6 =	sadd.s32 @!p0 s3, s7;
	s7 =	simm.s32 @!p0 $0x108  }
0x21: {  	s3 =	sadd.s32 s3, s9;
	s6 =	sadd.s32 @!p0 $0x88, s6;
	s7 =	simm.s32 @p2 $0x1082  }
0x22: {  	[simem:s7], [sflag:s8] =	dma.local @!p0 [hbm:s6], $0xF7A  }
0x23: {  	s9 =	sor.u32 $0xD0000000, s2;
	s6 =	simm.s32 $0x108;
	_ =	swait.ge @!p0 [sflag:s8], $0x0  }
0x24: {  	s3 =	sadd.s32 $0x88, s3;
	s6 =	simm.s32 @!p1 $0x1082;
	[sflag:s4] =	ssyncset.s32 $0xFFFFF086  }
0x25: {  	[simem:s6], [sflag:s4] =	dma.local [hbm:s3], $0xF7A  }
0x26: {  	[smem:$0x3F9B] =	sst s1;
	(tag) =	ssettag s2;
	_ =	strace s9  }
0x27: {  	s1 =	sld [smem:$0x3FAB]  }
0x28: {  	s2 =	sld [smem:$0x3FAC]  }
0x29: {  	s4 =	sld [smem:$0x3FAE]  }
0x2a: {  	p0 =	seq.s32 s5, $0x0;
	s5 =	sld [smem:$0x3FAF]  }
0x2b: {  	s6 =	sld [smem:$0x3FB0]  }
0x2c: {  	s7 =	sld [smem:$0x3FB1]  }
0x2d: {  	s3 =	simm.s32 $0x108;
	s8 =	sld [smem:$0x3FB2]  }
0x2e: {  	s3 =	simm.s32 @!p0 $0x1082;
	s9 =	sld [smem:$0x3FB3]  }
0x2f: {  	lr =	sadd.s32 s0, s3;
	s0 =	sld [smem:$0x3FAA]  }
0x30: {  	s3 =	sld [smem:$0x3FAD]  }
0x31: {  	[smem:$0x3FB6] =	sst s10  }
0x32: {  	s10 =	sld [smem:$0x3FB4];
	_ =	sdelay $0x3  }
0x33: {  	p0 =	seq.s32 s10, $0x1;
	s10 =	sld [smem:$0x3FB6];
	_ =	sdelay $0x3  }
0x34: {  	[smem:$0x3FB6] =	sst s10  }
0x35: {  	s10 =	sld [smem:$0x3FB5];
	_ =	sdelay $0x3  }
0x36: {  	p1 =	seq.s32 s10, $0x1;
	s10 =	sld [smem:$0x3FB6];
	_ =	sdelay $0x3  }
0x37: {  	[smem:$0x3FB6] =	sst s10  }
0x38: {  	s10 =	sld [smem:$0x3FB7]  }
0x39: {  	_ = 	snop;
	(pc) =	sbr.ind lr, $3  }
0x3a: {  	_ = 	snop  }
0x3b: {  	_ = 	snop  }
0x3c: {  	p2 =	seq.s32 s10, $0x1;
	s10 =	sld [smem:$0x3FB6]  }
0x3d: {  	_ =	shalt  }
0x3e: {  	_ =	shalt  }
0x3f: {  	_ =	shalt  }
0x40: {  	_ =	shalt  }
0x41: {  	_ =	shalt  }
0x42: {  	_ =	shalt  }
0x43: {  	_ =	shalt  }
0x44: {  	_ =	shalt  }
0x45: {  	_ =	shalt  }
0x46: {  	_ =	shalt  }
0x47: {  	_ =	shalt  }
0x48: {  	_ =	shalt  }
0x49: {  	_ =	shalt  }
0x4a: {  	_ =	shalt  }
0x4b: {  	_ =	shalt  }
0x4c: {  	_ =	shalt  }
0x4d: {  	_ =	shalt  }
0x4e: {  	_ =	shalt  }
0x4f: {  	_ =	shalt  }
0x50: {  	_ =	shalt  }
0x51: {  	_ =	shalt  }
0x52: {  	_ =	shalt  }
0x53: {  	_ =	shalt  }
0x54: {  	_ =	shalt  }
0x55: {  	_ =	shalt  }
0x56: {  	_ =	shalt  }
0x57: {  	_ =	shalt  }
0x58: {  	_ =	shalt  }
0x59: {  	_ =	shalt  }
0x5a: {  	_ =	shalt  }
0x5b: {  	_ =	shalt  }
0x5c: {  	_ =	shalt  }
0x5d: {  	_ =	shalt  }
0x5e: {  	_ =	shalt  }
0x5f: {  	_ =	shalt  }
0x60: {  	_ =	shalt  }
0x61: {  	_ =	shalt  }
0x62: {  	_ =	shalt  }
0x63: {  	_ =	shalt  }
0x64: {  	_ =	shalt  }
0x65: {  	_ =	shalt  }
0x66: {  	_ =	shalt  }
0x67: {  	_ =	shalt  }
0x68: {  	_ =	shalt  }
0x69: {  	_ =	shalt  }
0x6a: {  	_ =	shalt  }
0x6b: {  	_ =	shalt  }
0x6c: {  	_ =	shalt  }
0x6d: {  	_ =	shalt  }
0x6e: {  	_ =	shalt  }
0x6f: {  	_ =	shalt  }
0x70: {  	_ =	shalt  }
0x71: {  	_ =	shalt  }
0x72: {  	_ =	shalt  }
0x73: {  	_ =	shalt  }
0x74: {  	_ =	shalt  }
0x75: {  	_ =	shalt  }
0x76: {  	_ =	shalt  }
0x77: {  	_ =	shalt  }
0x78: {  	_ =	shalt  }
0x79: {  	_ =	shalt  }
0x7a: {  	_ =	shalt  }
0x7b: {  	_ =	shalt  }
0x7c: {  	_ =	shalt  }
0x7d: {  	_ =	shalt  }
0x7e: {  	_ =	shalt  }
0x7f: {  	_ =	shalt  }
0x80: {  	_ =	shalt  }
0x81: {  	_ =	shalt  }
0x82: {  	_ =	shalt  }
0x83: {  	_ =	shalt  }
0x84: {  	_ =	shalt  }
0x85: {  	_ =	shalt  }
0x86: {  	_ =	shalt  }
0x87: {  	_ =	shalt  }
.Lfunc_end0:
.L_simem_size_0:
called_computation.1_lowered:
.L_overlay_start_0:
0x88: {  	s2 =	sld [smem:$0x3FD9]  }
0x89: {  	s3 =	sld [smem:$0x3FFE];
	_ =	sdelay $0x1  }
0x8a: {  	s1 =	srdreg.scid  }
0x8b: {  	s0 =	sand.u32 $0x1, s1  }
0x8c: {  	s17 =	sshll.u32 s0, $0xA;
	s2 =	sadd.s32 s3, s2  }
0x8d: {  	s2 =	sadd.s32 s2, s17  }
0x8e: {  	[smem:$0x3FC2] =	sst s2  }
0x8f: {  	_ = 	snop  }
0x90: {  	s2 =	sld [smem:$0x3FD0];
	(tm) =	ssettm $0x1  }
0x91: {  	s18 =	sld [smem:$0x3FFB];
	_ =	sdelay $0x3  }
0x92: {  	_ =	strace s18  }
0x93: {  	s3 =	sld [smem:$0x3FFC];
	_ =	sdelay $0x3  }
0x94: {  	_ =	strace s3  }
0x95: {  	s3 =	sld [smem:$0x3FFD];
	_ =	sdelay $0x3  }
0x96: {  	_ =	strace s3  }
0x97: {  	_ =	strace $0x8FFFFFFF  }
0x98: {  	s19 =	sld [smem:$0x3FDB];
	_ =	sdelay $0x1  }
0x99: {  	s4 =	simm.s32 $_scs_section_size  }
0x9a: {  	s5 =	simm.s32 $_size__tile_overlayer_lowered;
	s6 =	simm.s32 $_tile_overlayer_lowered  }
0x9b: {  	s22 =	simm.s32 $0x1BFF;
	s21 =	sshll.u32 s6, $0x1;
	s3 =	sadd.s32 s4, s19  }
0x9c: {  	s7 =	simm.s32 $0x0;
	s20 =	sshll.u32 s5, $0x1;
	s5 =	sadd.s32 s21, s3  }
0x9d: {  	[timem:s7], [sflag:s22] =	dma.local [hbm:s5], s20  }
0x9e: {  	_ =	swait.ge [sflag:s22], s20  }
0x9f: {  	s4 =	ssub.s32 $0x0, s20;
	[sflag:s22] =	ssyncset.done $0x0  }
0xa0: {  	[sflag:s22] =	ssyncadd.s32 s4;
	_ =	sdelay $0x1  }
0xa1: {  	s23 =	simm.s32 $0x1B8B  }
0xa2: {  	_ =	swait.ge [sflag:s23], $0x1  }
0xa3: {  	[sflag:s23] =	ssyncset.done $0x0  }
0xa4: {  	s25 =	simm.s32 $0x1B8E;
	s24 =	sld [smem:$0x3FFE];
	[sflag:s23] =	ssyncadd.s32 $0xFFFFFFFF  }
0xa5: {  	s26 =	simm.s32 $execute0_lowered;
	[smem:$0x3FD2] =	sst s25  }
0xa6: {  	s5 =	sshll.u32 s26, $0x1;
	_ =	strace $0x80000049;
	[dreg:$0x1] =	wrdreg $0xFFFFFFFF  }
0xa7: {  	s28 =	simm.s32 $_size_execute0_lowered;
	s3 =	sadd.s32 s3, s5;
	[dreg:$0x0] =	wrdreg $0x0  }
0xa8: {  	s5 =	sshll.u32 s28, $0x1;
	[dreg:$0x2] =	wrdreg s3  }
0xa9: {  	[dreg:$0x3] =	wrdreg s5  }
0xaa: {  	[dreg:$0x4] =	wrdreg $0xC0  }
0xab: {  	_ =	task [dreg:s7], $0x5FFFF  }
0xac: {  	[dreg:$0x1] =	wrdreg $0xFFFFFFFF  }
0xad: {  	[dreg:$0x0] =	wrdreg $0x60  }
0xae: {  	[dreg:$0x2] =	wrdreg s2  }
0xaf: {  	[dreg:$0x3] =	wrdreg s24  }
0xb0: {  	[dreg:$0x4] =	wrdreg $0x9F000  }
0xb1: {  	[dreg:$0x5] =	wrdreg $0x9  }
0xb2: {  	_ =	task.clear_ibuf [dreg:s7], $0x6FFFF;
	_ =	strace $0x90000049  }
0xb3: {  	s29 =	simm.s32 $0x9;
	_ =	strace $0x8000004B  }
0xb4: {  	_ =	swait.ge [sflag:s29], $0x1  }
0xb5: {  	[sflag:s29] =	ssyncadd.s32 $0xFFFFFFFF  }
0xb6: {  	_ =	strace $0x9000004B  }
0xb7: {  	_ =	sfence  }
0xb8: {  	s30 =	sld [smem:$0x0];
	_ =	sdelay $0x2  }
0xb9: {  	s31 =	sshll.u32 s1, $0xD;
	s1 =	sshrl.u32 s1, $0x2  }
0xba: {  	s3 =	sand.u32 $0x4000, s31;
	s1 =	sadd.s32 s1, s30  }
0xbb: {  	s0 =	sor.u32 s3, s0;
	s1 =	sshll.u32 s1, $0x11  }
0xbc: {  	s0 =	sor.u32 s1, s0  }
0xbd: {  	s0 =	sadd.s32 $0x8F2B, s0  }
0xbe: {  	[sflag:s0] =	ssyncadd.remote.s32 $0x1  }
0xbf: {  	_ =	sfence.sel $0xFFFF  }
0xc0: {  	[dreg:$0x0] =	wrdreg $0xFFFFFFFF;
	(pc) =	sbr.abs _section_cstart, $3  }
0xc1: {  	[dreg:$0x1] =	wrdreg $0xFFFFFFFF  }
0xc2: {  	_ =	task.clear_ibuf [dreg:s7], $0x2FFFF;
	_ =	strace $0x9FFFFFFF  }
0xc3: {  	(tm) =	ssettm $0x7FFFFFFF  }
tec
execute0_lowered:
.L_overlay_start_1:
0x0: {  	(tag) =	ssettag $0x1  }
0x1: {  	s1 =	rddreg [dreg:$0x0]  }
0x2: {  	s0 =	srdreg.scid;
	s2 =	rddreg [dreg:$0x1]  }
0x3: {  	s26 =	stileid.u32;
	s3 =	rddreg [dreg:$0x2];
	s28 =	simm.s32 $0x4F00  }
0x4: {  	s29 =	simm.s32 $0x3;
	s31 =	simm.s32 $0x50;
	s7 =	smul.u32 $0x4E000, s26  }
0x5: {  	s30 =	simm.s32 $0x4;
	s0 =	sand.u32 $0x1, s0;
	s12 =	smul.u32 $0x13800, s26  }
0x6: {  	p0 =	seq.s32 s26, $0xF;
	s4 =	sshll.u32 s0, $0x4;
	s6 =	ssub.s32 $0x2, s0  }
0x7: {  	s0 =	smul.u32 $0x138800, s0;
	s5 =	sor.u32 s26, s4;
	s4 =	simm.s32 $0x0  }
0x8: {  	s8 =	sshrl.u32 s6, $0x1;
	s22 =	sshrl.u32 s7, $0x2;
	s15 =	sadd.s32 $0x2800, s12  }
0x9: {  	s16 =	sadd.s32 $0x5000, s12;
	s17 =	sadd.s32 $0x7800, s12;
	s18 =	sadd.s32 $0xA000, s12  }
0xa: {  	s19 =	sadd.s32 $0xC800, s12;
	s20 =	sadd.s32 $0xF000, s12;
	s26 =	sadd.s32 $0x136000, s3  }
0xb: {  	s5 =	smul.u32 $0x4E2, s5;
	[smem:$0x7FF] =	sst s4;
	s14 =	ssub.s32 s6, s8  }
0xc: {  	s6 =	sadd.s32 s15, s3;
	s7 =	sadd.s32 s16, s3;
	s8 =	sadd.s32 s17, s3  }
0xd: {  	s9 =	sadd.s32 s18, s3;
	s10 =	sadd.s32 s19, s3;
	s21 =	sadd.s32 s12, s0  }
0xe: {  	s11 =	sadd.s32 s20, s3;
	s15 =	sadd.s32 s0, s15;
	s23 =	sadd.s32 s0, s16  }
0xf: {  	s24 =	sadd.s32 s0, s17;
	s25 =	sadd.s32 s0, s18;
	s12 =	sadd.s32 $0x11800, s12  }
0x10: {  	_ =	strace $0x8000004A;
	s13 =	sadd.s32 s5, s2;
	s5 =	sadd.s32 s22, s3  }
0x11: {  	s21 =	sshrl.u32 s21, $0x3;
	s2 =	sadd.s32 $0x16000, s2;
	s22 =	sadd.s32 $0x11800, s5  }
0x12: {  	s15 =	sshrl.u32 s15, $0x3;
	s21 =	sadd.s32 s2, s21;
	[dreg:$0x4] =	wrdreg s22  }
0x13: {  	s16 =	sshrl.u32 s24, $0x3;
	s15 =	sadd.s32 s2, s15;
	[dreg:$0x5] =	wrdreg s21  }
0x14: {  	s24 =	sadd.s32 s0, s12;
	s18 =	sadd.s32 s2, s16;
	[dreg:$0x6] =	wrdreg s15  }
0x15: {  	s15 =	sshrl.u32 s23, $0x3;
	[dreg:$0x8] =	wrdreg s18;
	s21 =	sshrl.u32 s25, $0x3  }
0x16: {  	s22 =	sadd.s32 s0, s19;
	s23 =	sadd.s32 s0, s20;
	s20 =	sshrl.u32 s24, $0x3  }
0x17: {  	s0 =	sshrl.u32 s0, $0x3;
	s15 =	sadd.s32 s2, s15;
	s25 =	sshrl.u32 s23, $0x3  }
0x18: {  	s20 =	sadd.s32 s2, s20;
	s0 =	sadd.s32 s2, s0;
	s23 =	sadd.s32 s12, s3  }
0x19: {  	s12 =	simm.s32 $0x2;
	[dreg:$0x7] =	wrdreg s15;
	s15 =	sadd.s32 s2, s21  }
0x1a: {  	s19 =	sadd.s32 s2, s25;
	s21 =	sadd.s32 $0x2400, s13;
	s24 =	sadd.s32 $0x26C00, s0  }
0x1b: {  	s25 =	smax.u32 s14, $0x1;
	[dreg:$0x9] =	wrdreg s15;
	s15 =	sshrl.u32 s22, $0x3  }
0x1c: {  	s0 =	simm.s32 $0x1;
	s22 =	sadd.s32 $0xC200, s13;
	s15 =	sadd.s32 s2, s15  }
0x1d: {  	v0 =	vimm.f32 $0.0e+00;
	s13 =	simm.s32 $0x0;
	s2 =	simm.s32 $0x7700;
	[dreg:$0xa] =	wrdreg s15  }
.LBB2_1:
0x1e: {  	s14 =	simm.s32 $0x0;
	s15 =	simm.s32 $0x200  }
.LBB2_2:
0x1f: {  	p1 =	sne.s32 s15, $0x9E00;
	[tilespmem:s14+$0x4F70] =	vst v0  }
0x20: {  	[tilespmem:s14+$0x4F00] =	vst v0  }
0x21: {  	[tilespmem:s14+$0x4F10] =	vst v0  }
.Ltmp0:
0x22: {  	[tilespmem:s14+$0x4F20] =	vst v0;
	(pc) =	sbr.rel @p1 .LBB2_2-.Ltmp0, $4  }
0x23: {  	[tilespmem:s14+$0x4F30] =	vst v0  }
0x24: {  	[tilespmem:s14+$0x4F40] =	vst v0  }
0x25: {  	[tilespmem:s14+$0x4F50] =	vst v0  }
0x26: {  	[tilespmem:s14+$0x4F60] =	vst v0;
	s14 =	sshra.s32 s15, $0x2;
	s15 =	sadd.s32 $0x200, s15  }
0x27: {  	[tilespmem:s14+$0x4F70] =	vst v0  }
0x28: {  	[tilespmem:s14+$0x4F00] =	vst v0  }
0x29: {  	[tilespmem:s14+$0x4F10] =	vst v0  }
0x2a: {  	[tilespmem:s14+$0x4F20] =	vst v0  }
0x2b: {  	[tilespmem:s14+$0x4F30] =	vst v0  }
0x2c: {  	[tilespmem:s14+$0x4F40] =	vst v0  }
0x2d: {  	[tilespmem:s14+$0x4F50] =	vst v0  }
0x2e: {  	[tilespmem:s14+$0x4F60] =	vst v0  }
0x2f: {  	[spmem:s5] =	stream.linear.scatter [tilespmem:s28], [sflag:$0x3], $0x2800, $0x38;
	[tilespmem:$0x1D780] =	vst v63  }
0x30: {  	_ =	swait.ge [sflag:s29], $0x2800  }
0x31: {  	[sflag:s29] =	ssyncset.done $0x0  }
0x32: {  	[sflag:s29] =	ssyncadd.s32 $0xFFFFD800  }
0x33: {  	[spmem:s6] =	stream.linear.scatter [tilespmem:s28], [sflag:$0x3], $0x2800, $0x38;
	[tilespmem:$0x1D780] =	vst v63  }
0x34: {  	_ =	swait.ge [sflag:s29], $0x2800  }
0x35: {  	[sflag:s29] =	ssyncset.done $0x0  }
0x36: {  	[sflag:s29] =	ssyncadd.s32 $0xFFFFD800  }
0x37: {  	[spmem:s7] =	stream.linear.scatter [tilespmem:s28], [sflag:$0x3], $0x2800, $0x38;
	[tilespmem:$0x1D780] =	vst v63  }
0x38: {  	_ =	swait.ge [sflag:s29], $0x2800  }
0x39: {  	[sflag:s29] =	ssyncset.done $0x0  }
0x3a: {  	[sflag:s29] =	ssyncadd.s32 $0xFFFFD800  }
0x3b: {  	[spmem:s8] =	stream.linear.scatter [tilespmem:s28], [sflag:$0x3], $0x2800, $0x38;
	[tilespmem:$0x1D780] =	vst v63  }
0x3c: {  	_ =	swait.ge [sflag:s29], $0x2800  }
0x3d: {  	[sflag:s29] =	ssyncset.done $0x0  }
0x3e: {  	[sflag:s29] =	ssyncadd.s32 $0xFFFFD800  }
0x3f: {  	[spmem:s9] =	stream.linear.scatter [tilespmem:s28], [sflag:$0x3], $0x2800, $0x38;
	[tilespmem:$0x1D780] =	vst v63  }
0x40: {  	_ =	swait.ge [sflag:s29], $0x2800  }
0x41: {  	[sflag:s29] =	ssyncset.done $0x0  }
0x42: {  	[sflag:s29] =	ssyncadd.s32 $0xFFFFD800  }
0x43: {  	[spmem:s10] =	stream.linear.scatter [tilespmem:s28], [sflag:$0x3], $0x2800, $0x38;
	[tilespmem:$0x1D780] =	vst v63  }
0x44: {  	_ =	swait.ge [sflag:s29], $0x2800  }
0x45: {  	[sflag:s29] =	ssyncset.done $0x0  }
0x46: {  	[sflag:s29] =	ssyncadd.s32 $0xFFFFD800  }
0x47: {  	[spmem:s11] =	stream.linear.scatter [tilespmem:s28], [sflag:$0x3], $0x2800, $0x38;
	[tilespmem:$0x1D780] =	vst v63  }
0x48: {  	_ =	swait.ge [sflag:s29], $0x2800  }
0x49: {  	[sflag:s29] =	ssyncset.done $0x0  }
0x4a: {  	s14 =	simm.s32 @p0 $0x4F00;
	[sflag:s29] =	ssyncadd.s32 $0xFFFFD800  }
0x4b: {  	[spmem:s26] =	stream.linear.scatter @p0 [tilespmem:s14], [sflag:$0x3], $0x2800, $0x38;
	[tilespmem:$0x1D780] =	vst v63  }
0x4c: {  	s14 =	simm.s32 @p0 $0x3  }
0x4d: {  	_ =	swait.ge @p0 [sflag:s14], $0x2800  }
0x4e: {  	[sflag:s14] =	ssyncset.done @p0 $0x0  }
0x4f: {  	s15 =	rddreg [dreg:$0x4];
	[sflag:s14] =	ssyncadd.s32 @p0 $0xFFFFD800;
	s14 =	simm.s32 @!p0 $0x4F00  }
0x50: {  	[spmem:s15] =	stream.linear.scatter @!p0 [tilespmem:s14], [sflag:$0x3], $0x2000, $0x38;
	[tilespmem:$0x1D780] =	vst v63  }
0x51: {  	s14 =	simm.s32 @!p0 $0x3  }
0x52: {  	_ =	swait.ge @!p0 [sflag:s14], $0x2000  }
0x53: {  	[sflag:s14] =	ssyncset.done @!p0 $0x0  }
0x54: {  	s17 =	simm.s32 $0x0;
	[sflag:s14] =	ssyncadd.s32 @!p0 $0xFFFFE000  }
0x55: {  	[tilespmem:s17], [sflag:$0x3] =	stream.linear.gather [hbm4b:s21+s17], $0x2710, $0x38;
	[tilespmem:$0x1D780] =	vst v63  }
0x56: {  	_ =	swait.ge [sflag:s29], $0x2710  }
0x57: {  	[sflag:s29] =	ssyncset.done $0x0  }
0x58: {  	s18 =	simm.s32 $0x2780;
	[sflag:s29] =	ssyncadd.s32 $0xFFFFD8F0  }
0x59: {  	[tilespmem:s18], [sflag:$0x3] =	stream.linear.gather [hbm4b:s22+s17], $0x2710, $0x38;
	[tilespmem:$0x1D780] =	vst v63  }
0x5a: {  	_ =	swait.ge [sflag:s29], $0x2710  }
0x5b: {  	[sflag:s29] =	ssyncset.done $0x0  }
0x5c: {  	[sflag:s29] =	ssyncadd.s32 $0xFFFFD8F0  }
0x5d: {  	[tilespmem:s28], [sflag:$0x1] =	stream.indirect.gather [hbm4b:s1+s31], $0x80, s17, s31, $0xb8;
	[tilespmem:$0x1D780] =	vst v63  }
0x5e: {  	s15 =	simm.s32 $0x50;
	[bflag:$0x0] =	sbarrier.arrive $0xFFFF  }
0x5f: {  	[tilespmem:s2], [sflag:$0x2] =	stream.indirect.gather [hbm4b:s1+s31], $0x80, s15, s31, $0xb8;
	[tilespmem:$0x1D780] =	vst v63  }
0x60: {  	_ =	swait.ge [sflag:s0], $0x2800  }
0x61: {  	[sflag:s0] =	ssyncset.done $0x0  }
0x62: {  	s16 =	simm.s32 $0x2780;
	[sflag:s0] =	ssyncadd.s32 $0xFFFFD800  }
0x63: {  	[spmem:s3] =	stream.indirect.scatter.add.f32 [tilespmem:s28], [sflag:$0x4], $0x80, s16, s31, $0xb8;
	[tilespmem:$0x1D780] =	vst v63  }
0x64: {  	_ =	swait.ge [sflag:s30], $0x2800  }
0x65: {  	[sflag:s30] =	ssyncset.done $0x0  }
0x66: {  	s17 =	simm.s32 $0xA0;
	[sflag:s30] =	ssyncadd.s32 $0xFFFFD800  }
0x67: {  	[tilespmem:s28], [sflag:$0x1] =	stream.indirect.gather [hbm4b:s1+s31], $0x80, s17, s31, $0xb8;
	[tilespmem:$0x1D780] =	vst v63  }
0x68: {  	_ =	swait.ge [sflag:s12], $0x2800  }
0x69: {  	[sflag:s12] =	ssyncset.done $0x0  }
0x6a: {  	s18 =	simm.s32 $0x27D0;
	[sflag:s12] =	ssyncadd.s32 $0xFFFFD800  }
0x6b: {  	[spmem:s3] =	stream.indirect.scatter.add.f32 [tilespmem:s2], [sflag:$0x3], $0x80, s18, s31, $0xb8;
	[tilespmem:$0x1D780] =	vst v63  }
0x6c: {  	_ =	swait.ge [sflag:s29], $0x2800  }
0x6d: {  	s14 =	simm.s32 $0xA0;
	s15 =	simm.s32 $0x500;
	[sflag:s29] =	ssyncset.done $0x0  }
.LBB2_4:
0x6e: {  	s16 =	sadd.s32 $0x50, s14  }
0x6f: {  	[sflag:s29] =	ssyncadd.s32 $0xFFFFD800;
	s17 =	smov.u32 s15;
	s18 =	sadd.s32 $0x280, s15  }
0x70: {  	[tilespmem:s2], [sflag:$0x2] =	stream.indirect.gather [hbm4b:s1+s31], $0x80, s16, s31, $0xb8;
	[tilespmem:$0x1D780] =	vst v63  }
0x71: {  	p1 =	sne.s32 s15, $0x9880;
	_ =	swait.ge [sflag:s0], $0x2800  }
0x72: {  	[sflag:s0] =	ssyncset.done $0x0  }
0x73: {  	s15 =	sadd.s32 $0x2780, s14;
	[sflag:s0] =	ssyncadd.s32 $0xFFFFD800  }
0x74: {  	[spmem:s3] =	stream.indirect.scatter.add.f32 [tilespmem:s28], [sflag:$0x4], $0x80, s15, s31, $0xb8;
	[tilespmem:$0x1D780] =	vst v63  }
0x75: {  	_ =	swait.ge [sflag:s30], $0x2800  }
0x76: {  	[sflag:s30] =	ssyncset.done $0x0  }
0x77: {  	s15 =	sadd.s32 $0xA0, s14;
	[sflag:s30] =	ssyncadd.s32 $0xFFFFD800  }
0x78: {  	[tilespmem:s28], [sflag:$0x1] =	stream.indirect.gather [hbm4b:s1+s31], $0x80, s15, s31, $0xb8;
	[tilespmem:$0x1D780] =	vst v63  }
0x79: {  	_ =	swait.ge [sflag:s12], $0x2800  }
.Ltmp1:
0x7a: {  	[sflag:s12] =	ssyncset.done $0x0;
	(pc) =	sbr.rel @p1 .LBB2_4-.Ltmp1, $4  }
0x7b: {  	s14 =	sadd.s32 $0x27D0, s14;
	[sflag:s12] =	ssyncadd.s32 $0xFFFFD800  }
0x7c: {  	[spmem:s3] =	stream.indirect.scatter.add.f32 [tilespmem:s2], [sflag:$0x3], $0x80, s14, s31, $0xb8;
	[tilespmem:$0x1D780] =	vst v63  }
0x7d: {  	_ =	swait.ge [sflag:s29], $0x2800  }
0x7e: {  	s15 =	smov.u32 s18;
	s14 =	sshra.s32 s17, $0x2;
	[sflag:s29] =	ssyncset.done $0x0  }
0x7f: {  	s15 =	sadd.s32 $0x50, s14;
	[sflag:s29] =	ssyncadd.s32 $0xFFFFD800  }
0x80: {  	[tilespmem:s2], [sflag:$0x2] =	stream.indirect.gather [hbm4b:s1+s31], $0x80, s15, s31, $0xb8;
	[tilespmem:$0x1D780] =	vst v63  }
0x81: {  	_ =	swait.ge [sflag:s0], $0x2800  }
0x82: {  	[sflag:s0] =	ssyncset.done $0x0  }
0x83: {  	s17 =	sadd.s32 $0x2780, s14;
	[sflag:s0] =	ssyncadd.s32 $0xFFFFD800  }
0x84: {  	[spmem:s3] =	stream.indirect.scatter.add.f32 [tilespmem:s28], [sflag:$0x4], $0x80, s17, s31, $0xb8;
	[tilespmem:$0x1D780] =	vst v63  }
0x85: {  	_ =	swait.ge [sflag:s30], $0x2800  }
0x86: {  	[sflag:s30] =	ssyncset.done $0x0  }
0x87: {  	s18 =	sadd.s32 $0xA0, s14;
	[sflag:s30] =	ssyncadd.s32 $0xFFFFD800  }
0x88: {  	[tilespmem:s28], [sflag:$0x1] =	stream.indirect.gather [hbm4b:s1+s31], $0x80, s18, s31, $0xb8;
	[tilespmem:$0x1D780] =	vst v63  }
0x89: {  	_ =	swait.ge [sflag:s12], $0x2800  }
0x8a: {  	[sflag:s12] =	ssyncset.done $0x0  }
0x8b: {  	s15 =	sadd.s32 $0x27D0, s14;
	[sflag:s12] =	ssyncadd.s32 $0xFFFFD800  }
0x8c: {  	[spmem:s3] =	stream.indirect.scatter.add.f32 [tilespmem:s2], [sflag:$0x3], $0x80, s15, s31, $0xb8;
	[tilespmem:$0x1D780] =	vst v63  }
0x8d: {  	_ =	swait.ge [sflag:s29], $0x2800  }
0x8e: {  	[sflag:s29] =	ssyncset.done $0x0  }
0x8f: {  	[sflag:s29] =	ssyncadd.s32 $0xFFFFD800  }
0x90: {  	_ =	swait.ge [sflag:s0], $0x2800  }
0x91: {  	[sflag:s0] =	ssyncset.done $0x0  }
0x92: {  	s16 =	simm.s32 $0x4E40;
	[sflag:s0] =	ssyncadd.s32 $0xFFFFD800  }
0x93: {  	[spmem:s3] =	stream.indirect.scatter.add.f32 [tilespmem:s28], [sflag:$0x4], $0x80, s16, s31, $0xb8;
	[tilespmem:$0x1D780] =	vst v63  }
0x94: {  	_ =	swait.ge [sflag:s30], $0x2800  }
0x95: {  	[sflag:s30] =	ssyncset.done $0x0  }
0x96: {  	[sflag:s30] =	ssyncadd.s32 $0xFFFFD800  }
0x97: {  	[bflag:$0x0] =	sbarrier.arrive $0xFFFF  }
0x98: {  	[tilespmem:s28], [sflag:$0x3] =	stream.linear.gather [spmem:s5], $0x2800, $0x38;
	[tilespmem:$0x1D780] =	vst v63  }
0x99: {  	_ =	swait.ge [sflag:s29], $0x2800  }
0x9a: {  	[sflag:s29] =	ssyncset.done $0x0  }
0x9b: {  	s17 =	rddreg [dreg:$0x5];
	[sflag:s29] =	ssyncadd.s32 $0xFFFFD800  }
0x9c: {  	[hbm4b:s17+s4] =	stream.linear.scatter [tilespmem:s28], [sflag:$0x3], $0x2800, $0x38;
	[tilespmem:$0x1D780] =	vst v63  }
0x9d: {  	_ =	swait.ge [sflag:s29], $0x2800  }
0x9e: {  	[sflag:s29] =	ssyncset.done $0x0  }
0x9f: {  	[sflag:s29] =	ssyncadd.s32 $0xFFFFD800  }
0xa0: {  	[tilespmem:s28], [sflag:$0x3] =	stream.linear.gather [spmem:s6], $0x2800, $0x38;
	[tilespmem:$0x1D780] =	vst v63  }
0xa1: {  	_ =	swait.ge [sflag:s29], $0x2800  }
0xa2: {  	[sflag:s29] =	ssyncset.done $0x0  }
0xa3: {  	s18 =	rddreg [dreg:$0x6];
	[sflag:s29] =	ssyncadd.s32 $0xFFFFD800  }
0xa4: {  	[hbm4b:s18+s4] =	stream.linear.scatter [tilespmem:s28], [sflag:$0x3], $0x2800, $0x38;
	[tilespmem:$0x1D780] =	vst v63  }
0xa5: {  	_ =	swait.ge [sflag:s29], $0x2800  }
0xa6: {  	[sflag:s29] =	ssyncset.done $0x0  }
0xa7: {  	[sflag:s29] =	ssyncadd.s32 $0xFFFFD800  }
0xa8: {  	[tilespmem:s28], [sflag:$0x3] =	stream.linear.gather [spmem:s7], $0x2800, $0x38;
	[tilespmem:$0x1D780] =	vst v63  }
0xa9: {  	_ =	swait.ge [sflag:s29], $0x2800  }
0xaa: {  	[sflag:s29] =	ssyncset.done $0x0  }
0xab: {  	s15 =	rddreg [dreg:$0x7];
	[sflag:s29] =	ssyncadd.s32 $0xFFFFD800  }
0xac: {  	[hbm4b:s15+s4] =	stream.linear.scatter [tilespmem:s28], [sflag:$0x3], $0x2800, $0x38;
	[tilespmem:$0x1D780] =	vst v63  }
0xad: {  	_ =	swait.ge [sflag:s29], $0x2800  }
0xae: {  	[sflag:s29] =	ssyncset.done $0x0  }
0xaf: {  	[sflag:s29] =	ssyncadd.s32 $0xFFFFD800  }
0xb0: {  	[tilespmem:s28], [sflag:$0x3] =	stream.linear.gather [spmem:s8], $0x2800, $0x38;
	[tilespmem:$0x1D780] =	vst v63  }
0xb1: {  	_ =	swait.ge [sflag:s29], $0x2800  }
0xb2: {  	[sflag:s29] =	ssyncset.done $0x0  }
0xb3: {  	s16 =	rddreg [dreg:$0x8];
	[sflag:s29] =	ssyncadd.s32 $0xFFFFD800  }
0xb4: {  	[hbm4b:s16+s4] =	stream.linear.scatter [tilespmem:s28], [sflag:$0x3], $0x2800, $0x38;
	[tilespmem:$0x1D780] =	vst v63  }
0xb5: {  	_ =	swait.ge [sflag:s29], $0x2800  }
0xb6: {  	[sflag:s29] =	ssyncset.done $0x0  }
0xb7: {  	[sflag:s29] =	ssyncadd.s32 $0xFFFFD800  }
0xb8: {  	[tilespmem:s28], [sflag:$0x3] =	stream.linear.gather [spmem:s9], $0x2800, $0x38;
	[tilespmem:$0x1D780] =	vst v63  }
0xb9: {  	_ =	swait.ge [sflag:s29], $0x2800  }
0xba: {  	[sflag:s29] =	ssyncset.done $0x0  }
0xbb: {  	s17 =	rddreg [dreg:$0x9];
	[sflag:s29] =	ssyncadd.s32 $0xFFFFD800  }
0xbc: {  	[hbm4b:s17+s4] =	stream.linear.scatter [tilespmem:s28], [sflag:$0x3], $0x2800, $0x38;
	[tilespmem:$0x1D780] =	vst v63  }
0xbd: {  	_ =	swait.ge [sflag:s29], $0x2800  }
0xbe: {  	[sflag:s29] =	ssyncset.done $0x0  }
0xbf: {  	[sflag:s29] =	ssyncadd.s32 $0xFFFFD800  }
0xc0: {  	[tilespmem:s28], [sflag:$0x3] =	stream.linear.gather [spmem:s10], $0x2800, $0x38;
	[tilespmem:$0x1D780] =	vst v63  }
0xc1: {  	_ =	swait.ge [sflag:s29], $0x2800  }
0xc2: {  	[sflag:s29] =	ssyncset.done $0x0  }
0xc3: {  	s18 =	rddreg [dreg:$0xa];
	[sflag:s29] =	ssyncadd.s32 $0xFFFFD800  }
0xc4: {  	[hbm4b:s18+s4] =	stream.linear.scatter [tilespmem:s28], [sflag:$0x3], $0x2800, $0x38;
	[tilespmem:$0x1D780] =	vst v63  }
0xc5: {  	_ =	swait.ge [sflag:s29], $0x2800  }
0xc6: {  	[sflag:s29] =	ssyncset.done $0x0  }
0xc7: {  	[sflag:s29] =	ssyncadd.s32 $0xFFFFD800  }
0xc8: {  	[tilespmem:s28], [sflag:$0x3] =	stream.linear.gather [spmem:s11], $0x2800, $0x38;
	[tilespmem:$0x1D780] =	vst v63  }
0xc9: {  	_ =	swait.ge [sflag:s29], $0x2800  }
0xca: {  	[sflag:s29] =	ssyncset.done $0x0  }
0xcb: {  	[sflag:s29] =	ssyncadd.s32 $0xFFFFD800  }
0xcc: {  	[hbm4b:s19+s4] =	stream.linear.scatter [tilespmem:s28], [sflag:$0x3], $0x2800, $0x38;
	[tilespmem:$0x1D780] =	vst v63  }
0xcd: {  	_ =	swait.ge [sflag:s29], $0x2800  }
0xce: {  	[sflag:s29] =	ssyncset.done $0x0  }
0xcf: {  	s14 =	simm.s32 @p0 $0x4F00;
	s15 =	simm.s32 @p0 $0x3;
	[sflag:s29] =	ssyncadd.s32 $0xFFFFD800  }
0xd0: {  	[tilespmem:s14], [sflag:$0x3] =	stream.linear.gather @p0 [spmem:s26], $0x2800, $0x38;
	[tilespmem:$0x1D780] =	vst v63  }
0xd1: {  	_ =	swait.ge @p0 [sflag:s15], $0x2800  }
0xd2: {  	[sflag:s15] =	ssyncset.done @p0 $0x0  }
0xd3: {  	s16 =	simm.s32 @p0 $0x0;
	[sflag:s15] =	ssyncadd.s32 @p0 $0xFFFFD800  }
0xd4: {  	[hbm4b:s24+s16] =	stream.linear.scatter @p0 [tilespmem:s14], [sflag:$0x3], $0x2800, $0x38;
	[tilespmem:$0x1D780] =	vst v63  }
0xd5: {  	_ =	swait.ge @p0 [sflag:s15], $0x2800  }
0xd6: {  	[sflag:s15] =	ssyncset.done @p0 $0x0  }
0xd7: {  	s14 =	simm.s32 @!p0 $0x4F00;
	[sflag:s15] =	ssyncadd.s32 @p0 $0xFFFFD800;
	s15 =	simm.s32 @!p0 $0x3  }
0xd8: {  	[tilespmem:s14], [sflag:$0x3] =	stream.linear.gather @!p0 [spmem:s23], $0x2000, $0x38;
	[tilespmem:$0x1D780] =	vst v63  }
0xd9: {  	s13 =	sadd.s32 $0x1, s13;
	_ =	swait.ge @!p0 [sflag:s15], $0x2000  }
0xda: {  	p1 =	sne.s32 s13, s25;
	[sflag:s15] =	ssyncset.done @!p0 $0x0  }
.Ltmp2:
0xdb: {  	s16 =	simm.s32 @!p0 $0x0;
	[sflag:s15] =	ssyncadd.s32 @!p0 $0xFFFFE000;
	(pc) =	sbr.rel @p1 .LBB2_1-.Ltmp2, $4  }
0xdc: {  	[hbm4b:s20+s16] =	stream.linear.scatter @!p0 [tilespmem:s14], [sflag:$0x3], $0x2000, $0x38;
	[tilespmem:$0x1D780] =	vst v63  }
0xdd: {  	_ =	swait.ge @!p0 [sflag:s15], $0x2000  }
0xde: {  	[sflag:s15] =	ssyncset.done @!p0 $0x0  }
0xdf: {  	[sflag:s15] =	ssyncadd.s32 @!p0 $0xFFFFE000  }
0xe0: {  	_ =	sfence.sel $0x180000  }
0xe1: {  	[bflag:$0x0] =	sbarrier.arrive $0xFFFF  }
0xe2: {  	_ =	strace $0x9000004A  }
0xe3: {  	s0 =	stileid.u32;
	[bflag:$0x2] =	sbarrier.arrive $0xFFFF  }
0xe4: {  	p0 =	sne.s32 s0, $0x0;
	s0 =	rddreg [dreg:$0x3]  }
0xe5: {  	s0 =	sadd.s32 @!p0 $0x100000, s0  }
0xe6: {  	[sflag:s0] =	ssyncadd.tile.s32 @!p0 $0x1;
	_ =	shalt  }
.Lfunc_end2:
_tile_overlayer_lowered:
.L_overlay_start_2:
0xe7: {  	(tag) =	ssettag $0x2  }
0xe8: {  	s0 =	rddreg [dreg:$0x0];
	s2 =	stileid.u32  }
0xe9: {  	s1 =	rddreg [dreg:$0x1];
	p0 =	sne.s32 s2, $0x0  }
0xea: {  	s3 =	rddreg [dreg:$0x2];
	[bflag:$0x3] =	sbarrier.arrive $0xFFFF;
	s2 =	simm.s32 @!p0 $0x1C03  }
0xeb: {  	[timem:s3], [sflag:s2] =	dma.local @!p0 [hbm:s0], s1  }
0xec: {  	s0 =	simm.s32 @!p0 $0x3  }
0xed: {  	_ =	swait.ge @!p0 [sflag:s0], s1  }
0xee: {  	s1 =	ssub.s32 @!p0 $0x0, s1;
	[sflag:s0] =	ssyncset.done @!p0 $0x0  }
0xef: {  	[sflag:s0] =	ssyncadd.s32 @!p0 s1  }
0xf0: {  	[bflag:$0x3] =	sbarrier.arrive $0xFFFF  }
0xf1: {  	_ =	shalt  }

// kernel: kernel.14.cloned.1.call-start
scs
__scs_entry_jumppad:
0x0: {  	(pc) =	sbr.rel $0x88, $3  }
0x1: {  	(tag) =	ssettag $0x0;
	lr =	simm.s32 $0x1  }
0x2: {  	[smem:$0x3F9B] =	sst lr;
	_ =	strace $0xD0000000  }
0x3: {  	_ = 	snop  }
0x4: {  	_ = 	snop  }
0x5: {  	_ = 	snop  }
0x6: {  	_ = 	snop  }
0x7: {  	_ = 	snop  }
__scs_overlays_trampoline_lowered:
0x8: {  	[smem:$0x3FAA] =	sst s0  }
0x9: {  	[smem:$0x3FAB] =	sst s1  }
0xa: {  	[smem:$0x3FAC] =	sst s2  }
0xb: {  	[smem:$0x3FAD] =	sst s3  }
0xc: {  	[smem:$0x3FAE] =	sst s4  }
0xd: {  	[smem:$0x3FAF] =	sst s5  }
0xe: {  	[smem:$0x3FB0] =	sst s6  }
0xf: {  	[smem:$0x3FB1] =	sst s7  }
0x10: {  	[smem:$0x3FB2] =	sst s8  }
0x11: {  	[smem:$0x3FB3] =	sst s9;
	s0 =	simm.s32 @!p0 $0x0  }
0x12: {  	s1 =	sld [smem:$0x3F99];
	s0 =	simm.s32 @p0 $0x1  }
0x13: {  	[smem:$0x3FB4] =	sst s0;
	s0 =	simm.s32 @!p1 $0x0  }
0x14: {  	s2 =	sld [smem:$0x3F98];
	s0 =	simm.s32 @p1 $0x1  }
0x15: {  	[smem:$0x3FB5] =	sst s0;
	s0 =	simm.s32 @!p2 $0x0  }
0x16: {  	s3 =	sld [smem:$0x3FDB];
	s0 =	simm.s32 @p2 $0x1  }
0x17: {  	s4 =	simm.s32 $0x1BF5;
	[smem:$0x3FB7] =	sst s0  }
0x18: {  	s0 =	sld [smem:$0x3F9A];
	_ =	swait.ge [sflag:s4], $0x0  }
0x19: {  	s7 =	sld [smem:$0x3F9B]  }
0x1a: {  	s8 =	sadd.s32 $0xFFFFE003, lr  }
0x1b: {  	s9 =	sadd.s32 $0xFFFFFEF7, lr;
	s5 =	simm.s32 $0xFFFFFFFF;
	p2 =	slt.u32 s8, $0xFFFFF086  }
0x1c: {  	p1 =	slt.u32 s9, $0xF7A;
	s5 =	simm.s32 @!p2 $0x0  }
0x1d: {  	s5 =	simm.s32 @p1 $0x1;
	p0 =	seq.s32 s7, s2  }
0x1e: {  	s7 =	smul.u32 @!p0 $0xF7A, s2;
	p2 =	seq.s32 @!p0 s5, $0x0  }
0x1f: {  	s9 =	smul.u32 $0xF7A, s1;
	s8 =	simm.s32 @!p0 $0x1BF5;
	p2 =	por !p2, p0  }
0x20: {  	[sflag:s8] =	ssyncset.s32 @!p0 $0xFFFFF086;
	s6 =	sadd.s32 @!p0 s3, s7;
	s7 =	simm.s32 @!p0 $0x108  }
0x21: {  	s3 =	sadd.s32 s3, s9;
	s6 =	sadd.s32 @!p0 $0x88, s6;
	s7 =	simm.s32 @p2 $0x1082  }
0x22: {  	[simem:s7], [sflag:s8] =	dma.local @!p0 [hbm:s6], $0xF7A  }
0x23: {  	s9 =	sor.u32 $0xD0000000, s2;
	s6 =	simm.s32 $0x108;
	_ =	swait.ge @!p0 [sflag:s8], $0x0  }
0x24: {  	s3 =	sadd.s32 $0x88, s3;
	s6 =	simm.s32 @!p1 $0x1082;
	[sflag:s4] =	ssyncset.s32 $0xFFFFF086  }
0x25: {  	[simem:s6], [sflag:s4] =	dma.local [hbm:s3], $0xF7A  }
0x26: {  	[smem:$0x3F9B] =	sst s1;
	(tag) =	ssettag s2;
	_ =	strace s9  }
0x27: {  	s1 =	sld [smem:$0x3FAB]  }
0x28: {  	s2 =	sld [smem:$0x3FAC]  }
0x29: {  	s4 =	sld [smem:$0x3FAE]  }
0x2a: {  	p0 =	seq.s32 s5, $0x0;
	s5 =	sld [smem:$0x3FAF]  }
0x2b: {  	s6 =	sld [smem:$0x3FB0]  }
0x2c: {  	s7 =	sld [smem:$0x3FB1]  }
0x2d: {  	s3 =	simm.s32 $0x108;
	s8 =	sld [smem:$0x3FB2]  }
0x2e: {  	s3 =	simm.s32 @!p0 $0x1082;
	s9 =	sld [smem:$0x3FB3]  }
0x2f: {  	lr =	sadd.s32 s0, s3;
	s0 =	sld [smem:$0x3FAA]  }
0x30: {  	s3 =	sld [smem:$0x3FAD]  }
0x31: {  	[smem:$0x3FB6] =	sst s10  }
0x32: {  	s10 =	sld [smem:$0x3FB4];
	_ =	sdelay $0x3  }
0x33: {  	p0 =	seq.s32 s10, $0x1;
	s10 =	sld [smem:$0x3FB6];
	_ =	sdelay $0x3  }
0x34: {  	[smem:$0x3FB6] =	sst s10  }
0x35: {  	s10 =	sld [smem:$0x3FB5];
	_ =	sdelay $0x3  }
0x36: {  	p1 =	seq.s32 s10, $0x1;
	s10 =	sld [smem:$0x3FB6];
	_ =	sdelay $0x3  }
0x37: {  	[smem:$0x3FB6] =	sst s10  }
0x38: {  	s10 =	sld [smem:$0x3FB7]  }
0x39: {  	_ = 	snop;
	(pc) =	sbr.ind lr, $3  }
0x3a: {  	_ = 	snop  }
0x3b: {  	_ = 	snop  }
0x3c: {  	p2 =	seq.s32 s10, $0x1;
	s10 =	sld [smem:$0x3FB6]  }
0x3d: {  	_ =	shalt  }
0x3e: {  	_ =	shalt  }
0x3f: {  	_ =	shalt  }
0x40: {  	_ =	shalt  }
0x41: {  	_ =	shalt  }
0x42: {  	_ =	shalt  }
0x43: {  	_ =	shalt  }
0x44: {  	_ =	shalt  }
0x45: {  	_ =	shalt  }
0x46: {  	_ =	shalt  }
0x47: {  	_ =	shalt  }
0x48: {  	_ =	shalt  }
0x49: {  	_ =	shalt  }
0x4a: {  	_ =	shalt  }
0x4b: {  	_ =	shalt  }
0x4c: {  	_ =	shalt  }
0x4d: {  	_ =	shalt  }
0x4e: {  	_ =	shalt  }
0x4f: {  	_ =	shalt  }
0x50: {  	_ =	shalt  }
0x51: {  	_ =	shalt  }
0x52: {  	_ =	shalt  }
0x53: {  	_ =	shalt  }
0x54: {  	_ =	shalt  }
0x55: {  	_ =	shalt  }
0x56: {  	_ =	shalt  }
0x57: {  	_ =	shalt  }
0x58: {  	_ =	shalt  }
0x59: {  	_ =	shalt  }
0x5a: {  	_ =	shalt  }
0x5b: {  	_ =	shalt  }
0x5c: {  	_ =	shalt  }
0x5d: {  	_ =	shalt  }
0x5e: {  	_ =	shalt  }
0x5f: {  	_ =	shalt  }
0x60: {  	_ =	shalt  }
0x61: {  	_ =	shalt  }
0x62: {  	_ =	shalt  }
0x63: {  	_ =	shalt  }
0x64: {  	_ =	shalt  }
0x65: {  	_ =	shalt  }
0x66: {  	_ =	shalt  }
0x67: {  	_ =	shalt  }
0x68: {  	_ =	shalt  }
0x69: {  	_ =	shalt  }
0x6a: {  	_ =	shalt  }
0x6b: {  	_ =	shalt  }
0x6c: {  	_ =	shalt  }
0x6d: {  	_ =	shalt  }
0x6e: {  	_ =	shalt  }
0x6f: {  	_ =	shalt  }
0x70: {  	_ =	shalt  }
0x71: {  	_ =	shalt  }
0x72: {  	_ =	shalt  }
0x73: {  	_ =	shalt  }
0x74: {  	_ =	shalt  }
0x75: {  	_ =	shalt  }
0x76: {  	_ =	shalt  }
0x77: {  	_ =	shalt  }
0x78: {  	_ =	shalt  }
0x79: {  	_ =	shalt  }
0x7a: {  	_ =	shalt  }
0x7b: {  	_ =	shalt  }
0x7c: {  	_ =	shalt  }
0x7d: {  	_ =	shalt  }
0x7e: {  	_ =	shalt  }
0x7f: {  	_ =	shalt  }
0x80: {  	_ =	shalt  }
0x81: {  	_ =	shalt  }
0x82: {  	_ =	shalt  }
0x83: {  	_ =	shalt  }
0x84: {  	_ =	shalt  }
0x85: {  	_ =	shalt  }
0x86: {  	_ =	shalt  }
0x87: {  	_ =	shalt  }
.Lfunc_end0:
.L_simem_size_0:
called_computation.2_lowered:
.L_overlay_start_0:
0x88: {  	s2 =	sld [smem:$0x3FD9]  }
0x89: {  	s3 =	sld [smem:$0x3FFE];
	_ =	sdelay $0x1  }
0x8a: {  	s1 =	srdreg.scid  }
0x8b: {  	s0 =	sand.u32 $0x1, s1  }
0x8c: {  	s17 =	sshll.u32 s0, $0xA;
	s2 =	sadd.s32 s3, s2  }
0x8d: {  	s2 =	sadd.s32 s2, s17  }
0x8e: {  	[smem:$0x3FC2] =	sst s2  }
0x8f: {  	_ = 	snop  }
0x90: {  	s2 =	sld [smem:$0x3FD0];
	(tm) =	ssettm $0x1  }
0x91: {  	s18 =	sld [smem:$0x3FFB];
	_ =	sdelay $0x3  }
0x92: {  	_ =	strace s18  }
0x93: {  	s3 =	sld [smem:$0x3FFC];
	_ =	sdelay $0x3  }
0x94: {  	_ =	strace s3  }
0x95: {  	s3 =	sld [smem:$0x3FFD];
	_ =	sdelay $0x3  }
0x96: {  	_ =	strace s3  }
0x97: {  	_ =	strace $0x8FFFFFFF  }
0x98: {  	s19 =	sld [smem:$0x3FDB];
	_ =	sdelay $0x1  }
0x99: {  	s4 =	simm.s32 $_scs_section_size  }
0x9a: {  	s5 =	simm.s32 $_size__tile_overlayer_lowered;
	s6 =	simm.s32 $_tile_overlayer_lowered  }
0x9b: {  	s22 =	simm.s32 $0x1BFF;
	s21 =	sshll.u32 s6, $0x1;
	s3 =	sadd.s32 s4, s19  }
0x9c: {  	s7 =	simm.s32 $0x0;
	s20 =	sshll.u32 s5, $0x1;
	s5 =	sadd.s32 s21, s3  }
0x9d: {  	[timem:s7], [sflag:s22] =	dma.local [hbm:s5], s20  }
0x9e: {  	_ =	swait.ge [sflag:s22], s20  }
0x9f: {  	s4 =	ssub.s32 $0x0, s20;
	[sflag:s22] =	ssyncset.done $0x0  }
0xa0: {  	[sflag:s22] =	ssyncadd.s32 s4;
	_ =	sdelay $0x1  }
0xa1: {  	s23 =	simm.s32 $0x1B8B  }
0xa2: {  	_ =	swait.ge [sflag:s23], $0x1  }
0xa3: {  	[sflag:s23] =	ssyncset.done $0x0  }
0xa4: {  	s25 =	simm.s32 $0x1B8E;
	s24 =	sld [smem:$0x3FFE];
	[sflag:s23] =	ssyncadd.s32 $0xFFFFFFFF  }
0xa5: {  	s26 =	simm.s32 $execute0_lowered;
	[smem:$0x3FD2] =	sst s25  }
0xa6: {  	s5 =	sshll.u32 s26, $0x1;
	_ =	strace $0x8000004C;
	[dreg:$0x1] =	wrdreg $0xFFFFFFFF  }
0xa7: {  	s28 =	simm.s32 $_size_execute0_lowered;
	s3 =	sadd.s32 s3, s5;
	[dreg:$0x0] =	wrdreg $0x0  }
0xa8: {  	s5 =	sshll.u32 s28, $0x1;
	[dreg:$0x2] =	wrdreg s3  }
0xa9: {  	[dreg:$0x3] =	wrdreg s5  }
0xaa: {  	[dreg:$0x4] =	wrdreg $0xC0  }
0xab: {  	_ =	task [dreg:s7], $0x5FFFF  }
0xac: {  	[dreg:$0x1] =	wrdreg $0xFFFFFFFF  }
0xad: {  	[dreg:$0x0] =	wrdreg $0x60  }
0xae: {  	[dreg:$0x2] =	wrdreg s2  }
0xaf: {  	[dreg:$0x3] =	wrdreg s24  }
0xb0: {  	[dreg:$0x4] =	wrdreg $0x9F000  }
0xb1: {  	[dreg:$0x5] =	wrdreg $0x9  }
0xb2: {  	_ =	task.clear_ibuf [dreg:s7], $0x6FFFF;
	_ =	strace $0x9000004C  }
0xb3: {  	s29 =	simm.s32 $0x9;
	_ =	strace $0x8000004E  }
0xb4: {  	_ =	swait.ge [sflag:s29], $0x1  }
0xb5: {  	[sflag:s29] =	ssyncadd.s32 $0xFFFFFFFF  }
0xb6: {  	_ =	strace $0x9000004E  }
0xb7: {  	_ =	sfence  }
0xb8: {  	s30 =	sld [smem:$0x0];
	_ =	sdelay $0x2  }
0xb9: {  	s31 =	sshll.u32 s1, $0xD;
	s1 =	sshrl.u32 s1, $0x2  }
0xba: {  	s3 =	sand.u32 $0x4000, s31;
	s1 =	sadd.s32 s1, s30  }
0xbb: {  	s0 =	sor.u32 s3, s0;
	s1 =	sshll.u32 s1, $0x11  }
0xbc: {  	s0 =	sor.u32 s1, s0  }
0xbd: {  	s0 =	sadd.s32 $0x8F2B, s0  }
0xbe: {  	[sflag:s0] =	ssyncadd.remote.s32 $0x1  }
0xbf: {  	_ =	sfence.sel $0xFFFF  }
0xc0: {  	[dreg:$0x0] =	wrdreg $0xFFFFFFFF;
	(pc) =	sbr.abs _section_cstart, $3  }
0xc1: {  	[dreg:$0x1] =	wrdreg $0xFFFFFFFF  }
0xc2: {  	_ =	task.clear_ibuf [dreg:s7], $0x2FFFF;
	_ =	strace $0x9FFFFFFF  }
0xc3: {  	(tm) =	ssettm $0x7FFFFFFF  }
tec
execute0_lowered:
.L_overlay_start_1:
0x0: {  	(tag) =	ssettag $0x1  }
0x1: {  	s1 =	rddreg [dreg:$0x0]  }
0x2: {  	s0 =	srdreg.scid;
	s2 =	rddreg [dreg:$0x1]  }
0x3: {  	s26 =	stileid.u32;
	s3 =	rddreg [dreg:$0x2];
	s28 =	simm.s32 $0x4F00  }
0x4: {  	s29 =	simm.s32 $0x3;
	s31 =	simm.s32 $0x50;
	s7 =	smul.u32 $0x4E000, s26  }
0x5: {  	s30 =	simm.s32 $0x4;
	s0 =	sand.u32 $0x1, s0;
	s12 =	smul.u32 $0x13800, s26  }
0x6: {  	p0 =	seq.s32 s26, $0xF;
	s4 =	sshll.u32 s0, $0x4;
	s6 =	ssub.s32 $0x2, s0  }
0x7: {  	s0 =	smul.u32 $0x138800, s0;
	s5 =	sor.u32 s26, s4;
	s4 =	simm.s32 $0x0  }
0x8: {  	s8 =	sshrl.u32 s6, $0x1;
	s22 =	sshrl.u32 s7, $0x2;
	s15 =	sadd.s32 $0x2800, s12  }
0x9: {  	s16 =	sadd.s32 $0x5000, s12;
	s17 =	sadd.s32 $0x7800, s12;
	s18 =	sadd.s32 $0xA000, s12  }
0xa: {  	s19 =	sadd.s32 $0xC800, s12;
	s20 =	sadd.s32 $0xF000, s12;
	s26 =	sadd.s32 $0x136000, s3  }
0xb: {  	s5 =	smul.u32 $0x4E2, s5;
	[smem:$0x7FF] =	sst s4;
	s14 =	ssub.s32 s6, s8  }
0xc: {  	s6 =	sadd.s32 s15, s3;
	s7 =	sadd.s32 s16, s3;
	s8 =	sadd.s32 s17, s3  }
0xd: {  	s9 =	sadd.s32 s18, s3;
	s10 =	sadd.s32 s19, s3;
	s21 =	sadd.s32 s12, s0  }
0xe: {  	s11 =	sadd.s32 s20, s3;
	s15 =	sadd.s32 s0, s15;
	s23 =	sadd.s32 s0, s16  }
0xf: {  	s24 =	sadd.s32 s0, s17;
	s25 =	sadd.s32 s0, s18;
	s12 =	sadd.s32 $0x11800, s12  }
0x10: {  	_ =	strace $0x8000004D;
	s13 =	sadd.s32 s5, s2;
	s5 =	sadd.s32 s22, s3  }
0x11: {  	s21 =	sshrl.u32 s21, $0x3;
	s2 =	sadd.s32 $0x16000, s2;
	s22 =	sadd.s32 $0x11800, s5  }
0x12: {  	s15 =	sshrl.u32 s15, $0x3;
	s21 =	sadd.s32 s2, s21;
	[dreg:$0x4] =	wrdreg s22  }
0x13: {  	s16 =	sshrl.u32 s24, $0x3;
	s15 =	sadd.s32 s2, s15;
	[dreg:$0x5] =	wrdreg s21  }
0x14: {  	s24 =	sadd.s32 s0, s12;
	s18 =	sadd.s32 s2, s16;
	[dreg:$0x6] =	wrdreg s15  }
0x15: {  	s15 =	sshrl.u32 s23, $0x3;
	[dreg:$0x8] =	wrdreg s18;
	s21 =	sshrl.u32 s25, $0x3  }
0x16: {  	s22 =	sadd.s32 s0, s19;
	s23 =	sadd.s32 s0, s20;
	s20 =	sshrl.u32 s24, $0x3  }
0x17: {  	s0 =	sshrl.u32 s0, $0x3;
	s15 =	sadd.s32 s2, s15;
	s25 =	sshrl.u32 s23, $0x3  }
0x18: {  	s20 =	sadd.s32 s2, s20;
	s0 =	sadd.s32 s2, s0;
	s23 =	sadd.s32 s12, s3  }
0x19: {  	s12 =	simm.s32 $0x2;
	[dreg:$0x7] =	wrdreg s15;
	s15 =	sadd.s32 s2, s21  }
0x1a: {  	s19 =	sadd.s32 s2, s25;
	s21 =	sadd.s32 $0x2400, s13;
	s24 =	sadd.s32 $0x26C00, s0  }
0x1b: {  	s25 =	smax.u32 s14, $0x1;
	[dreg:$0x9] =	wrdreg s15;
	s15 =	sshrl.u32 s22, $0x3  }
0x1c: {  	s0 =	simm.s32 $0x1;
	s22 =	sadd.s32 $0xC200, s13;
	s15 =	sadd.s32 s2, s15  }
0x1d: {  	v0 =	vimm.f32 $0.0e+00;
	s13 =	simm.s32 $0x0;
	s2 =	simm.s32 $0x7700;
	[dreg:$0xa] =	wrdreg s15  }
.LBB2_1:
0x1e: {  	s14 =	simm.s32 $0x0;
	s15 =	simm.s32 $0x200  }
.LBB2_2:
0x1f: {  	p1 =	sne.s32 s15, $0x9E00;
	[tilespmem:s14+$0x4F70] =	vst v0  }
0x20: {  	[tilespmem:s14+$0x4F00] =	vst v0  }
0x21: {  	[tilespmem:s14+$0x4F10] =	vst v0  }
.Ltmp0:
0x22: {  	[tilespmem:s14+$0x4F20] =	vst v0;
	(pc) =	sbr.rel @p1 .LBB2_2-.Ltmp0, $4  }
0x23: {  	[tilespmem:s14+$0x4F30] =	vst v0  }
0x24: {  	[tilespmem:s14+$0x4F40] =	vst v0  }
0x25: {  	[tilespmem:s14+$0x4F50] =	vst v0  }
0x26: {  	[tilespmem:s14+$0x4F60] =	vst v0;
	s14 =	sshra.s32 s15, $0x2;
	s15 =	sadd.s32 $0x200, s15  }
0x27: {  	[tilespmem:s14+$0x4F70] =	vst v0  }
0x28: {  	[tilespmem:s14+$0x4F00] =	vst v0  }
0x29: {  	[tilespmem:s14+$0x4F10] =	vst v0  }
0x2a: {  	[tilespmem:s14+$0x4F20] =	vst v0  }
0x2b: {  	[tilespmem:s14+$0x4F30] =	vst v0  }
0x2c: {  	[tilespmem:s14+$0x4F40] =	vst v0  }
0x2d: {  	[tilespmem:s14+$0x4F50] =	vst v0  }
0x2e: {  	[tilespmem:s14+$0x4F60] =	vst v0  }
0x2f: {  	[spmem:s5] =	stream.linear.scatter [tilespmem:s28], [sflag:$0x3], $0x2800, $0x38;
	[tilespmem:$0x1D780] =	vst v63  }
0x30: {  	_ =	swait.ge [sflag:s29], $0x2800  }
0x31: {  	[sflag:s29] =	ssyncset.done $0x0  }
0x32: {  	[sflag:s29] =	ssyncadd.s32 $0xFFFFD800  }
0x33: {  	[spmem:s6] =	stream.linear.scatter [tilespmem:s28], [sflag:$0x3], $0x2800, $0x38;
	[tilespmem:$0x1D780] =	vst v63  }
0x34: {  	_ =	swait.ge [sflag:s29], $0x2800  }
0x35: {  	[sflag:s29] =	ssyncset.done $0x0  }
0x36: {  	[sflag:s29] =	ssyncadd.s32 $0xFFFFD800  }
0x37: {  	[spmem:s7] =	stream.linear.scatter [tilespmem:s28], [sflag:$0x3], $0x2800, $0x38;
	[tilespmem:$0x1D780] =	vst v63  }
0x38: {  	_ =	swait.ge [sflag:s29], $0x2800  }
0x39: {  	[sflag:s29] =	ssyncset.done $0x0  }
0x3a: {  	[sflag:s29] =	ssyncadd.s32 $0xFFFFD800  }
0x3b: {  	[spmem:s8] =	stream.linear.scatter [tilespmem:s28], [sflag:$0x3], $0x2800, $0x38;
	[tilespmem:$0x1D780] =	vst v63  }
0x3c: {  	_ =	swait.ge [sflag:s29], $0x2800  }
0x3d: {  	[sflag:s29] =	ssyncset.done $0x0  }
0x3e: {  	[sflag:s29] =	ssyncadd.s32 $0xFFFFD800  }
0x3f: {  	[spmem:s9] =	stream.linear.scatter [tilespmem:s28], [sflag:$0x3], $0x2800, $0x38;
	[tilespmem:$0x1D780] =	vst v63  }
0x40: {  	_ =	swait.ge [sflag:s29], $0x2800  }
0x41: {  	[sflag:s29] =	ssyncset.done $0x0  }
0x42: {  	[sflag:s29] =	ssyncadd.s32 $0xFFFFD800  }
0x43: {  	[spmem:s10] =	stream.linear.scatter [tilespmem:s28], [sflag:$0x3], $0x2800, $0x38;
	[tilespmem:$0x1D780] =	vst v63  }
0x44: {  	_ =	swait.ge [sflag:s29], $0x2800  }
0x45: {  	[sflag:s29] =	ssyncset.done $0x0  }
0x46: {  	[sflag:s29] =	ssyncadd.s32 $0xFFFFD800  }
0x47: {  	[spmem:s11] =	stream.linear.scatter [tilespmem:s28], [sflag:$0x3], $0x2800, $0x38;
	[tilespmem:$0x1D780] =	vst v63  }
0x48: {  	_ =	swait.ge [sflag:s29], $0x2800  }
0x49: {  	[sflag:s29] =	ssyncset.done $0x0  }
0x4a: {  	s14 =	simm.s32 @p0 $0x4F00;
	[sflag:s29] =	ssyncadd.s32 $0xFFFFD800  }
0x4b: {  	[spmem:s26] =	stream.linear.scatter @p0 [tilespmem:s14], [sflag:$0x3], $0x2800, $0x38;
	[tilespmem:$0x1D780] =	vst v63  }
0x4c: {  	s14 =	simm.s32 @p0 $0x3  }
0x4d: {  	_ =	swait.ge @p0 [sflag:s14], $0x2800  }
0x4e: {  	[sflag:s14] =	ssyncset.done @p0 $0x0  }
0x4f: {  	s15 =	rddreg [dreg:$0x4];
	[sflag:s14] =	ssyncadd.s32 @p0 $0xFFFFD800;
	s14 =	simm.s32 @!p0 $0x4F00  }
0x50: {  	[spmem:s15] =	stream.linear.scatter @!p0 [tilespmem:s14], [sflag:$0x3], $0x2000, $0x38;
	[tilespmem:$0x1D780] =	vst v63  }
0x51: {  	s14 =	simm.s32 @!p0 $0x3  }
0x52: {  	_ =	swait.ge @!p0 [sflag:s14], $0x2000  }
0x53: {  	[sflag:s14] =	ssyncset.done @!p0 $0x0  }
0x54: {  	s17 =	simm.s32 $0x0;
	[sflag:s14] =	ssyncadd.s32 @!p0 $0xFFFFE000  }
0x55: {  	[tilespmem:s17], [sflag:$0x3] =	stream.linear.gather [hbm4b:s21+s17], $0x2710, $0x38;
	[tilespmem:$0x1D780] =	vst v63  }
0x56: {  	_ =	swait.ge [sflag:s29], $0x2710  }
0x57: {  	[sflag:s29] =	ssyncset.done $0x0  }
0x58: {  	s18 =	simm.s32 $0x2780;
	[sflag:s29] =	ssyncadd.s32 $0xFFFFD8F0  }
0x59: {  	[tilespmem:s18], [sflag:$0x3] =	stream.linear.gather [hbm4b:s22+s17], $0x2710, $0x38;
	[tilespmem:$0x1D780] =	vst v63  }
0x5a: {  	_ =	swait.ge [sflag:s29], $0x2710  }
0x5b: {  	[sflag:s29] =	ssyncset.done $0x0  }
0x5c: {  	[sflag:s29] =	ssyncadd.s32 $0xFFFFD8F0  }
0x5d: {  	[tilespmem:s28], [sflag:$0x1] =	stream.indirect.gather [hbm4b:s1+s31], $0x80, s17, s31, $0xb8;
	[tilespmem:$0x1D780] =	vst v63  }
0x5e: {  	s15 =	simm.s32 $0x50;
	[bflag:$0x0] =	sbarrier.arrive $0xFFFF  }
0x5f: {  	[tilespmem:s2], [sflag:$0x2] =	stream.indirect.gather [hbm4b:s1+s31], $0x80, s15, s31, $0xb8;
	[tilespmem:$0x1D780] =	vst v63  }
0x60: {  	_ =	swait.ge [sflag:s0], $0x2800  }
0x61: {  	[sflag:s0] =	ssyncset.done $0x0  }
0x62: {  	s16 =	simm.s32 $0x2780;
	[sflag:s0] =	ssyncadd.s32 $0xFFFFD800  }
0x63: {  	[spmem:s3] =	stream.indirect.scatter.add.f32 [tilespmem:s28], [sflag:$0x4], $0x80, s16, s31, $0xb8;
	[tilespmem:$0x1D780] =	vst v63  }
0x64: {  	_ =	swait.ge [sflag:s30], $0x2800  }
0x65: {  	[sflag:s30] =	ssyncset.done $0x0  }
0x66: {  	s17 =	simm.s32 $0xA0;
	[sflag:s30] =	ssyncadd.s32 $0xFFFFD800  }
0x67: {  	[tilespmem:s28], [sflag:$0x1] =	stream.indirect.gather [hbm4b:s1+s31], $0x80, s17, s31, $0xb8;
	[tilespmem:$0x1D780] =	vst v63  }
0x68: {  	_ =	swait.ge [sflag:s12], $0x2800  }
0x69: {  	[sflag:s12] =	ssyncset.done $0x0  }
0x6a: {  	s18 =	simm.s32 $0x27D0;
	[sflag:s12] =	ssyncadd.s32 $0xFFFFD800  }
0x6b: {  	[spmem:s3] =	stream.indirect.scatter.add.f32 [tilespmem:s2], [sflag:$0x3], $0x80, s18, s31, $0xb8;
	[tilespmem:$0x1D780] =	vst v63  }
0x6c: {  	_ =	swait.ge [sflag:s29], $0x2800  }
0x6d: {  	s14 =	simm.s32 $0xA0;
	s15 =	simm.s32 $0x500;
	[sflag:s29] =	ssyncset.done $0x0  }
.LBB2_4:
0x6e: {  	s16 =	sadd.s32 $0x50, s14  }
0x6f: {  	[sflag:s29] =	ssyncadd.s32 $0xFFFFD800;
	s17 =	smov.u32 s15;
	s18 =	sadd.s32 $0x280, s15  }
0x70: {  	[tilespmem:s2], [sflag:$0x2] =	stream.indirect.gather [hbm4b:s1+s31], $0x80, s16, s31, $0xb8;
	[tilespmem:$0x1D780] =	vst v63  }
0x71: {  	p1 =	sne.s32 s15, $0x9880;
	_ =	swait.ge [sflag:s0], $0x2800  }
0x72: {  	[sflag:s0] =	ssyncset.done $0x0  }
0x73: {  	s15 =	sadd.s32 $0x2780, s14;
	[sflag:s0] =	ssyncadd.s32 $0xFFFFD800  }
0x74: {  	[spmem:s3] =	stream.indirect.scatter.add.f32 [tilespmem:s28], [sflag:$0x4], $0x80, s15, s31, $0xb8;
	[tilespmem:$0x1D780] =	vst v63  }
0x75: {  	_ =	swait.ge [sflag:s30], $0x2800  }
0x76: {  	[sflag:s30] =	ssyncset.done $0x0  }
0x77: {  	s15 =	sadd.s32 $0xA0, s14;
	[sflag:s30] =	ssyncadd.s32 $0xFFFFD800  }
0x78: {  	[tilespmem:s28], [sflag:$0x1] =	stream.indirect.gather [hbm4b:s1+s31], $0x80, s15, s31, $0xb8;
	[tilespmem:$0x1D780] =	vst v63  }
0x79: {  	_ =	swait.ge [sflag:s12], $0x2800  }
.Ltmp1:
0x7a: {  	[sflag:s12] =	ssyncset.done $0x0;
	(pc) =	sbr.rel @p1 .LBB2_4-.Ltmp1, $4  }
0x7b: {  	s14 =	sadd.s32 $0x27D0, s14;
	[sflag:s12] =	ssyncadd.s32 $0xFFFFD800  }
0x7c: {  	[spmem:s3] =	stream.indirect.scatter.add.f32 [tilespmem:s2], [sflag:$0x3], $0x80, s14, s31, $0xb8;
	[tilespmem:$0x1D780] =	vst v63  }
0x7d: {  	_ =	swait.ge [sflag:s29], $0x2800  }
0x7e: {  	s15 =	smov.u32 s18;
	s14 =	sshra.s32 s17, $0x2;
	[sflag:s29] =	ssyncset.done $0x0  }
0x7f: {  	s15 =	sadd.s32 $0x50, s14;
	[sflag:s29] =	ssyncadd.s32 $0xFFFFD800  }
0x80: {  	[tilespmem:s2], [sflag:$0x2] =	stream.indirect.gather [hbm4b:s1+s31], $0x80, s15, s31, $0xb8;
	[tilespmem:$0x1D780] =	vst v63  }
0x81: {  	_ =	swait.ge [sflag:s0], $0x2800  }
0x82: {  	[sflag:s0] =	ssyncset.done $0x0  }
0x83: {  	s17 =	sadd.s32 $0x2780, s14;
	[sflag:s0] =	ssyncadd.s32 $0xFFFFD800  }
0x84: {  	[spmem:s3] =	stream.indirect.scatter.add.f32 [tilespmem:s28], [sflag:$0x4], $0x80, s17, s31, $0xb8;
	[tilespmem:$0x1D780] =	vst v63  }
0x85: {  	_ =	swait.ge [sflag:s30], $0x2800  }
0x86: {  	[sflag:s30] =	ssyncset.done $0x0  }
0x87: {  	s18 =	sadd.s32 $0xA0, s14;
	[sflag:s30] =	ssyncadd.s32 $0xFFFFD800  }
0x88: {  	[tilespmem:s28], [sflag:$0x1] =	stream.indirect.gather [hbm4b:s1+s31], $0x80, s18, s31, $0xb8;
	[tilespmem:$0x1D780] =	vst v63  }
0x89: {  	_ =	swait.ge [sflag:s12], $0x2800  }
0x8a: {  	[sflag:s12] =	ssyncset.done $0x0  }
0x8b: {  	s15 =	sadd.s32 $0x27D0, s14;
	[sflag:s12] =	ssyncadd.s32 $0xFFFFD800  }
0x8c: {  	[spmem:s3] =	stream.indirect.scatter.add.f32 [tilespmem:s2], [sflag:$0x3], $0x80, s15, s31, $0xb8;
	[tilespmem:$0x1D780] =	vst v63  }
0x8d: {  	_ =	swait.ge [sflag:s29], $0x2800  }
0x8e: {  	[sflag:s29] =	ssyncset.done $0x0  }
0x8f: {  	[sflag:s29] =	ssyncadd.s32 $0xFFFFD800  }
0x90: {  	_ =	swait.ge [sflag:s0], $0x2800  }
0x91: {  	[sflag:s0] =	ssyncset.done $0x0  }
0x92: {  	s16 =	simm.s32 $0x4E40;
	[sflag:s0] =	ssyncadd.s32 $0xFFFFD800  }
0x93: {  	[spmem:s3] =	stream.indirect.scatter.add.f32 [tilespmem:s28], [sflag:$0x4], $0x80, s16, s31, $0xb8;
	[tilespmem:$0x1D780] =	vst v63  }
0x94: {  	_ =	swait.ge [sflag:s30], $0x2800  }
0x95: {  	[sflag:s30] =	ssyncset.done $0x0  }
0x96: {  	[sflag:s30] =	ssyncadd.s32 $0xFFFFD800  }
0x97: {  	[bflag:$0x0] =	sbarrier.arrive $0xFFFF  }
0x98: {  	[tilespmem:s28], [sflag:$0x3] =	stream.linear.gather [spmem:s5], $0x2800, $0x38;
	[tilespmem:$0x1D780] =	vst v63  }
0x99: {  	_ =	swait.ge [sflag:s29], $0x2800  }
0x9a: {  	[sflag:s29] =	ssyncset.done $0x0  }
0x9b: {  	s17 =	rddreg [dreg:$0x5];
	[sflag:s29] =	ssyncadd.s32 $0xFFFFD800  }
0x9c: {  	[hbm4b:s17+s4] =	stream.linear.scatter [tilespmem:s28], [sflag:$0x3], $0x2800, $0x38;
	[tilespmem:$0x1D780] =	vst v63  }
0x9d: {  	_ =	swait.ge [sflag:s29], $0x2800  }
0x9e: {  	[sflag:s29] =	ssyncset.done $0x0  }
0x9f: {  	[sflag:s29] =	ssyncadd.s32 $0xFFFFD800  }
0xa0: {  	[tilespmem:s28], [sflag:$0x3] =	stream.linear.gather [spmem:s6], $0x2800, $0x38;
	[tilespmem:$0x1D780] =	vst v63  }
0xa1: {  	_ =	swait.ge [sflag:s29], $0x2800  }
0xa2: {  	[sflag:s29] =	ssyncset.done $0x0  }
0xa3: {  	s18 =	rddreg [dreg:$0x6];
	[sflag:s29] =	ssyncadd.s32 $0xFFFFD800  }
0xa4: {  	[hbm4b:s18+s4] =	stream.linear.scatter [tilespmem:s28], [sflag:$0x3], $0x2800, $0x38;
	[tilespmem:$0x1D780] =	vst v63  }
0xa5: {  	_ =	swait.ge [sflag:s29], $0x2800  }
0xa6: {  	[sflag:s29] =	ssyncset.done $0x0  }
0xa7: {  	[sflag:s29] =	ssyncadd.s32 $0xFFFFD800  }
0xa8: {  	[tilespmem:s28], [sflag:$0x3] =	stream.linear.gather [spmem:s7], $0x2800, $0x38;
	[tilespmem:$0x1D780] =	vst v63  }
0xa9: {  	_ =	swait.ge [sflag:s29], $0x2800  }
0xaa: {  	[sflag:s29] =	ssyncset.done $0x0  }
0xab: {  	s15 =	rddreg [dreg:$0x7];
	[sflag:s29] =	ssyncadd.s32 $0xFFFFD800  }
0xac: {  	[hbm4b:s15+s4] =	stream.linear.scatter [tilespmem:s28], [sflag:$0x3], $0x2800, $0x38;
	[tilespmem:$0x1D780] =	vst v63  }
0xad: {  	_ =	swait.ge [sflag:s29], $0x2800  }
0xae: {  	[sflag:s29] =	ssyncset.done $0x0  }
0xaf: {  	[sflag:s29] =	ssyncadd.s32 $0xFFFFD800  }
0xb0: {  	[tilespmem:s28], [sflag:$0x3] =	stream.linear.gather [spmem:s8], $0x2800, $0x38;
	[tilespmem:$0x1D780] =	vst v63  }
0xb1: {  	_ =	swait.ge [sflag:s29], $0x2800  }
0xb2: {  	[sflag:s29] =	ssyncset.done $0x0  }
0xb3: {  	s16 =	rddreg [dreg:$0x8];
	[sflag:s29] =	ssyncadd.s32 $0xFFFFD800  }
0xb4: {  	[hbm4b:s16+s4] =	stream.linear.scatter [tilespmem:s28], [sflag:$0x3], $0x2800, $0x38;
	[tilespmem:$0x1D780] =	vst v63  }
0xb5: {  	_ =	swait.ge [sflag:s29], $0x2800  }
0xb6: {  	[sflag:s29] =	ssyncset.done $0x0  }
0xb7: {  	[sflag:s29] =	ssyncadd.s32 $0xFFFFD800  }
0xb8: {  	[tilespmem:s28], [sflag:$0x3] =	stream.linear.gather [spmem:s9], $0x2800, $0x38;
	[tilespmem:$0x1D780] =	vst v63  }
0xb9: {  	_ =	swait.ge [sflag:s29], $0x2800  }
0xba: {  	[sflag:s29] =	ssyncset.done $0x0  }
0xbb: {  	s17 =	rddreg [dreg:$0x9];
	[sflag:s29] =	ssyncadd.s32 $0xFFFFD800  }
0xbc: {  	[hbm4b:s17+s4] =	stream.linear.scatter [tilespmem:s28], [sflag:$0x3], $0x2800, $0x38;
	[tilespmem:$0x1D780] =	vst v63  }
0xbd: {  	_ =	swait.ge [sflag:s29], $0x2800  }
0xbe: {  	[sflag:s29] =	ssyncset.done $0x0  }
0xbf: {  	[sflag:s29] =	ssyncadd.s32 $0xFFFFD800  }
0xc0: {  	[tilespmem:s28], [sflag:$0x3] =	stream.linear.gather [spmem:s10], $0x2800, $0x38;
	[tilespmem:$0x1D780] =	vst v63  }
0xc1: {  	_ =	swait.ge [sflag:s29], $0x2800  }
0xc2: {  	[sflag:s29] =	ssyncset.done $0x0  }
0xc3: {  	s18 =	rddreg [dreg:$0xa];
	[sflag:s29] =	ssyncadd.s32 $0xFFFFD800  }
0xc4: {  	[hbm4b:s18+s4] =	stream.linear.scatter [tilespmem:s28], [sflag:$0x3], $0x2800, $0x38;
	[tilespmem:$0x1D780] =	vst v63  }
0xc5: {  	_ =	swait.ge [sflag:s29], $0x2800  }
0xc6: {  	[sflag:s29] =	ssyncset.done $0x0  }
0xc7: {  	[sflag:s29] =	ssyncadd.s32 $0xFFFFD800  }
0xc8: {  	[tilespmem:s28], [sflag:$0x3] =	stream.linear.gather [spmem:s11], $0x2800, $0x38;
	[tilespmem:$0x1D780] =	vst v63  }
0xc9: {  	_ =	swait.ge [sflag:s29], $0x2800  }
0xca: {  	[sflag:s29] =	ssyncset.done $0x0  }
0xcb: {  	[sflag:s29] =	ssyncadd.s32 $0xFFFFD800  }
0xcc: {  	[hbm4b:s19+s4] =	stream.linear.scatter [tilespmem:s28], [sflag:$0x3], $0x2800, $0x38;
	[tilespmem:$0x1D780] =	vst v63  }
0xcd: {  	_ =	swait.ge [sflag:s29], $0x2800  }
0xce: {  	[sflag:s29] =	ssyncset.done $0x0  }
0xcf: {  	s14 =	simm.s32 @p0 $0x4F00;
	s15 =	simm.s32 @p0 $0x3;
	[sflag:s29] =	ssyncadd.s32 $0xFFFFD800  }
0xd0: {  	[tilespmem:s14], [sflag:$0x3] =	stream.linear.gather @p0 [spmem:s26], $0x2800, $0x38;
	[tilespmem:$0x1D780] =	vst v63  }
0xd1: {  	_ =	swait.ge @p0 [sflag:s15], $0x2800  }
0xd2: {  	[sflag:s15] =	ssyncset.done @p0 $0x0  }
0xd3: {  	s16 =	simm.s32 @p0 $0x0;
	[sflag:s15] =	ssyncadd.s32 @p0 $0xFFFFD800  }
0xd4: {  	[hbm4b:s24+s16] =	stream.linear.scatter @p0 [tilespmem:s14], [sflag:$0x3], $0x2800, $0x38;
	[tilespmem:$0x1D780] =	vst v63  }
0xd5: {  	_ =	swait.ge @p0 [sflag:s15], $0x2800  }
0xd6: {  	[sflag:s15] =	ssyncset.done @p0 $0x0  }
0xd7: {  	s14 =	simm.s32 @!p0 $0x4F00;
	[sflag:s15] =	ssyncadd.s32 @p0 $0xFFFFD800;
	s15 =	simm.s32 @!p0 $0x3  }
0xd8: {  	[tilespmem:s14], [sflag:$0x3] =	stream.linear.gather @!p0 [spmem:s23], $0x2000, $0x38;
	[tilespmem:$0x1D780] =	vst v63  }
0xd9: {  	s13 =	sadd.s32 $0x1, s13;
	_ =	swait.ge @!p0 [sflag:s15], $0x2000  }
0xda: {  	p1 =	sne.s32 s13, s25;
	[sflag:s15] =	ssyncset.done @!p0 $0x0  }
.Ltmp2:
0xdb: {  	s16 =	simm.s32 @!p0 $0x0;
	[sflag:s15] =	ssyncadd.s32 @!p0 $0xFFFFE000;
	(pc) =	sbr.rel @p1 .LBB2_1-.Ltmp2, $4  }
0xdc: {  	[hbm4b:s20+s16] =	stream.linear.scatter @!p0 [tilespmem:s14], [sflag:$0x3], $0x2000, $0x38;
	[tilespmem:$0x1D780] =	vst v63  }
0xdd: {  	_ =	swait.ge @!p0 [sflag:s15], $0x2000  }
0xde: {  	[sflag:s15] =	ssyncset.done @!p0 $0x0  }
0xdf: {  	[sflag:s15] =	ssyncadd.s32 @!p0 $0xFFFFE000  }
0xe0: {  	_ =	sfence.sel $0x180000  }
0xe1: {  	[bflag:$0x0] =	sbarrier.arrive $0xFFFF  }
0xe2: {  	_ =	strace $0x9000004D  }
0xe3: {  	s0 =	stileid.u32;
	[bflag:$0x2] =	sbarrier.arrive $0xFFFF  }
0xe4: {  	p0 =	sne.s32 s0, $0x0;
	s0 =	rddreg [dreg:$0x3]  }
0xe5: {  	s0 =	sadd.s32 @!p0 $0x100000, s0  }
0xe6: {  	[sflag:s0] =	ssyncadd.tile.s32 @!p0 $0x1;
	_ =	shalt  }
.Lfunc_end2:
_tile_overlayer_lowered:
.L_overlay_start_2:
0xe7: {  	(tag) =	ssettag $0x2  }
0xe8: {  	s0 =	rddreg [dreg:$0x0];
	s2 =	stileid.u32  }
0xe9: {  	s1 =	rddreg [dreg:$0x1];
	p0 =	sne.s32 s2, $0x0  }
0xea: {  	s3 =	rddreg [dreg:$0x2];
	[bflag:$0x3] =	sbarrier.arrive $0xFFFF;
	s2 =	simm.s32 @!p0 $0x1C03  }
0xeb: {  	[timem:s3], [sflag:s2] =	dma.local @!p0 [hbm:s0], s1  }
0xec: {  	s0 =	simm.s32 @!p0 $0x3  }
0xed: {  	_ =	swait.ge @!p0 [sflag:s0], s1  }
0xee: {  	s1 =	ssub.s32 @!p0 $0x0, s1;
	[sflag:s0] =	ssyncset.done @!p0 $0x0  }
0xef: {  	[sflag:s0] =	ssyncadd.s32 @!p0 s1  }
0xf0: {  	[bflag:$0x3] =	sbarrier.arrive $0xFFFF  }
0xf1: {  	_ =	shalt  }

// kernel: kernel.8.cloned.1.call-start
scs
__scs_entry_jumppad:
0x0: {  	(pc) =	sbr.rel $0x88, $3  }
0x1: {  	(tag) =	ssettag $0x0;
	lr =	simm.s32 $0x1  }
0x2: {  	[smem:$0x3F9B] =	sst lr;
	_ =	strace $0xD0000000  }
0x3: {  	_ = 	snop  }
0x4: {  	_ = 	snop  }
0x5: {  	_ = 	snop  }
0x6: {  	_ = 	snop  }
0x7: {  	_ = 	snop  }
__scs_overlays_trampoline_lowered:
0x8: {  	[smem:$0x3FAA] =	sst s0  }
0x9: {  	[smem:$0x3FAB] =	sst s1  }
0xa: {  	[smem:$0x3FAC] =	sst s2  }
0xb: {  	[smem:$0x3FAD] =	sst s3  }
0xc: {  	[smem:$0x3FAE] =	sst s4  }
0xd: {  	[smem:$0x3FAF] =	sst s5  }
0xe: {  	[smem:$0x3FB0] =	sst s6  }
0xf: {  	[smem:$0x3FB1] =	sst s7  }
0x10: {  	[smem:$0x3FB2] =	sst s8  }
0x11: {  	[smem:$0x3FB3] =	sst s9;
	s0 =	simm.s32 @!p0 $0x0  }
0x12: {  	s1 =	sld [smem:$0x3F99];
	s0 =	simm.s32 @p0 $0x1  }
0x13: {  	[smem:$0x3FB4] =	sst s0;
	s0 =	simm.s32 @!p1 $0x0  }
0x14: {  	s2 =	sld [smem:$0x3F98];
	s0 =	simm.s32 @p1 $0x1  }
0x15: {  	[smem:$0x3FB5] =	sst s0;
	s0 =	simm.s32 @!p2 $0x0  }
0x16: {  	s3 =	sld [smem:$0x3FDB];
	s0 =	simm.s32 @p2 $0x1  }
0x17: {  	s4 =	simm.s32 $0x1BF5;
	[smem:$0x3FB7] =	sst s0  }
0x18: {  	s0 =	sld [smem:$0x3F9A];
	_ =	swait.ge [sflag:s4], $0x0  }
0x19: {  	s7 =	sld [smem:$0x3F9B]  }
0x1a: {  	s8 =	sadd.s32 $0xFFFFE003, lr  }
0x1b: {  	s9 =	sadd.s32 $0xFFFFFEF7, lr;
	s5 =	simm.s32 $0xFFFFFFFF;
	p2 =	slt.u32 s8, $0xFFFFF086  }
0x1c: {  	p1 =	slt.u32 s9, $0xF7A;
	s5 =	simm.s32 @!p2 $0x0  }
0x1d: {  	s5 =	simm.s32 @p1 $0x1;
	p0 =	seq.s32 s7, s2  }
0x1e: {  	s7 =	smul.u32 @!p0 $0xF7A, s2;
	p2 =	seq.s32 @!p0 s5, $0x0  }
0x1f: {  	s9 =	smul.u32 $0xF7A, s1;
	s8 =	simm.s32 @!p0 $0x1BF5;
	p2 =	por !p2, p0  }
0x20: {  	[sflag:s8] =	ssyncset.s32 @!p0 $0xFFFFF086;
	s6 =	sadd.s32 @!p0 s3, s7;
	s7 =	simm.s32 @!p0 $0x108  }
0x21: {  	s3 =	sadd.s32 s3, s9;
	s6 =	sadd.s32 @!p0 $0x88, s6;
	s7 =	simm.s32 @p2 $0x1082  }
0x22: {  	[simem:s7], [sflag:s8] =	dma.local @!p0 [hbm:s6], $0xF7A  }
0x23: {  	s9 =	sor.u32 $0xD0000000, s2;
	s6 =	simm.s32 $0x108;
	_ =	swait.ge @!p0 [sflag:s8], $0x0  }
0x24: {  	s3 =	sadd.s32 $0x88, s3;
	s6 =	simm.s32 @!p1 $0x1082;
	[sflag:s4] =	ssyncset.s32 $0xFFFFF086  }
0x25: {  	[simem:s6], [sflag:s4] =	dma.local [hbm:s3], $0xF7A  }
0x26: {  	[smem:$0x3F9B] =	sst s1;
	(tag) =	ssettag s2;
	_ =	strace s9  }
0x27: {  	s1 =	sld [smem:$0x3FAB]  }
0x28: {  	s2 =	sld [smem:$0x3FAC]  }
0x29: {  	s4 =	sld [smem:$0x3FAE]  }
0x2a: {  	p0 =	seq.s32 s5, $0x0;
	s5 =	sld [smem:$0x3FAF]  }
0x2b: {  	s6 =	sld [smem:$0x3FB0]  }
0x2c: {  	s7 =	sld [smem:$0x3FB1]  }
0x2d: {  	s3 =	simm.s32 $0x108;
	s8 =	sld [smem:$0x3FB2]  }
0x2e: {  	s3 =	simm.s32 @!p0 $0x1082;
	s9 =	sld [smem:$0x3FB3]  }
0x2f: {  	lr =	sadd.s32 s0, s3;
	s0 =	sld [smem:$0x3FAA]  }
0x30: {  	s3 =	sld [smem:$0x3FAD]  }
0x31: {  	[smem:$0x3FB6] =	sst s10  }
0x32: {  	s10 =	sld [smem:$0x3FB4];
	_ =	sdelay $0x3  }
0x33: {  	p0 =	seq.s32 s10, $0x1;
	s10 =	sld [smem:$0x3FB6];
	_ =	sdelay $0x3  }
0x34: {  	[smem:$0x3FB6] =	sst s10  }
0x35: {  	s10 =	sld [smem:$0x3FB5];
	_ =	sdelay $0x3  }
0x36: {  	p1 =	seq.s32 s10, $0x1;
	s10 =	sld [smem:$0x3FB6];
	_ =	sdelay $0x3  }
0x37: {  	[smem:$0x3FB6] =	sst s10  }
0x38: {  	s10 =	sld [smem:$0x3FB7]  }
0x39: {  	_ = 	snop;
	(pc) =	sbr.ind lr, $3  }
0x3a: {  	_ = 	snop  }
0x3b: {  	_ = 	snop  }
0x3c: {  	p2 =	seq.s32 s10, $0x1;
	s10 =	sld [smem:$0x3FB6]  }
0x3d: {  	_ =	shalt  }
0x3e: {  	_ =	shalt  }
0x3f: {  	_ =	shalt  }
0x40: {  	_ =	shalt  }
0x41: {  	_ =	shalt  }
0x42: {  	_ =	shalt  }
0x43: {  	_ =	shalt  }
0x44: {  	_ =	shalt  }
0x45: {  	_ =	shalt  }
0x46: {  	_ =	shalt  }
0x47: {  	_ =	shalt  }
0x48: {  	_ =	shalt  }
0x49: {  	_ =	shalt  }
0x4a: {  	_ =	shalt  }
0x4b: {  	_ =	shalt  }
0x4c: {  	_ =	shalt  }
0x4d: {  	_ =	shalt  }
0x4e: {  	_ =	shalt  }
0x4f: {  	_ =	shalt  }
0x50: {  	_ =	shalt  }
0x51: {  	_ =	shalt  }
0x52: {  	_ =	shalt  }
0x53: {  	_ =	shalt  }
0x54: {  	_ =	shalt  }
0x55: {  	_ =	shalt  }
0x56: {  	_ =	shalt  }
0x57: {  	_ =	shalt  }
0x58: {  	_ =	shalt  }
0x59: {  	_ =	shalt  }
0x5a: {  	_ =	shalt  }
0x5b: {  	_ =	shalt  }
0x5c: {  	_ =	shalt  }
0x5d: {  	_ =	shalt  }
0x5e: {  	_ =	shalt  }
0x5f: {  	_ =	shalt  }
0x60: {  	_ =	shalt  }
0x61: {  	_ =	shalt  }
0x62: {  	_ =	shalt  }
0x63: {  	_ =	shalt  }
0x64: {  	_ =	shalt  }
0x65: {  	_ =	shalt  }
0x66: {  	_ =	shalt  }
0x67: {  	_ =	shalt  }
0x68: {  	_ =	shalt  }
0x69: {  	_ =	shalt  }
0x6a: {  	_ =	shalt  }
0x6b: {  	_ =	shalt  }
0x6c: {  	_ =	shalt  }
0x6d: {  	_ =	shalt  }
0x6e: {  	_ =	shalt  }
0x6f: {  	_ =	shalt  }
0x70: {  	_ =	shalt  }
0x71: {  	_ =	shalt  }
0x72: {  	_ =	shalt  }
0x73: {  	_ =	shalt  }
0x74: {  	_ =	shalt  }
0x75: {  	_ =	shalt  }
0x76: {  	_ =	shalt  }
0x77: {  	_ =	shalt  }
0x78: {  	_ =	shalt  }
0x79: {  	_ =	shalt  }
0x7a: {  	_ =	shalt  }
0x7b: {  	_ =	shalt  }
0x7c: {  	_ =	shalt  }
0x7d: {  	_ =	shalt  }
0x7e: {  	_ =	shalt  }
0x7f: {  	_ =	shalt  }
0x80: {  	_ =	shalt  }
0x81: {  	_ =	shalt  }
0x82: {  	_ =	shalt  }
0x83: {  	_ =	shalt  }
0x84: {  	_ =	shalt  }
0x85: {  	_ =	shalt  }
0x86: {  	_ =	shalt  }
0x87: {  	_ =	shalt  }
.Lfunc_end0:
.L_simem_size_0:
called_computation_lowered:
.L_overlay_start_0:
0x88: {  	s2 =	sld [smem:$0x3FD9]  }
0x89: {  	s3 =	sld [smem:$0x3FFE];
	_ =	sdelay $0x1  }
0x8a: {  	s1 =	srdreg.scid  }
0x8b: {  	s0 =	sand.u32 $0x1, s1  }
0x8c: {  	s17 =	sshll.u32 s0, $0xA;
	s2 =	sadd.s32 s3, s2  }
0x8d: {  	s2 =	sadd.s32 s2, s17  }
0x8e: {  	[smem:$0x3FC2] =	sst s2  }
0x8f: {  	_ = 	snop  }
0x90: {  	s2 =	sld [smem:$0x3FD0];
	(tm) =	ssettm $0x1  }
0x91: {  	s18 =	sld [smem:$0x3FFB];
	_ =	sdelay $0x3  }
0x92: {  	_ =	strace s18  }
0x93: {  	s3 =	sld [smem:$0x3FFC];
	_ =	sdelay $0x3  }
0x94: {  	_ =	strace s3  }
0x95: {  	s3 =	sld [smem:$0x3FFD];
	_ =	sdelay $0x3  }
0x96: {  	_ =	strace s3  }
0x97: {  	_ =	strace $0x8FFFFFFF  }
0x98: {  	s19 =	sld [smem:$0x3FDB];
	_ =	sdelay $0x1  }
0x99: {  	s4 =	simm.s32 $_scs_section_size  }
0x9a: {  	s5 =	simm.s32 $_size__tile_overlayer_lowered;
	s6 =	simm.s32 $_tile_overlayer_lowered  }
0x9b: {  	s22 =	simm.s32 $0x1BFF;
	s21 =	sshll.u32 s6, $0x1;
	s3 =	sadd.s32 s4, s19  }
0x9c: {  	s7 =	simm.s32 $0x0;
	s20 =	sshll.u32 s5, $0x1;
	s5 =	sadd.s32 s21, s3  }
0x9d: {  	[timem:s7], [sflag:s22] =	dma.local [hbm:s5], s20  }
0x9e: {  	_ =	swait.ge [sflag:s22], s20  }
0x9f: {  	s4 =	ssub.s32 $0x0, s20;
	[sflag:s22] =	ssyncset.done $0x0  }
0xa0: {  	[sflag:s22] =	ssyncadd.s32 s4;
	_ =	sdelay $0x1  }
0xa1: {  	s23 =	simm.s32 $0x1B8B  }
0xa2: {  	_ =	swait.ge [sflag:s23], $0x1  }
0xa3: {  	[sflag:s23] =	ssyncset.done $0x0  }
0xa4: {  	s25 =	simm.s32 $0x1B8E;
	s24 =	sld [smem:$0x3FFE];
	[sflag:s23] =	ssyncadd.s32 $0xFFFFFFFF  }
0xa5: {  	s26 =	simm.s32 $execute0_lowered;
	[smem:$0x3FD2] =	sst s25  }
0xa6: {  	s5 =	sshll.u32 s26, $0x1;
	_ =	strace $0x80000046;
	[dreg:$0x1] =	wrdreg $0xFFFFFFFF  }
0xa7: {  	s28 =	simm.s32 $_size_execute0_lowered;
	s3 =	sadd.s32 s3, s5;
	[dreg:$0x0] =	wrdreg $0x0  }
0xa8: {  	s5 =	sshll.u32 s28, $0x1;
	[dreg:$0x2] =	wrdreg s3  }
0xa9: {  	[dreg:$0x3] =	wrdreg s5  }
0xaa: {  	[dreg:$0x4] =	wrdreg $0xC0  }
0xab: {  	_ =	task [dreg:s7], $0x5FFFF  }
0xac: {  	[dreg:$0x1] =	wrdreg $0xFFFFFFFF  }
0xad: {  	[dreg:$0x0] =	wrdreg $0x60  }
0xae: {  	[dreg:$0x2] =	wrdreg s24  }
0xaf: {  	[dreg:$0x3] =	wrdreg s2  }
0xb0: {  	[dreg:$0x4] =	wrdreg $0x51800  }
0xb1: {  	[dreg:$0x5] =	wrdreg $0x9  }
0xb2: {  	_ =	task.clear_ibuf [dreg:s7], $0x6FFFF;
	_ =	strace $0x90000046  }
0xb3: {  	s29 =	simm.s32 $0x9;
	_ =	strace $0x80000048  }
0xb4: {  	_ =	swait.ge [sflag:s29], $0x1  }
0xb5: {  	[sflag:s29] =	ssyncadd.s32 $0xFFFFFFFF  }
0xb6: {  	_ =	strace $0x90000048  }
0xb7: {  	_ =	sfence  }
0xb8: {  	s30 =	sld [smem:$0x0];
	_ =	sdelay $0x2  }
0xb9: {  	s31 =	sshll.u32 s1, $0xD;
	s1 =	sshrl.u32 s1, $0x2  }
0xba: {  	s3 =	sand.u32 $0x4000, s31;
	s1 =	sadd.s32 s1, s30  }
0xbb: {  	s0 =	sor.u32 s3, s0;
	s1 =	sshll.u32 s1, $0x11  }
0xbc: {  	s0 =	sor.u32 s1, s0  }
0xbd: {  	s0 =	sadd.s32 $0x8F2B, s0  }
0xbe: {  	[sflag:s0] =	ssyncadd.remote.s32 $0x1  }
0xbf: {  	_ =	sfence.sel $0xFFFF  }
0xc0: {  	[dreg:$0x0] =	wrdreg $0xFFFFFFFF;
	(pc) =	sbr.abs _section_cstart, $3  }
0xc1: {  	[dreg:$0x1] =	wrdreg $0xFFFFFFFF  }
0xc2: {  	_ =	task.clear_ibuf [dreg:s7], $0x2FFFF;
	_ =	strace $0x9FFFFFFF  }
0xc3: {  	(tm) =	ssettm $0x7FFFFFFF  }
tec
execute0_lowered:
.L_overlay_start_1:
0x0: {  	(tag) =	ssettag $0x1  }
0x1: {  	s4 =	rddreg [dreg:$0x0]  }
0x2: {  	s9 =	rddreg [dreg:$0x1]  }
0x3: {  	s0 =	srdreg.scid;
	s2 =	rddreg [dreg:$0x2]  }
0x4: {  	s3 =	simm.s32 $0x0;
	s5 =	sand.u32 $0x1, s0;
	s0 =	stileid.u32  }
0x5: {  	s14 =	simm.s32 $0x0;
	[smem:$0x7FF] =	sst s3;
	s7 =	smul.u32 $0x9E0, s0  }
0x6: {  	s1 =	sshll.u32 s5, $0x4;
	s8 =	ssub.s32 $0x2, s5;
	s10 =	smul.u32 $0x278, s0  }
0x7: {  	s11 =	smul.u32 $0x2710, s5;
	p0 =	seq.s32 s0, $0xF;
	s6 =	sor.u32 s0, s1  }
0x8: {  	s1 =	rddreg [dreg:$0x3];
	_ =	strace $0x80000047;
	s26 =	sshrl.u32 s8, $0x1  }
0x9: {  	s6 =	smul.u32 $0x4E2, s6;
	s12 =	ssub.s32 s8, s26;
	s28 =	sshrl.u32 s7, $0x2  }
0xa: {  	s29 =	sadd.s32 s10, s11;
	s30 =	sadd.s32 $0x2508, s11;
	s7 =	sadd.s32 s10, s2  }
0xb: {  	s11 =	simm.s32 $0x1;
	s5 =	sadd.s32 s28, s2;
	s31 =	sshrl.u32 s29, $0x3  }
0xc: {  	s13 =	sshrl.u32 s30, $0x3;
	s10 =	smax.u32 s12, $0x1;
	s12 =	simm.s32 $0x2710  }
0xd: {  	s4 =	sadd.s32 s6, s4;
	s6 =	sadd.s32 $0x2508, s2;
	s8 =	sadd.s32 s9, s31  }
0xe: {  	v0 =	vimm.f32 $0.0e+00;
	v1 =	vimm.f32 $1.000000000e+00;
	s9 =	sadd.s32 s9, s13;
	s13 =	simm.s32 $0x2780;
	s4 =	sadd.s32 $0xC200, s4  }
.LBB2_1:
0xf: {  	[tilespmem:$0x4F00] =	vst v0  }
0x10: {  	[tilespmem:$0x4F10] =	vst v0  }
0x11: {  	[tilespmem:$0x4F20] =	vst v0  }
0x12: {  	[tilespmem:$0x4F30] =	vst v0  }
0x13: {  	[tilespmem:$0x4F40] =	vst v0  }
0x14: {  	[tilespmem:$0x4F50] =	vst v0  }
0x15: {  	[tilespmem:$0x4F60] =	vst v0  }
0x16: {  	[tilespmem:$0x4F70] =	vst v0  }
0x17: {  	[tilespmem:$0x4F80] =	vst v0  }
0x18: {  	[tilespmem:$0x4F90] =	vst v0  }
0x19: {  	[tilespmem:$0x4FA0] =	vst v0  }
0x1a: {  	[tilespmem:$0x4FB0] =	vst v0  }
0x1b: {  	[tilespmem:$0x4FC0] =	vst v0  }
0x1c: {  	[tilespmem:$0x4FD0] =	vst v0  }
0x1d: {  	[tilespmem:$0x4FE0] =	vst v0  }
0x1e: {  	[tilespmem:$0x4FF0] =	vst v0  }
0x1f: {  	[tilespmem:$0x5000] =	vst v0  }
0x20: {  	[tilespmem:$0x5010] =	vst v0  }
0x21: {  	[tilespmem:$0x5020] =	vst v0  }
0x22: {  	[tilespmem:$0x5030] =	vst v0  }
0x23: {  	[tilespmem:$0x5040] =	vst v0  }
0x24: {  	[tilespmem:$0x5050] =	vst v0  }
0x25: {  	[tilespmem:$0x5060] =	vst v0  }
0x26: {  	[tilespmem:$0x5070] =	vst v0  }
0x27: {  	[tilespmem:$0x5080] =	vst v0  }
0x28: {  	[tilespmem:$0x5090] =	vst v0  }
0x29: {  	[tilespmem:$0x50A0] =	vst v0  }
0x2a: {  	[tilespmem:$0x50B0] =	vst v0  }
0x2b: {  	[tilespmem:$0x50C0] =	vst v0  }
0x2c: {  	[tilespmem:$0x50D0] =	vst v0  }
0x2d: {  	[tilespmem:$0x50E0] =	vst v0  }
0x2e: {  	[tilespmem:$0x50F0] =	vst v0  }
0x2f: {  	[tilespmem:$0x5100] =	vst v0  }
0x30: {  	[tilespmem:$0x5110] =	vst v0  }
0x31: {  	[tilespmem:$0x5120] =	vst v0  }
0x32: {  	[tilespmem:$0x5130] =	vst v0  }
0x33: {  	[tilespmem:$0x5140] =	vst v0  }
0x34: {  	[tilespmem:$0x5150] =	vst v0  }
0x35: {  	[tilespmem:$0x5160] =	vst v0  }
0x36: {  	[tilespmem:$0x5170] =	vst v0;
	s15 =	simm.s32 $0x40;
	s16 =	simm.s32 $0x0  }
.LBB2_2:
0x37: {  	p1 =	sne.s32 s15, $0x9C00;
	[tilespmem:s16+$0x2780] =	vst v1;
	s16 =	smov.u32 s15;
	s15 =	sadd.s32 $0x40, s15  }
.Ltmp0:
0x38: {  	(pc) =	sbr.rel @p1 .LBB2_2-.Ltmp0, $2  }
0x39: {  	_ =	sdelay $0x2  }
0x3a: {  	s16 =	sshra.s32 s16, $0x2  }
0x3b: {  	[tilespmem:s16+$0x2780] =	vst v1  }
0x3c: {  	[tilespmem:s3], [sflag:$0x1] =	stream.linear.gather [hbm4b:s4+s3], $0x2710, $0x38;
	[tilespmem:$0x53F8] =	vst v63  }
0x3d: {  	_ =	swait.ge [sflag:s11], $0x2710  }
0x3e: {  	[sflag:s11] =	ssyncset.done $0x0  }
0x3f: {  	s15 =	simm.s32 @p0 $0x4F00;
	s16 =	simm.s32 @p0 $0x1;
	[sflag:s11] =	ssyncadd.s32 $0xFFFFD8F0  }
0x40: {  	[spmem:s6] =	stream.linear.scatter @p0 [tilespmem:s15], [sflag:$0x1], $0x208, $0x38;
	[tilespmem:$0x53F8] =	vst v63  }
0x41: {  	_ =	swait.ge @p0 [sflag:s16], $0x208  }
0x42: {  	[sflag:s16] =	ssyncset.done @p0 $0x0  }
0x43: {  	s17 =	simm.s32 @!p0 $0x4F00;
	s18 =	simm.s32 @!p0 $0x1;
	[sflag:s16] =	ssyncadd.s32 @p0 $0xFFFFFDF8  }
0x44: {  	[spmem:s5] =	stream.linear.scatter @!p0 [tilespmem:s17], [sflag:$0x1], $0x278, $0x38;
	[tilespmem:$0x53F8] =	vst v63  }
0x45: {  	_ =	swait.ge @!p0 [sflag:s18], $0x278  }
0x46: {  	[sflag:s18] =	ssyncset.done @!p0 $0x0  }
0x47: {  	[sflag:s18] =	ssyncadd.s32 @!p0 $0xFFFFFD88  }
0x48: {  	[bflag:$0x0] =	sbarrier.arrive $0xFFFF  }
0x49: {  	[spmem:s2] =	stream.indirect.scatter.add.f32 [tilespmem:s13], [sflag:$0x1], $0x1, s3, s12, $0xb8;
	[tilespmem:$0x53F8] =	vst v63  }
0x4a: {  	_ =	swait.ge [sflag:s11], $0x2710  }
0x4b: {  	[sflag:s11] =	ssyncset.done $0x0  }
0x4c: {  	[sflag:s11] =	ssyncadd.s32 $0xFFFFD8F0  }
0x4d: {  	[bflag:$0x0] =	sbarrier.arrive $0xFFFF  }
0x4e: {  	[tilespmem:s15], [sflag:$0x1] =	stream.linear.gather @p0 [spmem:s6], $0x208, $0x38;
	[tilespmem:$0x53F8] =	vst v63  }
0x4f: {  	_ =	swait.ge @p0 [sflag:s16], $0x208  }
0x50: {  	[sflag:s16] =	ssyncset.done @p0 $0x0  }
0x51: {  	s19 =	simm.s32 @p0 $0x0;
	[sflag:s16] =	ssyncadd.s32 @p0 $0xFFFFFDF8  }
0x52: {  	[hbm4b:s9+s19] =	stream.linear.scatter @p0 [tilespmem:s15], [sflag:$0x1], $0x208, $0x38;
	[tilespmem:$0x53F8] =	vst v63  }
0x53: {  	_ =	swait.ge @p0 [sflag:s16], $0x208  }
0x54: {  	[sflag:s16] =	ssyncset.done @p0 $0x0  }
0x55: {  	[sflag:s16] =	ssyncadd.s32 @p0 $0xFFFFFDF8  }
0x56: {  	[tilespmem:s17], [sflag:$0x1] =	stream.linear.gather @!p0 [spmem:s7], $0x278, $0x38;
	[tilespmem:$0x53F8] =	vst v63  }
0x57: {  	s14 =	sadd.s32 $0x1, s14;
	_ =	swait.ge @!p0 [sflag:s18], $0x278  }
0x58: {  	p1 =	sne.s32 s14, s10;
	[sflag:s18] =	ssyncset.done @!p0 $0x0  }
.Ltmp1:
0x59: {  	s15 =	simm.s32 @!p0 $0x0;
	[sflag:s18] =	ssyncadd.s32 @!p0 $0xFFFFFD88;
	(pc) =	sbr.rel @p1 .LBB2_1-.Ltmp1, $4  }
0x5a: {  	[hbm4b:s8+s15] =	stream.linear.scatter @!p0 [tilespmem:s17], [sflag:$0x1], $0x278, $0x38;
	[tilespmem:$0x53F8] =	vst v63  }
0x5b: {  	_ =	swait.ge @!p0 [sflag:s18], $0x278  }
0x5c: {  	[sflag:s18] =	ssyncset.done @!p0 $0x0  }
0x5d: {  	[sflag:s18] =	ssyncadd.s32 @!p0 $0xFFFFFD88  }
0x5e: {  	_ =	sfence.sel $0x180000  }
0x5f: {  	[bflag:$0x0] =	sbarrier.arrive $0xFFFF  }
0x60: {  	p0 =	sne.s32 s0, $0x0;
	_ =	strace $0x90000047  }
0x61: {  	s0 =	sadd.s32 @!p0 $0x100000, s1;
	[bflag:$0x2] =	sbarrier.arrive $0xFFFF  }
0x62: {  	[sflag:s0] =	ssyncadd.tile.s32 @!p0 $0x1;
	_ =	shalt  }
.Lfunc_end2:
_tile_overlayer_lowered:
.L_overlay_start_2:
0x63: {  	(tag) =	ssettag $0x2  }
0x64: {  	s0 =	rddreg [dreg:$0x0];
	s2 =	stileid.u32  }
0x65: {  	s1 =	rddreg [dreg:$0x1];
	p0 =	sne.s32 s2, $0x0  }
0x66: {  	s3 =	rddreg [dreg:$0x2];
	[bflag:$0x3] =	sbarrier.arrive $0xFFFF;
	s2 =	simm.s32 @!p0 $0x1C01  }
0x67: {  	[timem:s3], [sflag:s2] =	dma.local @!p0 [hbm:s0], s1  }
0x68: {  	s0 =	simm.s32 @!p0 $0x1  }
0x69: {  	_ =	swait.ge @!p0 [sflag:s0], s1  }
0x6a: {  	s1 =	ssub.s32 @!p0 $0x0, s1;
	[sflag:s0] =	ssyncset.done @!p0 $0x0  }
0x6b: {  	[sflag:s0] =	ssyncadd.s32 @!p0 s1  }
0x6c: {  	[bflag:$0x3] =	sbarrier.arrive $0xFFFF  }
0x6d: {  	_ =	shalt  }

</sc_bundles>
